<compile_context>
chip_gen: v7x
topology: tpu7x:2x2x1
jax: 0.10.2.dev20260603
libtpu: 0.0.44.dev20260713+nightly
codegen_flags: <defaults>
</compile_context>

<pallas_src>
import functools

import jax
import jax.numpy as jnp
from jax import lax
from jax.experimental import pallas as pl
from jax.experimental.pallas import tpu as pltpu
from jax.experimental.pallas import tpu_sc as plsc

N = 10000
E = 320000
D = 128
CN = 4
CS = 2500

NC = 2
NS = 16

CH = 112
EPT = E // NS
NCHUNK = -(-(-(-EPT // CH)) // 4) * 4
EPT_P = NCHUNK * CH
EPT_F = (NCHUNK + 4) * CH
PAD_T = EPT_F - EPT

ACC_R = N + 240
ZR = ACC_R // NS

CT = CN * CS
CPAD = 2560
ACH = CPAD // (NC * NS)
ATOT = CN * CPAD
AWID = 16


def _fill_idx(ref, base, n):
    for g in range(n // 16):
        ref[pl.ds(g * 16, 16)] = base + g * 16 + lax.iota(jnp.int32, 16)


_CHUNKS = tuple((o, min(CH, ZR - o)) for o in range(0, ZR, CH))


def _sc_seg_body(xcat, srcpa, srcpb, dstp, cidxp,
                 pooled, ap,
                 acc_sh, rows0, rows1, sidx0, sidx1, sidx2, sidx3,
                 didx0, didx1, didx2, didx3, aidx_v, iidx_a, iidx_b,
                 sg0, sg1, si0, si1, si2, si3, sem):
    c = lax.axis_index("c")
    s = lax.axis_index("s")
    zb = s * ZR
    zero16 = jnp.zeros((16,), jnp.float32)
    lanes = lax.iota(jnp.int32, 16)

    def zrow(r, carry):
        for g in range(D // 16):
            rows0[r, pl.ds(g * 16, 16)] = zero16
        return carry

    def zero_acc():
        for off, sz in _CHUNKS:
            ref = iidx_a if sz == CH else iidx_b
            _fill_idx(ref, zb + off, sz)
            pltpu.sync_copy(rows0.at[pl.ds(0, sz)], acc_sh.at[ref])

    def read_acc(out):
        for off, sz in _CHUNKS:
            ref = iidx_a if sz == CH else iidx_b
            _fill_idx(ref, zb + off, sz)
            pltpu.async_copy(acc_sh.at[ref], rows0.at[pl.ds(0, sz)],
                             sem).wait()
            pltpu.sync_copy(rows0.at[pl.ds(0, sz)],
                            out.at[c, pl.ds(zb + off, sz)])

    lax.fori_loop(0, CH, zrow, 0)
    zero_acc()
    plsc.subcore_barrier()

    wid = c * NS + s
    for i in range(CN):
        hot = jnp.where((lanes == i) | (lanes == CN + i), 1.0, 0.0)

        def arow(r, carry, hot=hot):
            rows0[r, pl.ds(0, 16)] = hot
            return carry

        lax.fori_loop(0, ACH, arow, 0)
        pltpu.sync_copy(cidxp.at[pl.ds(i * CPAD + wid * ACH, ACH)], aidx_v)
        pltpu.sync_copy(rows0.at[pl.ds(0, ACH)], acc_sh.at[aidx_v], add=True)

    plsc.subcore_barrier()
    read_acc(ap)

    lax.fori_loop(0, CH, zrow, 0)
    zero_acc()
    plsc.subcore_barrier()

    base_e = s * EPT_F
    rows = (rows0, rows1)
    sidx = (sidx0, sidx1, sidx2, sidx3)
    didx = (didx0, didx1, didx2, didx3)
    si = (si0, si1, si2, si3)
    sg = (sg0, sg1)

    def fire_idx(m, q):
        off = base_e + m * CH

        @pl.when(c == 0)
        def _():
            pltpu.async_copy(srcpa.at[pl.ds(off, CH)], sidx[q], si[q])

        @pl.when(c == 1)
        def _():
            pltpu.async_copy(srcpb.at[pl.ds(off, CH)], sidx[q], si[q])

        pltpu.async_copy(dstp.at[pl.ds(off, CH)], didx[q], si[q])

    def drain_idx(q):
        pltpu.make_async_copy(srcpa.at[pl.ds(0, CH)], sidx[q], si[q]).wait()
        pltpu.make_async_copy(dstp.at[pl.ds(0, CH)], didx[q], si[q]).wait()

    def fire_gather(q, b):
        pltpu.async_copy(xcat.at[sidx[q]], rows[b], sg[b])

    def drain_gather(b):
        pltpu.make_async_copy(xcat.at[pl.ds(0, CH)], rows[b], sg[b]).wait()

    for q in range(4):
        fire_idx(q, q)
    for b in range(2):
        drain_idx(b)
        fire_gather(b, b)

    def pipe(j, carry):
        k0 = j * 4
        for t in range(4):
            b = t % 2
            qn = (t + 2) % 4
            drain_gather(b)
            pltpu.sync_copy(rows[b], acc_sh.at[didx[t]], add=True)
            fire_idx(k0 + t + 4, t)
            drain_idx(qn)
            fire_gather(qn, b)
        return carry

    lax.fori_loop(0, NCHUNK // 4, pipe, 0)
    drain_gather(0)
    drain_gather(1)
    drain_idx(2)
    drain_idx(3)
    plsc.subcore_barrier()
    read_acc(pooled)


def _tc_body(seq1, seq2, pooled, at, msk, geps,
             w1, b1, g1, t1, w2, b2, g2, t2, dwt, db, out):
    def gin(x, p):
        h = jnp.dot(p + x + geps[...] * x, w1[...],
                    preferred_element_type=jnp.float32) + b1[...]
        mu = jnp.mean(h, axis=0, keepdims=True)
        var = jnp.mean((h - mu) ** 2, axis=0, keepdims=True)
        h = jnp.maximum((h - mu) / jnp.sqrt(var + 1e-5) * g1[...] + t1[...], 0.0)
        h = jnp.dot(h, w2[...], preferred_element_type=jnp.float32) + b2[...]
        mu = jnp.mean(h, axis=0, keepdims=True)
        var = jnp.mean((h - mu) ** 2, axis=0, keepdims=True)
        return jnp.maximum((h - mu) / jnp.sqrt(var + 1e-5) * g2[...] + t2[...], 0.0)

    h1 = gin(seq1[...], pooled[0])
    h2 = gin(seq2[...], pooled[1])

    aw = at[0, 0:4, :] + at[1, 0:4, :]
    ac = at[0, 4:8, :] + at[1, 4:8, :]
    denom = jnp.sum(msk[...], keepdims=True)

    csum = jnp.dot(aw, h1, preferred_element_type=jnp.float32) / denom
    cvec = 1.0 / (1.0 + jnp.exp(-csum))
    wc = jnp.dot(cvec, dwt[...], preferred_element_type=jnp.float32)

    s1 = lax.dot_general(h1, wc, (((1,), (1,)), ((), ())),
                         preferred_element_type=jnp.float32) + db[...]
    s2 = lax.dot_general(h2, wc, (((1,), (1,)), ((), ())),
                         preferred_element_type=jnp.float32) + db[...]
    bce = (jnp.maximum(s1, 0.0) - s1 + jnp.log(1.0 + jnp.exp(-jnp.abs(s1)))
           + jnp.maximum(s2, 0.0) + jnp.log(1.0 + jnp.exp(-jnp.abs(s2))))

    g = jnp.dot(ac, bce, preferred_element_type=jnp.float32)
    ii = lax.broadcasted_iota(jnp.int32, (4, 4), 0)
    jj = lax.broadcasted_iota(jnp.int32, (4, 4), 1)
    tr = jnp.sum(jnp.where(ii == jj, g, 0.0), keepdims=True)
    out[...] = tr / (2.0 * CS)


_tc_call = pl.pallas_call(
    _tc_body,
    out_shape=jax.ShapeDtypeStruct((1, 1), jnp.float32),
)


@functools.cache
def _sc_seg_call():
    mesh = plsc.VectorSubcoreMesh(
        core_axis_name="c", subcore_axis_name="s",
        num_cores=NC, num_subcores=NS)
    return pl.kernel(
        _sc_seg_body,
        out_type=(
            jax.ShapeDtypeStruct((NC, ACC_R, D), jnp.float32),
            jax.ShapeDtypeStruct((NC, ACC_R, D), jnp.float32),
        ),
        mesh=mesh,
        scratch_types=(
            [pltpu.VMEM_SHARED((ACC_R, D), jnp.float32)]
            + [pltpu.VMEM((CH, D), jnp.float32)] * 2
            + [pltpu.VMEM((CH,), jnp.int32)] * 8
            + [pltpu.VMEM((ACH,), jnp.int32),
               pltpu.VMEM((CH,), jnp.int32),
               pltpu.VMEM((max(16, ZR - (ZR // CH) * CH),), jnp.int32)]
            + [pltpu.SemaphoreType.DMA] * 7
        ),
    )


def kernel(seq1, seq2, adj, msk, samp_bias1, samp_bias2, cluster_info,
           cluster_num, gin_eps, mlp_W1, mlp_b1, mlp_bn_g, mlp_bn_b, mlp_W2,
           mlp_b2, bn_g, bn_b, disc_W, disc_b):
    dst = adj[0]
    src = adj[1]

    pad_dst = (N + (jnp.arange(PAD_T, dtype=jnp.int32) % 16))[None, :]
    srcpa = jnp.concatenate(
        [src.reshape(NS, EPT),
         jnp.zeros((NS, PAD_T), jnp.int32)], axis=1).reshape(-1)
    srcpb = srcpa + N
    dstp = jnp.concatenate(
        [dst.reshape(NS, EPT),
         jnp.broadcast_to(pad_dst, (NS, PAD_T))], axis=1).reshape(-1)

    xcat = jnp.concatenate([seq1, seq2], axis=0)

    cidxp = jnp.concatenate(
        [cluster_info,
         jnp.full((CN, CPAD - CS), N, jnp.int32)], axis=1).reshape(-1)

    pooled, ap = _sc_seg_call()(xcat, srcpa, srcpb, dstp, cidxp)
    pooled = pooled[:, :N, :]
    at = jnp.transpose(ap[:, :N, :2 * CN], (0, 2, 1))

    out = _tc_call(seq1, seq2, pooled, at, msk,
                   gin_eps.reshape(1, 1), mlp_W1, mlp_b1.reshape(1, D),
                   mlp_bn_g.reshape(1, D), mlp_bn_b.reshape(1, D), mlp_W2,
                   mlp_b2.reshape(1, D), bn_g.reshape(1, D),
                   bn_b.reshape(1, D), disc_W[0].T, disc_b.reshape(1, 1))
    return out.reshape(()) / cluster_num

# --- scband reference (transcript-rebuilt; emitter-appended) ---
"""Pipeline reference for scband-dci-23158463660699 (READ-ONLY COPY).

The authoritative reference and input builder live on the scoring server;
editing this copy changes nothing except your own understanding.
"""

import jax, jax.numpy as jnp
import numpy as np

N = 10000
E = 320000
D = 128
H = 128
CN = 4
CS = 2500


def _bn(h, g, b):
    m = jnp.mean(h, axis=0)
    v = jnp.var(h, axis=0)
    return (h - m) / jnp.sqrt(v + 1e-5) * g + b


def _gin(x, src, dst, gin_eps, W1, b1, g1, bt1, W2, b2, g2, bt2):
    pooled = jax.ops.segment_sum(x[src], dst, num_segments=x.shape[0])
    pooled = pooled + (1.0 + gin_eps[0]) * x
    h = pooled @ W1 + b1
    h = jax.nn.relu(_bn(h, g1, bt1))
    h = h @ W2 + b2
    h = jax.nn.relu(_bn(h, g2, bt2))
    return h


def _bilinear(x1, x2, W, b):
    return jnp.einsum('bmi,oij,bmj->bmo', x1, W, x2) + b


def setup_inputs(seed: int = 0):
    key = jax.random.key(seed)
    ks = jax.random.split(key, 8)
    sc = 0.05
    inp = {}
    inp['seq1'] = jax.random.normal(ks[0], (N, D), dtype=jnp.float32)
    inp['seq2'] = jax.random.normal(ks[1], (N, D), dtype=jnp.float32)
    inp['adj'] = jax.random.randint(ks[2], (2, E), 0, N, dtype=jnp.int32)
    inp['msk'] = jnp.ones((1, CS), dtype=jnp.float32)
    inp['samp_bias1'] = jnp.zeros((1, CS), dtype=jnp.float32)
    inp['samp_bias2'] = jnp.zeros((1, CS), dtype=jnp.float32)
    inp['cluster_info'] = jax.random.randint(ks[3], (CN, CS), 0, N, dtype=jnp.int32)
    inp['cluster_num'] = CN
    inp['gin_eps'] = jnp.zeros((1,), dtype=jnp.float32)
    inp['mlp_W1'] = jax.random.normal(ks[4], (D, H), dtype=jnp.float32) * sc
    inp['mlp_b1'] = jnp.zeros((H,), dtype=jnp.float32)
    inp['mlp_bn_g'] = jnp.ones((H,), dtype=jnp.float32)
    inp['mlp_bn_b'] = jnp.zeros((H,), dtype=jnp.float32)
    inp['mlp_W2'] = jax.random.normal(ks[5], (H, H), dtype=jnp.float32) * sc
    inp['mlp_b2'] = jnp.zeros((H,), dtype=jnp.float32)
    inp['bn_g'] = jnp.ones((H,), dtype=jnp.float32)
    inp['bn_b'] = jnp.zeros((H,), dtype=jnp.float32)
    inp['disc_W'] = jax.random.normal(ks[6], (1, H, H), dtype=jnp.float32) * sc
    inp['disc_b'] = jnp.zeros((1,), dtype=jnp.float32)
    return inp


def reference(seq1, seq2, adj, msk, samp_bias1, samp_bias2, cluster_info, cluster_num,
              gin_eps, mlp_W1, mlp_b1, mlp_bn_g, mlp_bn_b, mlp_W2, mlp_b2,
              bn_g, bn_b, disc_W, disc_b):
    dst = adj[0]
    src = adj[1]
    h1 = _gin(seq1, src, dst, gin_eps, mlp_W1, mlp_b1, mlp_bn_g, mlp_bn_b, mlp_W2, mlp_b2, bn_g, bn_b)
    h2 = _gin(seq2, src, dst, gin_eps, mlp_W1, mlp_b1, mlp_bn_g, mlp_bn_b, mlp_W2, mlp_b2, bn_g, bn_b)
    loss = jnp.float32(0.0)
    for i in range(cluster_info.shape[0]):
        idx = cluster_info[i]
        h1b = h1[idx][None, :, :]
        h2b = h2[idx][None, :, :]
        m = msk[:, :, None]
        c = jnp.sum(h1b * m, axis=1) / jnp.sum(m)
        c = jax.nn.sigmoid(c)
        cx = jnp.broadcast_to(c[:, None, :], h1b.shape)
        sc1 = _bilinear(h1b, cx, disc_W, disc_b)[:, :, 0] + samp_bias1
        sc2 = _bilinear(h2b, cx, disc_W, disc_b)[:, :, 0] + samp_bias2
        logits = jnp.concatenate([sc1, sc2], axis=1)
        lbl = jnp.concatenate([jnp.ones_like(sc1), jnp.zeros_like(sc2)], axis=1)
        bce = jnp.maximum(logits, 0.0) - logits * lbl + jnp.log1p(jnp.exp(-jnp.abs(logits)))
        loss = loss + jnp.mean(bce)
    return loss / cluster_num

if __name__ == "__main__":
    import jax
    _d = setup_inputs()
    print(jax.jit(kernel)(*tuple(_d.values())))

</pallas_src>

<mosaic_0001>
#map = affine_map<(d0, d1) -> (0, 0)>
#map1 = affine_map<(d0, d1) -> (0)>
#map2 = affine_map<(d0, d1) -> (0, 0, 0)>
module attributes {stable_mosaic.version = 14 : i64} {
  func.func @_sc_seg_body(%arg0: i32, %arg1: i32, %arg2: memref<20000x128xf32, #tpu.memory_space<hbm>>, %arg3: memref<329728xi32, #tpu.memory_space<hbm>>, %arg4: memref<329728xi32, #tpu.memory_space<hbm>>, %arg5: memref<329728xi32, #tpu.memory_space<hbm>>, %arg6: memref<10240xi32, #tpu.memory_space<hbm>>, %arg7: memref<2x10240x128xf32, #tpu.memory_space<hbm>>, %arg8: memref<2x10240x128xf32, #tpu.memory_space<hbm>>, %arg9: memref<10240x128xf32, #tpu.memory_space<vmem_shared>>, %arg10: memref<112x128xf32, #tpu.memory_space<vmem>>, %arg11: memref<112x128xf32, #tpu.memory_space<vmem>>, %arg12: memref<112xi32, #tpu.memory_space<vmem>>, %arg13: memref<112xi32, #tpu.memory_space<vmem>>, %arg14: memref<112xi32, #tpu.memory_space<vmem>>, %arg15: memref<112xi32, #tpu.memory_space<vmem>>, %arg16: memref<112xi32, #tpu.memory_space<vmem>>, %arg17: memref<112xi32, #tpu.memory_space<vmem>>, %arg18: memref<112xi32, #tpu.memory_space<vmem>>, %arg19: memref<112xi32, #tpu.memory_space<vmem>>, %arg20: memref<80xi32, #tpu.memory_space<vmem>>, %arg21: memref<112xi32, #tpu.memory_space<vmem>>, %arg22: memref<80xi32, #tpu.memory_space<vmem>>, %arg23: memref<!tpu.dma_semaphore, #tpu.memory_space<semaphore_mem>>, %arg24: memref<!tpu.dma_semaphore, #tpu.memory_space<semaphore_mem>>, %arg25: memref<!tpu.dma_semaphore, #tpu.memory_space<semaphore_mem>>, %arg26: memref<!tpu.dma_semaphore, #tpu.memory_space<semaphore_mem>>, %arg27: memref<!tpu.dma_semaphore, #tpu.memory_space<semaphore_mem>>, %arg28: memref<!tpu.dma_semaphore, #tpu.memory_space<semaphore_mem>>, %arg29: memref<!tpu.dma_semaphore, #tpu.memory_space<semaphore_mem>>) attributes {dimension_semantics = [#tpu.dimension_semantics<core_parallel>, #tpu.dimension_semantics<subcore_parallel>], iteration_bounds = array<i64: 2, 16>, scalar_prefetch = 0 : i64, scratch_operands = 21 : i64, tpu.core_type = #tpu.core_type<sc_vector_subcore>, window_params = [{transform_indices = #map}, {transform_indices = #map1}, {transform_indices = #map1}, {transform_indices = #map1}, {transform_indices = #map1}, {transform_indices = #map2}, {transform_indices = #map2}]} {
    %mul3A = arith.constant 640 : i32
    %mul3A_0 = arith.muli %arg1, %mul3A : i32
    %broadcast_in_dim3A = arith.constant 0.000000e+00 : f32
    %broadcast_in_dim3A_1 = vector.broadcast %broadcast_in_dim3A : f32 to vector<16xf32>
    %iota3A = tpu.iota {dimensions = array<i32: 0>} : vector<16xi32>
    %scan3A = arith.constant 0 : i32
    %scan3A_2 = arith.constant 0 : i32
    %scan3A_3 = arith.constant 112 : i32
    %scan3A_4 = arith.addi %scan3A_2, %scan3A_3 : i32
    %scan3A_5 = arith.constant 1 : i32
    scf.for %scan3A_1867 = %scan3A_2 to %scan3A_4 step %scan3A_5  : i32 {
      %swap3A_1868 = arith.index_cast %scan3A_1867 : i32 to index
      %swap3A_1869 = arith.constant 0 : index
      %swap3A_1870 = tpu.vector_load %arg10[%swap3A_1868, %swap3A_1869] {strides = array<i32>} : memref<112x128xf32, #tpu.memory_space<vmem>>, vector<1x16xf32>,
      %swap3A_1871 = vector.shape_cast %swap3A_1870 : vector<1x16xf32> to vector<16xf32>
      %swap3A_1872 = vector.shape_cast %broadcast_in_dim3A_1 : vector<16xf32> to vector<1x16xf32>
      tpu.vector_store %arg10[%swap3A_1868, %swap3A_1869], %swap3A_1872 {strides = array<i32>} : memref<112x128xf32, #tpu.memory_space<vmem>>, vector<1x16xf32>,
      %swap3A_1873 = arith.index_cast %scan3A_1867 : i32 to index
      %swap3A_1874 = arith.constant 16 : index
      %swap3A_1875 = tpu.vector_load %arg10[%swap3A_1873, %swap3A_1874] {strides = array<i32>} : memref<112x128xf32, #tpu.memory_space<vmem>>, vector<1x16xf32>,
      %swap3A_1876 = vector.shape_cast %swap3A_1875 : vector<1x16xf32> to vector<16xf32>
      %swap3A_1877 = vector.shape_cast %broadcast_in_dim3A_1 : vector<16xf32> to vector<1x16xf32>
      tpu.vector_store %arg10[%swap3A_1873, %swap3A_1874], %swap3A_1877 {strides = array<i32>} : memref<112x128xf32, #tpu.memory_space<vmem>>, vector<1x16xf32>,
      %swap3A_1878 = arith.index_cast %scan3A_1867 : i32 to index
      %swap3A_1879 = arith.constant 32 : index
      %swap3A_1880 = tpu.vector_load %arg10[%swap3A_1878, %swap3A_1879] {strides = array<i32>} : memref<112x128xf32, #tpu.memory_space<vmem>>, vector<1x16xf32>,
      %swap3A_1881 = vector.shape_cast %swap3A_1880 : vector<1x16xf32> to vector<16xf32>
      %swap3A_1882 = vector.shape_cast %broadcast_in_dim3A_1 : vector<16xf32> to vector<1x16xf32>
      tpu.vector_store %arg10[%swap3A_1878, %swap3A_1879], %swap3A_1882 {strides = array<i32>} : memref<112x128xf32, #tpu.memory_space<vmem>>, vector<1x16xf32>,
      %swap3A_1883 = arith.index_cast %scan3A_1867 : i32 to index
      %swap3A_1884 = arith.constant 48 : index
      %swap3A_1885 = tpu.vector_load %arg10[%swap3A_1883, %swap3A_1884] {strides = array<i32>} : memref<112x128xf32, #tpu.memory_space<vmem>>, vector<1x16xf32>,
      %swap3A_1886 = vector.shape_cast %swap3A_1885 : vector<1x16xf32> to vector<16xf32>
      %swap3A_1887 = vector.shape_cast %broadcast_in_dim3A_1 : vector<16xf32> to vector<1x16xf32>
      tpu.vector_store %arg10[%swap3A_1883, %swap3A_1884], %swap3A_1887 {strides = array<i32>} : memref<112x128xf32, #tpu.memory_space<vmem>>, vector<1x16xf32>,
      %swap3A_1888 = arith.index_cast %scan3A_1867 : i32 to index
      %swap3A_1889 = arith.constant 64 : index
      %swap3A_1890 = tpu.vector_load %arg10[%swap3A_1888, %swap3A_1889] {strides = array<i32>} : memref<112x128xf32, #tpu.memory_space<vmem>>, vector<1x16xf32>,
      %swap3A_1891 = vector.shape_cast %swap3A_1890 : vector<1x16xf32> to vector<16xf32>
      %swap3A_1892 = vector.shape_cast %broadcast_in_dim3A_1 : vector<16xf32> to vector<1x16xf32>
      tpu.vector_store %arg10[%swap3A_1888, %swap3A_1889], %swap3A_1892 {strides = array<i32>} : memref<112x128xf32, #tpu.memory_space<vmem>>, vector<1x16xf32>,
      %swap3A_1893 = arith.index_cast %scan3A_1867 : i32 to index
      %swap3A_1894 = arith.constant 80 : index
      %swap3A_1895 = tpu.vector_load %arg10[%swap3A_1893, %swap3A_1894] {strides = array<i32>} : memref<112x128xf32, #tpu.memory_space<vmem>>, vector<1x16xf32>,
      %swap3A_1896 = vector.shape_cast %swap3A_1895 : vector<1x16xf32> to vector<16xf32>
      %swap3A_1897 = vector.shape_cast %broadcast_in_dim3A_1 : vector<16xf32> to vector<1x16xf32>
      tpu.vector_store %arg10[%swap3A_1893, %swap3A_1894], %swap3A_1897 {strides = array<i32>} : memref<112x128xf32, #tpu.memory_space<vmem>>, vector<1x16xf32>,
      %swap3A_1898 = arith.index_cast %scan3A_1867 : i32 to index
      %swap3A_1899 = arith.constant 96 : index
      %swap3A_1900 = tpu.vector_load %arg10[%swap3A_1898, %swap3A_1899] {strides = array<i32>} : memref<112x128xf32, #tpu.memory_space<vmem>>, vector<1x16xf32>,
      %swap3A_1901 = vector.shape_cast %swap3A_1900 : vector<1x16xf32> to vector<16xf32>
      %swap3A_1902 = vector.shape_cast %broadcast_in_dim3A_1 : vector<16xf32> to vector<1x16xf32>
      tpu.vector_store %arg10[%swap3A_1898, %swap3A_1899], %swap3A_1902 {strides = array<i32>} : memref<112x128xf32, #tpu.memory_space<vmem>>, vector<1x16xf32>,
      %swap3A_1903 = arith.index_cast %scan3A_1867 : i32 to index
      %swap3A_1904 = arith.constant 112 : index
      %swap3A_1905 = tpu.vector_load %arg10[%swap3A_1903, %swap3A_1904] {strides = array<i32>} : memref<112x128xf32, #tpu.memory_space<vmem>>, vector<1x16xf32>,
      %swap3A_1906 = vector.shape_cast %swap3A_1905 : vector<1x16xf32> to vector<16xf32>
      %swap3A_1907 = vector.shape_cast %broadcast_in_dim3A_1 : vector<16xf32> to vector<1x16xf32>
      tpu.vector_store %arg10[%swap3A_1903, %swap3A_1904], %swap3A_1907 {strides = array<i32>} : memref<112x128xf32, #tpu.memory_space<vmem>>, vector<1x16xf32>,
    }
    %scan3A_6 = arith.constant 112 : i32
    %add3A = arith.constant 0 : i32
    %add3A_7 = arith.addi %mul3A_0, %add3A : i32
    %add3A_8 = arith.constant 0 : i32
    %add3A_9 = arith.addi %add3A_7, %add3A_8 : i32
    %iota3A_10 = tpu.iota {dimensions = array<i32: 0>} : vector<16xi32>
    %add3A_11 = vector.broadcast %add3A_9 : i32 to vector<16xi32>
    %add3A_12 = arith.addi %add3A_11, %iota3A_10 : vector<16xi32>
    %swap3A = arith.constant 0 : index
    %swap3A_13 = tpu.vector_load %arg21[%swap3A] {strides = array<i32>} : memref<112xi32, #tpu.memory_space<vmem>>, vector<16xi32>,
    %swap3A_14 = vector.shape_cast %swap3A_13 : vector<16xi32> to vector<16xi32>
    %swap3A_15 = vector.shape_cast %add3A_12 : vector<16xi32> to vector<16xi32>
    tpu.vector_store %arg21[%swap3A], %swap3A_15 {strides = array<i32>} : memref<112xi32, #tpu.memory_space<vmem>>, vector<16xi32>,
    %add3A_16 = arith.constant 16 : i32
    %add3A_17 = arith.addi %add3A_7, %add3A_16 : i32
    %iota3A_18 = tpu.iota {dimensions = array<i32: 0>} : vector<16xi32>
    %add3A_19 = vector.broadcast %add3A_17 : i32 to vector<16xi32>
    %add3A_20 = arith.addi %add3A_19, %iota3A_18 : vector<16xi32>
    %swap3A_21 = arith.constant 16 : index
    %swap3A_22 = tpu.vector_load %arg21[%swap3A_21] {strides = array<i32>} : memref<112xi32, #tpu.memory_space<vmem>>, vector<16xi32>,
    %swap3A_23 = vector.shape_cast %swap3A_22 : vector<16xi32> to vector<16xi32>
    %swap3A_24 = vector.shape_cast %add3A_20 : vector<16xi32> to vector<16xi32>
    tpu.vector_store %arg21[%swap3A_21], %swap3A_24 {strides = array<i32>} : memref<112xi32, #tpu.memory_space<vmem>>, vector<16xi32>,
    %add3A_25 = arith.constant 32 : i32
    %add3A_26 = arith.addi %add3A_7, %add3A_25 : i32
    %iota3A_27 = tpu.iota {dimensions = array<i32: 0>} : vector<16xi32>
    %add3A_28 = vector.broadcast %add3A_26 : i32 to vector<16xi32>
    %add3A_29 = arith.addi %add3A_28, %iota3A_27 : vector<16xi32>
    %swap3A_30 = arith.constant 32 : index
    %swap3A_31 = tpu.vector_load %arg21[%swap3A_30] {strides = array<i32>} : memref<112xi32, #tpu.memory_space<vmem>>, vector<16xi32>,
    %swap3A_32 = vector.shape_cast %swap3A_31 : vector<16xi32> to vector<16xi32>
    %swap3A_33 = vector.shape_cast %add3A_29 : vector<16xi32> to vector<16xi32>
    tpu.vector_store %arg21[%swap3A_30], %swap3A_33 {strides = array<i32>} : memref<112xi32, #tpu.memory_space<vmem>>, vector<16xi32>,
    %add3A_34 = arith.constant 48 : i32
    %add3A_35 = arith.addi %add3A_7, %add3A_34 : i32
    %iota3A_36 = tpu.iota {dimensions = array<i32: 0>} : vector<16xi32>
    %add3A_37 = vector.broadcast %add3A_35 : i32 to vector<16xi32>
    %add3A_38 = arith.addi %add3A_37, %iota3A_36 : vector<16xi32>
    %swap3A_39 = arith.constant 48 : index
    %swap3A_40 = tpu.vector_load %arg21[%swap3A_39] {strides = array<i32>} : memref<112xi32, #tpu.memory_space<vmem>>, vector<16xi32>,
    %swap3A_41 = vector.shape_cast %swap3A_40 : vector<16xi32> to vector<16xi32>
    %swap3A_42 = vector.shape_cast %add3A_38 : vector<16xi32> to vector<16xi32>
    tpu.vector_store %arg21[%swap3A_39], %swap3A_42 {strides = array<i32>} : memref<112xi32, #tpu.memory_space<vmem>>, vector<16xi32>,
    %add3A_43 = arith.constant 64 : i32
    %add3A_44 = arith.addi %add3A_7, %add3A_43 : i32
    %iota3A_45 = tpu.iota {dimensions = array<i32: 0>} : vector<16xi32>
    %add3A_46 = vector.broadcast %add3A_44 : i32 to vector<16xi32>
    %add3A_47 = arith.addi %add3A_46, %iota3A_45 : vector<16xi32>
    %swap3A_48 = arith.constant 64 : index
    %swap3A_49 = tpu.vector_load %arg21[%swap3A_48] {strides = array<i32>} : memref<112xi32, #tpu.memory_space<vmem>>, vector<16xi32>,
    %swap3A_50 = vector.shape_cast %swap3A_49 : vector<16xi32> to vector<16xi32>
    %swap3A_51 = vector.shape_cast %add3A_47 : vector<16xi32> to vector<16xi32>
    tpu.vector_store %arg21[%swap3A_48], %swap3A_51 {strides = array<i32>} : memref<112xi32, #tpu.memory_space<vmem>>, vector<16xi32>,
    %add3A_52 = arith.constant 80 : i32
    %add3A_53 = arith.addi %add3A_7, %add3A_52 : i32
    %iota3A_54 = tpu.iota {dimensions = array<i32: 0>} : vector<16xi32>
    %add3A_55 = vector.broadcast %add3A_53 : i32 to vector<16xi32>
    %add3A_56 = arith.addi %add3A_55, %iota3A_54 : vector<16xi32>
    %swap3A_57 = arith.constant 80 : index
    %swap3A_58 = tpu.vector_load %arg21[%swap3A_57] {strides = array<i32>} : memref<112xi32, #tpu.memory_space<vmem>>, vector<16xi32>,
    %swap3A_59 = vector.shape_cast %swap3A_58 : vector<16xi32> to vector<16xi32>
    %swap3A_60 = vector.shape_cast %add3A_56 : vector<16xi32> to vector<16xi32>
    tpu.vector_store %arg21[%swap3A_57], %swap3A_60 {strides = array<i32>} : memref<112xi32, #tpu.memory_space<vmem>>, vector<16xi32>,
    %add3A_61 = arith.constant 96 : i32
    %add3A_62 = arith.addi %add3A_7, %add3A_61 : i32
    %iota3A_63 = tpu.iota {dimensions = array<i32: 0>} : vector<16xi32>
    %add3A_64 = vector.broadcast %add3A_62 : i32 to vector<16xi32>
    %add3A_65 = arith.addi %add3A_64, %iota3A_63 : vector<16xi32>
    %swap3A_66 = arith.constant 96 : index
    %swap3A_67 = tpu.vector_load %arg21[%swap3A_66] {strides = array<i32>} : memref<112xi32, #tpu.memory_space<vmem>>, vector<16xi32>,
    %swap3A_68 = vector.shape_cast %swap3A_67 : vector<16xi32> to vector<16xi32>
    %swap3A_69 = vector.shape_cast %add3A_65 : vector<16xi32> to vector<16xi32>
    tpu.vector_store %arg21[%swap3A_66], %swap3A_69 {strides = array<i32>} : memref<112xi32, #tpu.memory_space<vmem>>, vector<16xi32>,
    "tpu.region"() ({
      %run_scoped3A = tpu.sem_alloc : memref<!tpu.dma_semaphore, #tpu.memory_space<semaphore_mem>>
      %dma_start3A_1867 = arith.constant 0 : i32
      %dma_start3A_1868 = arith.constant 0 : i32
      %dma_start3A_1869 = tpu.memref_slice %arg10[%dma_start3A_1867, %dma_start3A_1868] : memref<112x128xf32, #tpu.memory_space<vmem>> -> memref<112x128xf32, #tpu.memory_space<vmem>>
      %dma_start3A_1870 = arith.constant 0 : i32
      %dma_start3A_1871 = arith.constant 0 : i32
      %dma_start3A_1872 = tpu.memref_slice %arg9[%dma_start3A_1870, %dma_start3A_1871] : memref<10240x128xf32, #tpu.memory_space<vmem_shared>> -> memref<10240x128xf32, #tpu.memory_space<vmem_shared>>
      tpu.enqueue_indirect_dma source(%dma_start3A_1869 : memref<112x128xf32, #tpu.memory_space<vmem>>) target(%dma_start3A_1872 : memref<10240x128xf32, #tpu.memory_space<vmem_shared>>) offsets(%arg21 : memref<112xi32, #tpu.memory_space<vmem>>) semaphore(%run_scoped3A : memref<!tpu.dma_semaphore, #tpu.memory_space<semaphore_mem>>)
      %dma_wait3A_1873 = arith.constant 0 : i32
      %dma_wait3A_1874 = arith.constant 0 : i32
      %dma_wait3A_1875 = tpu.memref_slice %arg10[%dma_wait3A_1873, %dma_wait3A_1874] : memref<112x128xf32, #tpu.memory_space<vmem>> -> memref<112x128xf32, #tpu.memory_space<vmem>>
      %dma_wait3A_1876 = arith.constant 0 : i32
      %dma_wait3A_1877 = arith.constant 0 : i32
      %dma_wait3A_1878 = tpu.memref_slice %arg9[%dma_wait3A_1876, %dma_wait3A_1877] : memref<10240x128xf32, #tpu.memory_space<vmem_shared>> -> memref<10240x128xf32, #tpu.memory_space<vmem_shared>>
      tpu.wait_indirect_dma semaphore(%run_scoped3A : memref<!tpu.dma_semaphore, #tpu.memory_space<semaphore_mem>>) src(%dma_wait3A_1875 : memref<112x128xf32, #tpu.memory_space<vmem>>) dst(%dma_wait3A_1878 : memref<10240x128xf32, #tpu.memory_space<vmem_shared>>)
      tpu.yield
    }) : () -> ()
    %add3A_70 = arith.constant 112 : i32
    %add3A_71 = arith.addi %mul3A_0, %add3A_70 : i32
    %add3A_72 = arith.constant 0 : i32
    %add3A_73 = arith.addi %add3A_71, %add3A_72 : i32
    %iota3A_74 = tpu.iota {dimensions = array<i32: 0>} : vector<16xi32>
    %add3A_75 = vector.broadcast %add3A_73 : i32 to vector<16xi32>
    %add3A_76 = arith.addi %add3A_75, %iota3A_74 : vector<16xi32>
    %swap3A_77 = arith.constant 0 : index
    %swap3A_78 = tpu.vector_load %arg21[%swap3A_77] {strides = array<i32>} : memref<112xi32, #tpu.memory_space<vmem>>, vector<16xi32>,
    %swap3A_79 = vector.shape_cast %swap3A_78 : vector<16xi32> to vector<16xi32>
    %swap3A_80 = vector.shape_cast %add3A_76 : vector<16xi32> to vector<16xi32>
    tpu.vector_store %arg21[%swap3A_77], %swap3A_80 {strides = array<i32>} : memref<112xi32, #tpu.memory_space<vmem>>, vector<16xi32>,
    %add3A_81 = arith.constant 16 : i32
    %add3A_82 = arith.addi %add3A_71, %add3A_81 : i32
    %iota3A_83 = tpu.iota {dimensions = array<i32: 0>} : vector<16xi32>
    %add3A_84 = vector.broadcast %add3A_82 : i32 to vector<16xi32>
    %add3A_85 = arith.addi %add3A_84, %iota3A_83 : vector<16xi32>
    %swap3A_86 = arith.constant 16 : index
    %swap3A_87 = tpu.vector_load %arg21[%swap3A_86] {strides = array<i32>} : memref<112xi32, #tpu.memory_space<vmem>>, vector<16xi32>,
    %swap3A_88 = vector.shape_cast %swap3A_87 : vector<16xi32> to vector<16xi32>
    %swap3A_89 = vector.shape_cast %add3A_85 : vector<16xi32> to vector<16xi32>
    tpu.vector_store %arg21[%swap3A_86], %swap3A_89 {strides = array<i32>} : memref<112xi32, #tpu.memory_space<vmem>>, vector<16xi32>,
    %add3A_90 = arith.constant 32 : i32
    %add3A_91 = arith.addi %add3A_71, %add3A_90 : i32
    %iota3A_92 = tpu.iota {dimensions = array<i32: 0>} : vector<16xi32>
    %add3A_93 = vector.broadcast %add3A_91 : i32 to vector<16xi32>
    %add3A_94 = arith.addi %add3A_93, %iota3A_92 : vector<16xi32>
    %swap3A_95 = arith.constant 32 : index
    %swap3A_96 = tpu.vector_load %arg21[%swap3A_95] {strides = array<i32>} : memref<112xi32, #tpu.memory_space<vmem>>, vector<16xi32>,
    %swap3A_97 = vector.shape_cast %swap3A_96 : vector<16xi32> to vector<16xi32>
    %swap3A_98 = vector.shape_cast %add3A_94 : vector<16xi32> to vector<16xi32>
    tpu.vector_store %arg21[%swap3A_95], %swap3A_98 {strides = array<i32>} : memref<112xi32, #tpu.memory_space<vmem>>, vector<16xi32>,
    %add3A_99 = arith.constant 48 : i32
    %add3A_100 = arith.addi %add3A_71, %add3A_99 : i32
    %iota3A_101 = tpu.iota {dimensions = array<i32: 0>} : vector<16xi32>
    %add3A_102 = vector.broadcast %add3A_100 : i32 to vector<16xi32>
    %add3A_103 = arith.addi %add3A_102, %iota3A_101 : vector<16xi32>
    %swap3A_104 = arith.constant 48 : index
    %swap3A_105 = tpu.vector_load %arg21[%swap3A_104] {strides = array<i32>} : memref<112xi32, #tpu.memory_space<vmem>>, vector<16xi32>,
    %swap3A_106 = vector.shape_cast %swap3A_105 : vector<16xi32> to vector<16xi32>
    %swap3A_107 = vector.shape_cast %add3A_103 : vector<16xi32> to vector<16xi32>
    tpu.vector_store %arg21[%swap3A_104], %swap3A_107 {strides = array<i32>} : memref<112xi32, #tpu.memory_space<vmem>>, vector<16xi32>,
    %add3A_108 = arith.constant 64 : i32
    %add3A_109 = arith.addi %add3A_71, %add3A_108 : i32
    %iota3A_110 = tpu.iota {dimensions = array<i32: 0>} : vector<16xi32>
    %add3A_111 = vector.broadcast %add3A_109 : i32 to vector<16xi32>
    %add3A_112 = arith.addi %add3A_111, %iota3A_110 : vector<16xi32>
    %swap3A_113 = arith.constant 64 : index
    %swap3A_114 = tpu.vector_load %arg21[%swap3A_113] {strides = array<i32>} : memref<112xi32, #tpu.memory_space<vmem>>, vector<16xi32>,
    %swap3A_115 = vector.shape_cast %swap3A_114 : vector<16xi32> to vector<16xi32>
    %swap3A_116 = vector.shape_cast %add3A_112 : vector<16xi32> to vector<16xi32>
    tpu.vector_store %arg21[%swap3A_113], %swap3A_116 {strides = array<i32>} : memref<112xi32, #tpu.memory_space<vmem>>, vector<16xi32>,
    %add3A_117 = arith.constant 80 : i32
    %add3A_118 = arith.addi %add3A_71, %add3A_117 : i32
    %iota3A_119 = tpu.iota {dimensions = array<i32: 0>} : vector<16xi32>
    %add3A_120 = vector.broadcast %add3A_118 : i32 to vector<16xi32>
    %add3A_121 = arith.addi %add3A_120, %iota3A_119 : vector<16xi32>
    %swap3A_122 = arith.constant 80 : index
    %swap3A_123 = tpu.vector_load %arg21[%swap3A_122] {strides = array<i32>} : memref<112xi32, #tpu.memory_space<vmem>>, vector<16xi32>,
    %swap3A_124 = vector.shape_cast %swap3A_123 : vector<16xi32> to vector<16xi32>
    %swap3A_125 = vector.shape_cast %add3A_121 : vector<16xi32> to vector<16xi32>
    tpu.vector_store %arg21[%swap3A_122], %swap3A_125 {strides = array<i32>} : memref<112xi32, #tpu.memory_space<vmem>>, vector<16xi32>,
    %add3A_126 = arith.constant 96 : i32
    %add3A_127 = arith.addi %add3A_71, %add3A_126 : i32
    %iota3A_128 = tpu.iota {dimensions = array<i32: 0>} : vector<16xi32>
    %add3A_129 = vector.broadcast %add3A_127 : i32 to vector<16xi32>
    %add3A_130 = arith.addi %add3A_129, %iota3A_128 : vector<16xi32>
    %swap3A_131 = arith.constant 96 : index
    %swap3A_132 = tpu.vector_load %arg21[%swap3A_131] {strides = array<i32>} : memref<112xi32, #tpu.memory_space<vmem>>, vector<16xi32>,
    %swap3A_133 = vector.shape_cast %swap3A_132 : vector<16xi32> to vector<16xi32>
    %swap3A_134 = vector.shape_cast %add3A_130 : vector<16xi32> to vector<16xi32>
    tpu.vector_store %arg21[%swap3A_131], %swap3A_134 {strides = array<i32>} : memref<112xi32, #tpu.memory_space<vmem>>, vector<16xi32>,
    "tpu.region"() ({
      %run_scoped3A = tpu.sem_alloc : memref<!tpu.dma_semaphore, #tpu.memory_space<semaphore_mem>>
      %dma_start3A_1867 = arith.constant 0 : i32
      %dma_start3A_1868 = arith.constant 0 : i32
      %dma_start3A_1869 = tpu.memref_slice %arg10[%dma_start3A_1867, %dma_start3A_1868] : memref<112x128xf32, #tpu.memory_space<vmem>> -> memref<112x128xf32, #tpu.memory_space<vmem>>
      %dma_start3A_1870 = arith.constant 0 : i32
      %dma_start3A_1871 = arith.constant 0 : i32
      %dma_start3A_1872 = tpu.memref_slice %arg9[%dma_start3A_1870, %dma_start3A_1871] : memref<10240x128xf32, #tpu.memory_space<vmem_shared>> -> memref<10240x128xf32, #tpu.memory_space<vmem_shared>>
      tpu.enqueue_indirect_dma source(%dma_start3A_1869 : memref<112x128xf32, #tpu.memory_space<vmem>>) target(%dma_start3A_1872 : memref<10240x128xf32, #tpu.memory_space<vmem_shared>>) offsets(%arg21 : memref<112xi32, #tpu.memory_space<vmem>>) semaphore(%run_scoped3A : memref<!tpu.dma_semaphore, #tpu.memory_space<semaphore_mem>>)
      %dma_wait3A_1873 = arith.constant 0 : i32
      %dma_wait3A_1874 = arith.constant 0 : i32
      %dma_wait3A_1875 = tpu.memref_slice %arg10[%dma_wait3A_1873, %dma_wait3A_1874] : memref<112x128xf32, #tpu.memory_space<vmem>> -> memref<112x128xf32, #tpu.memory_space<vmem>>
      %dma_wait3A_1876 = arith.constant 0 : i32
      %dma_wait3A_1877 = arith.constant 0 : i32
      %dma_wait3A_1878 = tpu.memref_slice %arg9[%dma_wait3A_1876, %dma_wait3A_1877] : memref<10240x128xf32, #tpu.memory_space<vmem_shared>> -> memref<10240x128xf32, #tpu.memory_space<vmem_shared>>
      tpu.wait_indirect_dma semaphore(%run_scoped3A : memref<!tpu.dma_semaphore, #tpu.memory_space<semaphore_mem>>) src(%dma_wait3A_1875 : memref<112x128xf32, #tpu.memory_space<vmem>>) dst(%dma_wait3A_1878 : memref<10240x128xf32, #tpu.memory_space<vmem_shared>>)
      tpu.yield
    }) : () -> ()
    %add3A_135 = arith.constant 224 : i32
    %add3A_136 = arith.addi %mul3A_0, %add3A_135 : i32
    %add3A_137 = arith.constant 0 : i32
    %add3A_138 = arith.addi %add3A_136, %add3A_137 : i32
    %iota3A_139 = tpu.iota {dimensions = array<i32: 0>} : vector<16xi32>
    %add3A_140 = vector.broadcast %add3A_138 : i32 to vector<16xi32>
    %add3A_141 = arith.addi %add3A_140, %iota3A_139 : vector<16xi32>
    %swap3A_142 = arith.constant 0 : index
    %swap3A_143 = tpu.vector_load %arg21[%swap3A_142] {strides = array<i32>} : memref<112xi32, #tpu.memory_space<vmem>>, vector<16xi32>,
    %swap3A_144 = vector.shape_cast %swap3A_143 : vector<16xi32> to vector<16xi32>
    %swap3A_145 = vector.shape_cast %add3A_141 : vector<16xi32> to vector<16xi32>
    tpu.vector_store %arg21[%swap3A_142], %swap3A_145 {strides = array<i32>} : memref<112xi32, #tpu.memory_space<vmem>>, vector<16xi32>,
    %add3A_146 = arith.constant 16 : i32
    %add3A_147 = arith.addi %add3A_136, %add3A_146 : i32
    %iota3A_148 = tpu.iota {dimensions = array<i32: 0>} : vector<16xi32>
    %add3A_149 = vector.broadcast %add3A_147 : i32 to vector<16xi32>
    %add3A_150 = arith.addi %add3A_149, %iota3A_148 : vector<16xi32>
    %swap3A_151 = arith.constant 16 : index
    %swap3A_152 = tpu.vector_load %arg21[%swap3A_151] {strides = array<i32>} : memref<112xi32, #tpu.memory_space<vmem>>, vector<16xi32>,
    %swap3A_153 = vector.shape_cast %swap3A_152 : vector<16xi32> to vector<16xi32>
    %swap3A_154 = vector.shape_cast %add3A_150 : vector<16xi32> to vector<16xi32>
    tpu.vector_store %arg21[%swap3A_151], %swap3A_154 {strides = array<i32>} : memref<112xi32, #tpu.memory_space<vmem>>, vector<16xi32>,
    %add3A_155 = arith.constant 32 : i32
    %add3A_156 = arith.addi %add3A_136, %add3A_155 : i32
    %iota3A_157 = tpu.iota {dimensions = array<i32: 0>} : vector<16xi32>
    %add3A_158 = vector.broadcast %add3A_156 : i32 to vector<16xi32>
    %add3A_159 = arith.addi %add3A_158, %iota3A_157 : vector<16xi32>
    %swap3A_160 = arith.constant 32 : index
    %swap3A_161 = tpu.vector_load %arg21[%swap3A_160] {strides = array<i32>} : memref<112xi32, #tpu.memory_space<vmem>>, vector<16xi32>,
    %swap3A_162 = vector.shape_cast %swap3A_161 : vector<16xi32> to vector<16xi32>
    %swap3A_163 = vector.shape_cast %add3A_159 : vector<16xi32> to vector<16xi32>
    tpu.vector_store %arg21[%swap3A_160], %swap3A_163 {strides = array<i32>} : memref<112xi32, #tpu.memory_space<vmem>>, vector<16xi32>,
    %add3A_164 = arith.constant 48 : i32
    %add3A_165 = arith.addi %add3A_136, %add3A_164 : i32
    %iota3A_166 = tpu.iota {dimensions = array<i32: 0>} : vector<16xi32>
    %add3A_167 = vector.broadcast %add3A_165 : i32 to vector<16xi32>
    %add3A_168 = arith.addi %add3A_167, %iota3A_166 : vector<16xi32>
    %swap3A_169 = arith.constant 48 : index
    %swap3A_170 = tpu.vector_load %arg21[%swap3A_169] {strides = array<i32>} : memref<112xi32, #tpu.memory_space<vmem>>, vector<16xi32>,
    %swap3A_171 = vector.shape_cast %swap3A_170 : vector<16xi32> to vector<16xi32>
    %swap3A_172 = vector.shape_cast %add3A_168 : vector<16xi32> to vector<16xi32>
    tpu.vector_store %arg21[%swap3A_169], %swap3A_172 {strides = array<i32>} : memref<112xi32, #tpu.memory_space<vmem>>, vector<16xi32>,
    %add3A_173 = arith.constant 64 : i32
    %add3A_174 = arith.addi %add3A_136, %add3A_173 : i32
    %iota3A_175 = tpu.iota {dimensions = array<i32: 0>} : vector<16xi32>
    %add3A_176 = vector.broadcast %add3A_174 : i32 to vector<16xi32>
    %add3A_177 = arith.addi %add3A_176, %iota3A_175 : vector<16xi32>
    %swap3A_178 = arith.constant 64 : index
    %swap3A_179 = tpu.vector_load %arg21[%swap3A_178] {strides = array<i32>} : memref<112xi32, #tpu.memory_space<vmem>>, vector<16xi32>,
    %swap3A_180 = vector.shape_cast %swap3A_179 : vector<16xi32> to vector<16xi32>
    %swap3A_181 = vector.shape_cast %add3A_177 : vector<16xi32> to vector<16xi32>
    tpu.vector_store %arg21[%swap3A_178], %swap3A_181 {strides = array<i32>} : memref<112xi32, #tpu.memory_space<vmem>>, vector<16xi32>,
    %add3A_182 = arith.constant 80 : i32
    %add3A_183 = arith.addi %add3A_136, %add3A_182 : i32
    %iota3A_184 = tpu.iota {dimensions = array<i32: 0>} : vector<16xi32>
    %add3A_185 = vector.broadcast %add3A_183 : i32 to vector<16xi32>
    %add3A_186 = arith.addi %add3A_185, %iota3A_184 : vector<16xi32>
    %swap3A_187 = arith.constant 80 : index
    %swap3A_188 = tpu.vector_load %arg21[%swap3A_187] {strides = array<i32>} : memref<112xi32, #tpu.memory_space<vmem>>, vector<16xi32>,
    %swap3A_189 = vector.shape_cast %swap3A_188 : vector<16xi32> to vector<16xi32>
    %swap3A_190 = vector.shape_cast %add3A_186 : vector<16xi32> to vector<16xi32>
    tpu.vector_store %arg21[%swap3A_187], %swap3A_190 {strides = array<i32>} : memref<112xi32, #tpu.memory_space<vmem>>, vector<16xi32>,
    %add3A_191 = arith.constant 96 : i32
    %add3A_192 = arith.addi %add3A_136, %add3A_191 : i32
    %iota3A_193 = tpu.iota {dimensions = array<i32: 0>} : vector<16xi32>
    %add3A_194 = vector.broadcast %add3A_192 : i32 to vector<16xi32>
    %add3A_195 = arith.addi %add3A_194, %iota3A_193 : vector<16xi32>
    %swap3A_196 = arith.constant 96 : index
    %swap3A_197 = tpu.vector_load %arg21[%swap3A_196] {strides = array<i32>} : memref<112xi32, #tpu.memory_space<vmem>>, vector<16xi32>,
    %swap3A_198 = vector.shape_cast %swap3A_197 : vector<16xi32> to vector<16xi32>
    %swap3A_199 = vector.shape_cast %add3A_195 : vector<16xi32> to vector<16xi32>
    tpu.vector_store %arg21[%swap3A_196], %swap3A_199 {strides = array<i32>} : memref<112xi32, #tpu.memory_space<vmem>>, vector<16xi32>,
    "tpu.region"() ({
      %run_scoped3A = tpu.sem_alloc : memref<!tpu.dma_semaphore, #tpu.memory_space<semaphore_mem>>
      %dma_start3A_1867 = arith.constant 0 : i32
      %dma_start3A_1868 = arith.constant 0 : i32
      %dma_start3A_1869 = tpu.memref_slice %arg10[%dma_start3A_1867, %dma_start3A_1868] : memref<112x128xf32, #tpu.memory_space<vmem>> -> memref<112x128xf32, #tpu.memory_space<vmem>>
      %dma_start3A_1870 = arith.constant 0 : i32
      %dma_start3A_1871 = arith.constant 0 : i32
      %dma_start3A_1872 = tpu.memref_slice %arg9[%dma_start3A_1870, %dma_start3A_1871] : memref<10240x128xf32, #tpu.memory_space<vmem_shared>> -> memref<10240x128xf32, #tpu.memory_space<vmem_shared>>
      tpu.enqueue_indirect_dma source(%dma_start3A_1869 : memref<112x128xf32, #tpu.memory_space<vmem>>) target(%dma_start3A_1872 : memref<10240x128xf32, #tpu.memory_space<vmem_shared>>) offsets(%arg21 : memref<112xi32, #tpu.memory_space<vmem>>) semaphore(%run_scoped3A : memref<!tpu.dma_semaphore, #tpu.memory_space<semaphore_mem>>)
      %dma_wait3A_1873 = arith.constant 0 : i32
      %dma_wait3A_1874 = arith.constant 0 : i32
      %dma_wait3A_1875 = tpu.memref_slice %arg10[%dma_wait3A_1873, %dma_wait3A_1874] : memref<112x128xf32, #tpu.memory_space<vmem>> -> memref<112x128xf32, #tpu.memory_space<vmem>>
      %dma_wait3A_1876 = arith.constant 0 : i32
      %dma_wait3A_1877 = arith.constant 0 : i32
      %dma_wait3A_1878 = tpu.memref_slice %arg9[%dma_wait3A_1876, %dma_wait3A_1877] : memref<10240x128xf32, #tpu.memory_space<vmem_shared>> -> memref<10240x128xf32, #tpu.memory_space<vmem_shared>>
      tpu.wait_indirect_dma semaphore(%run_scoped3A : memref<!tpu.dma_semaphore, #tpu.memory_space<semaphore_mem>>) src(%dma_wait3A_1875 : memref<112x128xf32, #tpu.memory_space<vmem>>) dst(%dma_wait3A_1878 : memref<10240x128xf32, #tpu.memory_space<vmem_shared>>)
      tpu.yield
    }) : () -> ()
    %add3A_200 = arith.constant 336 : i32
    %add3A_201 = arith.addi %mul3A_0, %add3A_200 : i32
    %add3A_202 = arith.constant 0 : i32
    %add3A_203 = arith.addi %add3A_201, %add3A_202 : i32
    %iota3A_204 = tpu.iota {dimensions = array<i32: 0>} : vector<16xi32>
    %add3A_205 = vector.broadcast %add3A_203 : i32 to vector<16xi32>
    %add3A_206 = arith.addi %add3A_205, %iota3A_204 : vector<16xi32>
    %swap3A_207 = arith.constant 0 : index
    %swap3A_208 = tpu.vector_load %arg21[%swap3A_207] {strides = array<i32>} : memref<112xi32, #tpu.memory_space<vmem>>, vector<16xi32>,
    %swap3A_209 = vector.shape_cast %swap3A_208 : vector<16xi32> to vector<16xi32>
    %swap3A_210 = vector.shape_cast %add3A_206 : vector<16xi32> to vector<16xi32>
    tpu.vector_store %arg21[%swap3A_207], %swap3A_210 {strides = array<i32>} : memref<112xi32, #tpu.memory_space<vmem>>, vector<16xi32>,
    %add3A_211 = arith.constant 16 : i32
    %add3A_212 = arith.addi %add3A_201, %add3A_211 : i32
    %iota3A_213 = tpu.iota {dimensions = array<i32: 0>} : vector<16xi32>
    %add3A_214 = vector.broadcast %add3A_212 : i32 to vector<16xi32>
    %add3A_215 = arith.addi %add3A_214, %iota3A_213 : vector<16xi32>
    %swap3A_216 = arith.constant 16 : index
    %swap3A_217 = tpu.vector_load %arg21[%swap3A_216] {strides = array<i32>} : memref<112xi32, #tpu.memory_space<vmem>>, vector<16xi32>,
    %swap3A_218 = vector.shape_cast %swap3A_217 : vector<16xi32> to vector<16xi32>
    %swap3A_219 = vector.shape_cast %add3A_215 : vector<16xi32> to vector<16xi32>
    tpu.vector_store %arg21[%swap3A_216], %swap3A_219 {strides = array<i32>} : memref<112xi32, #tpu.memory_space<vmem>>, vector<16xi32>,
    %add3A_220 = arith.constant 32 : i32
    %add3A_221 = arith.addi %add3A_201, %add3A_220 : i32
    %iota3A_222 = tpu.iota {dimensions = array<i32: 0>} : vector<16xi32>
    %add3A_223 = vector.broadcast %add3A_221 : i32 to vector<16xi32>
    %add3A_224 = arith.addi %add3A_223, %iota3A_222 : vector<16xi32>
    %swap3A_225 = arith.constant 32 : index
    %swap3A_226 = tpu.vector_load %arg21[%swap3A_225] {strides = array<i32>} : memref<112xi32, #tpu.memory_space<vmem>>, vector<16xi32>,
    %swap3A_227 = vector.shape_cast %swap3A_226 : vector<16xi32> to vector<16xi32>
    %swap3A_228 = vector.shape_cast %add3A_224 : vector<16xi32> to vector<16xi32>
    tpu.vector_store %arg21[%swap3A_225], %swap3A_228 {strides = array<i32>} : memref<112xi32, #tpu.memory_space<vmem>>, vector<16xi32>,
    %add3A_229 = arith.constant 48 : i32
    %add3A_230 = arith.addi %add3A_201, %add3A_229 : i32
    %iota3A_231 = tpu.iota {dimensions = array<i32: 0>} : vector<16xi32>
    %add3A_232 = vector.broadcast %add3A_230 : i32 to vector<16xi32>
    %add3A_233 = arith.addi %add3A_232, %iota3A_231 : vector<16xi32>
    %swap3A_234 = arith.constant 48 : index
    %swap3A_235 = tpu.vector_load %arg21[%swap3A_234] {strides = array<i32>} : memref<112xi32, #tpu.memory_space<vmem>>, vector<16xi32>,
    %swap3A_236 = vector.shape_cast %swap3A_235 : vector<16xi32> to vector<16xi32>
    %swap3A_237 = vector.shape_cast %add3A_233 : vector<16xi32> to vector<16xi32>
    tpu.vector_store %arg21[%swap3A_234], %swap3A_237 {strides = array<i32>} : memref<112xi32, #tpu.memory_space<vmem>>, vector<16xi32>,
    %add3A_238 = arith.constant 64 : i32
    %add3A_239 = arith.addi %add3A_201, %add3A_238 : i32
    %iota3A_240 = tpu.iota {dimensions = array<i32: 0>} : vector<16xi32>
    %add3A_241 = vector.broadcast %add3A_239 : i32 to vector<16xi32>
    %add3A_242 = arith.addi %add3A_241, %iota3A_240 : vector<16xi32>
    %swap3A_243 = arith.constant 64 : index
    %swap3A_244 = tpu.vector_load %arg21[%swap3A_243] {strides = array<i32>} : memref<112xi32, #tpu.memory_space<vmem>>, vector<16xi32>,
    %swap3A_245 = vector.shape_cast %swap3A_244 : vector<16xi32> to vector<16xi32>
    %swap3A_246 = vector.shape_cast %add3A_242 : vector<16xi32> to vector<16xi32>
    tpu.vector_store %arg21[%swap3A_243], %swap3A_246 {strides = array<i32>} : memref<112xi32, #tpu.memory_space<vmem>>, vector<16xi32>,
    %add3A_247 = arith.constant 80 : i32
    %add3A_248 = arith.addi %add3A_201, %add3A_247 : i32
    %iota3A_249 = tpu.iota {dimensions = array<i32: 0>} : vector<16xi32>
    %add3A_250 = vector.broadcast %add3A_248 : i32 to vector<16xi32>
    %add3A_251 = arith.addi %add3A_250, %iota3A_249 : vector<16xi32>
    %swap3A_252 = arith.constant 80 : index
    %swap3A_253 = tpu.vector_load %arg21[%swap3A_252] {strides = array<i32>} : memref<112xi32, #tpu.memory_space<vmem>>, vector<16xi32>,
    %swap3A_254 = vector.shape_cast %swap3A_253 : vector<16xi32> to vector<16xi32>
    %swap3A_255 = vector.shape_cast %add3A_251 : vector<16xi32> to vector<16xi32>
    tpu.vector_store %arg21[%swap3A_252], %swap3A_255 {strides = array<i32>} : memref<112xi32, #tpu.memory_space<vmem>>, vector<16xi32>,
    %add3A_256 = arith.constant 96 : i32
    %add3A_257 = arith.addi %add3A_201, %add3A_256 : i32
    %iota3A_258 = tpu.iota {dimensions = array<i32: 0>} : vector<16xi32>
    %add3A_259 = vector.broadcast %add3A_257 : i32 to vector<16xi32>
    %add3A_260 = arith.addi %add3A_259, %iota3A_258 : vector<16xi32>
    %swap3A_261 = arith.constant 96 : index
    %swap3A_262 = tpu.vector_load %arg21[%swap3A_261] {strides = array<i32>} : memref<112xi32, #tpu.memory_space<vmem>>, vector<16xi32>,
    %swap3A_263 = vector.shape_cast %swap3A_262 : vector<16xi32> to vector<16xi32>
    %swap3A_264 = vector.shape_cast %add3A_260 : vector<16xi32> to vector<16xi32>
    tpu.vector_store %arg21[%swap3A_261], %swap3A_264 {strides = array<i32>} : memref<112xi32, #tpu.memory_space<vmem>>, vector<16xi32>,
    "tpu.region"() ({
      %run_scoped3A = tpu.sem_alloc : memref<!tpu.dma_semaphore, #tpu.memory_space<semaphore_mem>>
      %dma_start3A_1867 = arith.constant 0 : i32
      %dma_start3A_1868 = arith.constant 0 : i32
      %dma_start3A_1869 = tpu.memref_slice %arg10[%dma_start3A_1867, %dma_start3A_1868] : memref<112x128xf32, #tpu.memory_space<vmem>> -> memref<112x128xf32, #tpu.memory_space<vmem>>
      %dma_start3A_1870 = arith.constant 0 : i32
      %dma_start3A_1871 = arith.constant 0 : i32
      %dma_start3A_1872 = tpu.memref_slice %arg9[%dma_start3A_1870, %dma_start3A_1871] : memref<10240x128xf32, #tpu.memory_space<vmem_shared>> -> memref<10240x128xf32, #tpu.memory_space<vmem_shared>>
      tpu.enqueue_indirect_dma source(%dma_start3A_1869 : memref<112x128xf32, #tpu.memory_space<vmem>>) target(%dma_start3A_1872 : memref<10240x128xf32, #tpu.memory_space<vmem_shared>>) offsets(%arg21 : memref<112xi32, #tpu.memory_space<vmem>>) semaphore(%run_scoped3A : memref<!tpu.dma_semaphore, #tpu.memory_space<semaphore_mem>>)
      %dma_wait3A_1873 = arith.constant 0 : i32
      %dma_wait3A_1874 = arith.constant 0 : i32
      %dma_wait3A_1875 = tpu.memref_slice %arg10[%dma_wait3A_1873, %dma_wait3A_1874] : memref<112x128xf32, #tpu.memory_space<vmem>> -> memref<112x128xf32, #tpu.memory_space<vmem>>
      %dma_wait3A_1876 = arith.constant 0 : i32
      %dma_wait3A_1877 = arith.constant 0 : i32
      %dma_wait3A_1878 = tpu.memref_slice %arg9[%dma_wait3A_1876, %dma_wait3A_1877] : memref<10240x128xf32, #tpu.memory_space<vmem_shared>> -> memref<10240x128xf32, #tpu.memory_space<vmem_shared>>
      tpu.wait_indirect_dma semaphore(%run_scoped3A : memref<!tpu.dma_semaphore, #tpu.memory_space<semaphore_mem>>) src(%dma_wait3A_1875 : memref<112x128xf32, #tpu.memory_space<vmem>>) dst(%dma_wait3A_1878 : memref<10240x128xf32, #tpu.memory_space<vmem_shared>>)
      tpu.yield
    }) : () -> ()
    %add3A_265 = arith.constant 448 : i32
    %add3A_266 = arith.addi %mul3A_0, %add3A_265 : i32
    %add3A_267 = arith.constant 0 : i32
    %add3A_268 = arith.addi %add3A_266, %add3A_267 : i32
    %iota3A_269 = tpu.iota {dimensions = array<i32: 0>} : vector<16xi32>
    %add3A_270 = vector.broadcast %add3A_268 : i32 to vector<16xi32>
    %add3A_271 = arith.addi %add3A_270, %iota3A_269 : vector<16xi32>
    %swap3A_272 = arith.constant 0 : index
    %swap3A_273 = tpu.vector_load %arg21[%swap3A_272] {strides = array<i32>} : memref<112xi32, #tpu.memory_space<vmem>>, vector<16xi32>,
    %swap3A_274 = vector.shape_cast %swap3A_273 : vector<16xi32> to vector<16xi32>
    %swap3A_275 = vector.shape_cast %add3A_271 : vector<16xi32> to vector<16xi32>
    tpu.vector_store %arg21[%swap3A_272], %swap3A_275 {strides = array<i32>} : memref<112xi32, #tpu.memory_space<vmem>>, vector<16xi32>,
    %add3A_276 = arith.constant 16 : i32
    %add3A_277 = arith.addi %add3A_266, %add3A_276 : i32
    %iota3A_278 = tpu.iota {dimensions = array<i32: 0>} : vector<16xi32>
    %add3A_279 = vector.broadcast %add3A_277 : i32 to vector<16xi32>
    %add3A_280 = arith.addi %add3A_279, %iota3A_278 : vector<16xi32>
    %swap3A_281 = arith.constant 16 : index
    %swap3A_282 = tpu.vector_load %arg21[%swap3A_281] {strides = array<i32>} : memref<112xi32, #tpu.memory_space<vmem>>, vector<16xi32>,
    %swap3A_283 = vector.shape_cast %swap3A_282 : vector<16xi32> to vector<16xi32>
    %swap3A_284 = vector.shape_cast %add3A_280 : vector<16xi32> to vector<16xi32>
    tpu.vector_store %arg21[%swap3A_281], %swap3A_284 {strides = array<i32>} : memref<112xi32, #tpu.memory_space<vmem>>, vector<16xi32>,
    %add3A_285 = arith.constant 32 : i32
    %add3A_286 = arith.addi %add3A_266, %add3A_285 : i32
    %iota3A_287 = tpu.iota {dimensions = array<i32: 0>} : vector<16xi32>
    %add3A_288 = vector.broadcast %add3A_286 : i32 to vector<16xi32>
    %add3A_289 = arith.addi %add3A_288, %iota3A_287 : vector<16xi32>
    %swap3A_290 = arith.constant 32 : index
    %swap3A_291 = tpu.vector_load %arg21[%swap3A_290] {strides = array<i32>} : memref<112xi32, #tpu.memory_space<vmem>>, vector<16xi32>,
    %swap3A_292 = vector.shape_cast %swap3A_291 : vector<16xi32> to vector<16xi32>
    %swap3A_293 = vector.shape_cast %add3A_289 : vector<16xi32> to vector<16xi32>
    tpu.vector_store %arg21[%swap3A_290], %swap3A_293 {strides = array<i32>} : memref<112xi32, #tpu.memory_space<vmem>>, vector<16xi32>,
    %add3A_294 = arith.constant 48 : i32
    %add3A_295 = arith.addi %add3A_266, %add3A_294 : i32
    %iota3A_296 = tpu.iota {dimensions = array<i32: 0>} : vector<16xi32>
    %add3A_297 = vector.broadcast %add3A_295 : i32 to vector<16xi32>
    %add3A_298 = arith.addi %add3A_297, %iota3A_296 : vector<16xi32>
    %swap3A_299 = arith.constant 48 : index
    %swap3A_300 = tpu.vector_load %arg21[%swap3A_299] {strides = array<i32>} : memref<112xi32, #tpu.memory_space<vmem>>, vector<16xi32>,
    %swap3A_301 = vector.shape_cast %swap3A_300 : vector<16xi32> to vector<16xi32>
    %swap3A_302 = vector.shape_cast %add3A_298 : vector<16xi32> to vector<16xi32>
    tpu.vector_store %arg21[%swap3A_299], %swap3A_302 {strides = array<i32>} : memref<112xi32, #tpu.memory_space<vmem>>, vector<16xi32>,
    %add3A_303 = arith.constant 64 : i32
    %add3A_304 = arith.addi %add3A_266, %add3A_303 : i32
    %iota3A_305 = tpu.iota {dimensions = array<i32: 0>} : vector<16xi32>
    %add3A_306 = vector.broadcast %add3A_304 : i32 to vector<16xi32>
    %add3A_307 = arith.addi %add3A_306, %iota3A_305 : vector<16xi32>
    %swap3A_308 = arith.constant 64 : index
    %swap3A_309 = tpu.vector_load %arg21[%swap3A_308] {strides = array<i32>} : memref<112xi32, #tpu.memory_space<vmem>>, vector<16xi32>,
    %swap3A_310 = vector.shape_cast %swap3A_309 : vector<16xi32> to vector<16xi32>
    %swap3A_311 = vector.shape_cast %add3A_307 : vector<16xi32> to vector<16xi32>
    tpu.vector_store %arg21[%swap3A_308], %swap3A_311 {strides = array<i32>} : memref<112xi32, #tpu.memory_space<vmem>>, vector<16xi32>,
    %add3A_312 = arith.constant 80 : i32
    %add3A_313 = arith.addi %add3A_266, %add3A_312 : i32
    %iota3A_314 = tpu.iota {dimensions = array<i32: 0>} : vector<16xi32>
    %add3A_315 = vector.broadcast %add3A_313 : i32 to vector<16xi32>
    %add3A_316 = arith.addi %add3A_315, %iota3A_314 : vector<16xi32>
    %swap3A_317 = arith.constant 80 : index
    %swap3A_318 = tpu.vector_load %arg21[%swap3A_317] {strides = array<i32>} : memref<112xi32, #tpu.memory_space<vmem>>, vector<16xi32>,
    %swap3A_319 = vector.shape_cast %swap3A_318 : vector<16xi32> to vector<16xi32>
    %swap3A_320 = vector.shape_cast %add3A_316 : vector<16xi32> to vector<16xi32>
    tpu.vector_store %arg21[%swap3A_317], %swap3A_320 {strides = array<i32>} : memref<112xi32, #tpu.memory_space<vmem>>, vector<16xi32>,
    %add3A_321 = arith.constant 96 : i32
    %add3A_322 = arith.addi %add3A_266, %add3A_321 : i32
    %iota3A_323 = tpu.iota {dimensions = array<i32: 0>} : vector<16xi32>
    %add3A_324 = vector.broadcast %add3A_322 : i32 to vector<16xi32>
    %add3A_325 = arith.addi %add3A_324, %iota3A_323 : vector<16xi32>
    %swap3A_326 = arith.constant 96 : index
    %swap3A_327 = tpu.vector_load %arg21[%swap3A_326] {strides = array<i32>} : memref<112xi32, #tpu.memory_space<vmem>>, vector<16xi32>,
    %swap3A_328 = vector.shape_cast %swap3A_327 : vector<16xi32> to vector<16xi32>
    %swap3A_329 = vector.shape_cast %add3A_325 : vector<16xi32> to vector<16xi32>
    tpu.vector_store %arg21[%swap3A_326], %swap3A_329 {strides = array<i32>} : memref<112xi32, #tpu.memory_space<vmem>>, vector<16xi32>,
    "tpu.region"() ({
      %run_scoped3A = tpu.sem_alloc : memref<!tpu.dma_semaphore, #tpu.memory_space<semaphore_mem>>
      %dma_start3A_1867 = arith.constant 0 : i32
      %dma_start3A_1868 = arith.constant 0 : i32
      %dma_start3A_1869 = tpu.memref_slice %arg10[%dma_start3A_1867, %dma_start3A_1868] : memref<112x128xf32, #tpu.memory_space<vmem>> -> memref<112x128xf32, #tpu.memory_space<vmem>>
      %dma_start3A_1870 = arith.constant 0 : i32
      %dma_start3A_1871 = arith.constant 0 : i32
      %dma_start3A_1872 = tpu.memref_slice %arg9[%dma_start3A_1870, %dma_start3A_1871] : memref<10240x128xf32, #tpu.memory_space<vmem_shared>> -> memref<10240x128xf32, #tpu.memory_space<vmem_shared>>
      tpu.enqueue_indirect_dma source(%dma_start3A_1869 : memref<112x128xf32, #tpu.memory_space<vmem>>) target(%dma_start3A_1872 : memref<10240x128xf32, #tpu.memory_space<vmem_shared>>) offsets(%arg21 : memref<112xi32, #tpu.memory_space<vmem>>) semaphore(%run_scoped3A : memref<!tpu.dma_semaphore, #tpu.memory_space<semaphore_mem>>)
      %dma_wait3A_1873 = arith.constant 0 : i32
      %dma_wait3A_1874 = arith.constant 0 : i32
      %dma_wait3A_1875 = tpu.memref_slice %arg10[%dma_wait3A_1873, %dma_wait3A_1874] : memref<112x128xf32, #tpu.memory_space<vmem>> -> memref<112x128xf32, #tpu.memory_space<vmem>>
      %dma_wait3A_1876 = arith.constant 0 : i32
      %dma_wait3A_1877 = arith.constant 0 : i32
      %dma_wait3A_1878 = tpu.memref_slice %arg9[%dma_wait3A_1876, %dma_wait3A_1877] : memref<10240x128xf32, #tpu.memory_space<vmem_shared>> -> memref<10240x128xf32, #tpu.memory_space<vmem_shared>>
      tpu.wait_indirect_dma semaphore(%run_scoped3A : memref<!tpu.dma_semaphore, #tpu.memory_space<semaphore_mem>>) src(%dma_wait3A_1875 : memref<112x128xf32, #tpu.memory_space<vmem>>) dst(%dma_wait3A_1878 : memref<10240x128xf32, #tpu.memory_space<vmem_shared>>)
      tpu.yield
    }) : () -> ()
    %add3A_330 = arith.constant 560 : i32
    %add3A_331 = arith.addi %mul3A_0, %add3A_330 : i32
    %add3A_332 = arith.constant 0 : i32
    %add3A_333 = arith.addi %add3A_331, %add3A_332 : i32
    %iota3A_334 = tpu.iota {dimensions = array<i32: 0>} : vector<16xi32>
    %add3A_335 = vector.broadcast %add3A_333 : i32 to vector<16xi32>
    %add3A_336 = arith.addi %add3A_335, %iota3A_334 : vector<16xi32>
    %swap3A_337 = arith.constant 0 : index
    %swap3A_338 = tpu.vector_load %arg22[%swap3A_337] {strides = array<i32>} : memref<80xi32, #tpu.memory_space<vmem>>, vector<16xi32>,
    %swap3A_339 = vector.shape_cast %swap3A_338 : vector<16xi32> to vector<16xi32>
    %swap3A_340 = vector.shape_cast %add3A_336 : vector<16xi32> to vector<16xi32>
    tpu.vector_store %arg22[%swap3A_337], %swap3A_340 {strides = array<i32>} : memref<80xi32, #tpu.memory_space<vmem>>, vector<16xi32>,
    %add3A_341 = arith.constant 16 : i32
    %add3A_342 = arith.addi %add3A_331, %add3A_341 : i32
    %iota3A_343 = tpu.iota {dimensions = array<i32: 0>} : vector<16xi32>
    %add3A_344 = vector.broadcast %add3A_342 : i32 to vector<16xi32>
    %add3A_345 = arith.addi %add3A_344, %iota3A_343 : vector<16xi32>
    %swap3A_346 = arith.constant 16 : index
    %swap3A_347 = tpu.vector_load %arg22[%swap3A_346] {strides = array<i32>} : memref<80xi32, #tpu.memory_space<vmem>>, vector<16xi32>,
    %swap3A_348 = vector.shape_cast %swap3A_347 : vector<16xi32> to vector<16xi32>
    %swap3A_349 = vector.shape_cast %add3A_345 : vector<16xi32> to vector<16xi32>
    tpu.vector_store %arg22[%swap3A_346], %swap3A_349 {strides = array<i32>} : memref<80xi32, #tpu.memory_space<vmem>>, vector<16xi32>,
    %add3A_350 = arith.constant 32 : i32
    %add3A_351 = arith.addi %add3A_331, %add3A_350 : i32
    %iota3A_352 = tpu.iota {dimensions = array<i32: 0>} : vector<16xi32>
    %add3A_353 = vector.broadcast %add3A_351 : i32 to vector<16xi32>
    %add3A_354 = arith.addi %add3A_353, %iota3A_352 : vector<16xi32>
    %swap3A_355 = arith.constant 32 : index
    %swap3A_356 = tpu.vector_load %arg22[%swap3A_355] {strides = array<i32>} : memref<80xi32, #tpu.memory_space<vmem>>, vector<16xi32>,
    %swap3A_357 = vector.shape_cast %swap3A_356 : vector<16xi32> to vector<16xi32>
    %swap3A_358 = vector.shape_cast %add3A_354 : vector<16xi32> to vector<16xi32>
    tpu.vector_store %arg22[%swap3A_355], %swap3A_358 {strides = array<i32>} : memref<80xi32, #tpu.memory_space<vmem>>, vector<16xi32>,
    %add3A_359 = arith.constant 48 : i32
    %add3A_360 = arith.addi %add3A_331, %add3A_359 : i32
    %iota3A_361 = tpu.iota {dimensions = array<i32: 0>} : vector<16xi32>
    %add3A_362 = vector.broadcast %add3A_360 : i32 to vector<16xi32>
    %add3A_363 = arith.addi %add3A_362, %iota3A_361 : vector<16xi32>
    %swap3A_364 = arith.constant 48 : index
    %swap3A_365 = tpu.vector_load %arg22[%swap3A_364] {strides = array<i32>} : memref<80xi32, #tpu.memory_space<vmem>>, vector<16xi32>,
    %swap3A_366 = vector.shape_cast %swap3A_365 : vector<16xi32> to vector<16xi32>
    %swap3A_367 = vector.shape_cast %add3A_363 : vector<16xi32> to vector<16xi32>
    tpu.vector_store %arg22[%swap3A_364], %swap3A_367 {strides = array<i32>} : memref<80xi32, #tpu.memory_space<vmem>>, vector<16xi32>,
    %add3A_368 = arith.constant 64 : i32
    %add3A_369 = arith.addi %add3A_331, %add3A_368 : i32
    %iota3A_370 = tpu.iota {dimensions = array<i32: 0>} : vector<16xi32>
    %add3A_371 = vector.broadcast %add3A_369 : i32 to vector<16xi32>
    %add3A_372 = arith.addi %add3A_371, %iota3A_370 : vector<16xi32>
    %swap3A_373 = arith.constant 64 : index
    %swap3A_374 = tpu.vector_load %arg22[%swap3A_373] {strides = array<i32>} : memref<80xi32, #tpu.memory_space<vmem>>, vector<16xi32>,
    %swap3A_375 = vector.shape_cast %swap3A_374 : vector<16xi32> to vector<16xi32>
    %swap3A_376 = vector.shape_cast %add3A_372 : vector<16xi32> to vector<16xi32>
    tpu.vector_store %arg22[%swap3A_373], %swap3A_376 {strides = array<i32>} : memref<80xi32, #tpu.memory_space<vmem>>, vector<16xi32>,
    "tpu.region"() ({
      %run_scoped3A = tpu.sem_alloc : memref<!tpu.dma_semaphore, #tpu.memory_space<semaphore_mem>>
      %dma_start3A_1867 = arith.constant 0 : i32
      %dma_start3A_1868 = arith.constant 0 : i32
      %dma_start3A_1869 = tpu.memref_slice %arg10[%dma_start3A_1867, %dma_start3A_1868] : memref<112x128xf32, #tpu.memory_space<vmem>> -> memref<80x128xf32, #tpu.memory_space<vmem>>
      %dma_start3A_1870 = arith.constant 0 : i32
      %dma_start3A_1871 = arith.constant 0 : i32
      %dma_start3A_1872 = tpu.memref_slice %arg9[%dma_start3A_1870, %dma_start3A_1871] : memref<10240x128xf32, #tpu.memory_space<vmem_shared>> -> memref<10240x128xf32, #tpu.memory_space<vmem_shared>>
      tpu.enqueue_indirect_dma source(%dma_start3A_1869 : memref<80x128xf32, #tpu.memory_space<vmem>>) target(%dma_start3A_1872 : memref<10240x128xf32, #tpu.memory_space<vmem_shared>>) offsets(%arg22 : memref<80xi32, #tpu.memory_space<vmem>>) semaphore(%run_scoped3A : memref<!tpu.dma_semaphore, #tpu.memory_space<semaphore_mem>>)
      %dma_wait3A_1873 = arith.constant 0 : i32
      %dma_wait3A_1874 = arith.constant 0 : i32
      %dma_wait3A_1875 = tpu.memref_slice %arg10[%dma_wait3A_1873, %dma_wait3A_1874] : memref<112x128xf32, #tpu.memory_space<vmem>> -> memref<80x128xf32, #tpu.memory_space<vmem>>
      %dma_wait3A_1876 = arith.constant 0 : i32
      %dma_wait3A_1877 = arith.constant 0 : i32
      %dma_wait3A_1878 = tpu.memref_slice %arg9[%dma_wait3A_1876, %dma_wait3A_1877] : memref<10240x128xf32, #tpu.memory_space<vmem_shared>> -> memref<10240x128xf32, #tpu.memory_space<vmem_shared>>
      tpu.wait_indirect_dma semaphore(%run_scoped3A : memref<!tpu.dma_semaphore, #tpu.memory_space<semaphore_mem>>) src(%dma_wait3A_1875 : memref<80x128xf32, #tpu.memory_space<vmem>>) dst(%dma_wait3A_1878 : memref<10240x128xf32, #tpu.memory_space<vmem_shared>>)
      tpu.yield
    }) : () -> ()
    %barrier3A = arith.constant 0 : index
    tpu.barrier barrier_id(%barrier3A)
    %mul3A_377 = arith.constant 16 : i32
    %mul3A_378 = arith.muli %arg0, %mul3A_377 : i32
    %add3A_379 = arith.addi %mul3A_378, %arg1 : i32
    %eq3A = arith.constant 0 : i32
    %eq3A_380 = vector.broadcast %eq3A : i32 to vector<16xi32>
    %eq3A_381 = arith.cmpi eq, %iota3A, %eq3A_380 : vector<16xi32>
    %eq3A_382 = arith.constant 4 : i32
    %eq3A_383 = vector.broadcast %eq3A_382 : i32 to vector<16xi32>
    %eq3A_384 = arith.cmpi eq, %iota3A, %eq3A_383 : vector<16xi32>
    %or3A = arith.ori %eq3A_381, %eq3A_384 : vector<16xi1>
    %jit3A = arith.constant 1.000000e+00 : f32
    %jit3A_385 = arith.constant 0.000000e+00 : f32
    %broadcast_in_dim3A_386 = vector.broadcast %jit3A : f32 to vector<16xf32>
    %broadcast_in_dim3A_387 = vector.broadcast %jit3A_385 : f32 to vector<16xf32>
    %select_n3A = arith.select %or3A, %broadcast_in_dim3A_386, %broadcast_in_dim3A_387 : vector<16xi1>, vector<16xf32>
    %scan3A_388 = arith.constant 0 : i32
    %scan3A_389 = arith.constant 0 : i32
    %scan3A_390 = arith.constant 80 : i32
    %scan3A_391 = arith.addi %scan3A_389, %scan3A_390 : i32
    %scan3A_392 = arith.constant 1 : i32
    scf.for %scan3A_1867 = %scan3A_389 to %scan3A_391 step %scan3A_392  : i32 {
      %swap3A_1868 = arith.index_cast %scan3A_1867 : i32 to index
      %swap3A_1869 = arith.constant 0 : index
      %swap3A_1870 = tpu.vector_load %arg10[%swap3A_1868, %swap3A_1869] {strides = array<i32>} : memref<112x128xf32, #tpu.memory_space<vmem>>, vector<1x16xf32>,
      %swap3A_1871 = vector.shape_cast %swap3A_1870 : vector<1x16xf32> to vector<16xf32>
      %swap3A_1872 = vector.shape_cast %select_n3A : vector<16xf32> to vector<1x16xf32>
      tpu.vector_store %arg10[%swap3A_1868, %swap3A_1869], %swap3A_1872 {strides = array<i32>} : memref<112x128xf32, #tpu.memory_space<vmem>>, vector<1x16xf32>,
    }
    %scan3A_393 = arith.constant 80 : i32
    %mul3A_394 = arith.constant 80 : i32
    %mul3A_395 = arith.muli %add3A_379, %mul3A_394 : i32
    %add3A_396 = arith.constant 0 : i32
    %add3A_397 = arith.addi %add3A_396, %mul3A_395 : i32
    "tpu.region"() ({
      %run_scoped3A = tpu.sem_alloc : memref<!tpu.dma_semaphore, #tpu.memory_space<semaphore_mem>>
      %dma_start3A_1867 = tpu.memref_slice %arg6[%add3A_397] : memref<10240xi32, #tpu.memory_space<hbm>> -> memref<80xi32, #tpu.memory_space<hbm>>
      %dma_start3A_1868 = tpu.memref_slice %arg6[%add3A_397] : memref<10240xi32, #tpu.memory_space<hbm>> -> memref<80xi32, #tpu.memory_space<hbm>>
      tpu.enqueue_dma source(%dma_start3A_1868 : memref<80xi32, #tpu.memory_space<hbm>>) target(%arg20 : memref<80xi32, #tpu.memory_space<vmem>>) target_semaphore(%run_scoped3A : memref<!tpu.dma_semaphore, #tpu.memory_space<semaphore_mem>>)
      %dma_wait3A_1869 = tpu.memref_slice %arg6[%add3A_397] : memref<10240xi32, #tpu.memory_space<hbm>> -> memref<80xi32, #tpu.memory_space<hbm>>
      %dma_wait3A_1870 = tpu.memref_slice %arg6[%add3A_397] : memref<10240xi32, #tpu.memory_space<hbm>> -> memref<80xi32, #tpu.memory_space<hbm>>
      tpu.wait_dma2 semaphore(%run_scoped3A : memref<!tpu.dma_semaphore, #tpu.memory_space<semaphore_mem>>) src(%dma_wait3A_1870 : memref<80xi32, #tpu.memory_space<hbm>>) dst(%arg20 : memref<80xi32, #tpu.memory_space<vmem>>)
      tpu.yield
    }) : () -> ()
    "tpu.region"() ({
      %run_scoped3A = tpu.sem_alloc : memref<!tpu.dma_semaphore, #tpu.memory_space<semaphore_mem>>
      %dma_start3A_1867 = arith.constant 0 : i32
      %dma_start3A_1868 = arith.constant 0 : i32
      %dma_start3A_1869 = tpu.memref_slice %arg10[%dma_start3A_1867, %dma_start3A_1868] : memref<112x128xf32, #tpu.memory_space<vmem>> -> memref<80x128xf32, #tpu.memory_space<vmem>>
      %dma_start3A_1870 = arith.constant 0 : i32
      %dma_start3A_1871 = arith.constant 0 : i32
      %dma_start3A_1872 = tpu.memref_slice %arg9[%dma_start3A_1870, %dma_start3A_1871] : memref<10240x128xf32, #tpu.memory_space<vmem_shared>> -> memref<10240x128xf32, #tpu.memory_space<vmem_shared>>
      tpu.enqueue_indirect_dma source(%dma_start3A_1869 : memref<80x128xf32, #tpu.memory_space<vmem>>) target(%dma_start3A_1872 : memref<10240x128xf32, #tpu.memory_space<vmem_shared>>) offsets(%arg20 : memref<80xi32, #tpu.memory_space<vmem>>) semaphore(%run_scoped3A : memref<!tpu.dma_semaphore, #tpu.memory_space<semaphore_mem>>) {add = true}
      %dma_wait3A_1873 = arith.constant 0 : i32
      %dma_wait3A_1874 = arith.constant 0 : i32
      %dma_wait3A_1875 = tpu.memref_slice %arg10[%dma_wait3A_1873, %dma_wait3A_1874] : memref<112x128xf32, #tpu.memory_space<vmem>> -> memref<80x128xf32, #tpu.memory_space<vmem>>
      %dma_wait3A_1876 = arith.constant 0 : i32
      %dma_wait3A_1877 = arith.constant 0 : i32
      %dma_wait3A_1878 = tpu.memref_slice %arg9[%dma_wait3A_1876, %dma_wait3A_1877] : memref<10240x128xf32, #tpu.memory_space<vmem_shared>> -> memref<10240x128xf32, #tpu.memory_space<vmem_shared>>
      tpu.wait_indirect_dma semaphore(%run_scoped3A : memref<!tpu.dma_semaphore, #tpu.memory_space<semaphore_mem>>) src(%dma_wait3A_1875 : memref<80x128xf32, #tpu.memory_space<vmem>>) dst(%dma_wait3A_1878 : memref<10240x128xf32, #tpu.memory_space<vmem_shared>>)
      tpu.yield
    }) : () -> ()
    %eq3A_398 = arith.constant 1 : i32
    %eq3A_399 = vector.broadcast %eq3A_398 : i32 to vector<16xi32>
    %eq3A_400 = arith.cmpi eq, %iota3A, %eq3A_399 : vector<16xi32>
    %eq3A_401 = arith.constant 5 : i32
    %eq3A_402 = vector.broadcast %eq3A_401 : i32 to vector<16xi32>
    %eq3A_403 = arith.cmpi eq, %iota3A, %eq3A_402 : vector<16xi32>
    %or3A_404 = arith.ori %eq3A_400, %eq3A_403 : vector<16xi1>
    %jit3A_405 = arith.constant 1.000000e+00 : f32
    %jit3A_406 = arith.constant 0.000000e+00 : f32
    %broadcast_in_dim3A_407 = vector.broadcast %jit3A_405 : f32 to vector<16xf32>
    %broadcast_in_dim3A_408 = vector.broadcast %jit3A_406 : f32 to vector<16xf32>
    %select_n3A_409 = arith.select %or3A_404, %broadcast_in_dim3A_407, %broadcast_in_dim3A_408 : vector<16xi1>, vector<16xf32>
    %scan3A_410 = arith.constant 0 : i32
    %scan3A_411 = arith.constant 0 : i32
    %scan3A_412 = arith.constant 80 : i32
    %scan3A_413 = arith.addi %scan3A_411, %scan3A_412 : i32
    %scan3A_414 = arith.constant 1 : i32
    scf.for %scan3A_1867 = %scan3A_411 to %scan3A_413 step %scan3A_414  : i32 {
      %swap3A_1868 = arith.index_cast %scan3A_1867 : i32 to index
      %swap3A_1869 = arith.constant 0 : index
      %swap3A_1870 = tpu.vector_load %arg10[%swap3A_1868, %swap3A_1869] {strides = array<i32>} : memref<112x128xf32, #tpu.memory_space<vmem>>, vector<1x16xf32>,
      %swap3A_1871 = vector.shape_cast %swap3A_1870 : vector<1x16xf32> to vector<16xf32>
      %swap3A_1872 = vector.shape_cast %select_n3A_409 : vector<16xf32> to vector<1x16xf32>
      tpu.vector_store %arg10[%swap3A_1868, %swap3A_1869], %swap3A_1872 {strides = array<i32>} : memref<112x128xf32, #tpu.memory_space<vmem>>, vector<1x16xf32>,
    }
    %scan3A_415 = arith.constant 80 : i32
    %mul3A_416 = arith.constant 80 : i32
    %mul3A_417 = arith.muli %add3A_379, %mul3A_416 : i32
    %add3A_418 = arith.constant 2560 : i32
    %add3A_419 = arith.addi %add3A_418, %mul3A_417 : i32
    "tpu.region"() ({
      %run_scoped3A = tpu.sem_alloc : memref<!tpu.dma_semaphore, #tpu.memory_space<semaphore_mem>>
      %dma_start3A_1867 = tpu.memref_slice %arg6[%add3A_419] : memref<10240xi32, #tpu.memory_space<hbm>> -> memref<80xi32, #tpu.memory_space<hbm>>
      %dma_start3A_1868 = tpu.memref_slice %arg6[%add3A_419] : memref<10240xi32, #tpu.memory_space<hbm>> -> memref<80xi32, #tpu.memory_space<hbm>>
      tpu.enqueue_dma source(%dma_start3A_1868 : memref<80xi32, #tpu.memory_space<hbm>>) target(%arg20 : memref<80xi32, #tpu.memory_space<vmem>>) target_semaphore(%run_scoped3A : memref<!tpu.dma_semaphore, #tpu.memory_space<semaphore_mem>>)
      %dma_wait3A_1869 = tpu.memref_slice %arg6[%add3A_419] : memref<10240xi32, #tpu.memory_space<hbm>> -> memref<80xi32, #tpu.memory_space<hbm>>
      %dma_wait3A_1870 = tpu.memref_slice %arg6[%add3A_419] : memref<10240xi32, #tpu.memory_space<hbm>> -> memref<80xi32, #tpu.memory_space<hbm>>
      tpu.wait_dma2 semaphore(%run_scoped3A : memref<!tpu.dma_semaphore, #tpu.memory_space<semaphore_mem>>) src(%dma_wait3A_1870 : memref<80xi32, #tpu.memory_space<hbm>>) dst(%arg20 : memref<80xi32, #tpu.memory_space<vmem>>)
      tpu.yield
    }) : () -> ()
    "tpu.region"() ({
      %run_scoped3A = tpu.sem_alloc : memref<!tpu.dma_semaphore, #tpu.memory_space<semaphore_mem>>
      %dma_start3A_1867 = arith.constant 0 : i32
      %dma_start3A_1868 = arith.constant 0 : i32
      %dma_start3A_1869 = tpu.memref_slice %arg10[%dma_start3A_1867, %dma_start3A_1868] : memref<112x128xf32, #tpu.memory_space<vmem>> -> memref<80x128xf32, #tpu.memory_space<vmem>>
      %dma_start3A_1870 = arith.constant 0 : i32
      %dma_start3A_1871 = arith.constant 0 : i32
      %dma_start3A_1872 = tpu.memref_slice %arg9[%dma_start3A_1870, %dma_start3A_1871] : memref<10240x128xf32, #tpu.memory_space<vmem_shared>> -> memref<10240x128xf32, #tpu.memory_space<vmem_shared>>
      tpu.enqueue_indirect_dma source(%dma_start3A_1869 : memref<80x128xf32, #tpu.memory_space<vmem>>) target(%dma_start3A_1872 : memref<10240x128xf32, #tpu.memory_space<vmem_shared>>) offsets(%arg20 : memref<80xi32, #tpu.memory_space<vmem>>) semaphore(%run_scoped3A : memref<!tpu.dma_semaphore, #tpu.memory_space<semaphore_mem>>) {add = true}
      %dma_wait3A_1873 = arith.constant 0 : i32
      %dma_wait3A_1874 = arith.constant 0 : i32
      %dma_wait3A_1875 = tpu.memref_slice %arg10[%dma_wait3A_1873, %dma_wait3A_1874] : memref<112x128xf32, #tpu.memory_space<vmem>> -> memref<80x128xf32, #tpu.memory_space<vmem>>
      %dma_wait3A_1876 = arith.constant 0 : i32
      %dma_wait3A_1877 = arith.constant 0 : i32
      %dma_wait3A_1878 = tpu.memref_slice %arg9[%dma_wait3A_1876, %dma_wait3A_1877] : memref<10240x128xf32, #tpu.memory_space<vmem_shared>> -> memref<10240x128xf32, #tpu.memory_space<vmem_shared>>
      tpu.wait_indirect_dma semaphore(%run_scoped3A : memref<!tpu.dma_semaphore, #tpu.memory_space<semaphore_mem>>) src(%dma_wait3A_1875 : memref<80x128xf32, #tpu.memory_space<vmem>>) dst(%dma_wait3A_1878 : memref<10240x128xf32, #tpu.memory_space<vmem_shared>>)
      tpu.yield
    }) : () -> ()
    %eq3A_420 = arith.constant 2 : i32
    %eq3A_421 = vector.broadcast %eq3A_420 : i32 to vector<16xi32>
    %eq3A_422 = arith.cmpi eq, %iota3A, %eq3A_421 : vector<16xi32>
    %eq3A_423 = arith.constant 6 : i32
    %eq3A_424 = vector.broadcast %eq3A_423 : i32 to vector<16xi32>
    %eq3A_425 = arith.cmpi eq, %iota3A, %eq3A_424 : vector<16xi32>
    %or3A_426 = arith.ori %eq3A_422, %eq3A_425 : vector<16xi1>
    %jit3A_427 = arith.constant 1.000000e+00 : f32
    %jit3A_428 = arith.constant 0.000000e+00 : f32
    %broadcast_in_dim3A_429 = vector.broadcast %jit3A_427 : f32 to vector<16xf32>
    %broadcast_in_dim3A_430 = vector.broadcast %jit3A_428 : f32 to vector<16xf32>
    %select_n3A_431 = arith.select %or3A_426, %broadcast_in_dim3A_429, %broadcast_in_dim3A_430 : vector<16xi1>, vector<16xf32>
    %scan3A_432 = arith.constant 0 : i32
    %scan3A_433 = arith.constant 0 : i32
    %scan3A_434 = arith.constant 80 : i32
    %scan3A_435 = arith.addi %scan3A_433, %scan3A_434 : i32
    %scan3A_436 = arith.constant 1 : i32
    scf.for %scan3A_1867 = %scan3A_433 to %scan3A_435 step %scan3A_436  : i32 {
      %swap3A_1868 = arith.index_cast %scan3A_1867 : i32 to index
      %swap3A_1869 = arith.constant 0 : index
      %swap3A_1870 = tpu.vector_load %arg10[%swap3A_1868, %swap3A_1869] {strides = array<i32>} : memref<112x128xf32, #tpu.memory_space<vmem>>, vector<1x16xf32>,
      %swap3A_1871 = vector.shape_cast %swap3A_1870 : vector<1x16xf32> to vector<16xf32>
      %swap3A_1872 = vector.shape_cast %select_n3A_431 : vector<16xf32> to vector<1x16xf32>
      tpu.vector_store %arg10[%swap3A_1868, %swap3A_1869], %swap3A_1872 {strides = array<i32>} : memref<112x128xf32, #tpu.memory_space<vmem>>, vector<1x16xf32>,
    }
    %scan3A_437 = arith.constant 80 : i32
    %mul3A_438 = arith.constant 80 : i32
    %mul3A_439 = arith.muli %add3A_379, %mul3A_438 : i32
    %add3A_440 = arith.constant 5120 : i32
    %add3A_441 = arith.addi %add3A_440, %mul3A_439 : i32
    "tpu.region"() ({
      %run_scoped3A = tpu.sem_alloc : memref<!tpu.dma_semaphore, #tpu.memory_space<semaphore_mem>>
      %dma_start3A_1867 = tpu.memref_slice %arg6[%add3A_441] : memref<10240xi32, #tpu.memory_space<hbm>> -> memref<80xi32, #tpu.memory_space<hbm>>
      %dma_start3A_1868 = tpu.memref_slice %arg6[%add3A_441] : memref<10240xi32, #tpu.memory_space<hbm>> -> memref<80xi32, #tpu.memory_space<hbm>>
      tpu.enqueue_dma source(%dma_start3A_1868 : memref<80xi32, #tpu.memory_space<hbm>>) target(%arg20 : memref<80xi32, #tpu.memory_space<vmem>>) target_semaphore(%run_scoped3A : memref<!tpu.dma_semaphore, #tpu.memory_space<semaphore_mem>>)
      %dma_wait3A_1869 = tpu.memref_slice %arg6[%add3A_441] : memref<10240xi32, #tpu.memory_space<hbm>> -> memref<80xi32, #tpu.memory_space<hbm>>
      %dma_wait3A_1870 = tpu.memref_slice %arg6[%add3A_441] : memref<10240xi32, #tpu.memory_space<hbm>> -> memref<80xi32, #tpu.memory_space<hbm>>
      tpu.wait_dma2 semaphore(%run_scoped3A : memref<!tpu.dma_semaphore, #tpu.memory_space<semaphore_mem>>) src(%dma_wait3A_1870 : memref<80xi32, #tpu.memory_space<hbm>>) dst(%arg20 : memref<80xi32, #tpu.memory_space<vmem>>)
      tpu.yield
    }) : () -> ()
    "tpu.region"() ({
      %run_scoped3A = tpu.sem_alloc : memref<!tpu.dma_semaphore, #tpu.memory_space<semaphore_mem>>
      %dma_start3A_1867 = arith.constant 0 : i32
      %dma_start3A_1868 = arith.constant 0 : i32
      %dma_start3A_1869 = tpu.memref_slice %arg10[%dma_start3A_1867, %dma_start3A_1868] : memref<112x128xf32, #tpu.memory_space<vmem>> -> memref<80x128xf32, #tpu.memory_space<vmem>>
      %dma_start3A_1870 = arith.constant 0 : i32
      %dma_start3A_1871 = arith.constant 0 : i32
      %dma_start3A_1872 = tpu.memref_slice %arg9[%dma_start3A_1870, %dma_start3A_1871] : memref<10240x128xf32, #tpu.memory_space<vmem_shared>> -> memref<10240x128xf32, #tpu.memory_space<vmem_shared>>
      tpu.enqueue_indirect_dma source(%dma_start3A_1869 : memref<80x128xf32, #tpu.memory_space<vmem>>) target(%dma_start3A_1872 : memref<10240x128xf32, #tpu.memory_space<vmem_shared>>) offsets(%arg20 : memref<80xi32, #tpu.memory_space<vmem>>) semaphore(%run_scoped3A : memref<!tpu.dma_semaphore, #tpu.memory_space<semaphore_mem>>) {add = true}
      %dma_wait3A_1873 = arith.constant 0 : i32
      %dma_wait3A_1874 = arith.constant 0 : i32
      %dma_wait3A_1875 = tpu.memref_slice %arg10[%dma_wait3A_1873, %dma_wait3A_1874] : memref<112x128xf32, #tpu.memory_space<vmem>> -> memref<80x128xf32, #tpu.memory_space<vmem>>
      %dma_wait3A_1876 = arith.constant 0 : i32
      %dma_wait3A_1877 = arith.constant 0 : i32
      %dma_wait3A_1878 = tpu.memref_slice %arg9[%dma_wait3A_1876, %dma_wait3A_1877] : memref<10240x128xf32, #tpu.memory_space<vmem_shared>> -> memref<10240x128xf32, #tpu.memory_space<vmem_shared>>
      tpu.wait_indirect_dma semaphore(%run_scoped3A : memref<!tpu.dma_semaphore, #tpu.memory_space<semaphore_mem>>) src(%dma_wait3A_1875 : memref<80x128xf32, #tpu.memory_space<vmem>>) dst(%dma_wait3A_1878 : memref<10240x128xf32, #tpu.memory_space<vmem_shared>>)
      tpu.yield
    }) : () -> ()
    %eq3A_442 = arith.constant 3 : i32
    %eq3A_443 = vector.broadcast %eq3A_442 : i32 to vector<16xi32>
    %eq3A_444 = arith.cmpi eq, %iota3A, %eq3A_443 : vector<16xi32>
    %eq3A_445 = arith.constant 7 : i32
    %eq3A_446 = vector.broadcast %eq3A_445 : i32 to vector<16xi32>
    %eq3A_447 = arith.cmpi eq, %iota3A, %eq3A_446 : vector<16xi32>
    %or3A_448 = arith.ori %eq3A_444, %eq3A_447 : vector<16xi1>
    %jit3A_449 = arith.constant 1.000000e+00 : f32
    %jit3A_450 = arith.constant 0.000000e+00 : f32
    %broadcast_in_dim3A_451 = vector.broadcast %jit3A_449 : f32 to vector<16xf32>
    %broadcast_in_dim3A_452 = vector.broadcast %jit3A_450 : f32 to vector<16xf32>
    %select_n3A_453 = arith.select %or3A_448, %broadcast_in_dim3A_451, %broadcast_in_dim3A_452 : vector<16xi1>, vector<16xf32>
    %scan3A_454 = arith.constant 0 : i32
    %scan3A_455 = arith.constant 0 : i32
    %scan3A_456 = arith.constant 80 : i32
    %scan3A_457 = arith.addi %scan3A_455, %scan3A_456 : i32
    %scan3A_458 = arith.constant 1 : i32
    scf.for %scan3A_1867 = %scan3A_455 to %scan3A_457 step %scan3A_458  : i32 {
      %swap3A_1868 = arith.index_cast %scan3A_1867 : i32 to index
      %swap3A_1869 = arith.constant 0 : index
      %swap3A_1870 = tpu.vector_load %arg10[%swap3A_1868, %swap3A_1869] {strides = array<i32>} : memref<112x128xf32, #tpu.memory_space<vmem>>, vector<1x16xf32>,
      %swap3A_1871 = vector.shape_cast %swap3A_1870 : vector<1x16xf32> to vector<16xf32>
      %swap3A_1872 = vector.shape_cast %select_n3A_453 : vector<16xf32> to vector<1x16xf32>
      tpu.vector_store %arg10[%swap3A_1868, %swap3A_1869], %swap3A_1872 {strides = array<i32>} : memref<112x128xf32, #tpu.memory_space<vmem>>, vector<1x16xf32>,
    }
    %scan3A_459 = arith.constant 80 : i32
    %mul3A_460 = arith.constant 80 : i32
    %mul3A_461 = arith.muli %add3A_379, %mul3A_460 : i32
    %add3A_462 = arith.constant 7680 : i32
    %add3A_463 = arith.addi %add3A_462, %mul3A_461 : i32
    "tpu.region"() ({
      %run_scoped3A = tpu.sem_alloc : memref<!tpu.dma_semaphore, #tpu.memory_space<semaphore_mem>>
      %dma_start3A_1867 = tpu.memref_slice %arg6[%add3A_463] : memref<10240xi32, #tpu.memory_space<hbm>> -> memref<80xi32, #tpu.memory_space<hbm>>
      %dma_start3A_1868 = tpu.memref_slice %arg6[%add3A_463] : memref<10240xi32, #tpu.memory_space<hbm>> -> memref<80xi32, #tpu.memory_space<hbm>>
      tpu.enqueue_dma source(%dma_start3A_1868 : memref<80xi32, #tpu.memory_space<hbm>>) target(%arg20 : memref<80xi32, #tpu.memory_space<vmem>>) target_semaphore(%run_scoped3A : memref<!tpu.dma_semaphore, #tpu.memory_space<semaphore_mem>>)
      %dma_wait3A_1869 = tpu.memref_slice %arg6[%add3A_463] : memref<10240xi32, #tpu.memory_space<hbm>> -> memref<80xi32, #tpu.memory_space<hbm>>
      %dma_wait3A_1870 = tpu.memref_slice %arg6[%add3A_463] : memref<10240xi32, #tpu.memory_space<hbm>> -> memref<80xi32, #tpu.memory_space<hbm>>
      tpu.wait_dma2 semaphore(%run_scoped3A : memref<!tpu.dma_semaphore, #tpu.memory_space<semaphore_mem>>) src(%dma_wait3A_1870 : memref<80xi32, #tpu.memory_space<hbm>>) dst(%arg20 : memref<80xi32, #tpu.memory_space<vmem>>)
      tpu.yield
    }) : () -> ()
    "tpu.region"() ({
      %run_scoped3A = tpu.sem_alloc : memref<!tpu.dma_semaphore, #tpu.memory_space<semaphore_mem>>
      %dma_start3A_1867 = arith.constant 0 : i32
      %dma_start3A_1868 = arith.constant 0 : i32
      %dma_start3A_1869 = tpu.memref_slice %arg10[%dma_start3A_1867, %dma_start3A_1868] : memref<112x128xf32, #tpu.memory_space<vmem>> -> memref<80x128xf32, #tpu.memory_space<vmem>>
      %dma_start3A_1870 = arith.constant 0 : i32
      %dma_start3A_1871 = arith.constant 0 : i32
      %dma_start3A_1872 = tpu.memref_slice %arg9[%dma_start3A_1870, %dma_start3A_1871] : memref<10240x128xf32, #tpu.memory_space<vmem_shared>> -> memref<10240x128xf32, #tpu.memory_space<vmem_shared>>
      tpu.enqueue_indirect_dma source(%dma_start3A_1869 : memref<80x128xf32, #tpu.memory_space<vmem>>) target(%dma_start3A_1872 : memref<10240x128xf32, #tpu.memory_space<vmem_shared>>) offsets(%arg20 : memref<80xi32, #tpu.memory_space<vmem>>) semaphore(%run_scoped3A : memref<!tpu.dma_semaphore, #tpu.memory_space<semaphore_mem>>) {add = true}
      %dma_wait3A_1873 = arith.constant 0 : i32
      %dma_wait3A_1874 = arith.constant 0 : i32
      %dma_wait3A_1875 = tpu.memref_slice %arg10[%dma_wait3A_1873, %dma_wait3A_1874] : memref<112x128xf32, #tpu.memory_space<vmem>> -> memref<80x128xf32, #tpu.memory_space<vmem>>
      %dma_wait3A_1876 = arith.constant 0 : i32
      %dma_wait3A_1877 = arith.constant 0 : i32
      %dma_wait3A_1878 = tpu.memref_slice %arg9[%dma_wait3A_1876, %dma_wait3A_1877] : memref<10240x128xf32, #tpu.memory_space<vmem_shared>> -> memref<10240x128xf32, #tpu.memory_space<vmem_shared>>
      tpu.wait_indirect_dma semaphore(%run_scoped3A : memref<!tpu.dma_semaphore, #tpu.memory_space<semaphore_mem>>) src(%dma_wait3A_1875 : memref<80x128xf32, #tpu.memory_space<vmem>>) dst(%dma_wait3A_1878 : memref<10240x128xf32, #tpu.memory_space<vmem_shared>>)
      tpu.yield
    }) : () -> ()
    %barrier3A_464 = arith.constant 0 : index
    tpu.barrier barrier_id(%barrier3A_464)
    %add3A_465 = arith.constant 0 : i32
    %add3A_466 = arith.addi %mul3A_0, %add3A_465 : i32
    %add3A_467 = arith.constant 0 : i32
    %add3A_468 = arith.addi %add3A_466, %add3A_467 : i32
    %iota3A_469 = tpu.iota {dimensions = array<i32: 0>} : vector<16xi32>
    %add3A_470 = vector.broadcast %add3A_468 : i32 to vector<16xi32>
    %add3A_471 = arith.addi %add3A_470, %iota3A_469 : vector<16xi32>
    %swap3A_472 = arith.constant 0 : index
    %swap3A_473 = tpu.vector_load %arg21[%swap3A_472] {strides = array<i32>} : memref<112xi32, #tpu.memory_space<vmem>>, vector<16xi32>,
    %swap3A_474 = vector.shape_cast %swap3A_473 : vector<16xi32> to vector<16xi32>
    %swap3A_475 = vector.shape_cast %add3A_471 : vector<16xi32> to vector<16xi32>
    tpu.vector_store %arg21[%swap3A_472], %swap3A_475 {strides = array<i32>} : memref<112xi32, #tpu.memory_space<vmem>>, vector<16xi32>,
    %add3A_476 = arith.constant 16 : i32
    %add3A_477 = arith.addi %add3A_466, %add3A_476 : i32
    %iota3A_478 = tpu.iota {dimensions = array<i32: 0>} : vector<16xi32>
    %add3A_479 = vector.broadcast %add3A_477 : i32 to vector<16xi32>
    %add3A_480 = arith.addi %add3A_479, %iota3A_478 : vector<16xi32>
    %swap3A_481 = arith.constant 16 : index
    %swap3A_482 = tpu.vector_load %arg21[%swap3A_481] {strides = array<i32>} : memref<112xi32, #tpu.memory_space<vmem>>, vector<16xi32>,
    %swap3A_483 = vector.shape_cast %swap3A_482 : vector<16xi32> to vector<16xi32>
    %swap3A_484 = vector.shape_cast %add3A_480 : vector<16xi32> to vector<16xi32>
    tpu.vector_store %arg21[%swap3A_481], %swap3A_484 {strides = array<i32>} : memref<112xi32, #tpu.memory_space<vmem>>, vector<16xi32>,
    %add3A_485 = arith.constant 32 : i32
    %add3A_486 = arith.addi %add3A_466, %add3A_485 : i32
    %iota3A_487 = tpu.iota {dimensions = array<i32: 0>} : vector<16xi32>
    %add3A_488 = vector.broadcast %add3A_486 : i32 to vector<16xi32>
    %add3A_489 = arith.addi %add3A_488, %iota3A_487 : vector<16xi32>
    %swap3A_490 = arith.constant 32 : index
    %swap3A_491 = tpu.vector_load %arg21[%swap3A_490] {strides = array<i32>} : memref<112xi32, #tpu.memory_space<vmem>>, vector<16xi32>,
    %swap3A_492 = vector.shape_cast %swap3A_491 : vector<16xi32> to vector<16xi32>
    %swap3A_493 = vector.shape_cast %add3A_489 : vector<16xi32> to vector<16xi32>
    tpu.vector_store %arg21[%swap3A_490], %swap3A_493 {strides = array<i32>} : memref<112xi32, #tpu.memory_space<vmem>>, vector<16xi32>,
    %add3A_494 = arith.constant 48 : i32
    %add3A_495 = arith.addi %add3A_466, %add3A_494 : i32
    %iota3A_496 = tpu.iota {dimensions = array<i32: 0>} : vector<16xi32>
    %add3A_497 = vector.broadcast %add3A_495 : i32 to vector<16xi32>
    %add3A_498 = arith.addi %add3A_497, %iota3A_496 : vector<16xi32>
    %swap3A_499 = arith.constant 48 : index
    %swap3A_500 = tpu.vector_load %arg21[%swap3A_499] {strides = array<i32>} : memref<112xi32, #tpu.memory_space<vmem>>, vector<16xi32>,
    %swap3A_501 = vector.shape_cast %swap3A_500 : vector<16xi32> to vector<16xi32>
    %swap3A_502 = vector.shape_cast %add3A_498 : vector<16xi32> to vector<16xi32>
    tpu.vector_store %arg21[%swap3A_499], %swap3A_502 {strides = array<i32>} : memref<112xi32, #tpu.memory_space<vmem>>, vector<16xi32>,
    %add3A_503 = arith.constant 64 : i32
    %add3A_504 = arith.addi %add3A_466, %add3A_503 : i32
    %iota3A_505 = tpu.iota {dimensions = array<i32: 0>} : vector<16xi32>
    %add3A_506 = vector.broadcast %add3A_504 : i32 to vector<16xi32>
    %add3A_507 = arith.addi %add3A_506, %iota3A_505 : vector<16xi32>
    %swap3A_508 = arith.constant 64 : index
    %swap3A_509 = tpu.vector_load %arg21[%swap3A_508] {strides = array<i32>} : memref<112xi32, #tpu.memory_space<vmem>>, vector<16xi32>,
    %swap3A_510 = vector.shape_cast %swap3A_509 : vector<16xi32> to vector<16xi32>
    %swap3A_511 = vector.shape_cast %add3A_507 : vector<16xi32> to vector<16xi32>
    tpu.vector_store %arg21[%swap3A_508], %swap3A_511 {strides = array<i32>} : memref<112xi32, #tpu.memory_space<vmem>>, vector<16xi32>,
    %add3A_512 = arith.constant 80 : i32
    %add3A_513 = arith.addi %add3A_466, %add3A_512 : i32
    %iota3A_514 = tpu.iota {dimensions = array<i32: 0>} : vector<16xi32>
    %add3A_515 = vector.broadcast %add3A_513 : i32 to vector<16xi32>
    %add3A_516 = arith.addi %add3A_515, %iota3A_514 : vector<16xi32>
    %swap3A_517 = arith.constant 80 : index
    %swap3A_518 = tpu.vector_load %arg21[%swap3A_517] {strides = array<i32>} : memref<112xi32, #tpu.memory_space<vmem>>, vector<16xi32>,
    %swap3A_519 = vector.shape_cast %swap3A_518 : vector<16xi32> to vector<16xi32>
    %swap3A_520 = vector.shape_cast %add3A_516 : vector<16xi32> to vector<16xi32>
    tpu.vector_store %arg21[%swap3A_517], %swap3A_520 {strides = array<i32>} : memref<112xi32, #tpu.memory_space<vmem>>, vector<16xi32>,
    %add3A_521 = arith.constant 96 : i32
    %add3A_522 = arith.addi %add3A_466, %add3A_521 : i32
    %iota3A_523 = tpu.iota {dimensions = array<i32: 0>} : vector<16xi32>
    %add3A_524 = vector.broadcast %add3A_522 : i32 to vector<16xi32>
    %add3A_525 = arith.addi %add3A_524, %iota3A_523 : vector<16xi32>
    %swap3A_526 = arith.constant 96 : index
    %swap3A_527 = tpu.vector_load %arg21[%swap3A_526] {strides = array<i32>} : memref<112xi32, #tpu.memory_space<vmem>>, vector<16xi32>,
    %swap3A_528 = vector.shape_cast %swap3A_527 : vector<16xi32> to vector<16xi32>
    %swap3A_529 = vector.shape_cast %add3A_525 : vector<16xi32> to vector<16xi32>
    tpu.vector_store %arg21[%swap3A_526], %swap3A_529 {strides = array<i32>} : memref<112xi32, #tpu.memory_space<vmem>>, vector<16xi32>,
    %dma_start3A = arith.constant 0 : i32
    %dma_start3A_530 = arith.constant 0 : i32
    %dma_start3A_531 = tpu.memref_slice %arg10[%dma_start3A, %dma_start3A_530] : memref<112x128xf32, #tpu.memory_space<vmem>> -> memref<112x128xf32, #tpu.memory_space<vmem>>
    %dma_start3A_532 = arith.constant 0 : i32
    %dma_start3A_533 = arith.constant 0 : i32
    %dma_start3A_534 = tpu.memref_slice %arg9[%dma_start3A_532, %dma_start3A_533] : memref<10240x128xf32, #tpu.memory_space<vmem_shared>> -> memref<10240x128xf32, #tpu.memory_space<vmem_shared>>
    tpu.enqueue_indirect_dma source(%dma_start3A_534 : memref<10240x128xf32, #tpu.memory_space<vmem_shared>>) target(%dma_start3A_531 : memref<112x128xf32, #tpu.memory_space<vmem>>) offsets(%arg21 : memref<112xi32, #tpu.memory_space<vmem>>) semaphore(%arg29 : memref<!tpu.dma_semaphore, #tpu.memory_space<semaphore_mem>>)
    %dma_wait3A = arith.constant 0 : i32
    %dma_wait3A_535 = arith.constant 0 : i32
    %dma_wait3A_536 = tpu.memref_slice %arg10[%dma_wait3A, %dma_wait3A_535] : memref<112x128xf32, #tpu.memory_space<vmem>> -> memref<112x128xf32, #tpu.memory_space<vmem>>
    %dma_wait3A_537 = arith.constant 0 : i32
    %dma_wait3A_538 = arith.constant 0 : i32
    %dma_wait3A_539 = tpu.memref_slice %arg9[%dma_wait3A_537, %dma_wait3A_538] : memref<10240x128xf32, #tpu.memory_space<vmem_shared>> -> memref<10240x128xf32, #tpu.memory_space<vmem_shared>>
    tpu.wait_indirect_dma semaphore(%arg29 : memref<!tpu.dma_semaphore, #tpu.memory_space<semaphore_mem>>) src(%dma_wait3A_539 : memref<10240x128xf32, #tpu.memory_space<vmem_shared>>) dst(%dma_wait3A_536 : memref<112x128xf32, #tpu.memory_space<vmem>>)
    %add3A_540 = arith.constant 0 : i32
    %add3A_541 = arith.addi %mul3A_0, %add3A_540 : i32
    "tpu.region"() ({
      %run_scoped3A = tpu.sem_alloc : memref<!tpu.dma_semaphore, #tpu.memory_space<semaphore_mem>>
      %dma_start3A_1867 = arith.constant 0 : i32
      %dma_start3A_1868 = arith.constant 0 : i32
      %dma_start3A_1869 = tpu.memref_slice %arg10[%dma_start3A_1867, %dma_start3A_1868] : memref<112x128xf32, #tpu.memory_space<vmem>> -> memref<112x128xf32, #tpu.memory_space<vmem>>
      %dma_start3A_1870 = arith.constant 0 : i32
      %dma_start3A_1871 = tpu.memref_slice %arg8[%arg0, %add3A_541, %dma_start3A_1870] : memref<2x10240x128xf32, #tpu.memory_space<hbm>> -> memref<1x112x128xf32, #tpu.memory_space<hbm>>
      %dma_start3A_1872 = tpu.memref_squeeze %dma_start3A_1871 : memref<1x112x128xf32, #tpu.memory_space<hbm>> -> memref<112x128xf32, #tpu.memory_space<hbm>>
      %dma_start3A_1873 = arith.constant 0 : i32
      %dma_start3A_1874 = tpu.memref_slice %arg8[%arg0, %add3A_541, %dma_start3A_1873] : memref<2x10240x128xf32, #tpu.memory_space<hbm>> -> memref<1x112x128xf32, #tpu.memory_space<hbm>>
      %dma_start3A_1875 = tpu.memref_squeeze %dma_start3A_1874 : memref<1x112x128xf32, #tpu.memory_space<hbm>> -> memref<112x128xf32, #tpu.memory_space<hbm>>
      %dma_start3A_1876 = arith.constant 0 : i32
      %dma_start3A_1877 = arith.constant 0 : i32
      %dma_start3A_1878 = tpu.memref_slice %arg10[%dma_start3A_1876, %dma_start3A_1877] : memref<112x128xf32, #tpu.memory_space<vmem>> -> memref<112x128xf32, #tpu.memory_space<vmem>>
      tpu.enqueue_dma source(%dma_start3A_1878 : memref<112x128xf32, #tpu.memory_space<vmem>>) target(%dma_start3A_1875 : memref<112x128xf32, #tpu.memory_space<hbm>>) target_semaphore(%run_scoped3A : memref<!tpu.dma_semaphore, #tpu.memory_space<semaphore_mem>>)
      %dma_wait3A_1879 = arith.constant 0 : i32
      %dma_wait3A_1880 = arith.constant 0 : i32
      %dma_wait3A_1881 = tpu.memref_slice %arg10[%dma_wait3A_1879, %dma_wait3A_1880] : memref<112x128xf32, #tpu.memory_space<vmem>> -> memref<112x128xf32, #tpu.memory_space<vmem>>
      %dma_wait3A_1882 = arith.constant 0 : i32
      %dma_wait3A_1883 = tpu.memref_slice %arg8[%arg0, %add3A_541, %dma_wait3A_1882] : memref<2x10240x128xf32, #tpu.memory_space<hbm>> -> memref<1x112x128xf32, #tpu.memory_space<hbm>>
      %dma_wait3A_1884 = tpu.memref_squeeze %dma_wait3A_1883 : memref<1x112x128xf32, #tpu.memory_space<hbm>> -> memref<112x128xf32, #tpu.memory_space<hbm>>
      %dma_wait3A_1885 = arith.constant 0 : i32
      %dma_wait3A_1886 = tpu.memref_slice %arg8[%arg0, %add3A_541, %dma_wait3A_1885] : memref<2x10240x128xf32, #tpu.memory_space<hbm>> -> memref<1x112x128xf32, #tpu.memory_space<hbm>>
      %dma_wait3A_1887 = tpu.memref_squeeze %dma_wait3A_1886 : memref<1x112x128xf32, #tpu.memory_space<hbm>> -> memref<112x128xf32, #tpu.memory_space<hbm>>
      %dma_wait3A_1888 = arith.constant 0 : i32
      %dma_wait3A_1889 = arith.constant 0 : i32
      %dma_wait3A_1890 = tpu.memref_slice %arg10[%dma_wait3A_1888, %dma_wait3A_1889] : memref<112x128xf32, #tpu.memory_space<vmem>> -> memref<112x128xf32, #tpu.memory_space<vmem>>
      tpu.wait_dma2 semaphore(%run_scoped3A : memref<!tpu.dma_semaphore, #tpu.memory_space<semaphore_mem>>) src(%dma_wait3A_1890 : memref<112x128xf32, #tpu.memory_space<vmem>>) dst(%dma_wait3A_1887 : memref<112x128xf32, #tpu.memory_space<hbm>>)
      tpu.yield
    }) : () -> ()
    %add3A_542 = arith.constant 112 : i32
    %add3A_543 = arith.addi %mul3A_0, %add3A_542 : i32
    %add3A_544 = arith.constant 0 : i32
    %add3A_545 = arith.addi %add3A_543, %add3A_544 : i32
    %iota3A_546 = tpu.iota {dimensions = array<i32: 0>} : vector<16xi32>
    %add3A_547 = vector.broadcast %add3A_545 : i32 to vector<16xi32>
    %add3A_548 = arith.addi %add3A_547, %iota3A_546 : vector<16xi32>
    %swap3A_549 = arith.constant 0 : index
    %swap3A_550 = tpu.vector_load %arg21[%swap3A_549] {strides = array<i32>} : memref<112xi32, #tpu.memory_space<vmem>>, vector<16xi32>,
    %swap3A_551 = vector.shape_cast %swap3A_550 : vector<16xi32> to vector<16xi32>
    %swap3A_552 = vector.shape_cast %add3A_548 : vector<16xi32> to vector<16xi32>
    tpu.vector_store %arg21[%swap3A_549], %swap3A_552 {strides = array<i32>} : memref<112xi32, #tpu.memory_space<vmem>>, vector<16xi32>,
    %add3A_553 = arith.constant 16 : i32
    %add3A_554 = arith.addi %add3A_543, %add3A_553 : i32
    %iota3A_555 = tpu.iota {dimensions = array<i32: 0>} : vector<16xi32>
    %add3A_556 = vector.broadcast %add3A_554 : i32 to vector<16xi32>
    %add3A_557 = arith.addi %add3A_556, %iota3A_555 : vector<16xi32>
    %swap3A_558 = arith.constant 16 : index
    %swap3A_559 = tpu.vector_load %arg21[%swap3A_558] {strides = array<i32>} : memref<112xi32, #tpu.memory_space<vmem>>, vector<16xi32>,
    %swap3A_560 = vector.shape_cast %swap3A_559 : vector<16xi32> to vector<16xi32>
    %swap3A_561 = vector.shape_cast %add3A_557 : vector<16xi32> to vector<16xi32>
    tpu.vector_store %arg21[%swap3A_558], %swap3A_561 {strides = array<i32>} : memref<112xi32, #tpu.memory_space<vmem>>, vector<16xi32>,
    %add3A_562 = arith.constant 32 : i32
    %add3A_563 = arith.addi %add3A_543, %add3A_562 : i32
    %iota3A_564 = tpu.iota {dimensions = array<i32: 0>} : vector<16xi32>
    %add3A_565 = vector.broadcast %add3A_563 : i32 to vector<16xi32>
    %add3A_566 = arith.addi %add3A_565, %iota3A_564 : vector<16xi32>
    %swap3A_567 = arith.constant 32 : index
    %swap3A_568 = tpu.vector_load %arg21[%swap3A_567] {strides = array<i32>} : memref<112xi32, #tpu.memory_space<vmem>>, vector<16xi32>,
    %swap3A_569 = vector.shape_cast %swap3A_568 : vector<16xi32> to vector<16xi32>
    %swap3A_570 = vector.shape_cast %add3A_566 : vector<16xi32> to vector<16xi32>
    tpu.vector_store %arg21[%swap3A_567], %swap3A_570 {strides = array<i32>} : memref<112xi32, #tpu.memory_space<vmem>>, vector<16xi32>,
    %add3A_571 = arith.constant 48 : i32
    %add3A_572 = arith.addi %add3A_543, %add3A_571 : i32
    %iota3A_573 = tpu.iota {dimensions = array<i32: 0>} : vector<16xi32>
    %add3A_574 = vector.broadcast %add3A_572 : i32 to vector<16xi32>
    %add3A_575 = arith.addi %add3A_574, %iota3A_573 : vector<16xi32>
    %swap3A_576 = arith.constant 48 : index
    %swap3A_577 = tpu.vector_load %arg21[%swap3A_576] {strides = array<i32>} : memref<112xi32, #tpu.memory_space<vmem>>, vector<16xi32>,
    %swap3A_578 = vector.shape_cast %swap3A_577 : vector<16xi32> to vector<16xi32>
    %swap3A_579 = vector.shape_cast %add3A_575 : vector<16xi32> to vector<16xi32>
    tpu.vector_store %arg21[%swap3A_576], %swap3A_579 {strides = array<i32>} : memref<112xi32, #tpu.memory_space<vmem>>, vector<16xi32>,
    %add3A_580 = arith.constant 64 : i32
    %add3A_581 = arith.addi %add3A_543, %add3A_580 : i32
    %iota3A_582 = tpu.iota {dimensions = array<i32: 0>} : vector<16xi32>
    %add3A_583 = vector.broadcast %add3A_581 : i32 to vector<16xi32>
    %add3A_584 = arith.addi %add3A_583, %iota3A_582 : vector<16xi32>
    %swap3A_585 = arith.constant 64 : index
    %swap3A_586 = tpu.vector_load %arg21[%swap3A_585] {strides = array<i32>} : memref<112xi32, #tpu.memory_space<vmem>>, vector<16xi32>,
    %swap3A_587 = vector.shape_cast %swap3A_586 : vector<16xi32> to vector<16xi32>
    %swap3A_588 = vector.shape_cast %add3A_584 : vector<16xi32> to vector<16xi32>
    tpu.vector_store %arg21[%swap3A_585], %swap3A_588 {strides = array<i32>} : memref<112xi32, #tpu.memory_space<vmem>>, vector<16xi32>,
    %add3A_589 = arith.constant 80 : i32
    %add3A_590 = arith.addi %add3A_543, %add3A_589 : i32
    %iota3A_591 = tpu.iota {dimensions = array<i32: 0>} : vector<16xi32>
    %add3A_592 = vector.broadcast %add3A_590 : i32 to vector<16xi32>
    %add3A_593 = arith.addi %add3A_592, %iota3A_591 : vector<16xi32>
    %swap3A_594 = arith.constant 80 : index
    %swap3A_595 = tpu.vector_load %arg21[%swap3A_594] {strides = array<i32>} : memref<112xi32, #tpu.memory_space<vmem>>, vector<16xi32>,
    %swap3A_596 = vector.shape_cast %swap3A_595 : vector<16xi32> to vector<16xi32>
    %swap3A_597 = vector.shape_cast %add3A_593 : vector<16xi32> to vector<16xi32>
    tpu.vector_store %arg21[%swap3A_594], %swap3A_597 {strides = array<i32>} : memref<112xi32, #tpu.memory_space<vmem>>, vector<16xi32>,
    %add3A_598 = arith.constant 96 : i32
    %add3A_599 = arith.addi %add3A_543, %add3A_598 : i32
    %iota3A_600 = tpu.iota {dimensions = array<i32: 0>} : vector<16xi32>
    %add3A_601 = vector.broadcast %add3A_599 : i32 to vector<16xi32>
    %add3A_602 = arith.addi %add3A_601, %iota3A_600 : vector<16xi32>
    %swap3A_603 = arith.constant 96 : index
    %swap3A_604 = tpu.vector_load %arg21[%swap3A_603] {strides = array<i32>} : memref<112xi32, #tpu.memory_space<vmem>>, vector<16xi32>,
    %swap3A_605 = vector.shape_cast %swap3A_604 : vector<16xi32> to vector<16xi32>
    %swap3A_606 = vector.shape_cast %add3A_602 : vector<16xi32> to vector<16xi32>
    tpu.vector_store %arg21[%swap3A_603], %swap3A_606 {strides = array<i32>} : memref<112xi32, #tpu.memory_space<vmem>>, vector<16xi32>,
    %dma_start3A_607 = arith.constant 0 : i32
    %dma_start3A_608 = arith.constant 0 : i32
    %dma_start3A_609 = tpu.memref_slice %arg10[%dma_start3A_607, %dma_start3A_608] : memref<112x128xf32, #tpu.memory_space<vmem>> -> memref<112x128xf32, #tpu.memory_space<vmem>>
    %dma_start3A_610 = arith.constant 0 : i32
    %dma_start3A_611 = arith.constant 0 : i32
    %dma_start3A_612 = tpu.memref_slice %arg9[%dma_start3A_610, %dma_start3A_611] : memref<10240x128xf32, #tpu.memory_space<vmem_shared>> -> memref<10240x128xf32, #tpu.memory_space<vmem_shared>>
    tpu.enqueue_indirect_dma source(%dma_start3A_612 : memref<10240x128xf32, #tpu.memory_space<vmem_shared>>) target(%dma_start3A_609 : memref<112x128xf32, #tpu.memory_space<vmem>>) offsets(%arg21 : memref<112xi32, #tpu.memory_space<vmem>>) semaphore(%arg29 : memref<!tpu.dma_semaphore, #tpu.memory_space<semaphore_mem>>)
    %dma_wait3A_613 = arith.constant 0 : i32
    %dma_wait3A_614 = arith.constant 0 : i32
    %dma_wait3A_615 = tpu.memref_slice %arg10[%dma_wait3A_613, %dma_wait3A_614] : memref<112x128xf32, #tpu.memory_space<vmem>> -> memref<112x128xf32, #tpu.memory_space<vmem>>
    %dma_wait3A_616 = arith.constant 0 : i32
    %dma_wait3A_617 = arith.constant 0 : i32
    %dma_wait3A_618 = tpu.memref_slice %arg9[%dma_wait3A_616, %dma_wait3A_617] : memref<10240x128xf32, #tpu.memory_space<vmem_shared>> -> memref<10240x128xf32, #tpu.memory_space<vmem_shared>>
    tpu.wait_indirect_dma semaphore(%arg29 : memref<!tpu.dma_semaphore, #tpu.memory_space<semaphore_mem>>) src(%dma_wait3A_618 : memref<10240x128xf32, #tpu.memory_space<vmem_shared>>) dst(%dma_wait3A_615 : memref<112x128xf32, #tpu.memory_space<vmem>>)
    %add3A_619 = arith.constant 112 : i32
    %add3A_620 = arith.addi %mul3A_0, %add3A_619 : i32
    "tpu.region"() ({
      %run_scoped3A = tpu.sem_alloc : memref<!tpu.dma_semaphore, #tpu.memory_space<semaphore_mem>>
      %dma_start3A_1867 = arith.constant 0 : i32
      %dma_start3A_1868 = arith.constant 0 : i32
      %dma_start3A_1869 = tpu.memref_slice %arg10[%dma_start3A_1867, %dma_start3A_1868] : memref<112x128xf32, #tpu.memory_space<vmem>> -> memref<112x128xf32, #tpu.memory_space<vmem>>
      %dma_start3A_1870 = arith.constant 0 : i32
      %dma_start3A_1871 = tpu.memref_slice %arg8[%arg0, %add3A_620, %dma_start3A_1870] : memref<2x10240x128xf32, #tpu.memory_space<hbm>> -> memref<1x112x128xf32, #tpu.memory_space<hbm>>
      %dma_start3A_1872 = tpu.memref_squeeze %dma_start3A_1871 : memref<1x112x128xf32, #tpu.memory_space<hbm>> -> memref<112x128xf32, #tpu.memory_space<hbm>>
      %dma_start3A_1873 = arith.constant 0 : i32
      %dma_start3A_1874 = tpu.memref_slice %arg8[%arg0, %add3A_620, %dma_start3A_1873] : memref<2x10240x128xf32, #tpu.memory_space<hbm>> -> memref<1x112x128xf32, #tpu.memory_space<hbm>>
      %dma_start3A_1875 = tpu.memref_squeeze %dma_start3A_1874 : memref<1x112x128xf32, #tpu.memory_space<hbm>> -> memref<112x128xf32, #tpu.memory_space<hbm>>
      %dma_start3A_1876 = arith.constant 0 : i32
      %dma_start3A_1877 = arith.constant 0 : i32
      %dma_start3A_1878 = tpu.memref_slice %arg10[%dma_start3A_1876, %dma_start3A_1877] : memref<112x128xf32, #tpu.memory_space<vmem>> -> memref<112x128xf32, #tpu.memory_space<vmem>>
      tpu.enqueue_dma source(%dma_start3A_1878 : memref<112x128xf32, #tpu.memory_space<vmem>>) target(%dma_start3A_1875 : memref<112x128xf32, #tpu.memory_space<hbm>>) target_semaphore(%run_scoped3A : memref<!tpu.dma_semaphore, #tpu.memory_space<semaphore_mem>>)
      %dma_wait3A_1879 = arith.constant 0 : i32
      %dma_wait3A_1880 = arith.constant 0 : i32
      %dma_wait3A_1881 = tpu.memref_slice %arg10[%dma_wait3A_1879, %dma_wait3A_1880] : memref<112x128xf32, #tpu.memory_space<vmem>> -> memref<112x128xf32, #tpu.memory_space<vmem>>
      %dma_wait3A_1882 = arith.constant 0 : i32
      %dma_wait3A_1883 = tpu.memref_slice %arg8[%arg0, %add3A_620, %dma_wait3A_1882] : memref<2x10240x128xf32, #tpu.memory_space<hbm>> -> memref<1x112x128xf32, #tpu.memory_space<hbm>>
      %dma_wait3A_1884 = tpu.memref_squeeze %dma_wait3A_1883 : memref<1x112x128xf32, #tpu.memory_space<hbm>> -> memref<112x128xf32, #tpu.memory_space<hbm>>
      %dma_wait3A_1885 = arith.constant 0 : i32
      %dma_wait3A_1886 = tpu.memref_slice %arg8[%arg0, %add3A_620, %dma_wait3A_1885] : memref<2x10240x128xf32, #tpu.memory_space<hbm>> -> memref<1x112x128xf32, #tpu.memory_space<hbm>>
      %dma_wait3A_1887 = tpu.memref_squeeze %dma_wait3A_1886 : memref<1x112x128xf32, #tpu.memory_space<hbm>> -> memref<112x128xf32, #tpu.memory_space<hbm>>
      %dma_wait3A_1888 = arith.constant 0 : i32
      %dma_wait3A_1889 = arith.constant 0 : i32
      %dma_wait3A_1890 = tpu.memref_slice %arg10[%dma_wait3A_1888, %dma_wait3A_1889] : memref<112x128xf32, #tpu.memory_space<vmem>> -> memref<112x128xf32, #tpu.memory_space<vmem>>
      tpu.wait_dma2 semaphore(%run_scoped3A : memref<!tpu.dma_semaphore, #tpu.memory_space<semaphore_mem>>) src(%dma_wait3A_1890 : memref<112x128xf32, #tpu.memory_space<vmem>>) dst(%dma_wait3A_1887 : memref<112x128xf32, #tpu.memory_space<hbm>>)
      tpu.yield
    }) : () -> ()
    %add3A_621 = arith.constant 224 : i32
    %add3A_622 = arith.addi %mul3A_0, %add3A_621 : i32
    %add3A_623 = arith.constant 0 : i32
    %add3A_624 = arith.addi %add3A_622, %add3A_623 : i32
    %iota3A_625 = tpu.iota {dimensions = array<i32: 0>} : vector<16xi32>
    %add3A_626 = vector.broadcast %add3A_624 : i32 to vector<16xi32>
    %add3A_627 = arith.addi %add3A_626, %iota3A_625 : vector<16xi32>
    %swap3A_628 = arith.constant 0 : index
    %swap3A_629 = tpu.vector_load %arg21[%swap3A_628] {strides = array<i32>} : memref<112xi32, #tpu.memory_space<vmem>>, vector<16xi32>,
    %swap3A_630 = vector.shape_cast %swap3A_629 : vector<16xi32> to vector<16xi32>
    %swap3A_631 = vector.shape_cast %add3A_627 : vector<16xi32> to vector<16xi32>
    tpu.vector_store %arg21[%swap3A_628], %swap3A_631 {strides = array<i32>} : memref<112xi32, #tpu.memory_space<vmem>>, vector<16xi32>,
    %add3A_632 = arith.constant 16 : i32
    %add3A_633 = arith.addi %add3A_622, %add3A_632 : i32
    %iota3A_634 = tpu.iota {dimensions = array<i32: 0>} : vector<16xi32>
    %add3A_635 = vector.broadcast %add3A_633 : i32 to vector<16xi32>
    %add3A_636 = arith.addi %add3A_635, %iota3A_634 : vector<16xi32>
    %swap3A_637 = arith.constant 16 : index
    %swap3A_638 = tpu.vector_load %arg21[%swap3A_637] {strides = array<i32>} : memref<112xi32, #tpu.memory_space<vmem>>, vector<16xi32>,
    %swap3A_639 = vector.shape_cast %swap3A_638 : vector<16xi32> to vector<16xi32>
    %swap3A_640 = vector.shape_cast %add3A_636 : vector<16xi32> to vector<16xi32>
    tpu.vector_store %arg21[%swap3A_637], %swap3A_640 {strides = array<i32>} : memref<112xi32, #tpu.memory_space<vmem>>, vector<16xi32>,
    %add3A_641 = arith.constant 32 : i32
    %add3A_642 = arith.addi %add3A_622, %add3A_641 : i32
    %iota3A_643 = tpu.iota {dimensions = array<i32: 0>} : vector<16xi32>
    %add3A_644 = vector.broadcast %add3A_642 : i32 to vector<16xi32>
    %add3A_645 = arith.addi %add3A_644, %iota3A_643 : vector<16xi32>
    %swap3A_646 = arith.constant 32 : index
    %swap3A_647 = tpu.vector_load %arg21[%swap3A_646] {strides = array<i32>} : memref<112xi32, #tpu.memory_space<vmem>>, vector<16xi32>,
    %swap3A_648 = vector.shape_cast %swap3A_647 : vector<16xi32> to vector<16xi32>
    %swap3A_649 = vector.shape_cast %add3A_645 : vector<16xi32> to vector<16xi32>
    tpu.vector_store %arg21[%swap3A_646], %swap3A_649 {strides = array<i32>} : memref<112xi32, #tpu.memory_space<vmem>>, vector<16xi32>,
    %add3A_650 = arith.constant 48 : i32
    %add3A_651 = arith.addi %add3A_622, %add3A_650 : i32
    %iota3A_652 = tpu.iota {dimensions = array<i32: 0>} : vector<16xi32>
    %add3A_653 = vector.broadcast %add3A_651 : i32 to vector<16xi32>
    %add3A_654 = arith.addi %add3A_653, %iota3A_652 : vector<16xi32>
    %swap3A_655 = arith.constant 48 : index
    %swap3A_656 = tpu.vector_load %arg21[%swap3A_655] {strides = array<i32>} : memref<112xi32, #tpu.memory_space<vmem>>, vector<16xi32>,
    %swap3A_657 = vector.shape_cast %swap3A_656 : vector<16xi32> to vector<16xi32>
    %swap3A_658 = vector.shape_cast %add3A_654 : vector<16xi32> to vector<16xi32>
    tpu.vector_store %arg21[%swap3A_655], %swap3A_658 {strides = array<i32>} : memref<112xi32, #tpu.memory_space<vmem>>, vector<16xi32>,
    %add3A_659 = arith.constant 64 : i32
    %add3A_660 = arith.addi %add3A_622, %add3A_659 : i32
    %iota3A_661 = tpu.iota {dimensions = array<i32: 0>} : vector<16xi32>
    %add3A_662 = vector.broadcast %add3A_660 : i32 to vector<16xi32>
    %add3A_663 = arith.addi %add3A_662, %iota3A_661 : vector<16xi32>
    %swap3A_664 = arith.constant 64 : index
    %swap3A_665 = tpu.vector_load %arg21[%swap3A_664] {strides = array<i32>} : memref<112xi32, #tpu.memory_space<vmem>>, vector<16xi32>,
    %swap3A_666 = vector.shape_cast %swap3A_665 : vector<16xi32> to vector<16xi32>
    %swap3A_667 = vector.shape_cast %add3A_663 : vector<16xi32> to vector<16xi32>
    tpu.vector_store %arg21[%swap3A_664], %swap3A_667 {strides = array<i32>} : memref<112xi32, #tpu.memory_space<vmem>>, vector<16xi32>,
    %add3A_668 = arith.constant 80 : i32
    %add3A_669 = arith.addi %add3A_622, %add3A_668 : i32
    %iota3A_670 = tpu.iota {dimensions = array<i32: 0>} : vector<16xi32>
    %add3A_671 = vector.broadcast %add3A_669 : i32 to vector<16xi32>
    %add3A_672 = arith.addi %add3A_671, %iota3A_670 : vector<16xi32>
    %swap3A_673 = arith.constant 80 : index
    %swap3A_674 = tpu.vector_load %arg21[%swap3A_673] {strides = array<i32>} : memref<112xi32, #tpu.memory_space<vmem>>, vector<16xi32>,
    %swap3A_675 = vector.shape_cast %swap3A_674 : vector<16xi32> to vector<16xi32>
    %swap3A_676 = vector.shape_cast %add3A_672 : vector<16xi32> to vector<16xi32>
    tpu.vector_store %arg21[%swap3A_673], %swap3A_676 {strides = array<i32>} : memref<112xi32, #tpu.memory_space<vmem>>, vector<16xi32>,
    %add3A_677 = arith.constant 96 : i32
    %add3A_678 = arith.addi %add3A_622, %add3A_677 : i32
    %iota3A_679 = tpu.iota {dimensions = array<i32: 0>} : vector<16xi32>
    %add3A_680 = vector.broadcast %add3A_678 : i32 to vector<16xi32>
    %add3A_681 = arith.addi %add3A_680, %iota3A_679 : vector<16xi32>
    %swap3A_682 = arith.constant 96 : index
    %swap3A_683 = tpu.vector_load %arg21[%swap3A_682] {strides = array<i32>} : memref<112xi32, #tpu.memory_space<vmem>>, vector<16xi32>,
    %swap3A_684 = vector.shape_cast %swap3A_683 : vector<16xi32> to vector<16xi32>
    %swap3A_685 = vector.shape_cast %add3A_681 : vector<16xi32> to vector<16xi32>
    tpu.vector_store %arg21[%swap3A_682], %swap3A_685 {strides = array<i32>} : memref<112xi32, #tpu.memory_space<vmem>>, vector<16xi32>,
    %dma_start3A_686 = arith.constant 0 : i32
    %dma_start3A_687 = arith.constant 0 : i32
    %dma_start3A_688 = tpu.memref_slice %arg10[%dma_start3A_686, %dma_start3A_687] : memref<112x128xf32, #tpu.memory_space<vmem>> -> memref<112x128xf32, #tpu.memory_space<vmem>>
    %dma_start3A_689 = arith.constant 0 : i32
    %dma_start3A_690 = arith.constant 0 : i32
    %dma_start3A_691 = tpu.memref_slice %arg9[%dma_start3A_689, %dma_start3A_690] : memref<10240x128xf32, #tpu.memory_space<vmem_shared>> -> memref<10240x128xf32, #tpu.memory_space<vmem_shared>>
    tpu.enqueue_indirect_dma source(%dma_start3A_691 : memref<10240x128xf32, #tpu.memory_space<vmem_shared>>) target(%dma_start3A_688 : memref<112x128xf32, #tpu.memory_space<vmem>>) offsets(%arg21 : memref<112xi32, #tpu.memory_space<vmem>>) semaphore(%arg29 : memref<!tpu.dma_semaphore, #tpu.memory_space<semaphore_mem>>)
    %dma_wait3A_692 = arith.constant 0 : i32
    %dma_wait3A_693 = arith.constant 0 : i32
    %dma_wait3A_694 = tpu.memref_slice %arg10[%dma_wait3A_692, %dma_wait3A_693] : memref<112x128xf32, #tpu.memory_space<vmem>> -> memref<112x128xf32, #tpu.memory_space<vmem>>
    %dma_wait3A_695 = arith.constant 0 : i32
    %dma_wait3A_696 = arith.constant 0 : i32
    %dma_wait3A_697 = tpu.memref_slice %arg9[%dma_wait3A_695, %dma_wait3A_696] : memref<10240x128xf32, #tpu.memory_space<vmem_shared>> -> memref<10240x128xf32, #tpu.memory_space<vmem_shared>>
    tpu.wait_indirect_dma semaphore(%arg29 : memref<!tpu.dma_semaphore, #tpu.memory_space<semaphore_mem>>) src(%dma_wait3A_697 : memref<10240x128xf32, #tpu.memory_space<vmem_shared>>) dst(%dma_wait3A_694 : memref<112x128xf32, #tpu.memory_space<vmem>>)
    %add3A_698 = arith.constant 224 : i32
    %add3A_699 = arith.addi %mul3A_0, %add3A_698 : i32
    "tpu.region"() ({
      %run_scoped3A = tpu.sem_alloc : memref<!tpu.dma_semaphore, #tpu.memory_space<semaphore_mem>>
      %dma_start3A_1867 = arith.constant 0 : i32
      %dma_start3A_1868 = arith.constant 0 : i32
      %dma_start3A_1869 = tpu.memref_slice %arg10[%dma_start3A_1867, %dma_start3A_1868] : memref<112x128xf32, #tpu.memory_space<vmem>> -> memref<112x128xf32, #tpu.memory_space<vmem>>
      %dma_start3A_1870 = arith.constant 0 : i32
      %dma_start3A_1871 = tpu.memref_slice %arg8[%arg0, %add3A_699, %dma_start3A_1870] : memref<2x10240x128xf32, #tpu.memory_space<hbm>> -> memref<1x112x128xf32, #tpu.memory_space<hbm>>
      %dma_start3A_1872 = tpu.memref_squeeze %dma_start3A_1871 : memref<1x112x128xf32, #tpu.memory_space<hbm>> -> memref<112x128xf32, #tpu.memory_space<hbm>>
      %dma_start3A_1873 = arith.constant 0 : i32
      %dma_start3A_1874 = tpu.memref_slice %arg8[%arg0, %add3A_699, %dma_start3A_1873] : memref<2x10240x128xf32, #tpu.memory_space<hbm>> -> memref<1x112x128xf32, #tpu.memory_space<hbm>>
      %dma_start3A_1875 = tpu.memref_squeeze %dma_start3A_1874 : memref<1x112x128xf32, #tpu.memory_space<hbm>> -> memref<112x128xf32, #tpu.memory_space<hbm>>
      %dma_start3A_1876 = arith.constant 0 : i32
      %dma_start3A_1877 = arith.constant 0 : i32
      %dma_start3A_1878 = tpu.memref_slice %arg10[%dma_start3A_1876, %dma_start3A_1877] : memref<112x128xf32, #tpu.memory_space<vmem>> -> memref<112x128xf32, #tpu.memory_space<vmem>>
      tpu.enqueue_dma source(%dma_start3A_1878 : memref<112x128xf32, #tpu.memory_space<vmem>>) target(%dma_start3A_1875 : memref<112x128xf32, #tpu.memory_space<hbm>>) target_semaphore(%run_scoped3A : memref<!tpu.dma_semaphore, #tpu.memory_space<semaphore_mem>>)
      %dma_wait3A_1879 = arith.constant 0 : i32
      %dma_wait3A_1880 = arith.constant 0 : i32
      %dma_wait3A_1881 = tpu.memref_slice %arg10[%dma_wait3A_1879, %dma_wait3A_1880] : memref<112x128xf32, #tpu.memory_space<vmem>> -> memref<112x128xf32, #tpu.memory_space<vmem>>
      %dma_wait3A_1882 = arith.constant 0 : i32
      %dma_wait3A_1883 = tpu.memref_slice %arg8[%arg0, %add3A_699, %dma_wait3A_1882] : memref<2x10240x128xf32, #tpu.memory_space<hbm>> -> memref<1x112x128xf32, #tpu.memory_space<hbm>>
      %dma_wait3A_1884 = tpu.memref_squeeze %dma_wait3A_1883 : memref<1x112x128xf32, #tpu.memory_space<hbm>> -> memref<112x128xf32, #tpu.memory_space<hbm>>
      %dma_wait3A_1885 = arith.constant 0 : i32
      %dma_wait3A_1886 = tpu.memref_slice %arg8[%arg0, %add3A_699, %dma_wait3A_1885] : memref<2x10240x128xf32, #tpu.memory_space<hbm>> -> memref<1x112x128xf32, #tpu.memory_space<hbm>>
      %dma_wait3A_1887 = tpu.memref_squeeze %dma_wait3A_1886 : memref<1x112x128xf32, #tpu.memory_space<hbm>> -> memref<112x128xf32, #tpu.memory_space<hbm>>
      %dma_wait3A_1888 = arith.constant 0 : i32
      %dma_wait3A_1889 = arith.constant 0 : i32
      %dma_wait3A_1890 = tpu.memref_slice %arg10[%dma_wait3A_1888, %dma_wait3A_1889] : memref<112x128xf32, #tpu.memory_space<vmem>> -> memref<112x128xf32, #tpu.memory_space<vmem>>
      tpu.wait_dma2 semaphore(%run_scoped3A : memref<!tpu.dma_semaphore, #tpu.memory_space<semaphore_mem>>) src(%dma_wait3A_1890 : memref<112x128xf32, #tpu.memory_space<vmem>>) dst(%dma_wait3A_1887 : memref<112x128xf32, #tpu.memory_space<hbm>>)
      tpu.yield
    }) : () -> ()
    %add3A_700 = arith.constant 336 : i32
    %add3A_701 = arith.addi %mul3A_0, %add3A_700 : i32
    %add3A_702 = arith.constant 0 : i32
    %add3A_703 = arith.addi %add3A_701, %add3A_702 : i32
    %iota3A_704 = tpu.iota {dimensions = array<i32: 0>} : vector<16xi32>
    %add3A_705 = vector.broadcast %add3A_703 : i32 to vector<16xi32>
    %add3A_706 = arith.addi %add3A_705, %iota3A_704 : vector<16xi32>
    %swap3A_707 = arith.constant 0 : index
    %swap3A_708 = tpu.vector_load %arg21[%swap3A_707] {strides = array<i32>} : memref<112xi32, #tpu.memory_space<vmem>>, vector<16xi32>,
    %swap3A_709 = vector.shape_cast %swap3A_708 : vector<16xi32> to vector<16xi32>
    %swap3A_710 = vector.shape_cast %add3A_706 : vector<16xi32> to vector<16xi32>
    tpu.vector_store %arg21[%swap3A_707], %swap3A_710 {strides = array<i32>} : memref<112xi32, #tpu.memory_space<vmem>>, vector<16xi32>,
    %add3A_711 = arith.constant 16 : i32
    %add3A_712 = arith.addi %add3A_701, %add3A_711 : i32
    %iota3A_713 = tpu.iota {dimensions = array<i32: 0>} : vector<16xi32>
    %add3A_714 = vector.broadcast %add3A_712 : i32 to vector<16xi32>
    %add3A_715 = arith.addi %add3A_714, %iota3A_713 : vector<16xi32>
    %swap3A_716 = arith.constant 16 : index
    %swap3A_717 = tpu.vector_load %arg21[%swap3A_716] {strides = array<i32>} : memref<112xi32, #tpu.memory_space<vmem>>, vector<16xi32>,
    %swap3A_718 = vector.shape_cast %swap3A_717 : vector<16xi32> to vector<16xi32>
    %swap3A_719 = vector.shape_cast %add3A_715 : vector<16xi32> to vector<16xi32>
    tpu.vector_store %arg21[%swap3A_716], %swap3A_719 {strides = array<i32>} : memref<112xi32, #tpu.memory_space<vmem>>, vector<16xi32>,
    %add3A_720 = arith.constant 32 : i32
    %add3A_721 = arith.addi %add3A_701, %add3A_720 : i32
    %iota3A_722 = tpu.iota {dimensions = array<i32: 0>} : vector<16xi32>
    %add3A_723 = vector.broadcast %add3A_721 : i32 to vector<16xi32>
    %add3A_724 = arith.addi %add3A_723, %iota3A_722 : vector<16xi32>
    %swap3A_725 = arith.constant 32 : index
    %swap3A_726 = tpu.vector_load %arg21[%swap3A_725] {strides = array<i32>} : memref<112xi32, #tpu.memory_space<vmem>>, vector<16xi32>,
    %swap3A_727 = vector.shape_cast %swap3A_726 : vector<16xi32> to vector<16xi32>
    %swap3A_728 = vector.shape_cast %add3A_724 : vector<16xi32> to vector<16xi32>
    tpu.vector_store %arg21[%swap3A_725], %swap3A_728 {strides = array<i32>} : memref<112xi32, #tpu.memory_space<vmem>>, vector<16xi32>,
    %add3A_729 = arith.constant 48 : i32
    %add3A_730 = arith.addi %add3A_701, %add3A_729 : i32
    %iota3A_731 = tpu.iota {dimensions = array<i32: 0>} : vector<16xi32>
    %add3A_732 = vector.broadcast %add3A_730 : i32 to vector<16xi32>
    %add3A_733 = arith.addi %add3A_732, %iota3A_731 : vector<16xi32>
    %swap3A_734 = arith.constant 48 : index
    %swap3A_735 = tpu.vector_load %arg21[%swap3A_734] {strides = array<i32>} : memref<112xi32, #tpu.memory_space<vmem>>, vector<16xi32>,
    %swap3A_736 = vector.shape_cast %swap3A_735 : vector<16xi32> to vector<16xi32>
    %swap3A_737 = vector.shape_cast %add3A_733 : vector<16xi32> to vector<16xi32>
    tpu.vector_store %arg21[%swap3A_734], %swap3A_737 {strides = array<i32>} : memref<112xi32, #tpu.memory_space<vmem>>, vector<16xi32>,
    %add3A_738 = arith.constant 64 : i32
    %add3A_739 = arith.addi %add3A_701, %add3A_738 : i32
    %iota3A_740 = tpu.iota {dimensions = array<i32: 0>} : vector<16xi32>
    %add3A_741 = vector.broadcast %add3A_739 : i32 to vector<16xi32>
    %add3A_742 = arith.addi %add3A_741, %iota3A_740 : vector<16xi32>
    %swap3A_743 = arith.constant 64 : index
    %swap3A_744 = tpu.vector_load %arg21[%swap3A_743] {strides = array<i32>} : memref<112xi32, #tpu.memory_space<vmem>>, vector<16xi32>,
    %swap3A_745 = vector.shape_cast %swap3A_744 : vector<16xi32> to vector<16xi32>
    %swap3A_746 = vector.shape_cast %add3A_742 : vector<16xi32> to vector<16xi32>
    tpu.vector_store %arg21[%swap3A_743], %swap3A_746 {strides = array<i32>} : memref<112xi32, #tpu.memory_space<vmem>>, vector<16xi32>,
    %add3A_747 = arith.constant 80 : i32
    %add3A_748 = arith.addi %add3A_701, %add3A_747 : i32
    %iota3A_749 = tpu.iota {dimensions = array<i32: 0>} : vector<16xi32>
    %add3A_750 = vector.broadcast %add3A_748 : i32 to vector<16xi32>
    %add3A_751 = arith.addi %add3A_750, %iota3A_749 : vector<16xi32>
    %swap3A_752 = arith.constant 80 : index
    %swap3A_753 = tpu.vector_load %arg21[%swap3A_752] {strides = array<i32>} : memref<112xi32, #tpu.memory_space<vmem>>, vector<16xi32>,
    %swap3A_754 = vector.shape_cast %swap3A_753 : vector<16xi32> to vector<16xi32>
    %swap3A_755 = vector.shape_cast %add3A_751 : vector<16xi32> to vector<16xi32>
    tpu.vector_store %arg21[%swap3A_752], %swap3A_755 {strides = array<i32>} : memref<112xi32, #tpu.memory_space<vmem>>, vector<16xi32>,
    %add3A_756 = arith.constant 96 : i32
    %add3A_757 = arith.addi %add3A_701, %add3A_756 : i32
    %iota3A_758 = tpu.iota {dimensions = array<i32: 0>} : vector<16xi32>
    %add3A_759 = vector.broadcast %add3A_757 : i32 to vector<16xi32>
    %add3A_760 = arith.addi %add3A_759, %iota3A_758 : vector<16xi32>
    %swap3A_761 = arith.constant 96 : index
    %swap3A_762 = tpu.vector_load %arg21[%swap3A_761] {strides = array<i32>} : memref<112xi32, #tpu.memory_space<vmem>>, vector<16xi32>,
    %swap3A_763 = vector.shape_cast %swap3A_762 : vector<16xi32> to vector<16xi32>
    %swap3A_764 = vector.shape_cast %add3A_760 : vector<16xi32> to vector<16xi32>
    tpu.vector_store %arg21[%swap3A_761], %swap3A_764 {strides = array<i32>} : memref<112xi32, #tpu.memory_space<vmem>>, vector<16xi32>,
    %dma_start3A_765 = arith.constant 0 : i32
    %dma_start3A_766 = arith.constant 0 : i32
    %dma_start3A_767 = tpu.memref_slice %arg10[%dma_start3A_765, %dma_start3A_766] : memref<112x128xf32, #tpu.memory_space<vmem>> -> memref<112x128xf32, #tpu.memory_space<vmem>>
    %dma_start3A_768 = arith.constant 0 : i32
    %dma_start3A_769 = arith.constant 0 : i32
    %dma_start3A_770 = tpu.memref_slice %arg9[%dma_start3A_768, %dma_start3A_769] : memref<10240x128xf32, #tpu.memory_space<vmem_shared>> -> memref<10240x128xf32, #tpu.memory_space<vmem_shared>>
    tpu.enqueue_indirect_dma source(%dma_start3A_770 : memref<10240x128xf32, #tpu.memory_space<vmem_shared>>) target(%dma_start3A_767 : memref<112x128xf32, #tpu.memory_space<vmem>>) offsets(%arg21 : memref<112xi32, #tpu.memory_space<vmem>>) semaphore(%arg29 : memref<!tpu.dma_semaphore, #tpu.memory_space<semaphore_mem>>)
    %dma_wait3A_771 = arith.constant 0 : i32
    %dma_wait3A_772 = arith.constant 0 : i32
    %dma_wait3A_773 = tpu.memref_slice %arg10[%dma_wait3A_771, %dma_wait3A_772] : memref<112x128xf32, #tpu.memory_space<vmem>> -> memref<112x128xf32, #tpu.memory_space<vmem>>
    %dma_wait3A_774 = arith.constant 0 : i32
    %dma_wait3A_775 = arith.constant 0 : i32
    %dma_wait3A_776 = tpu.memref_slice %arg9[%dma_wait3A_774, %dma_wait3A_775] : memref<10240x128xf32, #tpu.memory_space<vmem_shared>> -> memref<10240x128xf32, #tpu.memory_space<vmem_shared>>
    tpu.wait_indirect_dma semaphore(%arg29 : memref<!tpu.dma_semaphore, #tpu.memory_space<semaphore_mem>>) src(%dma_wait3A_776 : memref<10240x128xf32, #tpu.memory_space<vmem_shared>>) dst(%dma_wait3A_773 : memref<112x128xf32, #tpu.memory_space<vmem>>)
    %add3A_777 = arith.constant 336 : i32
    %add3A_778 = arith.addi %mul3A_0, %add3A_777 : i32
    "tpu.region"() ({
      %run_scoped3A = tpu.sem_alloc : memref<!tpu.dma_semaphore, #tpu.memory_space<semaphore_mem>>
      %dma_start3A_1867 = arith.constant 0 : i32
      %dma_start3A_1868 = arith.constant 0 : i32
      %dma_start3A_1869 = tpu.memref_slice %arg10[%dma_start3A_1867, %dma_start3A_1868] : memref<112x128xf32, #tpu.memory_space<vmem>> -> memref<112x128xf32, #tpu.memory_space<vmem>>
      %dma_start3A_1870 = arith.constant 0 : i32
      %dma_start3A_1871 = tpu.memref_slice %arg8[%arg0, %add3A_778, %dma_start3A_1870] : memref<2x10240x128xf32, #tpu.memory_space<hbm>> -> memref<1x112x128xf32, #tpu.memory_space<hbm>>
      %dma_start3A_1872 = tpu.memref_squeeze %dma_start3A_1871 : memref<1x112x128xf32, #tpu.memory_space<hbm>> -> memref<112x128xf32, #tpu.memory_space<hbm>>
      %dma_start3A_1873 = arith.constant 0 : i32
      %dma_start3A_1874 = tpu.memref_slice %arg8[%arg0, %add3A_778, %dma_start3A_1873] : memref<2x10240x128xf32, #tpu.memory_space<hbm>> -> memref<1x112x128xf32, #tpu.memory_space<hbm>>
      %dma_start3A_1875 = tpu.memref_squeeze %dma_start3A_1874 : memref<1x112x128xf32, #tpu.memory_space<hbm>> -> memref<112x128xf32, #tpu.memory_space<hbm>>
      %dma_start3A_1876 = arith.constant 0 : i32
      %dma_start3A_1877 = arith.constant 0 : i32
      %dma_start3A_1878 = tpu.memref_slice %arg10[%dma_start3A_1876, %dma_start3A_1877] : memref<112x128xf32, #tpu.memory_space<vmem>> -> memref<112x128xf32, #tpu.memory_space<vmem>>
      tpu.enqueue_dma source(%dma_start3A_1878 : memref<112x128xf32, #tpu.memory_space<vmem>>) target(%dma_start3A_1875 : memref<112x128xf32, #tpu.memory_space<hbm>>) target_semaphore(%run_scoped3A : memref<!tpu.dma_semaphore, #tpu.memory_space<semaphore_mem>>)
      %dma_wait3A_1879 = arith.constant 0 : i32
      %dma_wait3A_1880 = arith.constant 0 : i32
      %dma_wait3A_1881 = tpu.memref_slice %arg10[%dma_wait3A_1879, %dma_wait3A_1880] : memref<112x128xf32, #tpu.memory_space<vmem>> -> memref<112x128xf32, #tpu.memory_space<vmem>>
      %dma_wait3A_1882 = arith.constant 0 : i32
      %dma_wait3A_1883 = tpu.memref_slice %arg8[%arg0, %add3A_778, %dma_wait3A_1882] : memref<2x10240x128xf32, #tpu.memory_space<hbm>> -> memref<1x112x128xf32, #tpu.memory_space<hbm>>
      %dma_wait3A_1884 = tpu.memref_squeeze %dma_wait3A_1883 : memref<1x112x128xf32, #tpu.memory_space<hbm>> -> memref<112x128xf32, #tpu.memory_space<hbm>>
      %dma_wait3A_1885 = arith.constant 0 : i32
      %dma_wait3A_1886 = tpu.memref_slice %arg8[%arg0, %add3A_778, %dma_wait3A_1885] : memref<2x10240x128xf32, #tpu.memory_space<hbm>> -> memref<1x112x128xf32, #tpu.memory_space<hbm>>
      %dma_wait3A_1887 = tpu.memref_squeeze %dma_wait3A_1886 : memref<1x112x128xf32, #tpu.memory_space<hbm>> -> memref<112x128xf32, #tpu.memory_space<hbm>>
      %dma_wait3A_1888 = arith.constant 0 : i32
      %dma_wait3A_1889 = arith.constant 0 : i32
      %dma_wait3A_1890 = tpu.memref_slice %arg10[%dma_wait3A_1888, %dma_wait3A_1889] : memref<112x128xf32, #tpu.memory_space<vmem>> -> memref<112x128xf32, #tpu.memory_space<vmem>>
      tpu.wait_dma2 semaphore(%run_scoped3A : memref<!tpu.dma_semaphore, #tpu.memory_space<semaphore_mem>>) src(%dma_wait3A_1890 : memref<112x128xf32, #tpu.memory_space<vmem>>) dst(%dma_wait3A_1887 : memref<112x128xf32, #tpu.memory_space<hbm>>)
      tpu.yield
    }) : () -> ()
    %add3A_779 = arith.constant 448 : i32
    %add3A_780 = arith.addi %mul3A_0, %add3A_779 : i32
    %add3A_781 = arith.constant 0 : i32
    %add3A_782 = arith.addi %add3A_780, %add3A_781 : i32
    %iota3A_783 = tpu.iota {dimensions = array<i32: 0>} : vector<16xi32>
    %add3A_784 = vector.broadcast %add3A_782 : i32 to vector<16xi32>
    %add3A_785 = arith.addi %add3A_784, %iota3A_783 : vector<16xi32>
    %swap3A_786 = arith.constant 0 : index
    %swap3A_787 = tpu.vector_load %arg21[%swap3A_786] {strides = array<i32>} : memref<112xi32, #tpu.memory_space<vmem>>, vector<16xi32>,
    %swap3A_788 = vector.shape_cast %swap3A_787 : vector<16xi32> to vector<16xi32>
    %swap3A_789 = vector.shape_cast %add3A_785 : vector<16xi32> to vector<16xi32>
    tpu.vector_store %arg21[%swap3A_786], %swap3A_789 {strides = array<i32>} : memref<112xi32, #tpu.memory_space<vmem>>, vector<16xi32>,
    %add3A_790 = arith.constant 16 : i32
    %add3A_791 = arith.addi %add3A_780, %add3A_790 : i32
    %iota3A_792 = tpu.iota {dimensions = array<i32: 0>} : vector<16xi32>
    %add3A_793 = vector.broadcast %add3A_791 : i32 to vector<16xi32>
    %add3A_794 = arith.addi %add3A_793, %iota3A_792 : vector<16xi32>
    %swap3A_795 = arith.constant 16 : index
    %swap3A_796 = tpu.vector_load %arg21[%swap3A_795] {strides = array<i32>} : memref<112xi32, #tpu.memory_space<vmem>>, vector<16xi32>,
    %swap3A_797 = vector.shape_cast %swap3A_796 : vector<16xi32> to vector<16xi32>
    %swap3A_798 = vector.shape_cast %add3A_794 : vector<16xi32> to vector<16xi32>
    tpu.vector_store %arg21[%swap3A_795], %swap3A_798 {strides = array<i32>} : memref<112xi32, #tpu.memory_space<vmem>>, vector<16xi32>,
    %add3A_799 = arith.constant 32 : i32
    %add3A_800 = arith.addi %add3A_780, %add3A_799 : i32
    %iota3A_801 = tpu.iota {dimensions = array<i32: 0>} : vector<16xi32>
    %add3A_802 = vector.broadcast %add3A_800 : i32 to vector<16xi32>
    %add3A_803 = arith.addi %add3A_802, %iota3A_801 : vector<16xi32>
    %swap3A_804 = arith.constant 32 : index
    %swap3A_805 = tpu.vector_load %arg21[%swap3A_804] {strides = array<i32>} : memref<112xi32, #tpu.memory_space<vmem>>, vector<16xi32>,
    %swap3A_806 = vector.shape_cast %swap3A_805 : vector<16xi32> to vector<16xi32>
    %swap3A_807 = vector.shape_cast %add3A_803 : vector<16xi32> to vector<16xi32>
    tpu.vector_store %arg21[%swap3A_804], %swap3A_807 {strides = array<i32>} : memref<112xi32, #tpu.memory_space<vmem>>, vector<16xi32>,
    %add3A_808 = arith.constant 48 : i32
    %add3A_809 = arith.addi %add3A_780, %add3A_808 : i32
    %iota3A_810 = tpu.iota {dimensions = array<i32: 0>} : vector<16xi32>
    %add3A_811 = vector.broadcast %add3A_809 : i32 to vector<16xi32>
    %add3A_812 = arith.addi %add3A_811, %iota3A_810 : vector<16xi32>
    %swap3A_813 = arith.constant 48 : index
    %swap3A_814 = tpu.vector_load %arg21[%swap3A_813] {strides = array<i32>} : memref<112xi32, #tpu.memory_space<vmem>>, vector<16xi32>,
    %swap3A_815 = vector.shape_cast %swap3A_814 : vector<16xi32> to vector<16xi32>
    %swap3A_816 = vector.shape_cast %add3A_812 : vector<16xi32> to vector<16xi32>
    tpu.vector_store %arg21[%swap3A_813], %swap3A_816 {strides = array<i32>} : memref<112xi32, #tpu.memory_space<vmem>>, vector<16xi32>,
    %add3A_817 = arith.constant 64 : i32
    %add3A_818 = arith.addi %add3A_780, %add3A_817 : i32
    %iota3A_819 = tpu.iota {dimensions = array<i32: 0>} : vector<16xi32>
    %add3A_820 = vector.broadcast %add3A_818 : i32 to vector<16xi32>
    %add3A_821 = arith.addi %add3A_820, %iota3A_819 : vector<16xi32>
    %swap3A_822 = arith.constant 64 : index
    %swap3A_823 = tpu.vector_load %arg21[%swap3A_822] {strides = array<i32>} : memref<112xi32, #tpu.memory_space<vmem>>, vector<16xi32>,
    %swap3A_824 = vector.shape_cast %swap3A_823 : vector<16xi32> to vector<16xi32>
    %swap3A_825 = vector.shape_cast %add3A_821 : vector<16xi32> to vector<16xi32>
    tpu.vector_store %arg21[%swap3A_822], %swap3A_825 {strides = array<i32>} : memref<112xi32, #tpu.memory_space<vmem>>, vector<16xi32>,
    %add3A_826 = arith.constant 80 : i32
    %add3A_827 = arith.addi %add3A_780, %add3A_826 : i32
    %iota3A_828 = tpu.iota {dimensions = array<i32: 0>} : vector<16xi32>
    %add3A_829 = vector.broadcast %add3A_827 : i32 to vector<16xi32>
    %add3A_830 = arith.addi %add3A_829, %iota3A_828 : vector<16xi32>
    %swap3A_831 = arith.constant 80 : index
    %swap3A_832 = tpu.vector_load %arg21[%swap3A_831] {strides = array<i32>} : memref<112xi32, #tpu.memory_space<vmem>>, vector<16xi32>,
    %swap3A_833 = vector.shape_cast %swap3A_832 : vector<16xi32> to vector<16xi32>
    %swap3A_834 = vector.shape_cast %add3A_830 : vector<16xi32> to vector<16xi32>
    tpu.vector_store %arg21[%swap3A_831], %swap3A_834 {strides = array<i32>} : memref<112xi32, #tpu.memory_space<vmem>>, vector<16xi32>,
    %add3A_835 = arith.constant 96 : i32
    %add3A_836 = arith.addi %add3A_780, %add3A_835 : i32
    %iota3A_837 = tpu.iota {dimensions = array<i32: 0>} : vector<16xi32>
    %add3A_838 = vector.broadcast %add3A_836 : i32 to vector<16xi32>
    %add3A_839 = arith.addi %add3A_838, %iota3A_837 : vector<16xi32>
    %swap3A_840 = arith.constant 96 : index
    %swap3A_841 = tpu.vector_load %arg21[%swap3A_840] {strides = array<i32>} : memref<112xi32, #tpu.memory_space<vmem>>, vector<16xi32>,
    %swap3A_842 = vector.shape_cast %swap3A_841 : vector<16xi32> to vector<16xi32>
    %swap3A_843 = vector.shape_cast %add3A_839 : vector<16xi32> to vector<16xi32>
    tpu.vector_store %arg21[%swap3A_840], %swap3A_843 {strides = array<i32>} : memref<112xi32, #tpu.memory_space<vmem>>, vector<16xi32>,
    %dma_start3A_844 = arith.constant 0 : i32
    %dma_start3A_845 = arith.constant 0 : i32
    %dma_start3A_846 = tpu.memref_slice %arg10[%dma_start3A_844, %dma_start3A_845] : memref<112x128xf32, #tpu.memory_space<vmem>> -> memref<112x128xf32, #tpu.memory_space<vmem>>
    %dma_start3A_847 = arith.constant 0 : i32
    %dma_start3A_848 = arith.constant 0 : i32
    %dma_start3A_849 = tpu.memref_slice %arg9[%dma_start3A_847, %dma_start3A_848] : memref<10240x128xf32, #tpu.memory_space<vmem_shared>> -> memref<10240x128xf32, #tpu.memory_space<vmem_shared>>
    tpu.enqueue_indirect_dma source(%dma_start3A_849 : memref<10240x128xf32, #tpu.memory_space<vmem_shared>>) target(%dma_start3A_846 : memref<112x128xf32, #tpu.memory_space<vmem>>) offsets(%arg21 : memref<112xi32, #tpu.memory_space<vmem>>) semaphore(%arg29 : memref<!tpu.dma_semaphore, #tpu.memory_space<semaphore_mem>>)
    %dma_wait3A_850 = arith.constant 0 : i32
    %dma_wait3A_851 = arith.constant 0 : i32
    %dma_wait3A_852 = tpu.memref_slice %arg10[%dma_wait3A_850, %dma_wait3A_851] : memref<112x128xf32, #tpu.memory_space<vmem>> -> memref<112x128xf32, #tpu.memory_space<vmem>>
    %dma_wait3A_853 = arith.constant 0 : i32
    %dma_wait3A_854 = arith.constant 0 : i32
    %dma_wait3A_855 = tpu.memref_slice %arg9[%dma_wait3A_853, %dma_wait3A_854] : memref<10240x128xf32, #tpu.memory_space<vmem_shared>> -> memref<10240x128xf32, #tpu.memory_space<vmem_shared>>
    tpu.wait_indirect_dma semaphore(%arg29 : memref<!tpu.dma_semaphore, #tpu.memory_space<semaphore_mem>>) src(%dma_wait3A_855 : memref<10240x128xf32, #tpu.memory_space<vmem_shared>>) dst(%dma_wait3A_852 : memref<112x128xf32, #tpu.memory_space<vmem>>)
    %add3A_856 = arith.constant 448 : i32
    %add3A_857 = arith.addi %mul3A_0, %add3A_856 : i32
    "tpu.region"() ({
      %run_scoped3A = tpu.sem_alloc : memref<!tpu.dma_semaphore, #tpu.memory_space<semaphore_mem>>
      %dma_start3A_1867 = arith.constant 0 : i32
      %dma_start3A_1868 = arith.constant 0 : i32
      %dma_start3A_1869 = tpu.memref_slice %arg10[%dma_start3A_1867, %dma_start3A_1868] : memref<112x128xf32, #tpu.memory_space<vmem>> -> memref<112x128xf32, #tpu.memory_space<vmem>>
      %dma_start3A_1870 = arith.constant 0 : i32
      %dma_start3A_1871 = tpu.memref_slice %arg8[%arg0, %add3A_857, %dma_start3A_1870] : memref<2x10240x128xf32, #tpu.memory_space<hbm>> -> memref<1x112x128xf32, #tpu.memory_space<hbm>>
      %dma_start3A_1872 = tpu.memref_squeeze %dma_start3A_1871 : memref<1x112x128xf32, #tpu.memory_space<hbm>> -> memref<112x128xf32, #tpu.memory_space<hbm>>
      %dma_start3A_1873 = arith.constant 0 : i32
      %dma_start3A_1874 = tpu.memref_slice %arg8[%arg0, %add3A_857, %dma_start3A_1873] : memref<2x10240x128xf32, #tpu.memory_space<hbm>> -> memref<1x112x128xf32, #tpu.memory_space<hbm>>
      %dma_start3A_1875 = tpu.memref_squeeze %dma_start3A_1874 : memref<1x112x128xf32, #tpu.memory_space<hbm>> -> memref<112x128xf32, #tpu.memory_space<hbm>>
      %dma_start3A_1876 = arith.constant 0 : i32
      %dma_start3A_1877 = arith.constant 0 : i32
      %dma_start3A_1878 = tpu.memref_slice %arg10[%dma_start3A_1876, %dma_start3A_1877] : memref<112x128xf32, #tpu.memory_space<vmem>> -> memref<112x128xf32, #tpu.memory_space<vmem>>
      tpu.enqueue_dma source(%dma_start3A_1878 : memref<112x128xf32, #tpu.memory_space<vmem>>) target(%dma_start3A_1875 : memref<112x128xf32, #tpu.memory_space<hbm>>) target_semaphore(%run_scoped3A : memref<!tpu.dma_semaphore, #tpu.memory_space<semaphore_mem>>)
      %dma_wait3A_1879 = arith.constant 0 : i32
      %dma_wait3A_1880 = arith.constant 0 : i32
      %dma_wait3A_1881 = tpu.memref_slice %arg10[%dma_wait3A_1879, %dma_wait3A_1880] : memref<112x128xf32, #tpu.memory_space<vmem>> -> memref<112x128xf32, #tpu.memory_space<vmem>>
      %dma_wait3A_1882 = arith.constant 0 : i32
      %dma_wait3A_1883 = tpu.memref_slice %arg8[%arg0, %add3A_857, %dma_wait3A_1882] : memref<2x10240x128xf32, #tpu.memory_space<hbm>> -> memref<1x112x128xf32, #tpu.memory_space<hbm>>
      %dma_wait3A_1884 = tpu.memref_squeeze %dma_wait3A_1883 : memref<1x112x128xf32, #tpu.memory_space<hbm>> -> memref<112x128xf32, #tpu.memory_space<hbm>>
      %dma_wait3A_1885 = arith.constant 0 : i32
      %dma_wait3A_1886 = tpu.memref_slice %arg8[%arg0, %add3A_857, %dma_wait3A_1885] : memref<2x10240x128xf32, #tpu.memory_space<hbm>> -> memref<1x112x128xf32, #tpu.memory_space<hbm>>
      %dma_wait3A_1887 = tpu.memref_squeeze %dma_wait3A_1886 : memref<1x112x128xf32, #tpu.memory_space<hbm>> -> memref<112x128xf32, #tpu.memory_space<hbm>>
      %dma_wait3A_1888 = arith.constant 0 : i32
      %dma_wait3A_1889 = arith.constant 0 : i32
      %dma_wait3A_1890 = tpu.memref_slice %arg10[%dma_wait3A_1888, %dma_wait3A_1889] : memref<112x128xf32, #tpu.memory_space<vmem>> -> memref<112x128xf32, #tpu.memory_space<vmem>>
      tpu.wait_dma2 semaphore(%run_scoped3A : memref<!tpu.dma_semaphore, #tpu.memory_space<semaphore_mem>>) src(%dma_wait3A_1890 : memref<112x128xf32, #tpu.memory_space<vmem>>) dst(%dma_wait3A_1887 : memref<112x128xf32, #tpu.memory_space<hbm>>)
      tpu.yield
    }) : () -> ()
    %add3A_858 = arith.constant 560 : i32
    %add3A_859 = arith.addi %mul3A_0, %add3A_858 : i32
    %add3A_860 = arith.constant 0 : i32
    %add3A_861 = arith.addi %add3A_859, %add3A_860 : i32
    %iota3A_862 = tpu.iota {dimensions = array<i32: 0>} : vector<16xi32>
    %add3A_863 = vector.broadcast %add3A_861 : i32 to vector<16xi32>
    %add3A_864 = arith.addi %add3A_863, %iota3A_862 : vector<16xi32>
    %swap3A_865 = arith.constant 0 : index
    %swap3A_866 = tpu.vector_load %arg22[%swap3A_865] {strides = array<i32>} : memref<80xi32, #tpu.memory_space<vmem>>, vector<16xi32>,
    %swap3A_867 = vector.shape_cast %swap3A_866 : vector<16xi32> to vector<16xi32>
    %swap3A_868 = vector.shape_cast %add3A_864 : vector<16xi32> to vector<16xi32>
    tpu.vector_store %arg22[%swap3A_865], %swap3A_868 {strides = array<i32>} : memref<80xi32, #tpu.memory_space<vmem>>, vector<16xi32>,
    %add3A_869 = arith.constant 16 : i32
    %add3A_870 = arith.addi %add3A_859, %add3A_869 : i32
    %iota3A_871 = tpu.iota {dimensions = array<i32: 0>} : vector<16xi32>
    %add3A_872 = vector.broadcast %add3A_870 : i32 to vector<16xi32>
    %add3A_873 = arith.addi %add3A_872, %iota3A_871 : vector<16xi32>
    %swap3A_874 = arith.constant 16 : index
    %swap3A_875 = tpu.vector_load %arg22[%swap3A_874] {strides = array<i32>} : memref<80xi32, #tpu.memory_space<vmem>>, vector<16xi32>,
    %swap3A_876 = vector.shape_cast %swap3A_875 : vector<16xi32> to vector<16xi32>
    %swap3A_877 = vector.shape_cast %add3A_873 : vector<16xi32> to vector<16xi32>
    tpu.vector_store %arg22[%swap3A_874], %swap3A_877 {strides = array<i32>} : memref<80xi32, #tpu.memory_space<vmem>>, vector<16xi32>,
    %add3A_878 = arith.constant 32 : i32
    %add3A_879 = arith.addi %add3A_859, %add3A_878 : i32
    %iota3A_880 = tpu.iota {dimensions = array<i32: 0>} : vector<16xi32>
    %add3A_881 = vector.broadcast %add3A_879 : i32 to vector<16xi32>
    %add3A_882 = arith.addi %add3A_881, %iota3A_880 : vector<16xi32>
    %swap3A_883 = arith.constant 32 : index
    %swap3A_884 = tpu.vector_load %arg22[%swap3A_883] {strides = array<i32>} : memref<80xi32, #tpu.memory_space<vmem>>, vector<16xi32>,
    %swap3A_885 = vector.shape_cast %swap3A_884 : vector<16xi32> to vector<16xi32>
    %swap3A_886 = vector.shape_cast %add3A_882 : vector<16xi32> to vector<16xi32>
    tpu.vector_store %arg22[%swap3A_883], %swap3A_886 {strides = array<i32>} : memref<80xi32, #tpu.memory_space<vmem>>, vector<16xi32>,
    %add3A_887 = arith.constant 48 : i32
    %add3A_888 = arith.addi %add3A_859, %add3A_887 : i32
    %iota3A_889 = tpu.iota {dimensions = array<i32: 0>} : vector<16xi32>
    %add3A_890 = vector.broadcast %add3A_888 : i32 to vector<16xi32>
    %add3A_891 = arith.addi %add3A_890, %iota3A_889 : vector<16xi32>
    %swap3A_892 = arith.constant 48 : index
    %swap3A_893 = tpu.vector_load %arg22[%swap3A_892] {strides = array<i32>} : memref<80xi32, #tpu.memory_space<vmem>>, vector<16xi32>,
    %swap3A_894 = vector.shape_cast %swap3A_893 : vector<16xi32> to vector<16xi32>
    %swap3A_895 = vector.shape_cast %add3A_891 : vector<16xi32> to vector<16xi32>
    tpu.vector_store %arg22[%swap3A_892], %swap3A_895 {strides = array<i32>} : memref<80xi32, #tpu.memory_space<vmem>>, vector<16xi32>,
    %add3A_896 = arith.constant 64 : i32
    %add3A_897 = arith.addi %add3A_859, %add3A_896 : i32
    %iota3A_898 = tpu.iota {dimensions = array<i32: 0>} : vector<16xi32>
    %add3A_899 = vector.broadcast %add3A_897 : i32 to vector<16xi32>
    %add3A_900 = arith.addi %add3A_899, %iota3A_898 : vector<16xi32>
    %swap3A_901 = arith.constant 64 : index
    %swap3A_902 = tpu.vector_load %arg22[%swap3A_901] {strides = array<i32>} : memref<80xi32, #tpu.memory_space<vmem>>, vector<16xi32>,
    %swap3A_903 = vector.shape_cast %swap3A_902 : vector<16xi32> to vector<16xi32>
    %swap3A_904 = vector.shape_cast %add3A_900 : vector<16xi32> to vector<16xi32>
    tpu.vector_store %arg22[%swap3A_901], %swap3A_904 {strides = array<i32>} : memref<80xi32, #tpu.memory_space<vmem>>, vector<16xi32>,
    %dma_start3A_905 = arith.constant 0 : i32
    %dma_start3A_906 = arith.constant 0 : i32
    %dma_start3A_907 = tpu.memref_slice %arg10[%dma_start3A_905, %dma_start3A_906] : memref<112x128xf32, #tpu.memory_space<vmem>> -> memref<80x128xf32, #tpu.memory_space<vmem>>
    %dma_start3A_908 = arith.constant 0 : i32
    %dma_start3A_909 = arith.constant 0 : i32
    %dma_start3A_910 = tpu.memref_slice %arg9[%dma_start3A_908, %dma_start3A_909] : memref<10240x128xf32, #tpu.memory_space<vmem_shared>> -> memref<10240x128xf32, #tpu.memory_space<vmem_shared>>
    tpu.enqueue_indirect_dma source(%dma_start3A_910 : memref<10240x128xf32, #tpu.memory_space<vmem_shared>>) target(%dma_start3A_907 : memref<80x128xf32, #tpu.memory_space<vmem>>) offsets(%arg22 : memref<80xi32, #tpu.memory_space<vmem>>) semaphore(%arg29 : memref<!tpu.dma_semaphore, #tpu.memory_space<semaphore_mem>>)
    %dma_wait3A_911 = arith.constant 0 : i32
    %dma_wait3A_912 = arith.constant 0 : i32
    %dma_wait3A_913 = tpu.memref_slice %arg10[%dma_wait3A_911, %dma_wait3A_912] : memref<112x128xf32, #tpu.memory_space<vmem>> -> memref<80x128xf32, #tpu.memory_space<vmem>>
    %dma_wait3A_914 = arith.constant 0 : i32
    %dma_wait3A_915 = arith.constant 0 : i32
    %dma_wait3A_916 = tpu.memref_slice %arg9[%dma_wait3A_914, %dma_wait3A_915] : memref<10240x128xf32, #tpu.memory_space<vmem_shared>> -> memref<10240x128xf32, #tpu.memory_space<vmem_shared>>
    tpu.wait_indirect_dma semaphore(%arg29 : memref<!tpu.dma_semaphore, #tpu.memory_space<semaphore_mem>>) src(%dma_wait3A_916 : memref<10240x128xf32, #tpu.memory_space<vmem_shared>>) dst(%dma_wait3A_913 : memref<80x128xf32, #tpu.memory_space<vmem>>)
    %add3A_917 = arith.constant 560 : i32
    %add3A_918 = arith.addi %mul3A_0, %add3A_917 : i32
    "tpu.region"() ({
      %run_scoped3A = tpu.sem_alloc : memref<!tpu.dma_semaphore, #tpu.memory_space<semaphore_mem>>
      %dma_start3A_1867 = arith.constant 0 : i32
      %dma_start3A_1868 = arith.constant 0 : i32
      %dma_start3A_1869 = tpu.memref_slice %arg10[%dma_start3A_1867, %dma_start3A_1868] : memref<112x128xf32, #tpu.memory_space<vmem>> -> memref<80x128xf32, #tpu.memory_space<vmem>>
      %dma_start3A_1870 = arith.constant 0 : i32
      %dma_start3A_1871 = tpu.memref_slice %arg8[%arg0, %add3A_918, %dma_start3A_1870] : memref<2x10240x128xf32, #tpu.memory_space<hbm>> -> memref<1x80x128xf32, #tpu.memory_space<hbm>>
      %dma_start3A_1872 = tpu.memref_squeeze %dma_start3A_1871 : memref<1x80x128xf32, #tpu.memory_space<hbm>> -> memref<80x128xf32, #tpu.memory_space<hbm>>
      %dma_start3A_1873 = arith.constant 0 : i32
      %dma_start3A_1874 = tpu.memref_slice %arg8[%arg0, %add3A_918, %dma_start3A_1873] : memref<2x10240x128xf32, #tpu.memory_space<hbm>> -> memref<1x80x128xf32, #tpu.memory_space<hbm>>
      %dma_start3A_1875 = tpu.memref_squeeze %dma_start3A_1874 : memref<1x80x128xf32, #tpu.memory_space<hbm>> -> memref<80x128xf32, #tpu.memory_space<hbm>>
      %dma_start3A_1876 = arith.constant 0 : i32
      %dma_start3A_1877 = arith.constant 0 : i32
      %dma_start3A_1878 = tpu.memref_slice %arg10[%dma_start3A_1876, %dma_start3A_1877] : memref<112x128xf32, #tpu.memory_space<vmem>> -> memref<80x128xf32, #tpu.memory_space<vmem>>
      tpu.enqueue_dma source(%dma_start3A_1878 : memref<80x128xf32, #tpu.memory_space<vmem>>) target(%dma_start3A_1875 : memref<80x128xf32, #tpu.memory_space<hbm>>) target_semaphore(%run_scoped3A : memref<!tpu.dma_semaphore, #tpu.memory_space<semaphore_mem>>)
      %dma_wait3A_1879 = arith.constant 0 : i32
      %dma_wait3A_1880 = arith.constant 0 : i32
      %dma_wait3A_1881 = tpu.memref_slice %arg10[%dma_wait3A_1879, %dma_wait3A_1880] : memref<112x128xf32, #tpu.memory_space<vmem>> -> memref<80x128xf32, #tpu.memory_space<vmem>>
      %dma_wait3A_1882 = arith.constant 0 : i32
      %dma_wait3A_1883 = tpu.memref_slice %arg8[%arg0, %add3A_918, %dma_wait3A_1882] : memref<2x10240x128xf32, #tpu.memory_space<hbm>> -> memref<1x80x128xf32, #tpu.memory_space<hbm>>
      %dma_wait3A_1884 = tpu.memref_squeeze %dma_wait3A_1883 : memref<1x80x128xf32, #tpu.memory_space<hbm>> -> memref<80x128xf32, #tpu.memory_space<hbm>>
      %dma_wait3A_1885 = arith.constant 0 : i32
      %dma_wait3A_1886 = tpu.memref_slice %arg8[%arg0, %add3A_918, %dma_wait3A_1885] : memref<2x10240x128xf32, #tpu.memory_space<hbm>> -> memref<1x80x128xf32, #tpu.memory_space<hbm>>
      %dma_wait3A_1887 = tpu.memref_squeeze %dma_wait3A_1886 : memref<1x80x128xf32, #tpu.memory_space<hbm>> -> memref<80x128xf32, #tpu.memory_space<hbm>>
      %dma_wait3A_1888 = arith.constant 0 : i32
      %dma_wait3A_1889 = arith.constant 0 : i32
      %dma_wait3A_1890 = tpu.memref_slice %arg10[%dma_wait3A_1888, %dma_wait3A_1889] : memref<112x128xf32, #tpu.memory_space<vmem>> -> memref<80x128xf32, #tpu.memory_space<vmem>>
      tpu.wait_dma2 semaphore(%run_scoped3A : memref<!tpu.dma_semaphore, #tpu.memory_space<semaphore_mem>>) src(%dma_wait3A_1890 : memref<80x128xf32, #tpu.memory_space<vmem>>) dst(%dma_wait3A_1887 : memref<80x128xf32, #tpu.memory_space<hbm>>)
      tpu.yield
    }) : () -> ()
    %scan3A_919 = arith.constant 0 : i32
    %scan3A_920 = arith.constant 0 : i32
    %scan3A_921 = arith.constant 112 : i32
    %scan3A_922 = arith.addi %scan3A_920, %scan3A_921 : i32
    %scan3A_923 = arith.constant 1 : i32
    scf.for %scan3A_1867 = %scan3A_920 to %scan3A_922 step %scan3A_923  : i32 {
      %swap3A_1868 = arith.index_cast %scan3A_1867 : i32 to index
      %swap3A_1869 = arith.constant 0 : index
      %swap3A_1870 = tpu.vector_load %arg10[%swap3A_1868, %swap3A_1869] {strides = array<i32>} : memref<112x128xf32, #tpu.memory_space<vmem>>, vector<1x16xf32>,
      %swap3A_1871 = vector.shape_cast %swap3A_1870 : vector<1x16xf32> to vector<16xf32>
      %swap3A_1872 = vector.shape_cast %broadcast_in_dim3A_1 : vector<16xf32> to vector<1x16xf32>
      tpu.vector_store %arg10[%swap3A_1868, %swap3A_1869], %swap3A_1872 {strides = array<i32>} : memref<112x128xf32, #tpu.memory_space<vmem>>, vector<1x16xf32>,
      %swap3A_1873 = arith.index_cast %scan3A_1867 : i32 to index
      %swap3A_1874 = arith.constant 16 : index
      %swap3A_1875 = tpu.vector_load %arg10[%swap3A_1873, %swap3A_1874] {strides = array<i32>} : memref<112x128xf32, #tpu.memory_space<vmem>>, vector<1x16xf32>,
      %swap3A_1876 = vector.shape_cast %swap3A_1875 : vector<1x16xf32> to vector<16xf32>
      %swap3A_1877 = vector.shape_cast %broadcast_in_dim3A_1 : vector<16xf32> to vector<1x16xf32>
      tpu.vector_store %arg10[%swap3A_1873, %swap3A_1874], %swap3A_1877 {strides = array<i32>} : memref<112x128xf32, #tpu.memory_space<vmem>>, vector<1x16xf32>,
      %swap3A_1878 = arith.index_cast %scan3A_1867 : i32 to index
      %swap3A_1879 = arith.constant 32 : index
      %swap3A_1880 = tpu.vector_load %arg10[%swap3A_1878, %swap3A_1879] {strides = array<i32>} : memref<112x128xf32, #tpu.memory_space<vmem>>, vector<1x16xf32>,
      %swap3A_1881 = vector.shape_cast %swap3A_1880 : vector<1x16xf32> to vector<16xf32>
      %swap3A_1882 = vector.shape_cast %broadcast_in_dim3A_1 : vector<16xf32> to vector<1x16xf32>
      tpu.vector_store %arg10[%swap3A_1878, %swap3A_1879], %swap3A_1882 {strides = array<i32>} : memref<112x128xf32, #tpu.memory_space<vmem>>, vector<1x16xf32>,
      %swap3A_1883 = arith.index_cast %scan3A_1867 : i32 to index
      %swap3A_1884 = arith.constant 48 : index
      %swap3A_1885 = tpu.vector_load %arg10[%swap3A_1883, %swap3A_1884] {strides = array<i32>} : memref<112x128xf32, #tpu.memory_space<vmem>>, vector<1x16xf32>,
      %swap3A_1886 = vector.shape_cast %swap3A_1885 : vector<1x16xf32> to vector<16xf32>
      %swap3A_1887 = vector.shape_cast %broadcast_in_dim3A_1 : vector<16xf32> to vector<1x16xf32>
      tpu.vector_store %arg10[%swap3A_1883, %swap3A_1884], %swap3A_1887 {strides = array<i32>} : memref<112x128xf32, #tpu.memory_space<vmem>>, vector<1x16xf32>,
      %swap3A_1888 = arith.index_cast %scan3A_1867 : i32 to index
      %swap3A_1889 = arith.constant 64 : index
      %swap3A_1890 = tpu.vector_load %arg10[%swap3A_1888, %swap3A_1889] {strides = array<i32>} : memref<112x128xf32, #tpu.memory_space<vmem>>, vector<1x16xf32>,
      %swap3A_1891 = vector.shape_cast %swap3A_1890 : vector<1x16xf32> to vector<16xf32>
      %swap3A_1892 = vector.shape_cast %broadcast_in_dim3A_1 : vector<16xf32> to vector<1x16xf32>
      tpu.vector_store %arg10[%swap3A_1888, %swap3A_1889], %swap3A_1892 {strides = array<i32>} : memref<112x128xf32, #tpu.memory_space<vmem>>, vector<1x16xf32>,
      %swap3A_1893 = arith.index_cast %scan3A_1867 : i32 to index
      %swap3A_1894 = arith.constant 80 : index
      %swap3A_1895 = tpu.vector_load %arg10[%swap3A_1893, %swap3A_1894] {strides = array<i32>} : memref<112x128xf32, #tpu.memory_space<vmem>>, vector<1x16xf32>,
      %swap3A_1896 = vector.shape_cast %swap3A_1895 : vector<1x16xf32> to vector<16xf32>
      %swap3A_1897 = vector.shape_cast %broadcast_in_dim3A_1 : vector<16xf32> to vector<1x16xf32>
      tpu.vector_store %arg10[%swap3A_1893, %swap3A_1894], %swap3A_1897 {strides = array<i32>} : memref<112x128xf32, #tpu.memory_space<vmem>>, vector<1x16xf32>,
      %swap3A_1898 = arith.index_cast %scan3A_1867 : i32 to index
      %swap3A_1899 = arith.constant 96 : index
      %swap3A_1900 = tpu.vector_load %arg10[%swap3A_1898, %swap3A_1899] {strides = array<i32>} : memref<112x128xf32, #tpu.memory_space<vmem>>, vector<1x16xf32>,
      %swap3A_1901 = vector.shape_cast %swap3A_1900 : vector<1x16xf32> to vector<16xf32>
      %swap3A_1902 = vector.shape_cast %broadcast_in_dim3A_1 : vector<16xf32> to vector<1x16xf32>
      tpu.vector_store %arg10[%swap3A_1898, %swap3A_1899], %swap3A_1902 {strides = array<i32>} : memref<112x128xf32, #tpu.memory_space<vmem>>, vector<1x16xf32>,
      %swap3A_1903 = arith.index_cast %scan3A_1867 : i32 to index
      %swap3A_1904 = arith.constant 112 : index
      %swap3A_1905 = tpu.vector_load %arg10[%swap3A_1903, %swap3A_1904] {strides = array<i32>} : memref<112x128xf32, #tpu.memory_space<vmem>>, vector<1x16xf32>,
      %swap3A_1906 = vector.shape_cast %swap3A_1905 : vector<1x16xf32> to vector<16xf32>
      %swap3A_1907 = vector.shape_cast %broadcast_in_dim3A_1 : vector<16xf32> to vector<1x16xf32>
      tpu.vector_store %arg10[%swap3A_1903, %swap3A_1904], %swap3A_1907 {strides = array<i32>} : memref<112x128xf32, #tpu.memory_space<vmem>>, vector<1x16xf32>,
    }
    %scan3A_924 = arith.constant 112 : i32
    %add3A_925 = arith.constant 0 : i32
    %add3A_926 = arith.addi %mul3A_0, %add3A_925 : i32
    %add3A_927 = arith.constant 0 : i32
    %add3A_928 = arith.addi %add3A_926, %add3A_927 : i32
    %iota3A_929 = tpu.iota {dimensions = array<i32: 0>} : vector<16xi32>
    %add3A_930 = vector.broadcast %add3A_928 : i32 to vector<16xi32>
    %add3A_931 = arith.addi %add3A_930, %iota3A_929 : vector<16xi32>
    %swap3A_932 = arith.constant 0 : index
    %swap3A_933 = tpu.vector_load %arg21[%swap3A_932] {strides = array<i32>} : memref<112xi32, #tpu.memory_space<vmem>>, vector<16xi32>,
    %swap3A_934 = vector.shape_cast %swap3A_933 : vector<16xi32> to vector<16xi32>
    %swap3A_935 = vector.shape_cast %add3A_931 : vector<16xi32> to vector<16xi32>
    tpu.vector_store %arg21[%swap3A_932], %swap3A_935 {strides = array<i32>} : memref<112xi32, #tpu.memory_space<vmem>>, vector<16xi32>,
    %add3A_936 = arith.constant 16 : i32
    %add3A_937 = arith.addi %add3A_926, %add3A_936 : i32
    %iota3A_938 = tpu.iota {dimensions = array<i32: 0>} : vector<16xi32>
    %add3A_939 = vector.broadcast %add3A_937 : i32 to vector<16xi32>
    %add3A_940 = arith.addi %add3A_939, %iota3A_938 : vector<16xi32>
    %swap3A_941 = arith.constant 16 : index
    %swap3A_942 = tpu.vector_load %arg21[%swap3A_941] {strides = array<i32>} : memref<112xi32, #tpu.memory_space<vmem>>, vector<16xi32>,
    %swap3A_943 = vector.shape_cast %swap3A_942 : vector<16xi32> to vector<16xi32>
    %swap3A_944 = vector.shape_cast %add3A_940 : vector<16xi32> to vector<16xi32>
    tpu.vector_store %arg21[%swap3A_941], %swap3A_944 {strides = array<i32>} : memref<112xi32, #tpu.memory_space<vmem>>, vector<16xi32>,
    %add3A_945 = arith.constant 32 : i32
    %add3A_946 = arith.addi %add3A_926, %add3A_945 : i32
    %iota3A_947 = tpu.iota {dimensions = array<i32: 0>} : vector<16xi32>
    %add3A_948 = vector.broadcast %add3A_946 : i32 to vector<16xi32>
    %add3A_949 = arith.addi %add3A_948, %iota3A_947 : vector<16xi32>
    %swap3A_950 = arith.constant 32 : index
    %swap3A_951 = tpu.vector_load %arg21[%swap3A_950] {strides = array<i32>} : memref<112xi32, #tpu.memory_space<vmem>>, vector<16xi32>,
    %swap3A_952 = vector.shape_cast %swap3A_951 : vector<16xi32> to vector<16xi32>
    %swap3A_953 = vector.shape_cast %add3A_949 : vector<16xi32> to vector<16xi32>
    tpu.vector_store %arg21[%swap3A_950], %swap3A_953 {strides = array<i32>} : memref<112xi32, #tpu.memory_space<vmem>>, vector<16xi32>,
    %add3A_954 = arith.constant 48 : i32
    %add3A_955 = arith.addi %add3A_926, %add3A_954 : i32
    %iota3A_956 = tpu.iota {dimensions = array<i32: 0>} : vector<16xi32>
    %add3A_957 = vector.broadcast %add3A_955 : i32 to vector<16xi32>
    %add3A_958 = arith.addi %add3A_957, %iota3A_956 : vector<16xi32>
    %swap3A_959 = arith.constant 48 : index
    %swap3A_960 = tpu.vector_load %arg21[%swap3A_959] {strides = array<i32>} : memref<112xi32, #tpu.memory_space<vmem>>, vector<16xi32>,
    %swap3A_961 = vector.shape_cast %swap3A_960 : vector<16xi32> to vector<16xi32>
    %swap3A_962 = vector.shape_cast %add3A_958 : vector<16xi32> to vector<16xi32>
    tpu.vector_store %arg21[%swap3A_959], %swap3A_962 {strides = array<i32>} : memref<112xi32, #tpu.memory_space<vmem>>, vector<16xi32>,
    %add3A_963 = arith.constant 64 : i32
    %add3A_964 = arith.addi %add3A_926, %add3A_963 : i32
    %iota3A_965 = tpu.iota {dimensions = array<i32: 0>} : vector<16xi32>
    %add3A_966 = vector.broadcast %add3A_964 : i32 to vector<16xi32>
    %add3A_967 = arith.addi %add3A_966, %iota3A_965 : vector<16xi32>
    %swap3A_968 = arith.constant 64 : index
    %swap3A_969 = tpu.vector_load %arg21[%swap3A_968] {strides = array<i32>} : memref<112xi32, #tpu.memory_space<vmem>>, vector<16xi32>,
    %swap3A_970 = vector.shape_cast %swap3A_969 : vector<16xi32> to vector<16xi32>
    %swap3A_971 = vector.shape_cast %add3A_967 : vector<16xi32> to vector<16xi32>
    tpu.vector_store %arg21[%swap3A_968], %swap3A_971 {strides = array<i32>} : memref<112xi32, #tpu.memory_space<vmem>>, vector<16xi32>,
    %add3A_972 = arith.constant 80 : i32
    %add3A_973 = arith.addi %add3A_926, %add3A_972 : i32
    %iota3A_974 = tpu.iota {dimensions = array<i32: 0>} : vector<16xi32>
    %add3A_975 = vector.broadcast %add3A_973 : i32 to vector<16xi32>
    %add3A_976 = arith.addi %add3A_975, %iota3A_974 : vector<16xi32>
    %swap3A_977 = arith.constant 80 : index
    %swap3A_978 = tpu.vector_load %arg21[%swap3A_977] {strides = array<i32>} : memref<112xi32, #tpu.memory_space<vmem>>, vector<16xi32>,
    %swap3A_979 = vector.shape_cast %swap3A_978 : vector<16xi32> to vector<16xi32>
    %swap3A_980 = vector.shape_cast %add3A_976 : vector<16xi32> to vector<16xi32>
    tpu.vector_store %arg21[%swap3A_977], %swap3A_980 {strides = array<i32>} : memref<112xi32, #tpu.memory_space<vmem>>, vector<16xi32>,
    %add3A_981 = arith.constant 96 : i32
    %add3A_982 = arith.addi %add3A_926, %add3A_981 : i32
    %iota3A_983 = tpu.iota {dimensions = array<i32: 0>} : vector<16xi32>
    %add3A_984 = vector.broadcast %add3A_982 : i32 to vector<16xi32>
    %add3A_985 = arith.addi %add3A_984, %iota3A_983 : vector<16xi32>
    %swap3A_986 = arith.constant 96 : index
    %swap3A_987 = tpu.vector_load %arg21[%swap3A_986] {strides = array<i32>} : memref<112xi32, #tpu.memory_space<vmem>>, vector<16xi32>,
    %swap3A_988 = vector.shape_cast %swap3A_987 : vector<16xi32> to vector<16xi32>
    %swap3A_989 = vector.shape_cast %add3A_985 : vector<16xi32> to vector<16xi32>
    tpu.vector_store %arg21[%swap3A_986], %swap3A_989 {strides = array<i32>} : memref<112xi32, #tpu.memory_space<vmem>>, vector<16xi32>,
    "tpu.region"() ({
      %run_scoped3A = tpu.sem_alloc : memref<!tpu.dma_semaphore, #tpu.memory_space<semaphore_mem>>
      %dma_start3A_1867 = arith.constant 0 : i32
      %dma_start3A_1868 = arith.constant 0 : i32
      %dma_start3A_1869 = tpu.memref_slice %arg10[%dma_start3A_1867, %dma_start3A_1868] : memref<112x128xf32, #tpu.memory_space<vmem>> -> memref<112x128xf32, #tpu.memory_space<vmem>>
      %dma_start3A_1870 = arith.constant 0 : i32
      %dma_start3A_1871 = arith.constant 0 : i32
      %dma_start3A_1872 = tpu.memref_slice %arg9[%dma_start3A_1870, %dma_start3A_1871] : memref<10240x128xf32, #tpu.memory_space<vmem_shared>> -> memref<10240x128xf32, #tpu.memory_space<vmem_shared>>
      tpu.enqueue_indirect_dma source(%dma_start3A_1869 : memref<112x128xf32, #tpu.memory_space<vmem>>) target(%dma_start3A_1872 : memref<10240x128xf32, #tpu.memory_space<vmem_shared>>) offsets(%arg21 : memref<112xi32, #tpu.memory_space<vmem>>) semaphore(%run_scoped3A : memref<!tpu.dma_semaphore, #tpu.memory_space<semaphore_mem>>)
      %dma_wait3A_1873 = arith.constant 0 : i32
      %dma_wait3A_1874 = arith.constant 0 : i32
      %dma_wait3A_1875 = tpu.memref_slice %arg10[%dma_wait3A_1873, %dma_wait3A_1874] : memref<112x128xf32, #tpu.memory_space<vmem>> -> memref<112x128xf32, #tpu.memory_space<vmem>>
      %dma_wait3A_1876 = arith.constant 0 : i32
      %dma_wait3A_1877 = arith.constant 0 : i32
      %dma_wait3A_1878 = tpu.memref_slice %arg9[%dma_wait3A_1876, %dma_wait3A_1877] : memref<10240x128xf32, #tpu.memory_space<vmem_shared>> -> memref<10240x128xf32, #tpu.memory_space<vmem_shared>>
      tpu.wait_indirect_dma semaphore(%run_scoped3A : memref<!tpu.dma_semaphore, #tpu.memory_space<semaphore_mem>>) src(%dma_wait3A_1875 : memref<112x128xf32, #tpu.memory_space<vmem>>) dst(%dma_wait3A_1878 : memref<10240x128xf32, #tpu.memory_space<vmem_shared>>)
      tpu.yield
    }) : () -> ()
    %add3A_990 = arith.constant 112 : i32
    %add3A_991 = arith.addi %mul3A_0, %add3A_990 : i32
    %add3A_992 = arith.constant 0 : i32
    %add3A_993 = arith.addi %add3A_991, %add3A_992 : i32
    %iota3A_994 = tpu.iota {dimensions = array<i32: 0>} : vector<16xi32>
    %add3A_995 = vector.broadcast %add3A_993 : i32 to vector<16xi32>
    %add3A_996 = arith.addi %add3A_995, %iota3A_994 : vector<16xi32>
    %swap3A_997 = arith.constant 0 : index
    %swap3A_998 = tpu.vector_load %arg21[%swap3A_997] {strides = array<i32>} : memref<112xi32, #tpu.memory_space<vmem>>, vector<16xi32>,
    %swap3A_999 = vector.shape_cast %swap3A_998 : vector<16xi32> to vector<16xi32>
    %swap3A_1000 = vector.shape_cast %add3A_996 : vector<16xi32> to vector<16xi32>
    tpu.vector_store %arg21[%swap3A_997], %swap3A_1000 {strides = array<i32>} : memref<112xi32, #tpu.memory_space<vmem>>, vector<16xi32>,
    %add3A_1001 = arith.constant 16 : i32
    %add3A_1002 = arith.addi %add3A_991, %add3A_1001 : i32
    %iota3A_1003 = tpu.iota {dimensions = array<i32: 0>} : vector<16xi32>
    %add3A_1004 = vector.broadcast %add3A_1002 : i32 to vector<16xi32>
    %add3A_1005 = arith.addi %add3A_1004, %iota3A_1003 : vector<16xi32>
    %swap3A_1006 = arith.constant 16 : index
    %swap3A_1007 = tpu.vector_load %arg21[%swap3A_1006] {strides = array<i32>} : memref<112xi32, #tpu.memory_space<vmem>>, vector<16xi32>,
    %swap3A_1008 = vector.shape_cast %swap3A_1007 : vector<16xi32> to vector<16xi32>
    %swap3A_1009 = vector.shape_cast %add3A_1005 : vector<16xi32> to vector<16xi32>
    tpu.vector_store %arg21[%swap3A_1006], %swap3A_1009 {strides = array<i32>} : memref<112xi32, #tpu.memory_space<vmem>>, vector<16xi32>,
    %add3A_1010 = arith.constant 32 : i32
    %add3A_1011 = arith.addi %add3A_991, %add3A_1010 : i32
    %iota3A_1012 = tpu.iota {dimensions = array<i32: 0>} : vector<16xi32>
    %add3A_1013 = vector.broadcast %add3A_1011 : i32 to vector<16xi32>
    %add3A_1014 = arith.addi %add3A_1013, %iota3A_1012 : vector<16xi32>
    %swap3A_1015 = arith.constant 32 : index
    %swap3A_1016 = tpu.vector_load %arg21[%swap3A_1015] {strides = array<i32>} : memref<112xi32, #tpu.memory_space<vmem>>, vector<16xi32>,
    %swap3A_1017 = vector.shape_cast %swap3A_1016 : vector<16xi32> to vector<16xi32>
    %swap3A_1018 = vector.shape_cast %add3A_1014 : vector<16xi32> to vector<16xi32>
    tpu.vector_store %arg21[%swap3A_1015], %swap3A_1018 {strides = array<i32>} : memref<112xi32, #tpu.memory_space<vmem>>, vector<16xi32>,
    %add3A_1019 = arith.constant 48 : i32
    %add3A_1020 = arith.addi %add3A_991, %add3A_1019 : i32
    %iota3A_1021 = tpu.iota {dimensions = array<i32: 0>} : vector<16xi32>
    %add3A_1022 = vector.broadcast %add3A_1020 : i32 to vector<16xi32>
    %add3A_1023 = arith.addi %add3A_1022, %iota3A_1021 : vector<16xi32>
    %swap3A_1024 = arith.constant 48 : index
    %swap3A_1025 = tpu.vector_load %arg21[%swap3A_1024] {strides = array<i32>} : memref<112xi32, #tpu.memory_space<vmem>>, vector<16xi32>,
    %swap3A_1026 = vector.shape_cast %swap3A_1025 : vector<16xi32> to vector<16xi32>
    %swap3A_1027 = vector.shape_cast %add3A_1023 : vector<16xi32> to vector<16xi32>
    tpu.vector_store %arg21[%swap3A_1024], %swap3A_1027 {strides = array<i32>} : memref<112xi32, #tpu.memory_space<vmem>>, vector<16xi32>,
    %add3A_1028 = arith.constant 64 : i32
    %add3A_1029 = arith.addi %add3A_991, %add3A_1028 : i32
    %iota3A_1030 = tpu.iota {dimensions = array<i32: 0>} : vector<16xi32>
    %add3A_1031 = vector.broadcast %add3A_1029 : i32 to vector<16xi32>
    %add3A_1032 = arith.addi %add3A_1031, %iota3A_1030 : vector<16xi32>
    %swap3A_1033 = arith.constant 64 : index
    %swap3A_1034 = tpu.vector_load %arg21[%swap3A_1033] {strides = array<i32>} : memref<112xi32, #tpu.memory_space<vmem>>, vector<16xi32>,
    %swap3A_1035 = vector.shape_cast %swap3A_1034 : vector<16xi32> to vector<16xi32>
    %swap3A_1036 = vector.shape_cast %add3A_1032 : vector<16xi32> to vector<16xi32>
    tpu.vector_store %arg21[%swap3A_1033], %swap3A_1036 {strides = array<i32>} : memref<112xi32, #tpu.memory_space<vmem>>, vector<16xi32>,
    %add3A_1037 = arith.constant 80 : i32
    %add3A_1038 = arith.addi %add3A_991, %add3A_1037 : i32
    %iota3A_1039 = tpu.iota {dimensions = array<i32: 0>} : vector<16xi32>
    %add3A_1040 = vector.broadcast %add3A_1038 : i32 to vector<16xi32>
    %add3A_1041 = arith.addi %add3A_1040, %iota3A_1039 : vector<16xi32>
    %swap3A_1042 = arith.constant 80 : index
    %swap3A_1043 = tpu.vector_load %arg21[%swap3A_1042] {strides = array<i32>} : memref<112xi32, #tpu.memory_space<vmem>>, vector<16xi32>,
    %swap3A_1044 = vector.shape_cast %swap3A_1043 : vector<16xi32> to vector<16xi32>
    %swap3A_1045 = vector.shape_cast %add3A_1041 : vector<16xi32> to vector<16xi32>
    tpu.vector_store %arg21[%swap3A_1042], %swap3A_1045 {strides = array<i32>} : memref<112xi32, #tpu.memory_space<vmem>>, vector<16xi32>,
    %add3A_1046 = arith.constant 96 : i32
    %add3A_1047 = arith.addi %add3A_991, %add3A_1046 : i32
    %iota3A_1048 = tpu.iota {dimensions = array<i32: 0>} : vector<16xi32>
    %add3A_1049 = vector.broadcast %add3A_1047 : i32 to vector<16xi32>
    %add3A_1050 = arith.addi %add3A_1049, %iota3A_1048 : vector<16xi32>
    %swap3A_1051 = arith.constant 96 : index
    %swap3A_1052 = tpu.vector_load %arg21[%swap3A_1051] {strides = array<i32>} : memref<112xi32, #tpu.memory_space<vmem>>, vector<16xi32>,
    %swap3A_1053 = vector.shape_cast %swap3A_1052 : vector<16xi32> to vector<16xi32>
    %swap3A_1054 = vector.shape_cast %add3A_1050 : vector<16xi32> to vector<16xi32>
    tpu.vector_store %arg21[%swap3A_1051], %swap3A_1054 {strides = array<i32>} : memref<112xi32, #tpu.memory_space<vmem>>, vector<16xi32>,
    "tpu.region"() ({
      %run_scoped3A = tpu.sem_alloc : memref<!tpu.dma_semaphore, #tpu.memory_space<semaphore_mem>>
      %dma_start3A_1867 = arith.constant 0 : i32
      %dma_start3A_1868 = arith.constant 0 : i32
      %dma_start3A_1869 = tpu.memref_slice %arg10[%dma_start3A_1867, %dma_start3A_1868] : memref<112x128xf32, #tpu.memory_space<vmem>> -> memref<112x128xf32, #tpu.memory_space<vmem>>
      %dma_start3A_1870 = arith.constant 0 : i32
      %dma_start3A_1871 = arith.constant 0 : i32
      %dma_start3A_1872 = tpu.memref_slice %arg9[%dma_start3A_1870, %dma_start3A_1871] : memref<10240x128xf32, #tpu.memory_space<vmem_shared>> -> memref<10240x128xf32, #tpu.memory_space<vmem_shared>>
      tpu.enqueue_indirect_dma source(%dma_start3A_1869 : memref<112x128xf32, #tpu.memory_space<vmem>>) target(%dma_start3A_1872 : memref<10240x128xf32, #tpu.memory_space<vmem_shared>>) offsets(%arg21 : memref<112xi32, #tpu.memory_space<vmem>>) semaphore(%run_scoped3A : memref<!tpu.dma_semaphore, #tpu.memory_space<semaphore_mem>>)
      %dma_wait3A_1873 = arith.constant 0 : i32
      %dma_wait3A_1874 = arith.constant 0 : i32
      %dma_wait3A_1875 = tpu.memref_slice %arg10[%dma_wait3A_1873, %dma_wait3A_1874] : memref<112x128xf32, #tpu.memory_space<vmem>> -> memref<112x128xf32, #tpu.memory_space<vmem>>
      %dma_wait3A_1876 = arith.constant 0 : i32
      %dma_wait3A_1877 = arith.constant 0 : i32
      %dma_wait3A_1878 = tpu.memref_slice %arg9[%dma_wait3A_1876, %dma_wait3A_1877] : memref<10240x128xf32, #tpu.memory_space<vmem_shared>> -> memref<10240x128xf32, #tpu.memory_space<vmem_shared>>
      tpu.wait_indirect_dma semaphore(%run_scoped3A : memref<!tpu.dma_semaphore, #tpu.memory_space<semaphore_mem>>) src(%dma_wait3A_1875 : memref<112x128xf32, #tpu.memory_space<vmem>>) dst(%dma_wait3A_1878 : memref<10240x128xf32, #tpu.memory_space<vmem_shared>>)
      tpu.yield
    }) : () -> ()
    %add3A_1055 = arith.constant 224 : i32
    %add3A_1056 = arith.addi %mul3A_0, %add3A_1055 : i32
    %add3A_1057 = arith.constant 0 : i32
    %add3A_1058 = arith.addi %add3A_1056, %add3A_1057 : i32
    %iota3A_1059 = tpu.iota {dimensions = array<i32: 0>} : vector<16xi32>
    %add3A_1060 = vector.broadcast %add3A_1058 : i32 to vector<16xi32>
    %add3A_1061 = arith.addi %add3A_1060, %iota3A_1059 : vector<16xi32>
    %swap3A_1062 = arith.constant 0 : index
    %swap3A_1063 = tpu.vector_load %arg21[%swap3A_1062] {strides = array<i32>} : memref<112xi32, #tpu.memory_space<vmem>>, vector<16xi32>,
    %swap3A_1064 = vector.shape_cast %swap3A_1063 : vector<16xi32> to vector<16xi32>
    %swap3A_1065 = vector.shape_cast %add3A_1061 : vector<16xi32> to vector<16xi32>
    tpu.vector_store %arg21[%swap3A_1062], %swap3A_1065 {strides = array<i32>} : memref<112xi32, #tpu.memory_space<vmem>>, vector<16xi32>,
    %add3A_1066 = arith.constant 16 : i32
    %add3A_1067 = arith.addi %add3A_1056, %add3A_1066 : i32
    %iota3A_1068 = tpu.iota {dimensions = array<i32: 0>} : vector<16xi32>
    %add3A_1069 = vector.broadcast %add3A_1067 : i32 to vector<16xi32>
    %add3A_1070 = arith.addi %add3A_1069, %iota3A_1068 : vector<16xi32>
    %swap3A_1071 = arith.constant 16 : index
    %swap3A_1072 = tpu.vector_load %arg21[%swap3A_1071] {strides = array<i32>} : memref<112xi32, #tpu.memory_space<vmem>>, vector<16xi32>,
    %swap3A_1073 = vector.shape_cast %swap3A_1072 : vector<16xi32> to vector<16xi32>
    %swap3A_1074 = vector.shape_cast %add3A_1070 : vector<16xi32> to vector<16xi32>
    tpu.vector_store %arg21[%swap3A_1071], %swap3A_1074 {strides = array<i32>} : memref<112xi32, #tpu.memory_space<vmem>>, vector<16xi32>,
    %add3A_1075 = arith.constant 32 : i32
    %add3A_1076 = arith.addi %add3A_1056, %add3A_1075 : i32
    %iota3A_1077 = tpu.iota {dimensions = array<i32: 0>} : vector<16xi32>
    %add3A_1078 = vector.broadcast %add3A_1076 : i32 to vector<16xi32>
    %add3A_1079 = arith.addi %add3A_1078, %iota3A_1077 : vector<16xi32>
    %swap3A_1080 = arith.constant 32 : index
    %swap3A_1081 = tpu.vector_load %arg21[%swap3A_1080] {strides = array<i32>} : memref<112xi32, #tpu.memory_space<vmem>>, vector<16xi32>,
    %swap3A_1082 = vector.shape_cast %swap3A_1081 : vector<16xi32> to vector<16xi32>
    %swap3A_1083 = vector.shape_cast %add3A_1079 : vector<16xi32> to vector<16xi32>
    tpu.vector_store %arg21[%swap3A_1080], %swap3A_1083 {strides = array<i32>} : memref<112xi32, #tpu.memory_space<vmem>>, vector<16xi32>,
    %add3A_1084 = arith.constant 48 : i32
    %add3A_1085 = arith.addi %add3A_1056, %add3A_1084 : i32
    %iota3A_1086 = tpu.iota {dimensions = array<i32: 0>} : vector<16xi32>
    %add3A_1087 = vector.broadcast %add3A_1085 : i32 to vector<16xi32>
    %add3A_1088 = arith.addi %add3A_1087, %iota3A_1086 : vector<16xi32>
    %swap3A_1089 = arith.constant 48 : index
    %swap3A_1090 = tpu.vector_load %arg21[%swap3A_1089] {strides = array<i32>} : memref<112xi32, #tpu.memory_space<vmem>>, vector<16xi32>,
    %swap3A_1091 = vector.shape_cast %swap3A_1090 : vector<16xi32> to vector<16xi32>
    %swap3A_1092 = vector.shape_cast %add3A_1088 : vector<16xi32> to vector<16xi32>
    tpu.vector_store %arg21[%swap3A_1089], %swap3A_1092 {strides = array<i32>} : memref<112xi32, #tpu.memory_space<vmem>>, vector<16xi32>,
    %add3A_1093 = arith.constant 64 : i32
    %add3A_1094 = arith.addi %add3A_1056, %add3A_1093 : i32
    %iota3A_1095 = tpu.iota {dimensions = array<i32: 0>} : vector<16xi32>
    %add3A_1096 = vector.broadcast %add3A_1094 : i32 to vector<16xi32>
    %add3A_1097 = arith.addi %add3A_1096, %iota3A_1095 : vector<16xi32>
    %swap3A_1098 = arith.constant 64 : index
    %swap3A_1099 = tpu.vector_load %arg21[%swap3A_1098] {strides = array<i32>} : memref<112xi32, #tpu.memory_space<vmem>>, vector<16xi32>,
    %swap3A_1100 = vector.shape_cast %swap3A_1099 : vector<16xi32> to vector<16xi32>
    %swap3A_1101 = vector.shape_cast %add3A_1097 : vector<16xi32> to vector<16xi32>
    tpu.vector_store %arg21[%swap3A_1098], %swap3A_1101 {strides = array<i32>} : memref<112xi32, #tpu.memory_space<vmem>>, vector<16xi32>,
    %add3A_1102 = arith.constant 80 : i32
    %add3A_1103 = arith.addi %add3A_1056, %add3A_1102 : i32
    %iota3A_1104 = tpu.iota {dimensions = array<i32: 0>} : vector<16xi32>
    %add3A_1105 = vector.broadcast %add3A_1103 : i32 to vector<16xi32>
    %add3A_1106 = arith.addi %add3A_1105, %iota3A_1104 : vector<16xi32>
    %swap3A_1107 = arith.constant 80 : index
    %swap3A_1108 = tpu.vector_load %arg21[%swap3A_1107] {strides = array<i32>} : memref<112xi32, #tpu.memory_space<vmem>>, vector<16xi32>,
    %swap3A_1109 = vector.shape_cast %swap3A_1108 : vector<16xi32> to vector<16xi32>
    %swap3A_1110 = vector.shape_cast %add3A_1106 : vector<16xi32> to vector<16xi32>
    tpu.vector_store %arg21[%swap3A_1107], %swap3A_1110 {strides = array<i32>} : memref<112xi32, #tpu.memory_space<vmem>>, vector<16xi32>,
    %add3A_1111 = arith.constant 96 : i32
    %add3A_1112 = arith.addi %add3A_1056, %add3A_1111 : i32
    %iota3A_1113 = tpu.iota {dimensions = array<i32: 0>} : vector<16xi32>
    %add3A_1114 = vector.broadcast %add3A_1112 : i32 to vector<16xi32>
    %add3A_1115 = arith.addi %add3A_1114, %iota3A_1113 : vector<16xi32>
    %swap3A_1116 = arith.constant 96 : index
    %swap3A_1117 = tpu.vector_load %arg21[%swap3A_1116] {strides = array<i32>} : memref<112xi32, #tpu.memory_space<vmem>>, vector<16xi32>,
    %swap3A_1118 = vector.shape_cast %swap3A_1117 : vector<16xi32> to vector<16xi32>
    %swap3A_1119 = vector.shape_cast %add3A_1115 : vector<16xi32> to vector<16xi32>
    tpu.vector_store %arg21[%swap3A_1116], %swap3A_1119 {strides = array<i32>} : memref<112xi32, #tpu.memory_space<vmem>>, vector<16xi32>,
    "tpu.region"() ({
      %run_scoped3A = tpu.sem_alloc : memref<!tpu.dma_semaphore, #tpu.memory_space<semaphore_mem>>
      %dma_start3A_1867 = arith.constant 0 : i32
      %dma_start3A_1868 = arith.constant 0 : i32
      %dma_start3A_1869 = tpu.memref_slice %arg10[%dma_start3A_1867, %dma_start3A_1868] : memref<112x128xf32, #tpu.memory_space<vmem>> -> memref<112x128xf32, #tpu.memory_space<vmem>>
      %dma_start3A_1870 = arith.constant 0 : i32
      %dma_start3A_1871 = arith.constant 0 : i32
      %dma_start3A_1872 = tpu.memref_slice %arg9[%dma_start3A_1870, %dma_start3A_1871] : memref<10240x128xf32, #tpu.memory_space<vmem_shared>> -> memref<10240x128xf32, #tpu.memory_space<vmem_shared>>
      tpu.enqueue_indirect_dma source(%dma_start3A_1869 : memref<112x128xf32, #tpu.memory_space<vmem>>) target(%dma_start3A_1872 : memref<10240x128xf32, #tpu.memory_space<vmem_shared>>) offsets(%arg21 : memref<112xi32, #tpu.memory_space<vmem>>) semaphore(%run_scoped3A : memref<!tpu.dma_semaphore, #tpu.memory_space<semaphore_mem>>)
      %dma_wait3A_1873 = arith.constant 0 : i32
      %dma_wait3A_1874 = arith.constant 0 : i32
      %dma_wait3A_1875 = tpu.memref_slice %arg10[%dma_wait3A_1873, %dma_wait3A_1874] : memref<112x128xf32, #tpu.memory_space<vmem>> -> memref<112x128xf32, #tpu.memory_space<vmem>>
      %dma_wait3A_1876 = arith.constant 0 : i32
      %dma_wait3A_1877 = arith.constant 0 : i32
      %dma_wait3A_1878 = tpu.memref_slice %arg9[%dma_wait3A_1876, %dma_wait3A_1877] : memref<10240x128xf32, #tpu.memory_space<vmem_shared>> -> memref<10240x128xf32, #tpu.memory_space<vmem_shared>>
      tpu.wait_indirect_dma semaphore(%run_scoped3A : memref<!tpu.dma_semaphore, #tpu.memory_space<semaphore_mem>>) src(%dma_wait3A_1875 : memref<112x128xf32, #tpu.memory_space<vmem>>) dst(%dma_wait3A_1878 : memref<10240x128xf32, #tpu.memory_space<vmem_shared>>)
      tpu.yield
    }) : () -> ()
    %add3A_1120 = arith.constant 336 : i32
    %add3A_1121 = arith.addi %mul3A_0, %add3A_1120 : i32
    %add3A_1122 = arith.constant 0 : i32
    %add3A_1123 = arith.addi %add3A_1121, %add3A_1122 : i32
    %iota3A_1124 = tpu.iota {dimensions = array<i32: 0>} : vector<16xi32>
    %add3A_1125 = vector.broadcast %add3A_1123 : i32 to vector<16xi32>
    %add3A_1126 = arith.addi %add3A_1125, %iota3A_1124 : vector<16xi32>
    %swap3A_1127 = arith.constant 0 : index
    %swap3A_1128 = tpu.vector_load %arg21[%swap3A_1127] {strides = array<i32>} : memref<112xi32, #tpu.memory_space<vmem>>, vector<16xi32>,
    %swap3A_1129 = vector.shape_cast %swap3A_1128 : vector<16xi32> to vector<16xi32>
    %swap3A_1130 = vector.shape_cast %add3A_1126 : vector<16xi32> to vector<16xi32>
    tpu.vector_store %arg21[%swap3A_1127], %swap3A_1130 {strides = array<i32>} : memref<112xi32, #tpu.memory_space<vmem>>, vector<16xi32>,
    %add3A_1131 = arith.constant 16 : i32
    %add3A_1132 = arith.addi %add3A_1121, %add3A_1131 : i32
    %iota3A_1133 = tpu.iota {dimensions = array<i32: 0>} : vector<16xi32>
    %add3A_1134 = vector.broadcast %add3A_1132 : i32 to vector<16xi32>
    %add3A_1135 = arith.addi %add3A_1134, %iota3A_1133 : vector<16xi32>
    %swap3A_1136 = arith.constant 16 : index
    %swap3A_1137 = tpu.vector_load %arg21[%swap3A_1136] {strides = array<i32>} : memref<112xi32, #tpu.memory_space<vmem>>, vector<16xi32>,
    %swap3A_1138 = vector.shape_cast %swap3A_1137 : vector<16xi32> to vector<16xi32>
    %swap3A_1139 = vector.shape_cast %add3A_1135 : vector<16xi32> to vector<16xi32>
    tpu.vector_store %arg21[%swap3A_1136], %swap3A_1139 {strides = array<i32>} : memref<112xi32, #tpu.memory_space<vmem>>, vector<16xi32>,
    %add3A_1140 = arith.constant 32 : i32
    %add3A_1141 = arith.addi %add3A_1121, %add3A_1140 : i32
    %iota3A_1142 = tpu.iota {dimensions = array<i32: 0>} : vector<16xi32>
    %add3A_1143 = vector.broadcast %add3A_1141 : i32 to vector<16xi32>
    %add3A_1144 = arith.addi %add3A_1143, %iota3A_1142 : vector<16xi32>
    %swap3A_1145 = arith.constant 32 : index
    %swap3A_1146 = tpu.vector_load %arg21[%swap3A_1145] {strides = array<i32>} : memref<112xi32, #tpu.memory_space<vmem>>, vector<16xi32>,
    %swap3A_1147 = vector.shape_cast %swap3A_1146 : vector<16xi32> to vector<16xi32>
    %swap3A_1148 = vector.shape_cast %add3A_1144 : vector<16xi32> to vector<16xi32>
    tpu.vector_store %arg21[%swap3A_1145], %swap3A_1148 {strides = array<i32>} : memref<112xi32, #tpu.memory_space<vmem>>, vector<16xi32>,
    %add3A_1149 = arith.constant 48 : i32
    %add3A_1150 = arith.addi %add3A_1121, %add3A_1149 : i32
    %iota3A_1151 = tpu.iota {dimensions = array<i32: 0>} : vector<16xi32>
    %add3A_1152 = vector.broadcast %add3A_1150 : i32 to vector<16xi32>
    %add3A_1153 = arith.addi %add3A_1152, %iota3A_1151 : vector<16xi32>
    %swap3A_1154 = arith.constant 48 : index
    %swap3A_1155 = tpu.vector_load %arg21[%swap3A_1154] {strides = array<i32>} : memref<112xi32, #tpu.memory_space<vmem>>, vector<16xi32>,
    %swap3A_1156 = vector.shape_cast %swap3A_1155 : vector<16xi32> to vector<16xi32>
    %swap3A_1157 = vector.shape_cast %add3A_1153 : vector<16xi32> to vector<16xi32>
    tpu.vector_store %arg21[%swap3A_1154], %swap3A_1157 {strides = array<i32>} : memref<112xi32, #tpu.memory_space<vmem>>, vector<16xi32>,
    %add3A_1158 = arith.constant 64 : i32
    %add3A_1159 = arith.addi %add3A_1121, %add3A_1158 : i32
    %iota3A_1160 = tpu.iota {dimensions = array<i32: 0>} : vector<16xi32>
    %add3A_1161 = vector.broadcast %add3A_1159 : i32 to vector<16xi32>
    %add3A_1162 = arith.addi %add3A_1161, %iota3A_1160 : vector<16xi32>
    %swap3A_1163 = arith.constant 64 : index
    %swap3A_1164 = tpu.vector_load %arg21[%swap3A_1163] {strides = array<i32>} : memref<112xi32, #tpu.memory_space<vmem>>, vector<16xi32>,
    %swap3A_1165 = vector.shape_cast %swap3A_1164 : vector<16xi32> to vector<16xi32>
    %swap3A_1166 = vector.shape_cast %add3A_1162 : vector<16xi32> to vector<16xi32>
    tpu.vector_store %arg21[%swap3A_1163], %swap3A_1166 {strides = array<i32>} : memref<112xi32, #tpu.memory_space<vmem>>, vector<16xi32>,
    %add3A_1167 = arith.constant 80 : i32
    %add3A_1168 = arith.addi %add3A_1121, %add3A_1167 : i32
    %iota3A_1169 = tpu.iota {dimensions = array<i32: 0>} : vector<16xi32>
    %add3A_1170 = vector.broadcast %add3A_1168 : i32 to vector<16xi32>
    %add3A_1171 = arith.addi %add3A_1170, %iota3A_1169 : vector<16xi32>
    %swap3A_1172 = arith.constant 80 : index
    %swap3A_1173 = tpu.vector_load %arg21[%swap3A_1172] {strides = array<i32>} : memref<112xi32, #tpu.memory_space<vmem>>, vector<16xi32>,
    %swap3A_1174 = vector.shape_cast %swap3A_1173 : vector<16xi32> to vector<16xi32>
    %swap3A_1175 = vector.shape_cast %add3A_1171 : vector<16xi32> to vector<16xi32>
    tpu.vector_store %arg21[%swap3A_1172], %swap3A_1175 {strides = array<i32>} : memref<112xi32, #tpu.memory_space<vmem>>, vector<16xi32>,
    %add3A_1176 = arith.constant 96 : i32
    %add3A_1177 = arith.addi %add3A_1121, %add3A_1176 : i32
    %iota3A_1178 = tpu.iota {dimensions = array<i32: 0>} : vector<16xi32>
    %add3A_1179 = vector.broadcast %add3A_1177 : i32 to vector<16xi32>
    %add3A_1180 = arith.addi %add3A_1179, %iota3A_1178 : vector<16xi32>
    %swap3A_1181 = arith.constant 96 : index
    %swap3A_1182 = tpu.vector_load %arg21[%swap3A_1181] {strides = array<i32>} : memref<112xi32, #tpu.memory_space<vmem>>, vector<16xi32>,
    %swap3A_1183 = vector.shape_cast %swap3A_1182 : vector<16xi32> to vector<16xi32>
    %swap3A_1184 = vector.shape_cast %add3A_1180 : vector<16xi32> to vector<16xi32>
    tpu.vector_store %arg21[%swap3A_1181], %swap3A_1184 {strides = array<i32>} : memref<112xi32, #tpu.memory_space<vmem>>, vector<16xi32>,
    "tpu.region"() ({
      %run_scoped3A = tpu.sem_alloc : memref<!tpu.dma_semaphore, #tpu.memory_space<semaphore_mem>>
      %dma_start3A_1867 = arith.constant 0 : i32
      %dma_start3A_1868 = arith.constant 0 : i32
      %dma_start3A_1869 = tpu.memref_slice %arg10[%dma_start3A_1867, %dma_start3A_1868] : memref<112x128xf32, #tpu.memory_space<vmem>> -> memref<112x128xf32, #tpu.memory_space<vmem>>
      %dma_start3A_1870 = arith.constant 0 : i32
      %dma_start3A_1871 = arith.constant 0 : i32
      %dma_start3A_1872 = tpu.memref_slice %arg9[%dma_start3A_1870, %dma_start3A_1871] : memref<10240x128xf32, #tpu.memory_space<vmem_shared>> -> memref<10240x128xf32, #tpu.memory_space<vmem_shared>>
      tpu.enqueue_indirect_dma source(%dma_start3A_1869 : memref<112x128xf32, #tpu.memory_space<vmem>>) target(%dma_start3A_1872 : memref<10240x128xf32, #tpu.memory_space<vmem_shared>>) offsets(%arg21 : memref<112xi32, #tpu.memory_space<vmem>>) semaphore(%run_scoped3A : memref<!tpu.dma_semaphore, #tpu.memory_space<semaphore_mem>>)
      %dma_wait3A_1873 = arith.constant 0 : i32
      %dma_wait3A_1874 = arith.constant 0 : i32
      %dma_wait3A_1875 = tpu.memref_slice %arg10[%dma_wait3A_1873, %dma_wait3A_1874] : memref<112x128xf32, #tpu.memory_space<vmem>> -> memref<112x128xf32, #tpu.memory_space<vmem>>
      %dma_wait3A_1876 = arith.constant 0 : i32
      %dma_wait3A_1877 = arith.constant 0 : i32
      %dma_wait3A_1878 = tpu.memref_slice %arg9[%dma_wait3A_1876, %dma_wait3A_1877] : memref<10240x128xf32, #tpu.memory_space<vmem_shared>> -> memref<10240x128xf32, #tpu.memory_space<vmem_shared>>
      tpu.wait_indirect_dma semaphore(%run_scoped3A : memref<!tpu.dma_semaphore, #tpu.memory_space<semaphore_mem>>) src(%dma_wait3A_1875 : memref<112x128xf32, #tpu.memory_space<vmem>>) dst(%dma_wait3A_1878 : memref<10240x128xf32, #tpu.memory_space<vmem_shared>>)
      tpu.yield
    }) : () -> ()
    %add3A_1185 = arith.constant 448 : i32
    %add3A_1186 = arith.addi %mul3A_0, %add3A_1185 : i32
    %add3A_1187 = arith.constant 0 : i32
    %add3A_1188 = arith.addi %add3A_1186, %add3A_1187 : i32
    %iota3A_1189 = tpu.iota {dimensions = array<i32: 0>} : vector<16xi32>
    %add3A_1190 = vector.broadcast %add3A_1188 : i32 to vector<16xi32>
    %add3A_1191 = arith.addi %add3A_1190, %iota3A_1189 : vector<16xi32>
    %swap3A_1192 = arith.constant 0 : index
    %swap3A_1193 = tpu.vector_load %arg21[%swap3A_1192] {strides = array<i32>} : memref<112xi32, #tpu.memory_space<vmem>>, vector<16xi32>,
    %swap3A_1194 = vector.shape_cast %swap3A_1193 : vector<16xi32> to vector<16xi32>
    %swap3A_1195 = vector.shape_cast %add3A_1191 : vector<16xi32> to vector<16xi32>
    tpu.vector_store %arg21[%swap3A_1192], %swap3A_1195 {strides = array<i32>} : memref<112xi32, #tpu.memory_space<vmem>>, vector<16xi32>,
    %add3A_1196 = arith.constant 16 : i32
    %add3A_1197 = arith.addi %add3A_1186, %add3A_1196 : i32
    %iota3A_1198 = tpu.iota {dimensions = array<i32: 0>} : vector<16xi32>
    %add3A_1199 = vector.broadcast %add3A_1197 : i32 to vector<16xi32>
    %add3A_1200 = arith.addi %add3A_1199, %iota3A_1198 : vector<16xi32>
    %swap3A_1201 = arith.constant 16 : index
    %swap3A_1202 = tpu.vector_load %arg21[%swap3A_1201] {strides = array<i32>} : memref<112xi32, #tpu.memory_space<vmem>>, vector<16xi32>,
    %swap3A_1203 = vector.shape_cast %swap3A_1202 : vector<16xi32> to vector<16xi32>
    %swap3A_1204 = vector.shape_cast %add3A_1200 : vector<16xi32> to vector<16xi32>
    tpu.vector_store %arg21[%swap3A_1201], %swap3A_1204 {strides = array<i32>} : memref<112xi32, #tpu.memory_space<vmem>>, vector<16xi32>,
    %add3A_1205 = arith.constant 32 : i32
    %add3A_1206 = arith.addi %add3A_1186, %add3A_1205 : i32
    %iota3A_1207 = tpu.iota {dimensions = array<i32: 0>} : vector<16xi32>
    %add3A_1208 = vector.broadcast %add3A_1206 : i32 to vector<16xi32>
    %add3A_1209 = arith.addi %add3A_1208, %iota3A_1207 : vector<16xi32>
    %swap3A_1210 = arith.constant 32 : index
    %swap3A_1211 = tpu.vector_load %arg21[%swap3A_1210] {strides = array<i32>} : memref<112xi32, #tpu.memory_space<vmem>>, vector<16xi32>,
    %swap3A_1212 = vector.shape_cast %swap3A_1211 : vector<16xi32> to vector<16xi32>
    %swap3A_1213 = vector.shape_cast %add3A_1209 : vector<16xi32> to vector<16xi32>
    tpu.vector_store %arg21[%swap3A_1210], %swap3A_1213 {strides = array<i32>} : memref<112xi32, #tpu.memory_space<vmem>>, vector<16xi32>,
    %add3A_1214 = arith.constant 48 : i32
    %add3A_1215 = arith.addi %add3A_1186, %add3A_1214 : i32
    %iota3A_1216 = tpu.iota {dimensions = array<i32: 0>} : vector<16xi32>
    %add3A_1217 = vector.broadcast %add3A_1215 : i32 to vector<16xi32>
    %add3A_1218 = arith.addi %add3A_1217, %iota3A_1216 : vector<16xi32>
    %swap3A_1219 = arith.constant 48 : index
    %swap3A_1220 = tpu.vector_load %arg21[%swap3A_1219] {strides = array<i32>} : memref<112xi32, #tpu.memory_space<vmem>>, vector<16xi32>,
    %swap3A_1221 = vector.shape_cast %swap3A_1220 : vector<16xi32> to vector<16xi32>
    %swap3A_1222 = vector.shape_cast %add3A_1218 : vector<16xi32> to vector<16xi32>
    tpu.vector_store %arg21[%swap3A_1219], %swap3A_1222 {strides = array<i32>} : memref<112xi32, #tpu.memory_space<vmem>>, vector<16xi32>,
    %add3A_1223 = arith.constant 64 : i32
    %add3A_1224 = arith.addi %add3A_1186, %add3A_1223 : i32
    %iota3A_1225 = tpu.iota {dimensions = array<i32: 0>} : vector<16xi32>
    %add3A_1226 = vector.broadcast %add3A_1224 : i32 to vector<16xi32>
    %add3A_1227 = arith.addi %add3A_1226, %iota3A_1225 : vector<16xi32>
    %swap3A_1228 = arith.constant 64 : index
    %swap3A_1229 = tpu.vector_load %arg21[%swap3A_1228] {strides = array<i32>} : memref<112xi32, #tpu.memory_space<vmem>>, vector<16xi32>,
    %swap3A_1230 = vector.shape_cast %swap3A_1229 : vector<16xi32> to vector<16xi32>
    %swap3A_1231 = vector.shape_cast %add3A_1227 : vector<16xi32> to vector<16xi32>
    tpu.vector_store %arg21[%swap3A_1228], %swap3A_1231 {strides = array<i32>} : memref<112xi32, #tpu.memory_space<vmem>>, vector<16xi32>,
    %add3A_1232 = arith.constant 80 : i32
    %add3A_1233 = arith.addi %add3A_1186, %add3A_1232 : i32
    %iota3A_1234 = tpu.iota {dimensions = array<i32: 0>} : vector<16xi32>
    %add3A_1235 = vector.broadcast %add3A_1233 : i32 to vector<16xi32>
    %add3A_1236 = arith.addi %add3A_1235, %iota3A_1234 : vector<16xi32>
    %swap3A_1237 = arith.constant 80 : index
    %swap3A_1238 = tpu.vector_load %arg21[%swap3A_1237] {strides = array<i32>} : memref<112xi32, #tpu.memory_space<vmem>>, vector<16xi32>,
    %swap3A_1239 = vector.shape_cast %swap3A_1238 : vector<16xi32> to vector<16xi32>
    %swap3A_1240 = vector.shape_cast %add3A_1236 : vector<16xi32> to vector<16xi32>
    tpu.vector_store %arg21[%swap3A_1237], %swap3A_1240 {strides = array<i32>} : memref<112xi32, #tpu.memory_space<vmem>>, vector<16xi32>,
    %add3A_1241 = arith.constant 96 : i32
    %add3A_1242 = arith.addi %add3A_1186, %add3A_1241 : i32
    %iota3A_1243 = tpu.iota {dimensions = array<i32: 0>} : vector<16xi32>
    %add3A_1244 = vector.broadcast %add3A_1242 : i32 to vector<16xi32>
    %add3A_1245 = arith.addi %add3A_1244, %iota3A_1243 : vector<16xi32>
    %swap3A_1246 = arith.constant 96 : index
    %swap3A_1247 = tpu.vector_load %arg21[%swap3A_1246] {strides = array<i32>} : memref<112xi32, #tpu.memory_space<vmem>>, vector<16xi32>,
    %swap3A_1248 = vector.shape_cast %swap3A_1247 : vector<16xi32> to vector<16xi32>
    %swap3A_1249 = vector.shape_cast %add3A_1245 : vector<16xi32> to vector<16xi32>
    tpu.vector_store %arg21[%swap3A_1246], %swap3A_1249 {strides = array<i32>} : memref<112xi32, #tpu.memory_space<vmem>>, vector<16xi32>,
    "tpu.region"() ({
      %run_scoped3A = tpu.sem_alloc : memref<!tpu.dma_semaphore, #tpu.memory_space<semaphore_mem>>
      %dma_start3A_1867 = arith.constant 0 : i32
      %dma_start3A_1868 = arith.constant 0 : i32
      %dma_start3A_1869 = tpu.memref_slice %arg10[%dma_start3A_1867, %dma_start3A_1868] : memref<112x128xf32, #tpu.memory_space<vmem>> -> memref<112x128xf32, #tpu.memory_space<vmem>>
      %dma_start3A_1870 = arith.constant 0 : i32
      %dma_start3A_1871 = arith.constant 0 : i32
      %dma_start3A_1872 = tpu.memref_slice %arg9[%dma_start3A_1870, %dma_start3A_1871] : memref<10240x128xf32, #tpu.memory_space<vmem_shared>> -> memref<10240x128xf32, #tpu.memory_space<vmem_shared>>
      tpu.enqueue_indirect_dma source(%dma_start3A_1869 : memref<112x128xf32, #tpu.memory_space<vmem>>) target(%dma_start3A_1872 : memref<10240x128xf32, #tpu.memory_space<vmem_shared>>) offsets(%arg21 : memref<112xi32, #tpu.memory_space<vmem>>) semaphore(%run_scoped3A : memref<!tpu.dma_semaphore, #tpu.memory_space<semaphore_mem>>)
      %dma_wait3A_1873 = arith.constant 0 : i32
      %dma_wait3A_1874 = arith.constant 0 : i32
      %dma_wait3A_1875 = tpu.memref_slice %arg10[%dma_wait3A_1873, %dma_wait3A_1874] : memref<112x128xf32, #tpu.memory_space<vmem>> -> memref<112x128xf32, #tpu.memory_space<vmem>>
      %dma_wait3A_1876 = arith.constant 0 : i32
      %dma_wait3A_1877 = arith.constant 0 : i32
      %dma_wait3A_1878 = tpu.memref_slice %arg9[%dma_wait3A_1876, %dma_wait3A_1877] : memref<10240x128xf32, #tpu.memory_space<vmem_shared>> -> memref<10240x128xf32, #tpu.memory_space<vmem_shared>>
      tpu.wait_indirect_dma semaphore(%run_scoped3A : memref<!tpu.dma_semaphore, #tpu.memory_space<semaphore_mem>>) src(%dma_wait3A_1875 : memref<112x128xf32, #tpu.memory_space<vmem>>) dst(%dma_wait3A_1878 : memref<10240x128xf32, #tpu.memory_space<vmem_shared>>)
      tpu.yield
    }) : () -> ()
    %add3A_1250 = arith.constant 560 : i32
    %add3A_1251 = arith.addi %mul3A_0, %add3A_1250 : i32
    %add3A_1252 = arith.constant 0 : i32
    %add3A_1253 = arith.addi %add3A_1251, %add3A_1252 : i32
    %iota3A_1254 = tpu.iota {dimensions = array<i32: 0>} : vector<16xi32>
    %add3A_1255 = vector.broadcast %add3A_1253 : i32 to vector<16xi32>
    %add3A_1256 = arith.addi %add3A_1255, %iota3A_1254 : vector<16xi32>
    %swap3A_1257 = arith.constant 0 : index
    %swap3A_1258 = tpu.vector_load %arg22[%swap3A_1257] {strides = array<i32>} : memref<80xi32, #tpu.memory_space<vmem>>, vector<16xi32>,
    %swap3A_1259 = vector.shape_cast %swap3A_1258 : vector<16xi32> to vector<16xi32>
    %swap3A_1260 = vector.shape_cast %add3A_1256 : vector<16xi32> to vector<16xi32>
    tpu.vector_store %arg22[%swap3A_1257], %swap3A_1260 {strides = array<i32>} : memref<80xi32, #tpu.memory_space<vmem>>, vector<16xi32>,
    %add3A_1261 = arith.constant 16 : i32
    %add3A_1262 = arith.addi %add3A_1251, %add3A_1261 : i32
    %iota3A_1263 = tpu.iota {dimensions = array<i32: 0>} : vector<16xi32>
    %add3A_1264 = vector.broadcast %add3A_1262 : i32 to vector<16xi32>
    %add3A_1265 = arith.addi %add3A_1264, %iota3A_1263 : vector<16xi32>
    %swap3A_1266 = arith.constant 16 : index
    %swap3A_1267 = tpu.vector_load %arg22[%swap3A_1266] {strides = array<i32>} : memref<80xi32, #tpu.memory_space<vmem>>, vector<16xi32>,
    %swap3A_1268 = vector.shape_cast %swap3A_1267 : vector<16xi32> to vector<16xi32>
    %swap3A_1269 = vector.shape_cast %add3A_1265 : vector<16xi32> to vector<16xi32>
    tpu.vector_store %arg22[%swap3A_1266], %swap3A_1269 {strides = array<i32>} : memref<80xi32, #tpu.memory_space<vmem>>, vector<16xi32>,
    %add3A_1270 = arith.constant 32 : i32
    %add3A_1271 = arith.addi %add3A_1251, %add3A_1270 : i32
    %iota3A_1272 = tpu.iota {dimensions = array<i32: 0>} : vector<16xi32>
    %add3A_1273 = vector.broadcast %add3A_1271 : i32 to vector<16xi32>
    %add3A_1274 = arith.addi %add3A_1273, %iota3A_1272 : vector<16xi32>
    %swap3A_1275 = arith.constant 32 : index
    %swap3A_1276 = tpu.vector_load %arg22[%swap3A_1275] {strides = array<i32>} : memref<80xi32, #tpu.memory_space<vmem>>, vector<16xi32>,
    %swap3A_1277 = vector.shape_cast %swap3A_1276 : vector<16xi32> to vector<16xi32>
    %swap3A_1278 = vector.shape_cast %add3A_1274 : vector<16xi32> to vector<16xi32>
    tpu.vector_store %arg22[%swap3A_1275], %swap3A_1278 {strides = array<i32>} : memref<80xi32, #tpu.memory_space<vmem>>, vector<16xi32>,
    %add3A_1279 = arith.constant 48 : i32
    %add3A_1280 = arith.addi %add3A_1251, %add3A_1279 : i32
    %iota3A_1281 = tpu.iota {dimensions = array<i32: 0>} : vector<16xi32>
    %add3A_1282 = vector.broadcast %add3A_1280 : i32 to vector<16xi32>
    %add3A_1283 = arith.addi %add3A_1282, %iota3A_1281 : vector<16xi32>
    %swap3A_1284 = arith.constant 48 : index
    %swap3A_1285 = tpu.vector_load %arg22[%swap3A_1284] {strides = array<i32>} : memref<80xi32, #tpu.memory_space<vmem>>, vector<16xi32>,
    %swap3A_1286 = vector.shape_cast %swap3A_1285 : vector<16xi32> to vector<16xi32>
    %swap3A_1287 = vector.shape_cast %add3A_1283 : vector<16xi32> to vector<16xi32>
    tpu.vector_store %arg22[%swap3A_1284], %swap3A_1287 {strides = array<i32>} : memref<80xi32, #tpu.memory_space<vmem>>, vector<16xi32>,
    %add3A_1288 = arith.constant 64 : i32
    %add3A_1289 = arith.addi %add3A_1251, %add3A_1288 : i32
    %iota3A_1290 = tpu.iota {dimensions = array<i32: 0>} : vector<16xi32>
    %add3A_1291 = vector.broadcast %add3A_1289 : i32 to vector<16xi32>
    %add3A_1292 = arith.addi %add3A_1291, %iota3A_1290 : vector<16xi32>
    %swap3A_1293 = arith.constant 64 : index
    %swap3A_1294 = tpu.vector_load %arg22[%swap3A_1293] {strides = array<i32>} : memref<80xi32, #tpu.memory_space<vmem>>, vector<16xi32>,
    %swap3A_1295 = vector.shape_cast %swap3A_1294 : vector<16xi32> to vector<16xi32>
    %swap3A_1296 = vector.shape_cast %add3A_1292 : vector<16xi32> to vector<16xi32>
    tpu.vector_store %arg22[%swap3A_1293], %swap3A_1296 {strides = array<i32>} : memref<80xi32, #tpu.memory_space<vmem>>, vector<16xi32>,
    "tpu.region"() ({
      %run_scoped3A = tpu.sem_alloc : memref<!tpu.dma_semaphore, #tpu.memory_space<semaphore_mem>>
      %dma_start3A_1867 = arith.constant 0 : i32
      %dma_start3A_1868 = arith.constant 0 : i32
      %dma_start3A_1869 = tpu.memref_slice %arg10[%dma_start3A_1867, %dma_start3A_1868] : memref<112x128xf32, #tpu.memory_space<vmem>> -> memref<80x128xf32, #tpu.memory_space<vmem>>
      %dma_start3A_1870 = arith.constant 0 : i32
      %dma_start3A_1871 = arith.constant 0 : i32
      %dma_start3A_1872 = tpu.memref_slice %arg9[%dma_start3A_1870, %dma_start3A_1871] : memref<10240x128xf32, #tpu.memory_space<vmem_shared>> -> memref<10240x128xf32, #tpu.memory_space<vmem_shared>>
      tpu.enqueue_indirect_dma source(%dma_start3A_1869 : memref<80x128xf32, #tpu.memory_space<vmem>>) target(%dma_start3A_1872 : memref<10240x128xf32, #tpu.memory_space<vmem_shared>>) offsets(%arg22 : memref<80xi32, #tpu.memory_space<vmem>>) semaphore(%run_scoped3A : memref<!tpu.dma_semaphore, #tpu.memory_space<semaphore_mem>>)
      %dma_wait3A_1873 = arith.constant 0 : i32
      %dma_wait3A_1874 = arith.constant 0 : i32
      %dma_wait3A_1875 = tpu.memref_slice %arg10[%dma_wait3A_1873, %dma_wait3A_1874] : memref<112x128xf32, #tpu.memory_space<vmem>> -> memref<80x128xf32, #tpu.memory_space<vmem>>
      %dma_wait3A_1876 = arith.constant 0 : i32
      %dma_wait3A_1877 = arith.constant 0 : i32
      %dma_wait3A_1878 = tpu.memref_slice %arg9[%dma_wait3A_1876, %dma_wait3A_1877] : memref<10240x128xf32, #tpu.memory_space<vmem_shared>> -> memref<10240x128xf32, #tpu.memory_space<vmem_shared>>
      tpu.wait_indirect_dma semaphore(%run_scoped3A : memref<!tpu.dma_semaphore, #tpu.memory_space<semaphore_mem>>) src(%dma_wait3A_1875 : memref<80x128xf32, #tpu.memory_space<vmem>>) dst(%dma_wait3A_1878 : memref<10240x128xf32, #tpu.memory_space<vmem_shared>>)
      tpu.yield
    }) : () -> ()
    %barrier3A_1297 = arith.constant 0 : index
    tpu.barrier barrier_id(%barrier3A_1297)
    %mul3A_1298 = arith.constant 20608 : i32
    %mul3A_1299 = arith.muli %arg1, %mul3A_1298 : i32
    %add3A_1300 = arith.constant 0 : i32
    %add3A_1301 = arith.addi %mul3A_1299, %add3A_1300 : i32
    %eq3A_1302 = arith.constant 0 : i32
    %eq3A_1303 = arith.cmpi eq, %arg0, %eq3A_1302 : i32
    %convert_element_type3A = arith.extui %eq3A_1303 : i1 to i32
    %cond3A = arith.constant 0 : i32
    %cond3A_1304 = arith.cmpi ne, %convert_element_type3A, %cond3A : i32
    scf.if %cond3A_1304 {
      %dma_start3A_1867 = tpu.memref_slice %arg3[%add3A_1301] : memref<329728xi32, #tpu.memory_space<hbm>> -> memref<112xi32, #tpu.memory_space<hbm>>
      %dma_start3A_1868 = tpu.memref_slice %arg3[%add3A_1301] : memref<329728xi32, #tpu.memory_space<hbm>> -> memref<112xi32, #tpu.memory_space<hbm>>
      tpu.enqueue_dma source(%dma_start3A_1868 : memref<112xi32, #tpu.memory_space<hbm>>) target(%arg12 : memref<112xi32, #tpu.memory_space<vmem>>) target_semaphore(%arg25 : memref<!tpu.dma_semaphore, #tpu.memory_space<semaphore_mem>>)
    } else {
    }
    %eq3A_1305 = arith.constant 1 : i32
    %eq3A_1306 = arith.cmpi eq, %arg0, %eq3A_1305 : i32
    %convert_element_type3A_1307 = arith.extui %eq3A_1306 : i1 to i32
    %cond3A_1308 = arith.constant 0 : i32
    %cond3A_1309 = arith.cmpi ne, %convert_element_type3A_1307, %cond3A_1308 : i32
    scf.if %cond3A_1309 {
      %dma_start3A_1867 = tpu.memref_slice %arg4[%add3A_1301] : memref<329728xi32, #tpu.memory_space<hbm>> -> memref<112xi32, #tpu.memory_space<hbm>>
      %dma_start3A_1868 = tpu.memref_slice %arg4[%add3A_1301] : memref<329728xi32, #tpu.memory_space<hbm>> -> memref<112xi32, #tpu.memory_space<hbm>>
      tpu.enqueue_dma source(%dma_start3A_1868 : memref<112xi32, #tpu.memory_space<hbm>>) target(%arg12 : memref<112xi32, #tpu.memory_space<vmem>>) target_semaphore(%arg25 : memref<!tpu.dma_semaphore, #tpu.memory_space<semaphore_mem>>)
    } else {
    }
    %dma_start3A_1310 = tpu.memref_slice %arg5[%add3A_1301] : memref<329728xi32, #tpu.memory_space<hbm>> -> memref<112xi32, #tpu.memory_space<hbm>>
    %dma_start3A_1311 = tpu.memref_slice %arg5[%add3A_1301] : memref<329728xi32, #tpu.memory_space<hbm>> -> memref<112xi32, #tpu.memory_space<hbm>>
    tpu.enqueue_dma source(%dma_start3A_1311 : memref<112xi32, #tpu.memory_space<hbm>>) target(%arg16 : memref<112xi32, #tpu.memory_space<vmem>>) target_semaphore(%arg25 : memref<!tpu.dma_semaphore, #tpu.memory_space<semaphore_mem>>)
    %add3A_1312 = arith.constant 112 : i32
    %add3A_1313 = arith.addi %mul3A_1299, %add3A_1312 : i32
    %eq3A_1314 = arith.constant 0 : i32
    %eq3A_1315 = arith.cmpi eq, %arg0, %eq3A_1314 : i32
    %convert_element_type3A_1316 = arith.extui %eq3A_1315 : i1 to i32
    %cond3A_1317 = arith.constant 0 : i32
    %cond3A_1318 = arith.cmpi ne, %convert_element_type3A_1316, %cond3A_1317 : i32
    scf.if %cond3A_1318 {
      %dma_start3A_1867 = tpu.memref_slice %arg3[%add3A_1313] : memref<329728xi32, #tpu.memory_space<hbm>> -> memref<112xi32, #tpu.memory_space<hbm>>
      %dma_start3A_1868 = tpu.memref_slice %arg3[%add3A_1313] : memref<329728xi32, #tpu.memory_space<hbm>> -> memref<112xi32, #tpu.memory_space<hbm>>
      tpu.enqueue_dma source(%dma_start3A_1868 : memref<112xi32, #tpu.memory_space<hbm>>) target(%arg13 : memref<112xi32, #tpu.memory_space<vmem>>) target_semaphore(%arg26 : memref<!tpu.dma_semaphore, #tpu.memory_space<semaphore_mem>>)
    } else {
    }
    %eq3A_1319 = arith.constant 1 : i32
    %eq3A_1320 = arith.cmpi eq, %arg0, %eq3A_1319 : i32
    %convert_element_type3A_1321 = arith.extui %eq3A_1320 : i1 to i32
    %cond3A_1322 = arith.constant 0 : i32
    %cond3A_1323 = arith.cmpi ne, %convert_element_type3A_1321, %cond3A_1322 : i32
    scf.if %cond3A_1323 {
      %dma_start3A_1867 = tpu.memref_slice %arg4[%add3A_1313] : memref<329728xi32, #tpu.memory_space<hbm>> -> memref<112xi32, #tpu.memory_space<hbm>>
      %dma_start3A_1868 = tpu.memref_slice %arg4[%add3A_1313] : memref<329728xi32, #tpu.memory_space<hbm>> -> memref<112xi32, #tpu.memory_space<hbm>>
      tpu.enqueue_dma source(%dma_start3A_1868 : memref<112xi32, #tpu.memory_space<hbm>>) target(%arg13 : memref<112xi32, #tpu.memory_space<vmem>>) target_semaphore(%arg26 : memref<!tpu.dma_semaphore, #tpu.memory_space<semaphore_mem>>)
    } else {
    }
    %dma_start3A_1324 = tpu.memref_slice %arg5[%add3A_1313] : memref<329728xi32, #tpu.memory_space<hbm>> -> memref<112xi32, #tpu.memory_space<hbm>>
    %dma_start3A_1325 = tpu.memref_slice %arg5[%add3A_1313] : memref<329728xi32, #tpu.memory_space<hbm>> -> memref<112xi32, #tpu.memory_space<hbm>>
    tpu.enqueue_dma source(%dma_start3A_1325 : memref<112xi32, #tpu.memory_space<hbm>>) target(%arg17 : memref<112xi32, #tpu.memory_space<vmem>>) target_semaphore(%arg26 : memref<!tpu.dma_semaphore, #tpu.memory_space<semaphore_mem>>)
    %add3A_1326 = arith.constant 224 : i32
    %add3A_1327 = arith.addi %mul3A_1299, %add3A_1326 : i32
    %eq3A_1328 = arith.constant 0 : i32
    %eq3A_1329 = arith.cmpi eq, %arg0, %eq3A_1328 : i32
    %convert_element_type3A_1330 = arith.extui %eq3A_1329 : i1 to i32
    %cond3A_1331 = arith.constant 0 : i32
    %cond3A_1332 = arith.cmpi ne, %convert_element_type3A_1330, %cond3A_1331 : i32
    scf.if %cond3A_1332 {
      %dma_start3A_1867 = tpu.memref_slice %arg3[%add3A_1327] : memref<329728xi32, #tpu.memory_space<hbm>> -> memref<112xi32, #tpu.memory_space<hbm>>
      %dma_start3A_1868 = tpu.memref_slice %arg3[%add3A_1327] : memref<329728xi32, #tpu.memory_space<hbm>> -> memref<112xi32, #tpu.memory_space<hbm>>
      tpu.enqueue_dma source(%dma_start3A_1868 : memref<112xi32, #tpu.memory_space<hbm>>) target(%arg14 : memref<112xi32, #tpu.memory_space<vmem>>) target_semaphore(%arg27 : memref<!tpu.dma_semaphore, #tpu.memory_space<semaphore_mem>>)
    } else {
    }
    %eq3A_1333 = arith.constant 1 : i32
    %eq3A_1334 = arith.cmpi eq, %arg0, %eq3A_1333 : i32
    %convert_element_type3A_1335 = arith.extui %eq3A_1334 : i1 to i32
    %cond3A_1336 = arith.constant 0 : i32
    %cond3A_1337 = arith.cmpi ne, %convert_element_type3A_1335, %cond3A_1336 : i32
    scf.if %cond3A_1337 {
      %dma_start3A_1867 = tpu.memref_slice %arg4[%add3A_1327] : memref<329728xi32, #tpu.memory_space<hbm>> -> memref<112xi32, #tpu.memory_space<hbm>>
      %dma_start3A_1868 = tpu.memref_slice %arg4[%add3A_1327] : memref<329728xi32, #tpu.memory_space<hbm>> -> memref<112xi32, #tpu.memory_space<hbm>>
      tpu.enqueue_dma source(%dma_start3A_1868 : memref<112xi32, #tpu.memory_space<hbm>>) target(%arg14 : memref<112xi32, #tpu.memory_space<vmem>>) target_semaphore(%arg27 : memref<!tpu.dma_semaphore, #tpu.memory_space<semaphore_mem>>)
    } else {
    }
    %dma_start3A_1338 = tpu.memref_slice %arg5[%add3A_1327] : memref<329728xi32, #tpu.memory_space<hbm>> -> memref<112xi32, #tpu.memory_space<hbm>>
    %dma_start3A_1339 = tpu.memref_slice %arg5[%add3A_1327] : memref<329728xi32, #tpu.memory_space<hbm>> -> memref<112xi32, #tpu.memory_space<hbm>>
    tpu.enqueue_dma source(%dma_start3A_1339 : memref<112xi32, #tpu.memory_space<hbm>>) target(%arg18 : memref<112xi32, #tpu.memory_space<vmem>>) target_semaphore(%arg27 : memref<!tpu.dma_semaphore, #tpu.memory_space<semaphore_mem>>)
    %add3A_1340 = arith.constant 336 : i32
    %add3A_1341 = arith.addi %mul3A_1299, %add3A_1340 : i32
    %eq3A_1342 = arith.constant 0 : i32
    %eq3A_1343 = arith.cmpi eq, %arg0, %eq3A_1342 : i32
    %convert_element_type3A_1344 = arith.extui %eq3A_1343 : i1 to i32
    %cond3A_1345 = arith.constant 0 : i32
    %cond3A_1346 = arith.cmpi ne, %convert_element_type3A_1344, %cond3A_1345 : i32
    scf.if %cond3A_1346 {
      %dma_start3A_1867 = tpu.memref_slice %arg3[%add3A_1341] : memref<329728xi32, #tpu.memory_space<hbm>> -> memref<112xi32, #tpu.memory_space<hbm>>
      %dma_start3A_1868 = tpu.memref_slice %arg3[%add3A_1341] : memref<329728xi32, #tpu.memory_space<hbm>> -> memref<112xi32, #tpu.memory_space<hbm>>
      tpu.enqueue_dma source(%dma_start3A_1868 : memref<112xi32, #tpu.memory_space<hbm>>) target(%arg15 : memref<112xi32, #tpu.memory_space<vmem>>) target_semaphore(%arg28 : memref<!tpu.dma_semaphore, #tpu.memory_space<semaphore_mem>>)
    } else {
    }
    %eq3A_1347 = arith.constant 1 : i32
    %eq3A_1348 = arith.cmpi eq, %arg0, %eq3A_1347 : i32
    %convert_element_type3A_1349 = arith.extui %eq3A_1348 : i1 to i32
    %cond3A_1350 = arith.constant 0 : i32
    %cond3A_1351 = arith.cmpi ne, %convert_element_type3A_1349, %cond3A_1350 : i32
    scf.if %cond3A_1351 {
      %dma_start3A_1867 = tpu.memref_slice %arg4[%add3A_1341] : memref<329728xi32, #tpu.memory_space<hbm>> -> memref<112xi32, #tpu.memory_space<hbm>>
      %dma_start3A_1868 = tpu.memref_slice %arg4[%add3A_1341] : memref<329728xi32, #tpu.memory_space<hbm>> -> memref<112xi32, #tpu.memory_space<hbm>>
      tpu.enqueue_dma source(%dma_start3A_1868 : memref<112xi32, #tpu.memory_space<hbm>>) target(%arg15 : memref<112xi32, #tpu.memory_space<vmem>>) target_semaphore(%arg28 : memref<!tpu.dma_semaphore, #tpu.memory_space<semaphore_mem>>)
    } else {
    }
    %dma_start3A_1352 = tpu.memref_slice %arg5[%add3A_1341] : memref<329728xi32, #tpu.memory_space<hbm>> -> memref<112xi32, #tpu.memory_space<hbm>>
    %dma_start3A_1353 = tpu.memref_slice %arg5[%add3A_1341] : memref<329728xi32, #tpu.memory_space<hbm>> -> memref<112xi32, #tpu.memory_space<hbm>>
    tpu.enqueue_dma source(%dma_start3A_1353 : memref<112xi32, #tpu.memory_space<hbm>>) target(%arg19 : memref<112xi32, #tpu.memory_space<vmem>>) target_semaphore(%arg28 : memref<!tpu.dma_semaphore, #tpu.memory_space<semaphore_mem>>)
    %dma_wait3A_1354 = arith.constant 0 : i32
    %dma_wait3A_1355 = tpu.memref_slice %arg3[%dma_wait3A_1354] : memref<329728xi32, #tpu.memory_space<hbm>> -> memref<112xi32, #tpu.memory_space<hbm>>
    %dma_wait3A_1356 = arith.constant 0 : i32
    %dma_wait3A_1357 = tpu.memref_slice %arg3[%dma_wait3A_1356] : memref<329728xi32, #tpu.memory_space<hbm>> -> memref<112xi32, #tpu.memory_space<hbm>>
    tpu.wait_dma2 semaphore(%arg25 : memref<!tpu.dma_semaphore, #tpu.memory_space<semaphore_mem>>) src(%dma_wait3A_1357 : memref<112xi32, #tpu.memory_space<hbm>>) dst(%arg12 : memref<112xi32, #tpu.memory_space<vmem>>)
    %dma_wait3A_1358 = arith.constant 0 : i32
    %dma_wait3A_1359 = tpu.memref_slice %arg5[%dma_wait3A_1358] : memref<329728xi32, #tpu.memory_space<hbm>> -> memref<112xi32, #tpu.memory_space<hbm>>
    %dma_wait3A_1360 = arith.constant 0 : i32
    %dma_wait3A_1361 = tpu.memref_slice %arg5[%dma_wait3A_1360] : memref<329728xi32, #tpu.memory_space<hbm>> -> memref<112xi32, #tpu.memory_space<hbm>>
    tpu.wait_dma2 semaphore(%arg25 : memref<!tpu.dma_semaphore, #tpu.memory_space<semaphore_mem>>) src(%dma_wait3A_1361 : memref<112xi32, #tpu.memory_space<hbm>>) dst(%arg16 : memref<112xi32, #tpu.memory_space<vmem>>)
    %dma_start3A_1362 = arith.constant 0 : i32
    %dma_start3A_1363 = arith.constant 0 : i32
    %dma_start3A_1364 = tpu.memref_slice %arg2[%dma_start3A_1362, %dma_start3A_1363] : memref<20000x128xf32, #tpu.memory_space<hbm>> -> memref<20000x128xf32, #tpu.memory_space<hbm>>
    tpu.enqueue_indirect_dma source(%dma_start3A_1364 : memref<20000x128xf32, #tpu.memory_space<hbm>>) target(%arg10 : memref<112x128xf32, #tpu.memory_space<vmem>>) offsets(%arg12 : memref<112xi32, #tpu.memory_space<vmem>>) semaphore(%arg23 : memref<!tpu.dma_semaphore, #tpu.memory_space<semaphore_mem>>)
    %dma_wait3A_1365 = arith.constant 0 : i32
    %dma_wait3A_1366 = tpu.memref_slice %arg3[%dma_wait3A_1365] : memref<329728xi32, #tpu.memory_space<hbm>> -> memref<112xi32, #tpu.memory_space<hbm>>
    %dma_wait3A_1367 = arith.constant 0 : i32
    %dma_wait3A_1368 = tpu.memref_slice %arg3[%dma_wait3A_1367] : memref<329728xi32, #tpu.memory_space<hbm>> -> memref<112xi32, #tpu.memory_space<hbm>>
    tpu.wait_dma2 semaphore(%arg26 : memref<!tpu.dma_semaphore, #tpu.memory_space<semaphore_mem>>) src(%dma_wait3A_1368 : memref<112xi32, #tpu.memory_space<hbm>>) dst(%arg13 : memref<112xi32, #tpu.memory_space<vmem>>)
    %dma_wait3A_1369 = arith.constant 0 : i32
    %dma_wait3A_1370 = tpu.memref_slice %arg5[%dma_wait3A_1369] : memref<329728xi32, #tpu.memory_space<hbm>> -> memref<112xi32, #tpu.memory_space<hbm>>
    %dma_wait3A_1371 = arith.constant 0 : i32
    %dma_wait3A_1372 = tpu.memref_slice %arg5[%dma_wait3A_1371] : memref<329728xi32, #tpu.memory_space<hbm>> -> memref<112xi32, #tpu.memory_space<hbm>>
    tpu.wait_dma2 semaphore(%arg26 : memref<!tpu.dma_semaphore, #tpu.memory_space<semaphore_mem>>) src(%dma_wait3A_1372 : memref<112xi32, #tpu.memory_space<hbm>>) dst(%arg17 : memref<112xi32, #tpu.memory_space<vmem>>)
    %dma_start3A_1373 = arith.constant 0 : i32
    %dma_start3A_1374 = arith.constant 0 : i32
    %dma_start3A_1375 = tpu.memref_slice %arg2[%dma_start3A_1373, %dma_start3A_1374] : memref<20000x128xf32, #tpu.memory_space<hbm>> -> memref<20000x128xf32, #tpu.memory_space<hbm>>
    tpu.enqueue_indirect_dma source(%dma_start3A_1375 : memref<20000x128xf32, #tpu.memory_space<hbm>>) target(%arg11 : memref<112x128xf32, #tpu.memory_space<vmem>>) offsets(%arg13 : memref<112xi32, #tpu.memory_space<vmem>>) semaphore(%arg24 : memref<!tpu.dma_semaphore, #tpu.memory_space<semaphore_mem>>)
    %scan3A_1376 = arith.constant 0 : i32
    %scan3A_1377 = arith.constant 0 : i32
    %scan3A_1378 = arith.constant 45 : i32
    %scan3A_1379 = arith.addi %scan3A_1377, %scan3A_1378 : i32
    %scan3A_1380 = arith.constant 1 : i32
    scf.for %scan3A_1867 = %scan3A_1377 to %scan3A_1379 step %scan3A_1380  : i32 {
      %mul3A_1868 = arith.constant 4 : i32
      %mul3A_1869 = arith.muli %scan3A_1867, %mul3A_1868 : i32
      %dma_wait3A_1870 = arith.constant 0 : i32
      %dma_wait3A_1871 = arith.constant 0 : i32
      %dma_wait3A_1872 = tpu.memref_slice %arg2[%dma_wait3A_1870, %dma_wait3A_1871] : memref<20000x128xf32, #tpu.memory_space<hbm>> -> memref<112x128xf32, #tpu.memory_space<hbm>>
      %dma_wait3A_1873 = arith.constant 0 : i32
      %dma_wait3A_1874 = arith.constant 0 : i32
      %dma_wait3A_1875 = tpu.memref_slice %arg2[%dma_wait3A_1873, %dma_wait3A_1874] : memref<20000x128xf32, #tpu.memory_space<hbm>> -> memref<112x128xf32, #tpu.memory_space<hbm>>
      tpu.wait_dma2 semaphore(%arg23 : memref<!tpu.dma_semaphore, #tpu.memory_space<semaphore_mem>>) src(%dma_wait3A_1875 : memref<112x128xf32, #tpu.memory_space<hbm>>) dst(%arg10 : memref<112x128xf32, #tpu.memory_space<vmem>>)
      "tpu.region"() ({
        %run_scoped3A = tpu.sem_alloc : memref<!tpu.dma_semaphore, #tpu.memory_space<semaphore_mem>>
        %dma_start3A_2014 = arith.constant 0 : i32
        %dma_start3A_2015 = arith.constant 0 : i32
        %dma_start3A_2016 = tpu.memref_slice %arg9[%dma_start3A_2014, %dma_start3A_2015] : memref<10240x128xf32, #tpu.memory_space<vmem_shared>> -> memref<10240x128xf32, #tpu.memory_space<vmem_shared>>
        tpu.enqueue_indirect_dma source(%arg10 : memref<112x128xf32, #tpu.memory_space<vmem>>) target(%dma_start3A_2016 : memref<10240x128xf32, #tpu.memory_space<vmem_shared>>) offsets(%arg16 : memref<112xi32, #tpu.memory_space<vmem>>) semaphore(%run_scoped3A : memref<!tpu.dma_semaphore, #tpu.memory_space<semaphore_mem>>) {add = true}
        %dma_wait3A_2017 = arith.constant 0 : i32
        %dma_wait3A_2018 = arith.constant 0 : i32
        %dma_wait3A_2019 = tpu.memref_slice %arg9[%dma_wait3A_2017, %dma_wait3A_2018] : memref<10240x128xf32, #tpu.memory_space<vmem_shared>> -> memref<10240x128xf32, #tpu.memory_space<vmem_shared>>
        tpu.wait_indirect_dma semaphore(%run_scoped3A : memref<!tpu.dma_semaphore, #tpu.memory_space<semaphore_mem>>) src(%arg10 : memref<112x128xf32, #tpu.memory_space<vmem>>) dst(%dma_wait3A_2019 : memref<10240x128xf32, #tpu.memory_space<vmem_shared>>)
        tpu.yield
      }) : () -> ()
      %add3A_1876 = arith.constant 0 : i32
      %add3A_1877 = arith.addi %mul3A_1869, %add3A_1876 : i32
      %add3A_1878 = arith.constant 4 : i32
      %add3A_1879 = arith.addi %add3A_1877, %add3A_1878 : i32
      %mul3A_1880 = arith.constant 112 : i32
      %mul3A_1881 = arith.muli %add3A_1879, %mul3A_1880 : i32
      %add3A_1882 = arith.addi %mul3A_1299, %mul3A_1881 : i32
      %eq3A_1883 = arith.constant 0 : i32
      %eq3A_1884 = arith.cmpi eq, %arg0, %eq3A_1883 : i32
      %convert_element_type3A_1885 = arith.extui %eq3A_1884 : i1 to i32
      %cond3A_1886 = arith.constant 0 : i32
      %cond3A_1887 = arith.cmpi ne, %convert_element_type3A_1885, %cond3A_1886 : i32
      scf.if %cond3A_1887 {
        %dma_start3A_2014 = tpu.memref_slice %arg3[%add3A_1882] : memref<329728xi32, #tpu.memory_space<hbm>> -> memref<112xi32, #tpu.memory_space<hbm>>
        %dma_start3A_2015 = tpu.memref_slice %arg3[%add3A_1882] : memref<329728xi32, #tpu.memory_space<hbm>> -> memref<112xi32, #tpu.memory_space<hbm>>
        tpu.enqueue_dma source(%dma_start3A_2015 : memref<112xi32, #tpu.memory_space<hbm>>) target(%arg12 : memref<112xi32, #tpu.memory_space<vmem>>) target_semaphore(%arg25 : memref<!tpu.dma_semaphore, #tpu.memory_space<semaphore_mem>>)
      } else {
      }
      %eq3A_1888 = arith.constant 1 : i32
      %eq3A_1889 = arith.cmpi eq, %arg0, %eq3A_1888 : i32
      %convert_element_type3A_1890 = arith.extui %eq3A_1889 : i1 to i32
      %cond3A_1891 = arith.constant 0 : i32
      %cond3A_1892 = arith.cmpi ne, %convert_element_type3A_1890, %cond3A_1891 : i32
      scf.if %cond3A_1892 {
        %dma_start3A_2014 = tpu.memref_slice %arg4[%add3A_1882] : memref<329728xi32, #tpu.memory_space<hbm>> -> memref<112xi32, #tpu.memory_space<hbm>>
        %dma_start3A_2015 = tpu.memref_slice %arg4[%add3A_1882] : memref<329728xi32, #tpu.memory_space<hbm>> -> memref<112xi32, #tpu.memory_space<hbm>>
        tpu.enqueue_dma source(%dma_start3A_2015 : memref<112xi32, #tpu.memory_space<hbm>>) target(%arg12 : memref<112xi32, #tpu.memory_space<vmem>>) target_semaphore(%arg25 : memref<!tpu.dma_semaphore, #tpu.memory_space<semaphore_mem>>)
      } else {
      }
      %dma_start3A_1893 = tpu.memref_slice %arg5[%add3A_1882] : memref<329728xi32, #tpu.memory_space<hbm>> -> memref<112xi32, #tpu.memory_space<hbm>>
      %dma_start3A_1894 = tpu.memref_slice %arg5[%add3A_1882] : memref<329728xi32, #tpu.memory_space<hbm>> -> memref<112xi32, #tpu.memory_space<hbm>>
      tpu.enqueue_dma source(%dma_start3A_1894 : memref<112xi32, #tpu.memory_space<hbm>>) target(%arg16 : memref<112xi32, #tpu.memory_space<vmem>>) target_semaphore(%arg25 : memref<!tpu.dma_semaphore, #tpu.memory_space<semaphore_mem>>)
      %dma_wait3A_1895 = arith.constant 0 : i32
      %dma_wait3A_1896 = tpu.memref_slice %arg3[%dma_wait3A_1895] : memref<329728xi32, #tpu.memory_space<hbm>> -> memref<112xi32, #tpu.memory_space<hbm>>
      %dma_wait3A_1897 = arith.constant 0 : i32
      %dma_wait3A_1898 = tpu.memref_slice %arg3[%dma_wait3A_1897] : memref<329728xi32, #tpu.memory_space<hbm>> -> memref<112xi32, #tpu.memory_space<hbm>>
      tpu.wait_dma2 semaphore(%arg27 : memref<!tpu.dma_semaphore, #tpu.memory_space<semaphore_mem>>) src(%dma_wait3A_1898 : memref<112xi32, #tpu.memory_space<hbm>>) dst(%arg14 : memref<112xi32, #tpu.memory_space<vmem>>)
      %dma_wait3A_1899 = arith.constant 0 : i32
      %dma_wait3A_1900 = tpu.memref_slice %arg5[%dma_wait3A_1899] : memref<329728xi32, #tpu.memory_space<hbm>> -> memref<112xi32, #tpu.memory_space<hbm>>
      %dma_wait3A_1901 = arith.constant 0 : i32
      %dma_wait3A_1902 = tpu.memref_slice %arg5[%dma_wait3A_1901] : memref<329728xi32, #tpu.memory_space<hbm>> -> memref<112xi32, #tpu.memory_space<hbm>>
      tpu.wait_dma2 semaphore(%arg27 : memref<!tpu.dma_semaphore, #tpu.memory_space<semaphore_mem>>) src(%dma_wait3A_1902 : memref<112xi32, #tpu.memory_space<hbm>>) dst(%arg18 : memref<112xi32, #tpu.memory_space<vmem>>)
      %dma_start3A_1903 = arith.constant 0 : i32
      %dma_start3A_1904 = arith.constant 0 : i32
      %dma_start3A_1905 = tpu.memref_slice %arg2[%dma_start3A_1903, %dma_start3A_1904] : memref<20000x128xf32, #tpu.memory_space<hbm>> -> memref<20000x128xf32, #tpu.memory_space<hbm>>
      tpu.enqueue_indirect_dma source(%dma_start3A_1905 : memref<20000x128xf32, #tpu.memory_space<hbm>>) target(%arg10 : memref<112x128xf32, #tpu.memory_space<vmem>>) offsets(%arg14 : memref<112xi32, #tpu.memory_space<vmem>>) semaphore(%arg23 : memref<!tpu.dma_semaphore, #tpu.memory_space<semaphore_mem>>)
      %dma_wait3A_1906 = arith.constant 0 : i32
      %dma_wait3A_1907 = arith.constant 0 : i32
      %dma_wait3A_1908 = tpu.memref_slice %arg2[%dma_wait3A_1906, %dma_wait3A_1907] : memref<20000x128xf32, #tpu.memory_space<hbm>> -> memref<112x128xf32, #tpu.memory_space<hbm>>
      %dma_wait3A_1909 = arith.constant 0 : i32
      %dma_wait3A_1910 = arith.constant 0 : i32
      %dma_wait3A_1911 = tpu.memref_slice %arg2[%dma_wait3A_1909, %dma_wait3A_1910] : memref<20000x128xf32, #tpu.memory_space<hbm>> -> memref<112x128xf32, #tpu.memory_space<hbm>>
      tpu.wait_dma2 semaphore(%arg24 : memref<!tpu.dma_semaphore, #tpu.memory_space<semaphore_mem>>) src(%dma_wait3A_1911 : memref<112x128xf32, #tpu.memory_space<hbm>>) dst(%arg11 : memref<112x128xf32, #tpu.memory_space<vmem>>)
      "tpu.region"() ({
        %run_scoped3A = tpu.sem_alloc : memref<!tpu.dma_semaphore, #tpu.memory_space<semaphore_mem>>
        %dma_start3A_2014 = arith.constant 0 : i32
        %dma_start3A_2015 = arith.constant 0 : i32
        %dma_start3A_2016 = tpu.memref_slice %arg9[%dma_start3A_2014, %dma_start3A_2015] : memref<10240x128xf32, #tpu.memory_space<vmem_shared>> -> memref<10240x128xf32, #tpu.memory_space<vmem_shared>>
        tpu.enqueue_indirect_dma source(%arg11 : memref<112x128xf32, #tpu.memory_space<vmem>>) target(%dma_start3A_2016 : memref<10240x128xf32, #tpu.memory_space<vmem_shared>>) offsets(%arg17 : memref<112xi32, #tpu.memory_space<vmem>>) semaphore(%run_scoped3A : memref<!tpu.dma_semaphore, #tpu.memory_space<semaphore_mem>>) {add = true}
        %dma_wait3A_2017 = arith.constant 0 : i32
        %dma_wait3A_2018 = arith.constant 0 : i32
        %dma_wait3A_2019 = tpu.memref_slice %arg9[%dma_wait3A_2017, %dma_wait3A_2018] : memref<10240x128xf32, #tpu.memory_space<vmem_shared>> -> memref<10240x128xf32, #tpu.memory_space<vmem_shared>>
        tpu.wait_indirect_dma semaphore(%run_scoped3A : memref<!tpu.dma_semaphore, #tpu.memory_space<semaphore_mem>>) src(%arg11 : memref<112x128xf32, #tpu.memory_space<vmem>>) dst(%dma_wait3A_2019 : memref<10240x128xf32, #tpu.memory_space<vmem_shared>>)
        tpu.yield
      }) : () -> ()
      %add3A_1912 = arith.constant 1 : i32
      %add3A_1913 = arith.addi %mul3A_1869, %add3A_1912 : i32
      %add3A_1914 = arith.constant 4 : i32
      %add3A_1915 = arith.addi %add3A_1913, %add3A_1914 : i32
      %mul3A_1916 = arith.constant 112 : i32
      %mul3A_1917 = arith.muli %add3A_1915, %mul3A_1916 : i32
      %add3A_1918 = arith.addi %mul3A_1299, %mul3A_1917 : i32
      %eq3A_1919 = arith.constant 0 : i32
      %eq3A_1920 = arith.cmpi eq, %arg0, %eq3A_1919 : i32
      %convert_element_type3A_1921 = arith.extui %eq3A_1920 : i1 to i32
      %cond3A_1922 = arith.constant 0 : i32
      %cond3A_1923 = arith.cmpi ne, %convert_element_type3A_1921, %cond3A_1922 : i32
      scf.if %cond3A_1923 {
        %dma_start3A_2014 = tpu.memref_slice %arg3[%add3A_1918] : memref<329728xi32, #tpu.memory_space<hbm>> -> memref<112xi32, #tpu.memory_space<hbm>>
        %dma_start3A_2015 = tpu.memref_slice %arg3[%add3A_1918] : memref<329728xi32, #tpu.memory_space<hbm>> -> memref<112xi32, #tpu.memory_space<hbm>>
        tpu.enqueue_dma source(%dma_start3A_2015 : memref<112xi32, #tpu.memory_space<hbm>>) target(%arg13 : memref<112xi32, #tpu.memory_space<vmem>>) target_semaphore(%arg26 : memref<!tpu.dma_semaphore, #tpu.memory_space<semaphore_mem>>)
      } else {
      }
      %eq3A_1924 = arith.constant 1 : i32
      %eq3A_1925 = arith.cmpi eq, %arg0, %eq3A_1924 : i32
      %convert_element_type3A_1926 = arith.extui %eq3A_1925 : i1 to i32
      %cond3A_1927 = arith.constant 0 : i32
      %cond3A_1928 = arith.cmpi ne, %convert_element_type3A_1926, %cond3A_1927 : i32
      scf.if %cond3A_1928 {
        %dma_start3A_2014 = tpu.memref_slice %arg4[%add3A_1918] : memref<329728xi32, #tpu.memory_space<hbm>> -> memref<112xi32, #tpu.memory_space<hbm>>
        %dma_start3A_2015 = tpu.memref_slice %arg4[%add3A_1918] : memref<329728xi32, #tpu.memory_space<hbm>> -> memref<112xi32, #tpu.memory_space<hbm>>
        tpu.enqueue_dma source(%dma_start3A_2015 : memref<112xi32, #tpu.memory_space<hbm>>) target(%arg13 : memref<112xi32, #tpu.memory_space<vmem>>) target_semaphore(%arg26 : memref<!tpu.dma_semaphore, #tpu.memory_space<semaphore_mem>>)
      } else {
      }
      %dma_start3A_1929 = tpu.memref_slice %arg5[%add3A_1918] : memref<329728xi32, #tpu.memory_space<hbm>> -> memref<112xi32, #tpu.memory_space<hbm>>
      %dma_start3A_1930 = tpu.memref_slice %arg5[%add3A_1918] : memref<329728xi32, #tpu.memory_space<hbm>> -> memref<112xi32, #tpu.memory_space<hbm>>
      tpu.enqueue_dma source(%dma_start3A_1930 : memref<112xi32, #tpu.memory_space<hbm>>) target(%arg17 : memref<112xi32, #tpu.memory_space<vmem>>) target_semaphore(%arg26 : memref<!tpu.dma_semaphore, #tpu.memory_space<semaphore_mem>>)
      %dma_wait3A_1931 = arith.constant 0 : i32
      %dma_wait3A_1932 = tpu.memref_slice %arg3[%dma_wait3A_1931] : memref<329728xi32, #tpu.memory_space<hbm>> -> memref<112xi32, #tpu.memory_space<hbm>>
      %dma_wait3A_1933 = arith.constant 0 : i32
      %dma_wait3A_1934 = tpu.memref_slice %arg3[%dma_wait3A_1933] : memref<329728xi32, #tpu.memory_space<hbm>> -> memref<112xi32, #tpu.memory_space<hbm>>
      tpu.wait_dma2 semaphore(%arg28 : memref<!tpu.dma_semaphore, #tpu.memory_space<semaphore_mem>>) src(%dma_wait3A_1934 : memref<112xi32, #tpu.memory_space<hbm>>) dst(%arg15 : memref<112xi32, #tpu.memory_space<vmem>>)
      %dma_wait3A_1935 = arith.constant 0 : i32
      %dma_wait3A_1936 = tpu.memref_slice %arg5[%dma_wait3A_1935] : memref<329728xi32, #tpu.memory_space<hbm>> -> memref<112xi32, #tpu.memory_space<hbm>>
      %dma_wait3A_1937 = arith.constant 0 : i32
      %dma_wait3A_1938 = tpu.memref_slice %arg5[%dma_wait3A_1937] : memref<329728xi32, #tpu.memory_space<hbm>> -> memref<112xi32, #tpu.memory_space<hbm>>
      tpu.wait_dma2 semaphore(%arg28 : memref<!tpu.dma_semaphore, #tpu.memory_space<semaphore_mem>>) src(%dma_wait3A_1938 : memref<112xi32, #tpu.memory_space<hbm>>) dst(%arg19 : memref<112xi32, #tpu.memory_space<vmem>>)
      %dma_start3A_1939 = arith.constant 0 : i32
      %dma_start3A_1940 = arith.constant 0 : i32
      %dma_start3A_1941 = tpu.memref_slice %arg2[%dma_start3A_1939, %dma_start3A_1940] : memref<20000x128xf32, #tpu.memory_space<hbm>> -> memref<20000x128xf32, #tpu.memory_space<hbm>>
      tpu.enqueue_indirect_dma source(%dma_start3A_1941 : memref<20000x128xf32, #tpu.memory_space<hbm>>) target(%arg11 : memref<112x128xf32, #tpu.memory_space<vmem>>) offsets(%arg15 : memref<112xi32, #tpu.memory_space<vmem>>) semaphore(%arg24 : memref<!tpu.dma_semaphore, #tpu.memory_space<semaphore_mem>>)
      %dma_wait3A_1942 = arith.constant 0 : i32
      %dma_wait3A_1943 = arith.constant 0 : i32
      %dma_wait3A_1944 = tpu.memref_slice %arg2[%dma_wait3A_1942, %dma_wait3A_1943] : memref<20000x128xf32, #tpu.memory_space<hbm>> -> memref<112x128xf32, #tpu.memory_space<hbm>>
      %dma_wait3A_1945 = arith.constant 0 : i32
      %dma_wait3A_1946 = arith.constant 0 : i32
      %dma_wait3A_1947 = tpu.memref_slice %arg2[%dma_wait3A_1945, %dma_wait3A_1946] : memref<20000x128xf32, #tpu.memory_space<hbm>> -> memref<112x128xf32, #tpu.memory_space<hbm>>
      tpu.wait_dma2 semaphore(%arg23 : memref<!tpu.dma_semaphore, #tpu.memory_space<semaphore_mem>>) src(%dma_wait3A_1947 : memref<112x128xf32, #tpu.memory_space<hbm>>) dst(%arg10 : memref<112x128xf32, #tpu.memory_space<vmem>>)
      "tpu.region"() ({
        %run_scoped3A = tpu.sem_alloc : memref<!tpu.dma_semaphore, #tpu.memory_space<semaphore_mem>>
        %dma_start3A_2014 = arith.constant 0 : i32
        %dma_start3A_2015 = arith.constant 0 : i32
        %dma_start3A_2016 = tpu.memref_slice %arg9[%dma_start3A_2014, %dma_start3A_2015] : memref<10240x128xf32, #tpu.memory_space<vmem_shared>> -> memref<10240x128xf32, #tpu.memory_space<vmem_shared>>
        tpu.enqueue_indirect_dma source(%arg10 : memref<112x128xf32, #tpu.memory_space<vmem>>) target(%dma_start3A_2016 : memref<10240x128xf32, #tpu.memory_space<vmem_shared>>) offsets(%arg18 : memref<112xi32, #tpu.memory_space<vmem>>) semaphore(%run_scoped3A : memref<!tpu.dma_semaphore, #tpu.memory_space<semaphore_mem>>) {add = true}
        %dma_wait3A_2017 = arith.constant 0 : i32
        %dma_wait3A_2018 = arith.constant 0 : i32
        %dma_wait3A_2019 = tpu.memref_slice %arg9[%dma_wait3A_2017, %dma_wait3A_2018] : memref<10240x128xf32, #tpu.memory_space<vmem_shared>> -> memref<10240x128xf32, #tpu.memory_space<vmem_shared>>
        tpu.wait_indirect_dma semaphore(%run_scoped3A : memref<!tpu.dma_semaphore, #tpu.memory_space<semaphore_mem>>) src(%arg10 : memref<112x128xf32, #tpu.memory_space<vmem>>) dst(%dma_wait3A_2019 : memref<10240x128xf32, #tpu.memory_space<vmem_shared>>)
        tpu.yield
      }) : () -> ()
      %add3A_1948 = arith.constant 2 : i32
      %add3A_1949 = arith.addi %mul3A_1869, %add3A_1948 : i32
      %add3A_1950 = arith.constant 4 : i32
      %add3A_1951 = arith.addi %add3A_1949, %add3A_1950 : i32
      %mul3A_1952 = arith.constant 112 : i32
      %mul3A_1953 = arith.muli %add3A_1951, %mul3A_1952 : i32
      %add3A_1954 = arith.addi %mul3A_1299, %mul3A_1953 : i32
      %eq3A_1955 = arith.constant 0 : i32
      %eq3A_1956 = arith.cmpi eq, %arg0, %eq3A_1955 : i32
      %convert_element_type3A_1957 = arith.extui %eq3A_1956 : i1 to i32
      %cond3A_1958 = arith.constant 0 : i32
      %cond3A_1959 = arith.cmpi ne, %convert_element_type3A_1957, %cond3A_1958 : i32
      scf.if %cond3A_1959 {
        %dma_start3A_2014 = tpu.memref_slice %arg3[%add3A_1954] : memref<329728xi32, #tpu.memory_space<hbm>> -> memref<112xi32, #tpu.memory_space<hbm>>
        %dma_start3A_2015 = tpu.memref_slice %arg3[%add3A_1954] : memref<329728xi32, #tpu.memory_space<hbm>> -> memref<112xi32, #tpu.memory_space<hbm>>
        tpu.enqueue_dma source(%dma_start3A_2015 : memref<112xi32, #tpu.memory_space<hbm>>) target(%arg14 : memref<112xi32, #tpu.memory_space<vmem>>) target_semaphore(%arg27 : memref<!tpu.dma_semaphore, #tpu.memory_space<semaphore_mem>>)
      } else {
      }
      %eq3A_1960 = arith.constant 1 : i32
      %eq3A_1961 = arith.cmpi eq, %arg0, %eq3A_1960 : i32
      %convert_element_type3A_1962 = arith.extui %eq3A_1961 : i1 to i32
      %cond3A_1963 = arith.constant 0 : i32
      %cond3A_1964 = arith.cmpi ne, %convert_element_type3A_1962, %cond3A_1963 : i32
      scf.if %cond3A_1964 {
        %dma_start3A_2014 = tpu.memref_slice %arg4[%add3A_1954] : memref<329728xi32, #tpu.memory_space<hbm>> -> memref<112xi32, #tpu.memory_space<hbm>>
        %dma_start3A_2015 = tpu.memref_slice %arg4[%add3A_1954] : memref<329728xi32, #tpu.memory_space<hbm>> -> memref<112xi32, #tpu.memory_space<hbm>>
        tpu.enqueue_dma source(%dma_start3A_2015 : memref<112xi32, #tpu.memory_space<hbm>>) target(%arg14 : memref<112xi32, #tpu.memory_space<vmem>>) target_semaphore(%arg27 : memref<!tpu.dma_semaphore, #tpu.memory_space<semaphore_mem>>)
      } else {
      }
      %dma_start3A_1965 = tpu.memref_slice %arg5[%add3A_1954] : memref<329728xi32, #tpu.memory_space<hbm>> -> memref<112xi32, #tpu.memory_space<hbm>>
      %dma_start3A_1966 = tpu.memref_slice %arg5[%add3A_1954] : memref<329728xi32, #tpu.memory_space<hbm>> -> memref<112xi32, #tpu.memory_space<hbm>>
      tpu.enqueue_dma source(%dma_start3A_1966 : memref<112xi32, #tpu.memory_space<hbm>>) target(%arg18 : memref<112xi32, #tpu.memory_space<vmem>>) target_semaphore(%arg27 : memref<!tpu.dma_semaphore, #tpu.memory_space<semaphore_mem>>)
      %dma_wait3A_1967 = arith.constant 0 : i32
      %dma_wait3A_1968 = tpu.memref_slice %arg3[%dma_wait3A_1967] : memref<329728xi32, #tpu.memory_space<hbm>> -> memref<112xi32, #tpu.memory_space<hbm>>
      %dma_wait3A_1969 = arith.constant 0 : i32
      %dma_wait3A_1970 = tpu.memref_slice %arg3[%dma_wait3A_1969] : memref<329728xi32, #tpu.memory_space<hbm>> -> memref<112xi32, #tpu.memory_space<hbm>>
      tpu.wait_dma2 semaphore(%arg25 : memref<!tpu.dma_semaphore, #tpu.memory_space<semaphore_mem>>) src(%dma_wait3A_1970 : memref<112xi32, #tpu.memory_space<hbm>>) dst(%arg12 : memref<112xi32, #tpu.memory_space<vmem>>)
      %dma_wait3A_1971 = arith.constant 0 : i32
      %dma_wait3A_1972 = tpu.memref_slice %arg5[%dma_wait3A_1971] : memref<329728xi32, #tpu.memory_space<hbm>> -> memref<112xi32, #tpu.memory_space<hbm>>
      %dma_wait3A_1973 = arith.constant 0 : i32
      %dma_wait3A_1974 = tpu.memref_slice %arg5[%dma_wait3A_1973] : memref<329728xi32, #tpu.memory_space<hbm>> -> memref<112xi32, #tpu.memory_space<hbm>>
      tpu.wait_dma2 semaphore(%arg25 : memref<!tpu.dma_semaphore, #tpu.memory_space<semaphore_mem>>) src(%dma_wait3A_1974 : memref<112xi32, #tpu.memory_space<hbm>>) dst(%arg16 : memref<112xi32, #tpu.memory_space<vmem>>)
      %dma_start3A_1975 = arith.constant 0 : i32
      %dma_start3A_1976 = arith.constant 0 : i32
      %dma_start3A_1977 = tpu.memref_slice %arg2[%dma_start3A_1975, %dma_start3A_1976] : memref<20000x128xf32, #tpu.memory_space<hbm>> -> memref<20000x128xf32, #tpu.memory_space<hbm>>
      tpu.enqueue_indirect_dma source(%dma_start3A_1977 : memref<20000x128xf32, #tpu.memory_space<hbm>>) target(%arg10 : memref<112x128xf32, #tpu.memory_space<vmem>>) offsets(%arg12 : memref<112xi32, #tpu.memory_space<vmem>>) semaphore(%arg23 : memref<!tpu.dma_semaphore, #tpu.memory_space<semaphore_mem>>)
      %dma_wait3A_1978 = arith.constant 0 : i32
      %dma_wait3A_1979 = arith.constant 0 : i32
      %dma_wait3A_1980 = tpu.memref_slice %arg2[%dma_wait3A_1978, %dma_wait3A_1979] : memref<20000x128xf32, #tpu.memory_space<hbm>> -> memref<112x128xf32, #tpu.memory_space<hbm>>
      %dma_wait3A_1981 = arith.constant 0 : i32
      %dma_wait3A_1982 = arith.constant 0 : i32
      %dma_wait3A_1983 = tpu.memref_slice %arg2[%dma_wait3A_1981, %dma_wait3A_1982] : memref<20000x128xf32, #tpu.memory_space<hbm>> -> memref<112x128xf32, #tpu.memory_space<hbm>>
      tpu.wait_dma2 semaphore(%arg24 : memref<!tpu.dma_semaphore, #tpu.memory_space<semaphore_mem>>) src(%dma_wait3A_1983 : memref<112x128xf32, #tpu.memory_space<hbm>>) dst(%arg11 : memref<112x128xf32, #tpu.memory_space<vmem>>)
      "tpu.region"() ({
        %run_scoped3A = tpu.sem_alloc : memref<!tpu.dma_semaphore, #tpu.memory_space<semaphore_mem>>
        %dma_start3A_2014 = arith.constant 0 : i32
        %dma_start3A_2015 = arith.constant 0 : i32
        %dma_start3A_2016 = tpu.memref_slice %arg9[%dma_start3A_2014, %dma_start3A_2015] : memref<10240x128xf32, #tpu.memory_space<vmem_shared>> -> memref<10240x128xf32, #tpu.memory_space<vmem_shared>>
        tpu.enqueue_indirect_dma source(%arg11 : memref<112x128xf32, #tpu.memory_space<vmem>>) target(%dma_start3A_2016 : memref<10240x128xf32, #tpu.memory_space<vmem_shared>>) offsets(%arg19 : memref<112xi32, #tpu.memory_space<vmem>>) semaphore(%run_scoped3A : memref<!tpu.dma_semaphore, #tpu.memory_space<semaphore_mem>>) {add = true}
        %dma_wait3A_2017 = arith.constant 0 : i32
        %dma_wait3A_2018 = arith.constant 0 : i32
        %dma_wait3A_2019 = tpu.memref_slice %arg9[%dma_wait3A_2017, %dma_wait3A_2018] : memref<10240x128xf32, #tpu.memory_space<vmem_shared>> -> memref<10240x128xf32, #tpu.memory_space<vmem_shared>>
        tpu.wait_indirect_dma semaphore(%run_scoped3A : memref<!tpu.dma_semaphore, #tpu.memory_space<semaphore_mem>>) src(%arg11 : memref<112x128xf32, #tpu.memory_space<vmem>>) dst(%dma_wait3A_2019 : memref<10240x128xf32, #tpu.memory_space<vmem_shared>>)
        tpu.yield
      }) : () -> ()
      %add3A_1984 = arith.constant 3 : i32
      %add3A_1985 = arith.addi %mul3A_1869, %add3A_1984 : i32
      %add3A_1986 = arith.constant 4 : i32
      %add3A_1987 = arith.addi %add3A_1985, %add3A_1986 : i32
      %mul3A_1988 = arith.constant 112 : i32
      %mul3A_1989 = arith.muli %add3A_1987, %mul3A_1988 : i32
      %add3A_1990 = arith.addi %mul3A_1299, %mul3A_1989 : i32
      %eq3A_1991 = arith.constant 0 : i32
      %eq3A_1992 = arith.cmpi eq, %arg0, %eq3A_1991 : i32
      %convert_element_type3A_1993 = arith.extui %eq3A_1992 : i1 to i32
      %cond3A_1994 = arith.constant 0 : i32
      %cond3A_1995 = arith.cmpi ne, %convert_element_type3A_1993, %cond3A_1994 : i32
      scf.if %cond3A_1995 {
        %dma_start3A_2014 = tpu.memref_slice %arg3[%add3A_1990] : memref<329728xi32, #tpu.memory_space<hbm>> -> memref<112xi32, #tpu.memory_space<hbm>>
        %dma_start3A_2015 = tpu.memref_slice %arg3[%add3A_1990] : memref<329728xi32, #tpu.memory_space<hbm>> -> memref<112xi32, #tpu.memory_space<hbm>>
        tpu.enqueue_dma source(%dma_start3A_2015 : memref<112xi32, #tpu.memory_space<hbm>>) target(%arg15 : memref<112xi32, #tpu.memory_space<vmem>>) target_semaphore(%arg28 : memref<!tpu.dma_semaphore, #tpu.memory_space<semaphore_mem>>)
      } else {
      }
      %eq3A_1996 = arith.constant 1 : i32
      %eq3A_1997 = arith.cmpi eq, %arg0, %eq3A_1996 : i32
      %convert_element_type3A_1998 = arith.extui %eq3A_1997 : i1 to i32
      %cond3A_1999 = arith.constant 0 : i32
      %cond3A_2000 = arith.cmpi ne, %convert_element_type3A_1998, %cond3A_1999 : i32
      scf.if %cond3A_2000 {
        %dma_start3A_2014 = tpu.memref_slice %arg4[%add3A_1990] : memref<329728xi32, #tpu.memory_space<hbm>> -> memref<112xi32, #tpu.memory_space<hbm>>
        %dma_start3A_2015 = tpu.memref_slice %arg4[%add3A_1990] : memref<329728xi32, #tpu.memory_space<hbm>> -> memref<112xi32, #tpu.memory_space<hbm>>
        tpu.enqueue_dma source(%dma_start3A_2015 : memref<112xi32, #tpu.memory_space<hbm>>) target(%arg15 : memref<112xi32, #tpu.memory_space<vmem>>) target_semaphore(%arg28 : memref<!tpu.dma_semaphore, #tpu.memory_space<semaphore_mem>>)
      } else {
      }
      %dma_start3A_2001 = tpu.memref_slice %arg5[%add3A_1990] : memref<329728xi32, #tpu.memory_space<hbm>> -> memref<112xi32, #tpu.memory_space<hbm>>
      %dma_start3A_2002 = tpu.memref_slice %arg5[%add3A_1990] : memref<329728xi32, #tpu.memory_space<hbm>> -> memref<112xi32, #tpu.memory_space<hbm>>
      tpu.enqueue_dma source(%dma_start3A_2002 : memref<112xi32, #tpu.memory_space<hbm>>) target(%arg19 : memref<112xi32, #tpu.memory_space<vmem>>) target_semaphore(%arg28 : memref<!tpu.dma_semaphore, #tpu.memory_space<semaphore_mem>>)
      %dma_wait3A_2003 = arith.constant 0 : i32
      %dma_wait3A_2004 = tpu.memref_slice %arg3[%dma_wait3A_2003] : memref<329728xi32, #tpu.memory_space<hbm>> -> memref<112xi32, #tpu.memory_space<hbm>>
      %dma_wait3A_2005 = arith.constant 0 : i32
      %dma_wait3A_2006 = tpu.memref_slice %arg3[%dma_wait3A_2005] : memref<329728xi32, #tpu.memory_space<hbm>> -> memref<112xi32, #tpu.memory_space<hbm>>
      tpu.wait_dma2 semaphore(%arg26 : memref<!tpu.dma_semaphore, #tpu.memory_space<semaphore_mem>>) src(%dma_wait3A_2006 : memref<112xi32, #tpu.memory_space<hbm>>) dst(%arg13 : memref<112xi32, #tpu.memory_space<vmem>>)
      %dma_wait3A_2007 = arith.constant 0 : i32
      %dma_wait3A_2008 = tpu.memref_slice %arg5[%dma_wait3A_2007] : memref<329728xi32, #tpu.memory_space<hbm>> -> memref<112xi32, #tpu.memory_space<hbm>>
      %dma_wait3A_2009 = arith.constant 0 : i32
      %dma_wait3A_2010 = tpu.memref_slice %arg5[%dma_wait3A_2009] : memref<329728xi32, #tpu.memory_space<hbm>> -> memref<112xi32, #tpu.memory_space<hbm>>
      tpu.wait_dma2 semaphore(%arg26 : memref<!tpu.dma_semaphore, #tpu.memory_space<semaphore_mem>>) src(%dma_wait3A_2010 : memref<112xi32, #tpu.memory_space<hbm>>) dst(%arg17 : memref<112xi32, #tpu.memory_space<vmem>>)
      %dma_start3A_2011 = arith.constant 0 : i32
      %dma_start3A_2012 = arith.constant 0 : i32
      %dma_start3A_2013 = tpu.memref_slice %arg2[%dma_start3A_2011, %dma_start3A_2012] : memref<20000x128xf32, #tpu.memory_space<hbm>> -> memref<20000x128xf32, #tpu.memory_space<hbm>>
      tpu.enqueue_indirect_dma source(%dma_start3A_2013 : memref<20000x128xf32, #tpu.memory_space<hbm>>) target(%arg11 : memref<112x128xf32, #tpu.memory_space<vmem>>) offsets(%arg13 : memref<112xi32, #tpu.memory_space<vmem>>) semaphore(%arg24 : memref<!tpu.dma_semaphore, #tpu.memory_space<semaphore_mem>>)
    }
    %scan3A_1381 = arith.constant 45 : i32
    %dma_wait3A_1382 = arith.constant 0 : i32
    %dma_wait3A_1383 = arith.constant 0 : i32
    %dma_wait3A_1384 = tpu.memref_slice %arg2[%dma_wait3A_1382, %dma_wait3A_1383] : memref<20000x128xf32, #tpu.memory_space<hbm>> -> memref<112x128xf32, #tpu.memory_space<hbm>>
    %dma_wait3A_1385 = arith.constant 0 : i32
    %dma_wait3A_1386 = arith.constant 0 : i32
    %dma_wait3A_1387 = tpu.memref_slice %arg2[%dma_wait3A_1385, %dma_wait3A_1386] : memref<20000x128xf32, #tpu.memory_space<hbm>> -> memref<112x128xf32, #tpu.memory_space<hbm>>
    tpu.wait_dma2 semaphore(%arg23 : memref<!tpu.dma_semaphore, #tpu.memory_space<semaphore_mem>>) src(%dma_wait3A_1387 : memref<112x128xf32, #tpu.memory_space<hbm>>) dst(%arg10 : memref<112x128xf32, #tpu.memory_space<vmem>>)
    %dma_wait3A_1388 = arith.constant 0 : i32
    %dma_wait3A_1389 = arith.constant 0 : i32
    %dma_wait3A_1390 = tpu.memref_slice %arg2[%dma_wait3A_1388, %dma_wait3A_1389] : memref<20000x128xf32, #tpu.memory_space<hbm>> -> memref<112x128xf32, #tpu.memory_space<hbm>>
    %dma_wait3A_1391 = arith.constant 0 : i32
    %dma_wait3A_1392 = arith.constant 0 : i32
    %dma_wait3A_1393 = tpu.memref_slice %arg2[%dma_wait3A_1391, %dma_wait3A_1392] : memref<20000x128xf32, #tpu.memory_space<hbm>> -> memref<112x128xf32, #tpu.memory_space<hbm>>
    tpu.wait_dma2 semaphore(%arg24 : memref<!tpu.dma_semaphore, #tpu.memory_space<semaphore_mem>>) src(%dma_wait3A_1393 : memref<112x128xf32, #tpu.memory_space<hbm>>) dst(%arg11 : memref<112x128xf32, #tpu.memory_space<vmem>>)
    %dma_wait3A_1394 = arith.constant 0 : i32
    %dma_wait3A_1395 = tpu.memref_slice %arg3[%dma_wait3A_1394] : memref<329728xi32, #tpu.memory_space<hbm>> -> memref<112xi32, #tpu.memory_space<hbm>>
    %dma_wait3A_1396 = arith.constant 0 : i32
    %dma_wait3A_1397 = tpu.memref_slice %arg3[%dma_wait3A_1396] : memref<329728xi32, #tpu.memory_space<hbm>> -> memref<112xi32, #tpu.memory_space<hbm>>
    tpu.wait_dma2 semaphore(%arg27 : memref<!tpu.dma_semaphore, #tpu.memory_space<semaphore_mem>>) src(%dma_wait3A_1397 : memref<112xi32, #tpu.memory_space<hbm>>) dst(%arg14 : memref<112xi32, #tpu.memory_space<vmem>>)
    %dma_wait3A_1398 = arith.constant 0 : i32
    %dma_wait3A_1399 = tpu.memref_slice %arg5[%dma_wait3A_1398] : memref<329728xi32, #tpu.memory_space<hbm>> -> memref<112xi32, #tpu.memory_space<hbm>>
    %dma_wait3A_1400 = arith.constant 0 : i32
    %dma_wait3A_1401 = tpu.memref_slice %arg5[%dma_wait3A_1400] : memref<329728xi32, #tpu.memory_space<hbm>> -> memref<112xi32, #tpu.memory_space<hbm>>
    tpu.wait_dma2 semaphore(%arg27 : memref<!tpu.dma_semaphore, #tpu.memory_space<semaphore_mem>>) src(%dma_wait3A_1401 : memref<112xi32, #tpu.memory_space<hbm>>) dst(%arg18 : memref<112xi32, #tpu.memory_space<vmem>>)
    %dma_wait3A_1402 = arith.constant 0 : i32
    %dma_wait3A_1403 = tpu.memref_slice %arg3[%dma_wait3A_1402] : memref<329728xi32, #tpu.memory_space<hbm>> -> memref<112xi32, #tpu.memory_space<hbm>>
    %dma_wait3A_1404 = arith.constant 0 : i32
    %dma_wait3A_1405 = tpu.memref_slice %arg3[%dma_wait3A_1404] : memref<329728xi32, #tpu.memory_space<hbm>> -> memref<112xi32, #tpu.memory_space<hbm>>
    tpu.wait_dma2 semaphore(%arg28 : memref<!tpu.dma_semaphore, #tpu.memory_space<semaphore_mem>>) src(%dma_wait3A_1405 : memref<112xi32, #tpu.memory_space<hbm>>) dst(%arg15 : memref<112xi32, #tpu.memory_space<vmem>>)
    %dma_wait3A_1406 = arith.constant 0 : i32
    %dma_wait3A_1407 = tpu.memref_slice %arg5[%dma_wait3A_1406] : memref<329728xi32, #tpu.memory_space<hbm>> -> memref<112xi32, #tpu.memory_space<hbm>>
    %dma_wait3A_1408 = arith.constant 0 : i32
    %dma_wait3A_1409 = tpu.memref_slice %arg5[%dma_wait3A_1408] : memref<329728xi32, #tpu.memory_space<hbm>> -> memref<112xi32, #tpu.memory_space<hbm>>
    tpu.wait_dma2 semaphore(%arg28 : memref<!tpu.dma_semaphore, #tpu.memory_space<semaphore_mem>>) src(%dma_wait3A_1409 : memref<112xi32, #tpu.memory_space<hbm>>) dst(%arg19 : memref<112xi32, #tpu.memory_space<vmem>>)
    %barrier3A_1410 = arith.constant 0 : index
    tpu.barrier barrier_id(%barrier3A_1410)
    %add3A_1411 = arith.constant 0 : i32
    %add3A_1412 = arith.addi %mul3A_0, %add3A_1411 : i32
    %add3A_1413 = arith.constant 0 : i32
    %add3A_1414 = arith.addi %add3A_1412, %add3A_1413 : i32
    %iota3A_1415 = tpu.iota {dimensions = array<i32: 0>} : vector<16xi32>
    %add3A_1416 = vector.broadcast %add3A_1414 : i32 to vector<16xi32>
    %add3A_1417 = arith.addi %add3A_1416, %iota3A_1415 : vector<16xi32>
    %swap3A_1418 = arith.constant 0 : index
    %swap3A_1419 = tpu.vector_load %arg21[%swap3A_1418] {strides = array<i32>} : memref<112xi32, #tpu.memory_space<vmem>>, vector<16xi32>,
    %swap3A_1420 = vector.shape_cast %swap3A_1419 : vector<16xi32> to vector<16xi32>
    %swap3A_1421 = vector.shape_cast %add3A_1417 : vector<16xi32> to vector<16xi32>
    tpu.vector_store %arg21[%swap3A_1418], %swap3A_1421 {strides = array<i32>} : memref<112xi32, #tpu.memory_space<vmem>>, vector<16xi32>,
    %add3A_1422 = arith.constant 16 : i32
    %add3A_1423 = arith.addi %add3A_1412, %add3A_1422 : i32
    %iota3A_1424 = tpu.iota {dimensions = array<i32: 0>} : vector<16xi32>
    %add3A_1425 = vector.broadcast %add3A_1423 : i32 to vector<16xi32>
    %add3A_1426 = arith.addi %add3A_1425, %iota3A_1424 : vector<16xi32>
    %swap3A_1427 = arith.constant 16 : index
    %swap3A_1428 = tpu.vector_load %arg21[%swap3A_1427] {strides = array<i32>} : memref<112xi32, #tpu.memory_space<vmem>>, vector<16xi32>,
    %swap3A_1429 = vector.shape_cast %swap3A_1428 : vector<16xi32> to vector<16xi32>
    %swap3A_1430 = vector.shape_cast %add3A_1426 : vector<16xi32> to vector<16xi32>
    tpu.vector_store %arg21[%swap3A_1427], %swap3A_1430 {strides = array<i32>} : memref<112xi32, #tpu.memory_space<vmem>>, vector<16xi32>,
    %add3A_1431 = arith.constant 32 : i32
    %add3A_1432 = arith.addi %add3A_1412, %add3A_1431 : i32
    %iota3A_1433 = tpu.iota {dimensions = array<i32: 0>} : vector<16xi32>
    %add3A_1434 = vector.broadcast %add3A_1432 : i32 to vector<16xi32>
    %add3A_1435 = arith.addi %add3A_1434, %iota3A_1433 : vector<16xi32>
    %swap3A_1436 = arith.constant 32 : index
    %swap3A_1437 = tpu.vector_load %arg21[%swap3A_1436] {strides = array<i32>} : memref<112xi32, #tpu.memory_space<vmem>>, vector<16xi32>,
    %swap3A_1438 = vector.shape_cast %swap3A_1437 : vector<16xi32> to vector<16xi32>
    %swap3A_1439 = vector.shape_cast %add3A_1435 : vector<16xi32> to vector<16xi32>
    tpu.vector_store %arg21[%swap3A_1436], %swap3A_1439 {strides = array<i32>} : memref<112xi32, #tpu.memory_space<vmem>>, vector<16xi32>,
    %add3A_1440 = arith.constant 48 : i32
    %add3A_1441 = arith.addi %add3A_1412, %add3A_1440 : i32
    %iota3A_1442 = tpu.iota {dimensions = array<i32: 0>} : vector<16xi32>
    %add3A_1443 = vector.broadcast %add3A_1441 : i32 to vector<16xi32>
    %add3A_1444 = arith.addi %add3A_1443, %iota3A_1442 : vector<16xi32>
    %swap3A_1445 = arith.constant 48 : index
    %swap3A_1446 = tpu.vector_load %arg21[%swap3A_1445] {strides = array<i32>} : memref<112xi32, #tpu.memory_space<vmem>>, vector<16xi32>,
    %swap3A_1447 = vector.shape_cast %swap3A_1446 : vector<16xi32> to vector<16xi32>
    %swap3A_1448 = vector.shape_cast %add3A_1444 : vector<16xi32> to vector<16xi32>
    tpu.vector_store %arg21[%swap3A_1445], %swap3A_1448 {strides = array<i32>} : memref<112xi32, #tpu.memory_space<vmem>>, vector<16xi32>,
    %add3A_1449 = arith.constant 64 : i32
    %add3A_1450 = arith.addi %add3A_1412, %add3A_1449 : i32
    %iota3A_1451 = tpu.iota {dimensions = array<i32: 0>} : vector<16xi32>
    %add3A_1452 = vector.broadcast %add3A_1450 : i32 to vector<16xi32>
    %add3A_1453 = arith.addi %add3A_1452, %iota3A_1451 : vector<16xi32>
    %swap3A_1454 = arith.constant 64 : index
    %swap3A_1455 = tpu.vector_load %arg21[%swap3A_1454] {strides = array<i32>} : memref<112xi32, #tpu.memory_space<vmem>>, vector<16xi32>,
    %swap3A_1456 = vector.shape_cast %swap3A_1455 : vector<16xi32> to vector<16xi32>
    %swap3A_1457 = vector.shape_cast %add3A_1453 : vector<16xi32> to vector<16xi32>
    tpu.vector_store %arg21[%swap3A_1454], %swap3A_1457 {strides = array<i32>} : memref<112xi32, #tpu.memory_space<vmem>>, vector<16xi32>,
    %add3A_1458 = arith.constant 80 : i32
    %add3A_1459 = arith.addi %add3A_1412, %add3A_1458 : i32
    %iota3A_1460 = tpu.iota {dimensions = array<i32: 0>} : vector<16xi32>
    %add3A_1461 = vector.broadcast %add3A_1459 : i32 to vector<16xi32>
    %add3A_1462 = arith.addi %add3A_1461, %iota3A_1460 : vector<16xi32>
    %swap3A_1463 = arith.constant 80 : index
    %swap3A_1464 = tpu.vector_load %arg21[%swap3A_1463] {strides = array<i32>} : memref<112xi32, #tpu.memory_space<vmem>>, vector<16xi32>,
    %swap3A_1465 = vector.shape_cast %swap3A_1464 : vector<16xi32> to vector<16xi32>
    %swap3A_1466 = vector.shape_cast %add3A_1462 : vector<16xi32> to vector<16xi32>
    tpu.vector_store %arg21[%swap3A_1463], %swap3A_1466 {strides = array<i32>} : memref<112xi32, #tpu.memory_space<vmem>>, vector<16xi32>,
    %add3A_1467 = arith.constant 96 : i32
    %add3A_1468 = arith.addi %add3A_1412, %add3A_1467 : i32
    %iota3A_1469 = tpu.iota {dimensions = array<i32: 0>} : vector<16xi32>
    %add3A_1470 = vector.broadcast %add3A_1468 : i32 to vector<16xi32>
    %add3A_1471 = arith.addi %add3A_1470, %iota3A_1469 : vector<16xi32>
    %swap3A_1472 = arith.constant 96 : index
    %swap3A_1473 = tpu.vector_load %arg21[%swap3A_1472] {strides = array<i32>} : memref<112xi32, #tpu.memory_space<vmem>>, vector<16xi32>,
    %swap3A_1474 = vector.shape_cast %swap3A_1473 : vector<16xi32> to vector<16xi32>
    %swap3A_1475 = vector.shape_cast %add3A_1471 : vector<16xi32> to vector<16xi32>
    tpu.vector_store %arg21[%swap3A_1472], %swap3A_1475 {strides = array<i32>} : memref<112xi32, #tpu.memory_space<vmem>>, vector<16xi32>,
    %dma_start3A_1476 = arith.constant 0 : i32
    %dma_start3A_1477 = arith.constant 0 : i32
    %dma_start3A_1478 = tpu.memref_slice %arg10[%dma_start3A_1476, %dma_start3A_1477] : memref<112x128xf32, #tpu.memory_space<vmem>> -> memref<112x128xf32, #tpu.memory_space<vmem>>
    %dma_start3A_1479 = arith.constant 0 : i32
    %dma_start3A_1480 = arith.constant 0 : i32
    %dma_start3A_1481 = tpu.memref_slice %arg9[%dma_start3A_1479, %dma_start3A_1480] : memref<10240x128xf32, #tpu.memory_space<vmem_shared>> -> memref<10240x128xf32, #tpu.memory_space<vmem_shared>>
    tpu.enqueue_indirect_dma source(%dma_start3A_1481 : memref<10240x128xf32, #tpu.memory_space<vmem_shared>>) target(%dma_start3A_1478 : memref<112x128xf32, #tpu.memory_space<vmem>>) offsets(%arg21 : memref<112xi32, #tpu.memory_space<vmem>>) semaphore(%arg29 : memref<!tpu.dma_semaphore, #tpu.memory_space<semaphore_mem>>)
    %dma_wait3A_1482 = arith.constant 0 : i32
    %dma_wait3A_1483 = arith.constant 0 : i32
    %dma_wait3A_1484 = tpu.memref_slice %arg10[%dma_wait3A_1482, %dma_wait3A_1483] : memref<112x128xf32, #tpu.memory_space<vmem>> -> memref<112x128xf32, #tpu.memory_space<vmem>>
    %dma_wait3A_1485 = arith.constant 0 : i32
    %dma_wait3A_1486 = arith.constant 0 : i32
    %dma_wait3A_1487 = tpu.memref_slice %arg9[%dma_wait3A_1485, %dma_wait3A_1486] : memref<10240x128xf32, #tpu.memory_space<vmem_shared>> -> memref<10240x128xf32, #tpu.memory_space<vmem_shared>>
    tpu.wait_indirect_dma semaphore(%arg29 : memref<!tpu.dma_semaphore, #tpu.memory_space<semaphore_mem>>) src(%dma_wait3A_1487 : memref<10240x128xf32, #tpu.memory_space<vmem_shared>>) dst(%dma_wait3A_1484 : memref<112x128xf32, #tpu.memory_space<vmem>>)
    %add3A_1488 = arith.constant 0 : i32
    %add3A_1489 = arith.addi %mul3A_0, %add3A_1488 : i32
    "tpu.region"() ({
      %run_scoped3A = tpu.sem_alloc : memref<!tpu.dma_semaphore, #tpu.memory_space<semaphore_mem>>
      %dma_start3A_1867 = arith.constant 0 : i32
      %dma_start3A_1868 = arith.constant 0 : i32
      %dma_start3A_1869 = tpu.memref_slice %arg10[%dma_start3A_1867, %dma_start3A_1868] : memref<112x128xf32, #tpu.memory_space<vmem>> -> memref<112x128xf32, #tpu.memory_space<vmem>>
      %dma_start3A_1870 = arith.constant 0 : i32
      %dma_start3A_1871 = tpu.memref_slice %arg7[%arg0, %add3A_1489, %dma_start3A_1870] : memref<2x10240x128xf32, #tpu.memory_space<hbm>> -> memref<1x112x128xf32, #tpu.memory_space<hbm>>
      %dma_start3A_1872 = tpu.memref_squeeze %dma_start3A_1871 : memref<1x112x128xf32, #tpu.memory_space<hbm>> -> memref<112x128xf32, #tpu.memory_space<hbm>>
      %dma_start3A_1873 = arith.constant 0 : i32
      %dma_start3A_1874 = tpu.memref_slice %arg7[%arg0, %add3A_1489, %dma_start3A_1873] : memref<2x10240x128xf32, #tpu.memory_space<hbm>> -> memref<1x112x128xf32, #tpu.memory_space<hbm>>
      %dma_start3A_1875 = tpu.memref_squeeze %dma_start3A_1874 : memref<1x112x128xf32, #tpu.memory_space<hbm>> -> memref<112x128xf32, #tpu.memory_space<hbm>>
      %dma_start3A_1876 = arith.constant 0 : i32
      %dma_start3A_1877 = arith.constant 0 : i32
      %dma_start3A_1878 = tpu.memref_slice %arg10[%dma_start3A_1876, %dma_start3A_1877] : memref<112x128xf32, #tpu.memory_space<vmem>> -> memref<112x128xf32, #tpu.memory_space<vmem>>
      tpu.enqueue_dma source(%dma_start3A_1878 : memref<112x128xf32, #tpu.memory_space<vmem>>) target(%dma_start3A_1875 : memref<112x128xf32, #tpu.memory_space<hbm>>) target_semaphore(%run_scoped3A : memref<!tpu.dma_semaphore, #tpu.memory_space<semaphore_mem>>)
      %dma_wait3A_1879 = arith.constant 0 : i32
      %dma_wait3A_1880 = arith.constant 0 : i32
      %dma_wait3A_1881 = tpu.memref_slice %arg10[%dma_wait3A_1879, %dma_wait3A_1880] : memref<112x128xf32, #tpu.memory_space<vmem>> -> memref<112x128xf32, #tpu.memory_space<vmem>>
      %dma_wait3A_1882 = arith.constant 0 : i32
      %dma_wait3A_1883 = tpu.memref_slice %arg7[%arg0, %add3A_1489, %dma_wait3A_1882] : memref<2x10240x128xf32, #tpu.memory_space<hbm>> -> memref<1x112x128xf32, #tpu.memory_space<hbm>>
      %dma_wait3A_1884 = tpu.memref_squeeze %dma_wait3A_1883 : memref<1x112x128xf32, #tpu.memory_space<hbm>> -> memref<112x128xf32, #tpu.memory_space<hbm>>
      %dma_wait3A_1885 = arith.constant 0 : i32
      %dma_wait3A_1886 = tpu.memref_slice %arg7[%arg0, %add3A_1489, %dma_wait3A_1885] : memref<2x10240x128xf32, #tpu.memory_space<hbm>> -> memref<1x112x128xf32, #tpu.memory_space<hbm>>
      %dma_wait3A_1887 = tpu.memref_squeeze %dma_wait3A_1886 : memref<1x112x128xf32, #tpu.memory_space<hbm>> -> memref<112x128xf32, #tpu.memory_space<hbm>>
      %dma_wait3A_1888 = arith.constant 0 : i32
      %dma_wait3A_1889 = arith.constant 0 : i32
      %dma_wait3A_1890 = tpu.memref_slice %arg10[%dma_wait3A_1888, %dma_wait3A_1889] : memref<112x128xf32, #tpu.memory_space<vmem>> -> memref<112x128xf32, #tpu.memory_space<vmem>>
      tpu.wait_dma2 semaphore(%run_scoped3A : memref<!tpu.dma_semaphore, #tpu.memory_space<semaphore_mem>>) src(%dma_wait3A_1890 : memref<112x128xf32, #tpu.memory_space<vmem>>) dst(%dma_wait3A_1887 : memref<112x128xf32, #tpu.memory_space<hbm>>)
      tpu.yield
    }) : () -> ()
    %add3A_1490 = arith.constant 112 : i32
    %add3A_1491 = arith.addi %mul3A_0, %add3A_1490 : i32
    %add3A_1492 = arith.constant 0 : i32
    %add3A_1493 = arith.addi %add3A_1491, %add3A_1492 : i32
    %iota3A_1494 = tpu.iota {dimensions = array<i32: 0>} : vector<16xi32>
    %add3A_1495 = vector.broadcast %add3A_1493 : i32 to vector<16xi32>
    %add3A_1496 = arith.addi %add3A_1495, %iota3A_1494 : vector<16xi32>
    %swap3A_1497 = arith.constant 0 : index
    %swap3A_1498 = tpu.vector_load %arg21[%swap3A_1497] {strides = array<i32>} : memref<112xi32, #tpu.memory_space<vmem>>, vector<16xi32>,
    %swap3A_1499 = vector.shape_cast %swap3A_1498 : vector<16xi32> to vector<16xi32>
    %swap3A_1500 = vector.shape_cast %add3A_1496 : vector<16xi32> to vector<16xi32>
    tpu.vector_store %arg21[%swap3A_1497], %swap3A_1500 {strides = array<i32>} : memref<112xi32, #tpu.memory_space<vmem>>, vector<16xi32>,
    %add3A_1501 = arith.constant 16 : i32
    %add3A_1502 = arith.addi %add3A_1491, %add3A_1501 : i32
    %iota3A_1503 = tpu.iota {dimensions = array<i32: 0>} : vector<16xi32>
    %add3A_1504 = vector.broadcast %add3A_1502 : i32 to vector<16xi32>
    %add3A_1505 = arith.addi %add3A_1504, %iota3A_1503 : vector<16xi32>
    %swap3A_1506 = arith.constant 16 : index
    %swap3A_1507 = tpu.vector_load %arg21[%swap3A_1506] {strides = array<i32>} : memref<112xi32, #tpu.memory_space<vmem>>, vector<16xi32>,
    %swap3A_1508 = vector.shape_cast %swap3A_1507 : vector<16xi32> to vector<16xi32>
    %swap3A_1509 = vector.shape_cast %add3A_1505 : vector<16xi32> to vector<16xi32>
    tpu.vector_store %arg21[%swap3A_1506], %swap3A_1509 {strides = array<i32>} : memref<112xi32, #tpu.memory_space<vmem>>, vector<16xi32>,
    %add3A_1510 = arith.constant 32 : i32
    %add3A_1511 = arith.addi %add3A_1491, %add3A_1510 : i32
    %iota3A_1512 = tpu.iota {dimensions = array<i32: 0>} : vector<16xi32>
    %add3A_1513 = vector.broadcast %add3A_1511 : i32 to vector<16xi32>
    %add3A_1514 = arith.addi %add3A_1513, %iota3A_1512 : vector<16xi32>
    %swap3A_1515 = arith.constant 32 : index
    %swap3A_1516 = tpu.vector_load %arg21[%swap3A_1515] {strides = array<i32>} : memref<112xi32, #tpu.memory_space<vmem>>, vector<16xi32>,
    %swap3A_1517 = vector.shape_cast %swap3A_1516 : vector<16xi32> to vector<16xi32>
    %swap3A_1518 = vector.shape_cast %add3A_1514 : vector<16xi32> to vector<16xi32>
    tpu.vector_store %arg21[%swap3A_1515], %swap3A_1518 {strides = array<i32>} : memref<112xi32, #tpu.memory_space<vmem>>, vector<16xi32>,
    %add3A_1519 = arith.constant 48 : i32
    %add3A_1520 = arith.addi %add3A_1491, %add3A_1519 : i32
    %iota3A_1521 = tpu.iota {dimensions = array<i32: 0>} : vector<16xi32>
    %add3A_1522 = vector.broadcast %add3A_1520 : i32 to vector<16xi32>
    %add3A_1523 = arith.addi %add3A_1522, %iota3A_1521 : vector<16xi32>
    %swap3A_1524 = arith.constant 48 : index
    %swap3A_1525 = tpu.vector_load %arg21[%swap3A_1524] {strides = array<i32>} : memref<112xi32, #tpu.memory_space<vmem>>, vector<16xi32>,
    %swap3A_1526 = vector.shape_cast %swap3A_1525 : vector<16xi32> to vector<16xi32>
    %swap3A_1527 = vector.shape_cast %add3A_1523 : vector<16xi32> to vector<16xi32>
    tpu.vector_store %arg21[%swap3A_1524], %swap3A_1527 {strides = array<i32>} : memref<112xi32, #tpu.memory_space<vmem>>, vector<16xi32>,
    %add3A_1528 = arith.constant 64 : i32
    %add3A_1529 = arith.addi %add3A_1491, %add3A_1528 : i32
    %iota3A_1530 = tpu.iota {dimensions = array<i32: 0>} : vector<16xi32>
    %add3A_1531 = vector.broadcast %add3A_1529 : i32 to vector<16xi32>
    %add3A_1532 = arith.addi %add3A_1531, %iota3A_1530 : vector<16xi32>
    %swap3A_1533 = arith.constant 64 : index
    %swap3A_1534 = tpu.vector_load %arg21[%swap3A_1533] {strides = array<i32>} : memref<112xi32, #tpu.memory_space<vmem>>, vector<16xi32>,
    %swap3A_1535 = vector.shape_cast %swap3A_1534 : vector<16xi32> to vector<16xi32>
    %swap3A_1536 = vector.shape_cast %add3A_1532 : vector<16xi32> to vector<16xi32>
    tpu.vector_store %arg21[%swap3A_1533], %swap3A_1536 {strides = array<i32>} : memref<112xi32, #tpu.memory_space<vmem>>, vector<16xi32>,
    %add3A_1537 = arith.constant 80 : i32
    %add3A_1538 = arith.addi %add3A_1491, %add3A_1537 : i32
    %iota3A_1539 = tpu.iota {dimensions = array<i32: 0>} : vector<16xi32>
    %add3A_1540 = vector.broadcast %add3A_1538 : i32 to vector<16xi32>
    %add3A_1541 = arith.addi %add3A_1540, %iota3A_1539 : vector<16xi32>
    %swap3A_1542 = arith.constant 80 : index
    %swap3A_1543 = tpu.vector_load %arg21[%swap3A_1542] {strides = array<i32>} : memref<112xi32, #tpu.memory_space<vmem>>, vector<16xi32>,
    %swap3A_1544 = vector.shape_cast %swap3A_1543 : vector<16xi32> to vector<16xi32>
    %swap3A_1545 = vector.shape_cast %add3A_1541 : vector<16xi32> to vector<16xi32>
    tpu.vector_store %arg21[%swap3A_1542], %swap3A_1545 {strides = array<i32>} : memref<112xi32, #tpu.memory_space<vmem>>, vector<16xi32>,
    %add3A_1546 = arith.constant 96 : i32
    %add3A_1547 = arith.addi %add3A_1491, %add3A_1546 : i32
    %iota3A_1548 = tpu.iota {dimensions = array<i32: 0>} : vector<16xi32>
    %add3A_1549 = vector.broadcast %add3A_1547 : i32 to vector<16xi32>
    %add3A_1550 = arith.addi %add3A_1549, %iota3A_1548 : vector<16xi32>
    %swap3A_1551 = arith.constant 96 : index
    %swap3A_1552 = tpu.vector_load %arg21[%swap3A_1551] {strides = array<i32>} : memref<112xi32, #tpu.memory_space<vmem>>, vector<16xi32>,
    %swap3A_1553 = vector.shape_cast %swap3A_1552 : vector<16xi32> to vector<16xi32>
    %swap3A_1554 = vector.shape_cast %add3A_1550 : vector<16xi32> to vector<16xi32>
    tpu.vector_store %arg21[%swap3A_1551], %swap3A_1554 {strides = array<i32>} : memref<112xi32, #tpu.memory_space<vmem>>, vector<16xi32>,
    %dma_start3A_1555 = arith.constant 0 : i32
    %dma_start3A_1556 = arith.constant 0 : i32
    %dma_start3A_1557 = tpu.memref_slice %arg10[%dma_start3A_1555, %dma_start3A_1556] : memref<112x128xf32, #tpu.memory_space<vmem>> -> memref<112x128xf32, #tpu.memory_space<vmem>>
    %dma_start3A_1558 = arith.constant 0 : i32
    %dma_start3A_1559 = arith.constant 0 : i32
    %dma_start3A_1560 = tpu.memref_slice %arg9[%dma_start3A_1558, %dma_start3A_1559] : memref<10240x128xf32, #tpu.memory_space<vmem_shared>> -> memref<10240x128xf32, #tpu.memory_space<vmem_shared>>
    tpu.enqueue_indirect_dma source(%dma_start3A_1560 : memref<10240x128xf32, #tpu.memory_space<vmem_shared>>) target(%dma_start3A_1557 : memref<112x128xf32, #tpu.memory_space<vmem>>) offsets(%arg21 : memref<112xi32, #tpu.memory_space<vmem>>) semaphore(%arg29 : memref<!tpu.dma_semaphore, #tpu.memory_space<semaphore_mem>>)
    %dma_wait3A_1561 = arith.constant 0 : i32
    %dma_wait3A_1562 = arith.constant 0 : i32
    %dma_wait3A_1563 = tpu.memref_slice %arg10[%dma_wait3A_1561, %dma_wait3A_1562] : memref<112x128xf32, #tpu.memory_space<vmem>> -> memref<112x128xf32, #tpu.memory_space<vmem>>
    %dma_wait3A_1564 = arith.constant 0 : i32
    %dma_wait3A_1565 = arith.constant 0 : i32
    %dma_wait3A_1566 = tpu.memref_slice %arg9[%dma_wait3A_1564, %dma_wait3A_1565] : memref<10240x128xf32, #tpu.memory_space<vmem_shared>> -> memref<10240x128xf32, #tpu.memory_space<vmem_shared>>
    tpu.wait_indirect_dma semaphore(%arg29 : memref<!tpu.dma_semaphore, #tpu.memory_space<semaphore_mem>>) src(%dma_wait3A_1566 : memref<10240x128xf32, #tpu.memory_space<vmem_shared>>) dst(%dma_wait3A_1563 : memref<112x128xf32, #tpu.memory_space<vmem>>)
    %add3A_1567 = arith.constant 112 : i32
    %add3A_1568 = arith.addi %mul3A_0, %add3A_1567 : i32
    "tpu.region"() ({
      %run_scoped3A = tpu.sem_alloc : memref<!tpu.dma_semaphore, #tpu.memory_space<semaphore_mem>>
      %dma_start3A_1867 = arith.constant 0 : i32
      %dma_start3A_1868 = arith.constant 0 : i32
      %dma_start3A_1869 = tpu.memref_slice %arg10[%dma_start3A_1867, %dma_start3A_1868] : memref<112x128xf32, #tpu.memory_space<vmem>> -> memref<112x128xf32, #tpu.memory_space<vmem>>
      %dma_start3A_1870 = arith.constant 0 : i32
      %dma_start3A_1871 = tpu.memref_slice %arg7[%arg0, %add3A_1568, %dma_start3A_1870] : memref<2x10240x128xf32, #tpu.memory_space<hbm>> -> memref<1x112x128xf32, #tpu.memory_space<hbm>>
      %dma_start3A_1872 = tpu.memref_squeeze %dma_start3A_1871 : memref<1x112x128xf32, #tpu.memory_space<hbm>> -> memref<112x128xf32, #tpu.memory_space<hbm>>
      %dma_start3A_1873 = arith.constant 0 : i32
      %dma_start3A_1874 = tpu.memref_slice %arg7[%arg0, %add3A_1568, %dma_start3A_1873] : memref<2x10240x128xf32, #tpu.memory_space<hbm>> -> memref<1x112x128xf32, #tpu.memory_space<hbm>>
      %dma_start3A_1875 = tpu.memref_squeeze %dma_start3A_1874 : memref<1x112x128xf32, #tpu.memory_space<hbm>> -> memref<112x128xf32, #tpu.memory_space<hbm>>
      %dma_start3A_1876 = arith.constant 0 : i32
      %dma_start3A_1877 = arith.constant 0 : i32
      %dma_start3A_1878 = tpu.memref_slice %arg10[%dma_start3A_1876, %dma_start3A_1877] : memref<112x128xf32, #tpu.memory_space<vmem>> -> memref<112x128xf32, #tpu.memory_space<vmem>>
      tpu.enqueue_dma source(%dma_start3A_1878 : memref<112x128xf32, #tpu.memory_space<vmem>>) target(%dma_start3A_1875 : memref<112x128xf32, #tpu.memory_space<hbm>>) target_semaphore(%run_scoped3A : memref<!tpu.dma_semaphore, #tpu.memory_space<semaphore_mem>>)
      %dma_wait3A_1879 = arith.constant 0 : i32
      %dma_wait3A_1880 = arith.constant 0 : i32
      %dma_wait3A_1881 = tpu.memref_slice %arg10[%dma_wait3A_1879, %dma_wait3A_1880] : memref<112x128xf32, #tpu.memory_space<vmem>> -> memref<112x128xf32, #tpu.memory_space<vmem>>
      %dma_wait3A_1882 = arith.constant 0 : i32
      %dma_wait3A_1883 = tpu.memref_slice %arg7[%arg0, %add3A_1568, %dma_wait3A_1882] : memref<2x10240x128xf32, #tpu.memory_space<hbm>> -> memref<1x112x128xf32, #tpu.memory_space<hbm>>
      %dma_wait3A_1884 = tpu.memref_squeeze %dma_wait3A_1883 : memref<1x112x128xf32, #tpu.memory_space<hbm>> -> memref<112x128xf32, #tpu.memory_space<hbm>>
      %dma_wait3A_1885 = arith.constant 0 : i32
      %dma_wait3A_1886 = tpu.memref_slice %arg7[%arg0, %add3A_1568, %dma_wait3A_1885] : memref<2x10240x128xf32, #tpu.memory_space<hbm>> -> memref<1x112x128xf32, #tpu.memory_space<hbm>>
      %dma_wait3A_1887 = tpu.memref_squeeze %dma_wait3A_1886 : memref<1x112x128xf32, #tpu.memory_space<hbm>> -> memref<112x128xf32, #tpu.memory_space<hbm>>
      %dma_wait3A_1888 = arith.constant 0 : i32
      %dma_wait3A_1889 = arith.constant 0 : i32
      %dma_wait3A_1890 = tpu.memref_slice %arg10[%dma_wait3A_1888, %dma_wait3A_1889] : memref<112x128xf32, #tpu.memory_space<vmem>> -> memref<112x128xf32, #tpu.memory_space<vmem>>
      tpu.wait_dma2 semaphore(%run_scoped3A : memref<!tpu.dma_semaphore, #tpu.memory_space<semaphore_mem>>) src(%dma_wait3A_1890 : memref<112x128xf32, #tpu.memory_space<vmem>>) dst(%dma_wait3A_1887 : memref<112x128xf32, #tpu.memory_space<hbm>>)
      tpu.yield
    }) : () -> ()
    %add3A_1569 = arith.constant 224 : i32
    %add3A_1570 = arith.addi %mul3A_0, %add3A_1569 : i32
    %add3A_1571 = arith.constant 0 : i32
    %add3A_1572 = arith.addi %add3A_1570, %add3A_1571 : i32
    %iota3A_1573 = tpu.iota {dimensions = array<i32: 0>} : vector<16xi32>
    %add3A_1574 = vector.broadcast %add3A_1572 : i32 to vector<16xi32>
    %add3A_1575 = arith.addi %add3A_1574, %iota3A_1573 : vector<16xi32>
    %swap3A_1576 = arith.constant 0 : index
    %swap3A_1577 = tpu.vector_load %arg21[%swap3A_1576] {strides = array<i32>} : memref<112xi32, #tpu.memory_space<vmem>>, vector<16xi32>,
    %swap3A_1578 = vector.shape_cast %swap3A_1577 : vector<16xi32> to vector<16xi32>
    %swap3A_1579 = vector.shape_cast %add3A_1575 : vector<16xi32> to vector<16xi32>
    tpu.vector_store %arg21[%swap3A_1576], %swap3A_1579 {strides = array<i32>} : memref<112xi32, #tpu.memory_space<vmem>>, vector<16xi32>,
    %add3A_1580 = arith.constant 16 : i32
    %add3A_1581 = arith.addi %add3A_1570, %add3A_1580 : i32
    %iota3A_1582 = tpu.iota {dimensions = array<i32: 0>} : vector<16xi32>
    %add3A_1583 = vector.broadcast %add3A_1581 : i32 to vector<16xi32>
    %add3A_1584 = arith.addi %add3A_1583, %iota3A_1582 : vector<16xi32>
    %swap3A_1585 = arith.constant 16 : index
    %swap3A_1586 = tpu.vector_load %arg21[%swap3A_1585] {strides = array<i32>} : memref<112xi32, #tpu.memory_space<vmem>>, vector<16xi32>,
    %swap3A_1587 = vector.shape_cast %swap3A_1586 : vector<16xi32> to vector<16xi32>
    %swap3A_1588 = vector.shape_cast %add3A_1584 : vector<16xi32> to vector<16xi32>
    tpu.vector_store %arg21[%swap3A_1585], %swap3A_1588 {strides = array<i32>} : memref<112xi32, #tpu.memory_space<vmem>>, vector<16xi32>,
    %add3A_1589 = arith.constant 32 : i32
    %add3A_1590 = arith.addi %add3A_1570, %add3A_1589 : i32
    %iota3A_1591 = tpu.iota {dimensions = array<i32: 0>} : vector<16xi32>
    %add3A_1592 = vector.broadcast %add3A_1590 : i32 to vector<16xi32>
    %add3A_1593 = arith.addi %add3A_1592, %iota3A_1591 : vector<16xi32>
    %swap3A_1594 = arith.constant 32 : index
    %swap3A_1595 = tpu.vector_load %arg21[%swap3A_1594] {strides = array<i32>} : memref<112xi32, #tpu.memory_space<vmem>>, vector<16xi32>,
    %swap3A_1596 = vector.shape_cast %swap3A_1595 : vector<16xi32> to vector<16xi32>
    %swap3A_1597 = vector.shape_cast %add3A_1593 : vector<16xi32> to vector<16xi32>
    tpu.vector_store %arg21[%swap3A_1594], %swap3A_1597 {strides = array<i32>} : memref<112xi32, #tpu.memory_space<vmem>>, vector<16xi32>,
    %add3A_1598 = arith.constant 48 : i32
    %add3A_1599 = arith.addi %add3A_1570, %add3A_1598 : i32
    %iota3A_1600 = tpu.iota {dimensions = array<i32: 0>} : vector<16xi32>
    %add3A_1601 = vector.broadcast %add3A_1599 : i32 to vector<16xi32>
    %add3A_1602 = arith.addi %add3A_1601, %iota3A_1600 : vector<16xi32>
    %swap3A_1603 = arith.constant 48 : index
    %swap3A_1604 = tpu.vector_load %arg21[%swap3A_1603] {strides = array<i32>} : memref<112xi32, #tpu.memory_space<vmem>>, vector<16xi32>,
    %swap3A_1605 = vector.shape_cast %swap3A_1604 : vector<16xi32> to vector<16xi32>
    %swap3A_1606 = vector.shape_cast %add3A_1602 : vector<16xi32> to vector<16xi32>
    tpu.vector_store %arg21[%swap3A_1603], %swap3A_1606 {strides = array<i32>} : memref<112xi32, #tpu.memory_space<vmem>>, vector<16xi32>,
    %add3A_1607 = arith.constant 64 : i32
    %add3A_1608 = arith.addi %add3A_1570, %add3A_1607 : i32
    %iota3A_1609 = tpu.iota {dimensions = array<i32: 0>} : vector<16xi32>
    %add3A_1610 = vector.broadcast %add3A_1608 : i32 to vector<16xi32>
    %add3A_1611 = arith.addi %add3A_1610, %iota3A_1609 : vector<16xi32>
    %swap3A_1612 = arith.constant 64 : index
    %swap3A_1613 = tpu.vector_load %arg21[%swap3A_1612] {strides = array<i32>} : memref<112xi32, #tpu.memory_space<vmem>>, vector<16xi32>,
    %swap3A_1614 = vector.shape_cast %swap3A_1613 : vector<16xi32> to vector<16xi32>
    %swap3A_1615 = vector.shape_cast %add3A_1611 : vector<16xi32> to vector<16xi32>
    tpu.vector_store %arg21[%swap3A_1612], %swap3A_1615 {strides = array<i32>} : memref<112xi32, #tpu.memory_space<vmem>>, vector<16xi32>,
    %add3A_1616 = arith.constant 80 : i32
    %add3A_1617 = arith.addi %add3A_1570, %add3A_1616 : i32
    %iota3A_1618 = tpu.iota {dimensions = array<i32: 0>} : vector<16xi32>
    %add3A_1619 = vector.broadcast %add3A_1617 : i32 to vector<16xi32>
    %add3A_1620 = arith.addi %add3A_1619, %iota3A_1618 : vector<16xi32>
    %swap3A_1621 = arith.constant 80 : index
    %swap3A_1622 = tpu.vector_load %arg21[%swap3A_1621] {strides = array<i32>} : memref<112xi32, #tpu.memory_space<vmem>>, vector<16xi32>,
    %swap3A_1623 = vector.shape_cast %swap3A_1622 : vector<16xi32> to vector<16xi32>
    %swap3A_1624 = vector.shape_cast %add3A_1620 : vector<16xi32> to vector<16xi32>
    tpu.vector_store %arg21[%swap3A_1621], %swap3A_1624 {strides = array<i32>} : memref<112xi32, #tpu.memory_space<vmem>>, vector<16xi32>,
    %add3A_1625 = arith.constant 96 : i32
    %add3A_1626 = arith.addi %add3A_1570, %add3A_1625 : i32
    %iota3A_1627 = tpu.iota {dimensions = array<i32: 0>} : vector<16xi32>
    %add3A_1628 = vector.broadcast %add3A_1626 : i32 to vector<16xi32>
    %add3A_1629 = arith.addi %add3A_1628, %iota3A_1627 : vector<16xi32>
    %swap3A_1630 = arith.constant 96 : index
    %swap3A_1631 = tpu.vector_load %arg21[%swap3A_1630] {strides = array<i32>} : memref<112xi32, #tpu.memory_space<vmem>>, vector<16xi32>,
    %swap3A_1632 = vector.shape_cast %swap3A_1631 : vector<16xi32> to vector<16xi32>
    %swap3A_1633 = vector.shape_cast %add3A_1629 : vector<16xi32> to vector<16xi32>
    tpu.vector_store %arg21[%swap3A_1630], %swap3A_1633 {strides = array<i32>} : memref<112xi32, #tpu.memory_space<vmem>>, vector<16xi32>,
    %dma_start3A_1634 = arith.constant 0 : i32
    %dma_start3A_1635 = arith.constant 0 : i32
    %dma_start3A_1636 = tpu.memref_slice %arg10[%dma_start3A_1634, %dma_start3A_1635] : memref<112x128xf32, #tpu.memory_space<vmem>> -> memref<112x128xf32, #tpu.memory_space<vmem>>
    %dma_start3A_1637 = arith.constant 0 : i32
    %dma_start3A_1638 = arith.constant 0 : i32
    %dma_start3A_1639 = tpu.memref_slice %arg9[%dma_start3A_1637, %dma_start3A_1638] : memref<10240x128xf32, #tpu.memory_space<vmem_shared>> -> memref<10240x128xf32, #tpu.memory_space<vmem_shared>>
    tpu.enqueue_indirect_dma source(%dma_start3A_1639 : memref<10240x128xf32, #tpu.memory_space<vmem_shared>>) target(%dma_start3A_1636 : memref<112x128xf32, #tpu.memory_space<vmem>>) offsets(%arg21 : memref<112xi32, #tpu.memory_space<vmem>>) semaphore(%arg29 : memref<!tpu.dma_semaphore, #tpu.memory_space<semaphore_mem>>)
    %dma_wait3A_1640 = arith.constant 0 : i32
    %dma_wait3A_1641 = arith.constant 0 : i32
    %dma_wait3A_1642 = tpu.memref_slice %arg10[%dma_wait3A_1640, %dma_wait3A_1641] : memref<112x128xf32, #tpu.memory_space<vmem>> -> memref<112x128xf32, #tpu.memory_space<vmem>>
    %dma_wait3A_1643 = arith.constant 0 : i32
    %dma_wait3A_1644 = arith.constant 0 : i32
    %dma_wait3A_1645 = tpu.memref_slice %arg9[%dma_wait3A_1643, %dma_wait3A_1644] : memref<10240x128xf32, #tpu.memory_space<vmem_shared>> -> memref<10240x128xf32, #tpu.memory_space<vmem_shared>>
    tpu.wait_indirect_dma semaphore(%arg29 : memref<!tpu.dma_semaphore, #tpu.memory_space<semaphore_mem>>) src(%dma_wait3A_1645 : memref<10240x128xf32, #tpu.memory_space<vmem_shared>>) dst(%dma_wait3A_1642 : memref<112x128xf32, #tpu.memory_space<vmem>>)
    %add3A_1646 = arith.constant 224 : i32
    %add3A_1647 = arith.addi %mul3A_0, %add3A_1646 : i32
    "tpu.region"() ({
      %run_scoped3A = tpu.sem_alloc : memref<!tpu.dma_semaphore, #tpu.memory_space<semaphore_mem>>
      %dma_start3A_1867 = arith.constant 0 : i32
      %dma_start3A_1868 = arith.constant 0 : i32
      %dma_start3A_1869 = tpu.memref_slice %arg10[%dma_start3A_1867, %dma_start3A_1868] : memref<112x128xf32, #tpu.memory_space<vmem>> -> memref<112x128xf32, #tpu.memory_space<vmem>>
      %dma_start3A_1870 = arith.constant 0 : i32
      %dma_start3A_1871 = tpu.memref_slice %arg7[%arg0, %add3A_1647, %dma_start3A_1870] : memref<2x10240x128xf32, #tpu.memory_space<hbm>> -> memref<1x112x128xf32, #tpu.memory_space<hbm>>
      %dma_start3A_1872 = tpu.memref_squeeze %dma_start3A_1871 : memref<1x112x128xf32, #tpu.memory_space<hbm>> -> memref<112x128xf32, #tpu.memory_space<hbm>>
      %dma_start3A_1873 = arith.constant 0 : i32
      %dma_start3A_1874 = tpu.memref_slice %arg7[%arg0, %add3A_1647, %dma_start3A_1873] : memref<2x10240x128xf32, #tpu.memory_space<hbm>> -> memref<1x112x128xf32, #tpu.memory_space<hbm>>
      %dma_start3A_1875 = tpu.memref_squeeze %dma_start3A_1874 : memref<1x112x128xf32, #tpu.memory_space<hbm>> -> memref<112x128xf32, #tpu.memory_space<hbm>>
      %dma_start3A_1876 = arith.constant 0 : i32
      %dma_start3A_1877 = arith.constant 0 : i32
      %dma_start3A_1878 = tpu.memref_slice %arg10[%dma_start3A_1876, %dma_start3A_1877] : memref<112x128xf32, #tpu.memory_space<vmem>> -> memref<112x128xf32, #tpu.memory_space<vmem>>
      tpu.enqueue_dma source(%dma_start3A_1878 : memref<112x128xf32, #tpu.memory_space<vmem>>) target(%dma_start3A_1875 : memref<112x128xf32, #tpu.memory_space<hbm>>) target_semaphore(%run_scoped3A : memref<!tpu.dma_semaphore, #tpu.memory_space<semaphore_mem>>)
      %dma_wait3A_1879 = arith.constant 0 : i32
      %dma_wait3A_1880 = arith.constant 0 : i32
      %dma_wait3A_1881 = tpu.memref_slice %arg10[%dma_wait3A_1879, %dma_wait3A_1880] : memref<112x128xf32, #tpu.memory_space<vmem>> -> memref<112x128xf32, #tpu.memory_space<vmem>>
      %dma_wait3A_1882 = arith.constant 0 : i32
      %dma_wait3A_1883 = tpu.memref_slice %arg7[%arg0, %add3A_1647, %dma_wait3A_1882] : memref<2x10240x128xf32, #tpu.memory_space<hbm>> -> memref<1x112x128xf32, #tpu.memory_space<hbm>>
      %dma_wait3A_1884 = tpu.memref_squeeze %dma_wait3A_1883 : memref<1x112x128xf32, #tpu.memory_space<hbm>> -> memref<112x128xf32, #tpu.memory_space<hbm>>
      %dma_wait3A_1885 = arith.constant 0 : i32
      %dma_wait3A_1886 = tpu.memref_slice %arg7[%arg0, %add3A_1647, %dma_wait3A_1885] : memref<2x10240x128xf32, #tpu.memory_space<hbm>> -> memref<1x112x128xf32, #tpu.memory_space<hbm>>
      %dma_wait3A_1887 = tpu.memref_squeeze %dma_wait3A_1886 : memref<1x112x128xf32, #tpu.memory_space<hbm>> -> memref<112x128xf32, #tpu.memory_space<hbm>>
      %dma_wait3A_1888 = arith.constant 0 : i32
      %dma_wait3A_1889 = arith.constant 0 : i32
      %dma_wait3A_1890 = tpu.memref_slice %arg10[%dma_wait3A_1888, %dma_wait3A_1889] : memref<112x128xf32, #tpu.memory_space<vmem>> -> memref<112x128xf32, #tpu.memory_space<vmem>>
      tpu.wait_dma2 semaphore(%run_scoped3A : memref<!tpu.dma_semaphore, #tpu.memory_space<semaphore_mem>>) src(%dma_wait3A_1890 : memref<112x128xf32, #tpu.memory_space<vmem>>) dst(%dma_wait3A_1887 : memref<112x128xf32, #tpu.memory_space<hbm>>)
      tpu.yield
    }) : () -> ()
    %add3A_1648 = arith.constant 336 : i32
    %add3A_1649 = arith.addi %mul3A_0, %add3A_1648 : i32
    %add3A_1650 = arith.constant 0 : i32
    %add3A_1651 = arith.addi %add3A_1649, %add3A_1650 : i32
    %iota3A_1652 = tpu.iota {dimensions = array<i32: 0>} : vector<16xi32>
    %add3A_1653 = vector.broadcast %add3A_1651 : i32 to vector<16xi32>
    %add3A_1654 = arith.addi %add3A_1653, %iota3A_1652 : vector<16xi32>
    %swap3A_1655 = arith.constant 0 : index
    %swap3A_1656 = tpu.vector_load %arg21[%swap3A_1655] {strides = array<i32>} : memref<112xi32, #tpu.memory_space<vmem>>, vector<16xi32>,
    %swap3A_1657 = vector.shape_cast %swap3A_1656 : vector<16xi32> to vector<16xi32>
    %swap3A_1658 = vector.shape_cast %add3A_1654 : vector<16xi32> to vector<16xi32>
    tpu.vector_store %arg21[%swap3A_1655], %swap3A_1658 {strides = array<i32>} : memref<112xi32, #tpu.memory_space<vmem>>, vector<16xi32>,
    %add3A_1659 = arith.constant 16 : i32
    %add3A_1660 = arith.addi %add3A_1649, %add3A_1659 : i32
    %iota3A_1661 = tpu.iota {dimensions = array<i32: 0>} : vector<16xi32>
    %add3A_1662 = vector.broadcast %add3A_1660 : i32 to vector<16xi32>
    %add3A_1663 = arith.addi %add3A_1662, %iota3A_1661 : vector<16xi32>
    %swap3A_1664 = arith.constant 16 : index
    %swap3A_1665 = tpu.vector_load %arg21[%swap3A_1664] {strides = array<i32>} : memref<112xi32, #tpu.memory_space<vmem>>, vector<16xi32>,
    %swap3A_1666 = vector.shape_cast %swap3A_1665 : vector<16xi32> to vector<16xi32>
    %swap3A_1667 = vector.shape_cast %add3A_1663 : vector<16xi32> to vector<16xi32>
    tpu.vector_store %arg21[%swap3A_1664], %swap3A_1667 {strides = array<i32>} : memref<112xi32, #tpu.memory_space<vmem>>, vector<16xi32>,
    %add3A_1668 = arith.constant 32 : i32
    %add3A_1669 = arith.addi %add3A_1649, %add3A_1668 : i32
    %iota3A_1670 = tpu.iota {dimensions = array<i32: 0>} : vector<16xi32>
    %add3A_1671 = vector.broadcast %add3A_1669 : i32 to vector<16xi32>
    %add3A_1672 = arith.addi %add3A_1671, %iota3A_1670 : vector<16xi32>
    %swap3A_1673 = arith.constant 32 : index
    %swap3A_1674 = tpu.vector_load %arg21[%swap3A_1673] {strides = array<i32>} : memref<112xi32, #tpu.memory_space<vmem>>, vector<16xi32>,
    %swap3A_1675 = vector.shape_cast %swap3A_1674 : vector<16xi32> to vector<16xi32>
    %swap3A_1676 = vector.shape_cast %add3A_1672 : vector<16xi32> to vector<16xi32>
    tpu.vector_store %arg21[%swap3A_1673], %swap3A_1676 {strides = array<i32>} : memref<112xi32, #tpu.memory_space<vmem>>, vector<16xi32>,
    %add3A_1677 = arith.constant 48 : i32
    %add3A_1678 = arith.addi %add3A_1649, %add3A_1677 : i32
    %iota3A_1679 = tpu.iota {dimensions = array<i32: 0>} : vector<16xi32>
    %add3A_1680 = vector.broadcast %add3A_1678 : i32 to vector<16xi32>
    %add3A_1681 = arith.addi %add3A_1680, %iota3A_1679 : vector<16xi32>
    %swap3A_1682 = arith.constant 48 : index
    %swap3A_1683 = tpu.vector_load %arg21[%swap3A_1682] {strides = array<i32>} : memref<112xi32, #tpu.memory_space<vmem>>, vector<16xi32>,
    %swap3A_1684 = vector.shape_cast %swap3A_1683 : vector<16xi32> to vector<16xi32>
    %swap3A_1685 = vector.shape_cast %add3A_1681 : vector<16xi32> to vector<16xi32>
    tpu.vector_store %arg21[%swap3A_1682], %swap3A_1685 {strides = array<i32>} : memref<112xi32, #tpu.memory_space<vmem>>, vector<16xi32>,
    %add3A_1686 = arith.constant 64 : i32
    %add3A_1687 = arith.addi %add3A_1649, %add3A_1686 : i32
    %iota3A_1688 = tpu.iota {dimensions = array<i32: 0>} : vector<16xi32>
    %add3A_1689 = vector.broadcast %add3A_1687 : i32 to vector<16xi32>
    %add3A_1690 = arith.addi %add3A_1689, %iota3A_1688 : vector<16xi32>
    %swap3A_1691 = arith.constant 64 : index
    %swap3A_1692 = tpu.vector_load %arg21[%swap3A_1691] {strides = array<i32>} : memref<112xi32, #tpu.memory_space<vmem>>, vector<16xi32>,
    %swap3A_1693 = vector.shape_cast %swap3A_1692 : vector<16xi32> to vector<16xi32>
    %swap3A_1694 = vector.shape_cast %add3A_1690 : vector<16xi32> to vector<16xi32>
    tpu.vector_store %arg21[%swap3A_1691], %swap3A_1694 {strides = array<i32>} : memref<112xi32, #tpu.memory_space<vmem>>, vector<16xi32>,
    %add3A_1695 = arith.constant 80 : i32
    %add3A_1696 = arith.addi %add3A_1649, %add3A_1695 : i32
    %iota3A_1697 = tpu.iota {dimensions = array<i32: 0>} : vector<16xi32>
    %add3A_1698 = vector.broadcast %add3A_1696 : i32 to vector<16xi32>
    %add3A_1699 = arith.addi %add3A_1698, %iota3A_1697 : vector<16xi32>
    %swap3A_1700 = arith.constant 80 : index
    %swap3A_1701 = tpu.vector_load %arg21[%swap3A_1700] {strides = array<i32>} : memref<112xi32, #tpu.memory_space<vmem>>, vector<16xi32>,
    %swap3A_1702 = vector.shape_cast %swap3A_1701 : vector<16xi32> to vector<16xi32>
    %swap3A_1703 = vector.shape_cast %add3A_1699 : vector<16xi32> to vector<16xi32>
    tpu.vector_store %arg21[%swap3A_1700], %swap3A_1703 {strides = array<i32>} : memref<112xi32, #tpu.memory_space<vmem>>, vector<16xi32>,
    %add3A_1704 = arith.constant 96 : i32
    %add3A_1705 = arith.addi %add3A_1649, %add3A_1704 : i32
    %iota3A_1706 = tpu.iota {dimensions = array<i32: 0>} : vector<16xi32>
    %add3A_1707 = vector.broadcast %add3A_1705 : i32 to vector<16xi32>
    %add3A_1708 = arith.addi %add3A_1707, %iota3A_1706 : vector<16xi32>
    %swap3A_1709 = arith.constant 96 : index
    %swap3A_1710 = tpu.vector_load %arg21[%swap3A_1709] {strides = array<i32>} : memref<112xi32, #tpu.memory_space<vmem>>, vector<16xi32>,
    %swap3A_1711 = vector.shape_cast %swap3A_1710 : vector<16xi32> to vector<16xi32>
    %swap3A_1712 = vector.shape_cast %add3A_1708 : vector<16xi32> to vector<16xi32>
    tpu.vector_store %arg21[%swap3A_1709], %swap3A_1712 {strides = array<i32>} : memref<112xi32, #tpu.memory_space<vmem>>, vector<16xi32>,
    %dma_start3A_1713 = arith.constant 0 : i32
    %dma_start3A_1714 = arith.constant 0 : i32
    %dma_start3A_1715 = tpu.memref_slice %arg10[%dma_start3A_1713, %dma_start3A_1714] : memref<112x128xf32, #tpu.memory_space<vmem>> -> memref<112x128xf32, #tpu.memory_space<vmem>>
    %dma_start3A_1716 = arith.constant 0 : i32
    %dma_start3A_1717 = arith.constant 0 : i32
    %dma_start3A_1718 = tpu.memref_slice %arg9[%dma_start3A_1716, %dma_start3A_1717] : memref<10240x128xf32, #tpu.memory_space<vmem_shared>> -> memref<10240x128xf32, #tpu.memory_space<vmem_shared>>
    tpu.enqueue_indirect_dma source(%dma_start3A_1718 : memref<10240x128xf32, #tpu.memory_space<vmem_shared>>) target(%dma_start3A_1715 : memref<112x128xf32, #tpu.memory_space<vmem>>) offsets(%arg21 : memref<112xi32, #tpu.memory_space<vmem>>) semaphore(%arg29 : memref<!tpu.dma_semaphore, #tpu.memory_space<semaphore_mem>>)
    %dma_wait3A_1719 = arith.constant 0 : i32
    %dma_wait3A_1720 = arith.constant 0 : i32
    %dma_wait3A_1721 = tpu.memref_slice %arg10[%dma_wait3A_1719, %dma_wait3A_1720] : memref<112x128xf32, #tpu.memory_space<vmem>> -> memref<112x128xf32, #tpu.memory_space<vmem>>
    %dma_wait3A_1722 = arith.constant 0 : i32
    %dma_wait3A_1723 = arith.constant 0 : i32
    %dma_wait3A_1724 = tpu.memref_slice %arg9[%dma_wait3A_1722, %dma_wait3A_1723] : memref<10240x128xf32, #tpu.memory_space<vmem_shared>> -> memref<10240x128xf32, #tpu.memory_space<vmem_shared>>
    tpu.wait_indirect_dma semaphore(%arg29 : memref<!tpu.dma_semaphore, #tpu.memory_space<semaphore_mem>>) src(%dma_wait3A_1724 : memref<10240x128xf32, #tpu.memory_space<vmem_shared>>) dst(%dma_wait3A_1721 : memref<112x128xf32, #tpu.memory_space<vmem>>)
    %add3A_1725 = arith.constant 336 : i32
    %add3A_1726 = arith.addi %mul3A_0, %add3A_1725 : i32
    "tpu.region"() ({
      %run_scoped3A = tpu.sem_alloc : memref<!tpu.dma_semaphore, #tpu.memory_space<semaphore_mem>>
      %dma_start3A_1867 = arith.constant 0 : i32
      %dma_start3A_1868 = arith.constant 0 : i32
      %dma_start3A_1869 = tpu.memref_slice %arg10[%dma_start3A_1867, %dma_start3A_1868] : memref<112x128xf32, #tpu.memory_space<vmem>> -> memref<112x128xf32, #tpu.memory_space<vmem>>
      %dma_start3A_1870 = arith.constant 0 : i32
      %dma_start3A_1871 = tpu.memref_slice %arg7[%arg0, %add3A_1726, %dma_start3A_1870] : memref<2x10240x128xf32, #tpu.memory_space<hbm>> -> memref<1x112x128xf32, #tpu.memory_space<hbm>>
      %dma_start3A_1872 = tpu.memref_squeeze %dma_start3A_1871 : memref<1x112x128xf32, #tpu.memory_space<hbm>> -> memref<112x128xf32, #tpu.memory_space<hbm>>
      %dma_start3A_1873 = arith.constant 0 : i32
      %dma_start3A_1874 = tpu.memref_slice %arg7[%arg0, %add3A_1726, %dma_start3A_1873] : memref<2x10240x128xf32, #tpu.memory_space<hbm>> -> memref<1x112x128xf32, #tpu.memory_space<hbm>>
      %dma_start3A_1875 = tpu.memref_squeeze %dma_start3A_1874 : memref<1x112x128xf32, #tpu.memory_space<hbm>> -> memref<112x128xf32, #tpu.memory_space<hbm>>
      %dma_start3A_1876 = arith.constant 0 : i32
      %dma_start3A_1877 = arith.constant 0 : i32
      %dma_start3A_1878 = tpu.memref_slice %arg10[%dma_start3A_1876, %dma_start3A_1877] : memref<112x128xf32, #tpu.memory_space<vmem>> -> memref<112x128xf32, #tpu.memory_space<vmem>>
      tpu.enqueue_dma source(%dma_start3A_1878 : memref<112x128xf32, #tpu.memory_space<vmem>>) target(%dma_start3A_1875 : memref<112x128xf32, #tpu.memory_space<hbm>>) target_semaphore(%run_scoped3A : memref<!tpu.dma_semaphore, #tpu.memory_space<semaphore_mem>>)
      %dma_wait3A_1879 = arith.constant 0 : i32
      %dma_wait3A_1880 = arith.constant 0 : i32
      %dma_wait3A_1881 = tpu.memref_slice %arg10[%dma_wait3A_1879, %dma_wait3A_1880] : memref<112x128xf32, #tpu.memory_space<vmem>> -> memref<112x128xf32, #tpu.memory_space<vmem>>
      %dma_wait3A_1882 = arith.constant 0 : i32
      %dma_wait3A_1883 = tpu.memref_slice %arg7[%arg0, %add3A_1726, %dma_wait3A_1882] : memref<2x10240x128xf32, #tpu.memory_space<hbm>> -> memref<1x112x128xf32, #tpu.memory_space<hbm>>
      %dma_wait3A_1884 = tpu.memref_squeeze %dma_wait3A_1883 : memref<1x112x128xf32, #tpu.memory_space<hbm>> -> memref<112x128xf32, #tpu.memory_space<hbm>>
      %dma_wait3A_1885 = arith.constant 0 : i32
      %dma_wait3A_1886 = tpu.memref_slice %arg7[%arg0, %add3A_1726, %dma_wait3A_1885] : memref<2x10240x128xf32, #tpu.memory_space<hbm>> -> memref<1x112x128xf32, #tpu.memory_space<hbm>>
      %dma_wait3A_1887 = tpu.memref_squeeze %dma_wait3A_1886 : memref<1x112x128xf32, #tpu.memory_space<hbm>> -> memref<112x128xf32, #tpu.memory_space<hbm>>
      %dma_wait3A_1888 = arith.constant 0 : i32
      %dma_wait3A_1889 = arith.constant 0 : i32
      %dma_wait3A_1890 = tpu.memref_slice %arg10[%dma_wait3A_1888, %dma_wait3A_1889] : memref<112x128xf32, #tpu.memory_space<vmem>> -> memref<112x128xf32, #tpu.memory_space<vmem>>
      tpu.wait_dma2 semaphore(%run_scoped3A : memref<!tpu.dma_semaphore, #tpu.memory_space<semaphore_mem>>) src(%dma_wait3A_1890 : memref<112x128xf32, #tpu.memory_space<vmem>>) dst(%dma_wait3A_1887 : memref<112x128xf32, #tpu.memory_space<hbm>>)
      tpu.yield
    }) : () -> ()
    %add3A_1727 = arith.constant 448 : i32
    %add3A_1728 = arith.addi %mul3A_0, %add3A_1727 : i32
    %add3A_1729 = arith.constant 0 : i32
    %add3A_1730 = arith.addi %add3A_1728, %add3A_1729 : i32
    %iota3A_1731 = tpu.iota {dimensions = array<i32: 0>} : vector<16xi32>
    %add3A_1732 = vector.broadcast %add3A_1730 : i32 to vector<16xi32>
    %add3A_1733 = arith.addi %add3A_1732, %iota3A_1731 : vector<16xi32>
    %swap3A_1734 = arith.constant 0 : index
    %swap3A_1735 = tpu.vector_load %arg21[%swap3A_1734] {strides = array<i32>} : memref<112xi32, #tpu.memory_space<vmem>>, vector<16xi32>,
    %swap3A_1736 = vector.shape_cast %swap3A_1735 : vector<16xi32> to vector<16xi32>
    %swap3A_1737 = vector.shape_cast %add3A_1733 : vector<16xi32> to vector<16xi32>
    tpu.vector_store %arg21[%swap3A_1734], %swap3A_1737 {strides = array<i32>} : memref<112xi32, #tpu.memory_space<vmem>>, vector<16xi32>,
    %add3A_1738 = arith.constant 16 : i32
    %add3A_1739 = arith.addi %add3A_1728, %add3A_1738 : i32
    %iota3A_1740 = tpu.iota {dimensions = array<i32: 0>} : vector<16xi32>
    %add3A_1741 = vector.broadcast %add3A_1739 : i32 to vector<16xi32>
    %add3A_1742 = arith.addi %add3A_1741, %iota3A_1740 : vector<16xi32>
    %swap3A_1743 = arith.constant 16 : index
    %swap3A_1744 = tpu.vector_load %arg21[%swap3A_1743] {strides = array<i32>} : memref<112xi32, #tpu.memory_space<vmem>>, vector<16xi32>,
    %swap3A_1745 = vector.shape_cast %swap3A_1744 : vector<16xi32> to vector<16xi32>
    %swap3A_1746 = vector.shape_cast %add3A_1742 : vector<16xi32> to vector<16xi32>
    tpu.vector_store %arg21[%swap3A_1743], %swap3A_1746 {strides = array<i32>} : memref<112xi32, #tpu.memory_space<vmem>>, vector<16xi32>,
    %add3A_1747 = arith.constant 32 : i32
    %add3A_1748 = arith.addi %add3A_1728, %add3A_1747 : i32
    %iota3A_1749 = tpu.iota {dimensions = array<i32: 0>} : vector<16xi32>
    %add3A_1750 = vector.broadcast %add3A_1748 : i32 to vector<16xi32>
    %add3A_1751 = arith.addi %add3A_1750, %iota3A_1749 : vector<16xi32>
    %swap3A_1752 = arith.constant 32 : index
    %swap3A_1753 = tpu.vector_load %arg21[%swap3A_1752] {strides = array<i32>} : memref<112xi32, #tpu.memory_space<vmem>>, vector<16xi32>,
    %swap3A_1754 = vector.shape_cast %swap3A_1753 : vector<16xi32> to vector<16xi32>
    %swap3A_1755 = vector.shape_cast %add3A_1751 : vector<16xi32> to vector<16xi32>
    tpu.vector_store %arg21[%swap3A_1752], %swap3A_1755 {strides = array<i32>} : memref<112xi32, #tpu.memory_space<vmem>>, vector<16xi32>,
    %add3A_1756 = arith.constant 48 : i32
    %add3A_1757 = arith.addi %add3A_1728, %add3A_1756 : i32
    %iota3A_1758 = tpu.iota {dimensions = array<i32: 0>} : vector<16xi32>
    %add3A_1759 = vector.broadcast %add3A_1757 : i32 to vector<16xi32>
    %add3A_1760 = arith.addi %add3A_1759, %iota3A_1758 : vector<16xi32>
    %swap3A_1761 = arith.constant 48 : index
    %swap3A_1762 = tpu.vector_load %arg21[%swap3A_1761] {strides = array<i32>} : memref<112xi32, #tpu.memory_space<vmem>>, vector<16xi32>,
    %swap3A_1763 = vector.shape_cast %swap3A_1762 : vector<16xi32> to vector<16xi32>
    %swap3A_1764 = vector.shape_cast %add3A_1760 : vector<16xi32> to vector<16xi32>
    tpu.vector_store %arg21[%swap3A_1761], %swap3A_1764 {strides = array<i32>} : memref<112xi32, #tpu.memory_space<vmem>>, vector<16xi32>,
    %add3A_1765 = arith.constant 64 : i32
    %add3A_1766 = arith.addi %add3A_1728, %add3A_1765 : i32
    %iota3A_1767 = tpu.iota {dimensions = array<i32: 0>} : vector<16xi32>
    %add3A_1768 = vector.broadcast %add3A_1766 : i32 to vector<16xi32>
    %add3A_1769 = arith.addi %add3A_1768, %iota3A_1767 : vector<16xi32>
    %swap3A_1770 = arith.constant 64 : index
    %swap3A_1771 = tpu.vector_load %arg21[%swap3A_1770] {strides = array<i32>} : memref<112xi32, #tpu.memory_space<vmem>>, vector<16xi32>,
    %swap3A_1772 = vector.shape_cast %swap3A_1771 : vector<16xi32> to vector<16xi32>
    %swap3A_1773 = vector.shape_cast %add3A_1769 : vector<16xi32> to vector<16xi32>
    tpu.vector_store %arg21[%swap3A_1770], %swap3A_1773 {strides = array<i32>} : memref<112xi32, #tpu.memory_space<vmem>>, vector<16xi32>,
    %add3A_1774 = arith.constant 80 : i32
    %add3A_1775 = arith.addi %add3A_1728, %add3A_1774 : i32
    %iota3A_1776 = tpu.iota {dimensions = array<i32: 0>} : vector<16xi32>
    %add3A_1777 = vector.broadcast %add3A_1775 : i32 to vector<16xi32>
    %add3A_1778 = arith.addi %add3A_1777, %iota3A_1776 : vector<16xi32>
    %swap3A_1779 = arith.constant 80 : index
    %swap3A_1780 = tpu.vector_load %arg21[%swap3A_1779] {strides = array<i32>} : memref<112xi32, #tpu.memory_space<vmem>>, vector<16xi32>,
    %swap3A_1781 = vector.shape_cast %swap3A_1780 : vector<16xi32> to vector<16xi32>
    %swap3A_1782 = vector.shape_cast %add3A_1778 : vector<16xi32> to vector<16xi32>
    tpu.vector_store %arg21[%swap3A_1779], %swap3A_1782 {strides = array<i32>} : memref<112xi32, #tpu.memory_space<vmem>>, vector<16xi32>,
    %add3A_1783 = arith.constant 96 : i32
    %add3A_1784 = arith.addi %add3A_1728, %add3A_1783 : i32
    %iota3A_1785 = tpu.iota {dimensions = array<i32: 0>} : vector<16xi32>
    %add3A_1786 = vector.broadcast %add3A_1784 : i32 to vector<16xi32>
    %add3A_1787 = arith.addi %add3A_1786, %iota3A_1785 : vector<16xi32>
    %swap3A_1788 = arith.constant 96 : index
    %swap3A_1789 = tpu.vector_load %arg21[%swap3A_1788] {strides = array<i32>} : memref<112xi32, #tpu.memory_space<vmem>>, vector<16xi32>,
    %swap3A_1790 = vector.shape_cast %swap3A_1789 : vector<16xi32> to vector<16xi32>
    %swap3A_1791 = vector.shape_cast %add3A_1787 : vector<16xi32> to vector<16xi32>
    tpu.vector_store %arg21[%swap3A_1788], %swap3A_1791 {strides = array<i32>} : memref<112xi32, #tpu.memory_space<vmem>>, vector<16xi32>,
    %dma_start3A_1792 = arith.constant 0 : i32
    %dma_start3A_1793 = arith.constant 0 : i32
    %dma_start3A_1794 = tpu.memref_slice %arg10[%dma_start3A_1792, %dma_start3A_1793] : memref<112x128xf32, #tpu.memory_space<vmem>> -> memref<112x128xf32, #tpu.memory_space<vmem>>
    %dma_start3A_1795 = arith.constant 0 : i32
    %dma_start3A_1796 = arith.constant 0 : i32
    %dma_start3A_1797 = tpu.memref_slice %arg9[%dma_start3A_1795, %dma_start3A_1796] : memref<10240x128xf32, #tpu.memory_space<vmem_shared>> -> memref<10240x128xf32, #tpu.memory_space<vmem_shared>>
    tpu.enqueue_indirect_dma source(%dma_start3A_1797 : memref<10240x128xf32, #tpu.memory_space<vmem_shared>>) target(%dma_start3A_1794 : memref<112x128xf32, #tpu.memory_space<vmem>>) offsets(%arg21 : memref<112xi32, #tpu.memory_space<vmem>>) semaphore(%arg29 : memref<!tpu.dma_semaphore, #tpu.memory_space<semaphore_mem>>)
    %dma_wait3A_1798 = arith.constant 0 : i32
    %dma_wait3A_1799 = arith.constant 0 : i32
    %dma_wait3A_1800 = tpu.memref_slice %arg10[%dma_wait3A_1798, %dma_wait3A_1799] : memref<112x128xf32, #tpu.memory_space<vmem>> -> memref<112x128xf32, #tpu.memory_space<vmem>>
    %dma_wait3A_1801 = arith.constant 0 : i32
    %dma_wait3A_1802 = arith.constant 0 : i32
    %dma_wait3A_1803 = tpu.memref_slice %arg9[%dma_wait3A_1801, %dma_wait3A_1802] : memref<10240x128xf32, #tpu.memory_space<vmem_shared>> -> memref<10240x128xf32, #tpu.memory_space<vmem_shared>>
    tpu.wait_indirect_dma semaphore(%arg29 : memref<!tpu.dma_semaphore, #tpu.memory_space<semaphore_mem>>) src(%dma_wait3A_1803 : memref<10240x128xf32, #tpu.memory_space<vmem_shared>>) dst(%dma_wait3A_1800 : memref<112x128xf32, #tpu.memory_space<vmem>>)
    %add3A_1804 = arith.constant 448 : i32
    %add3A_1805 = arith.addi %mul3A_0, %add3A_1804 : i32
    "tpu.region"() ({
      %run_scoped3A = tpu.sem_alloc : memref<!tpu.dma_semaphore, #tpu.memory_space<semaphore_mem>>
      %dma_start3A_1867 = arith.constant 0 : i32
      %dma_start3A_1868 = arith.constant 0 : i32
      %dma_start3A_1869 = tpu.memref_slice %arg10[%dma_start3A_1867, %dma_start3A_1868] : memref<112x128xf32, #tpu.memory_space<vmem>> -> memref<112x128xf32, #tpu.memory_space<vmem>>
      %dma_start3A_1870 = arith.constant 0 : i32
      %dma_start3A_1871 = tpu.memref_slice %arg7[%arg0, %add3A_1805, %dma_start3A_1870] : memref<2x10240x128xf32, #tpu.memory_space<hbm>> -> memref<1x112x128xf32, #tpu.memory_space<hbm>>
      %dma_start3A_1872 = tpu.memref_squeeze %dma_start3A_1871 : memref<1x112x128xf32, #tpu.memory_space<hbm>> -> memref<112x128xf32, #tpu.memory_space<hbm>>
      %dma_start3A_1873 = arith.constant 0 : i32
      %dma_start3A_1874 = tpu.memref_slice %arg7[%arg0, %add3A_1805, %dma_start3A_1873] : memref<2x10240x128xf32, #tpu.memory_space<hbm>> -> memref<1x112x128xf32, #tpu.memory_space<hbm>>
      %dma_start3A_1875 = tpu.memref_squeeze %dma_start3A_1874 : memref<1x112x128xf32, #tpu.memory_space<hbm>> -> memref<112x128xf32, #tpu.memory_space<hbm>>
      %dma_start3A_1876 = arith.constant 0 : i32
      %dma_start3A_1877 = arith.constant 0 : i32
      %dma_start3A_1878 = tpu.memref_slice %arg10[%dma_start3A_1876, %dma_start3A_1877] : memref<112x128xf32, #tpu.memory_space<vmem>> -> memref<112x128xf32, #tpu.memory_space<vmem>>
      tpu.enqueue_dma source(%dma_start3A_1878 : memref<112x128xf32, #tpu.memory_space<vmem>>) target(%dma_start3A_1875 : memref<112x128xf32, #tpu.memory_space<hbm>>) target_semaphore(%run_scoped3A : memref<!tpu.dma_semaphore, #tpu.memory_space<semaphore_mem>>)
      %dma_wait3A_1879 = arith.constant 0 : i32
      %dma_wait3A_1880 = arith.constant 0 : i32
      %dma_wait3A_1881 = tpu.memref_slice %arg10[%dma_wait3A_1879, %dma_wait3A_1880] : memref<112x128xf32, #tpu.memory_space<vmem>> -> memref<112x128xf32, #tpu.memory_space<vmem>>
      %dma_wait3A_1882 = arith.constant 0 : i32
      %dma_wait3A_1883 = tpu.memref_slice %arg7[%arg0, %add3A_1805, %dma_wait3A_1882] : memref<2x10240x128xf32, #tpu.memory_space<hbm>> -> memref<1x112x128xf32, #tpu.memory_space<hbm>>
      %dma_wait3A_1884 = tpu.memref_squeeze %dma_wait3A_1883 : memref<1x112x128xf32, #tpu.memory_space<hbm>> -> memref<112x128xf32, #tpu.memory_space<hbm>>
      %dma_wait3A_1885 = arith.constant 0 : i32
      %dma_wait3A_1886 = tpu.memref_slice %arg7[%arg0, %add3A_1805, %dma_wait3A_1885] : memref<2x10240x128xf32, #tpu.memory_space<hbm>> -> memref<1x112x128xf32, #tpu.memory_space<hbm>>
      %dma_wait3A_1887 = tpu.memref_squeeze %dma_wait3A_1886 : memref<1x112x128xf32, #tpu.memory_space<hbm>> -> memref<112x128xf32, #tpu.memory_space<hbm>>
      %dma_wait3A_1888 = arith.constant 0 : i32
      %dma_wait3A_1889 = arith.constant 0 : i32
      %dma_wait3A_1890 = tpu.memref_slice %arg10[%dma_wait3A_1888, %dma_wait3A_1889] : memref<112x128xf32, #tpu.memory_space<vmem>> -> memref<112x128xf32, #tpu.memory_space<vmem>>
      tpu.wait_dma2 semaphore(%run_scoped3A : memref<!tpu.dma_semaphore, #tpu.memory_space<semaphore_mem>>) src(%dma_wait3A_1890 : memref<112x128xf32, #tpu.memory_space<vmem>>) dst(%dma_wait3A_1887 : memref<112x128xf32, #tpu.memory_space<hbm>>)
      tpu.yield
    }) : () -> ()
    %add3A_1806 = arith.constant 560 : i32
    %add3A_1807 = arith.addi %mul3A_0, %add3A_1806 : i32
    %add3A_1808 = arith.constant 0 : i32
    %add3A_1809 = arith.addi %add3A_1807, %add3A_1808 : i32
    %iota3A_1810 = tpu.iota {dimensions = array<i32: 0>} : vector<16xi32>
    %add3A_1811 = vector.broadcast %add3A_1809 : i32 to vector<16xi32>
    %add3A_1812 = arith.addi %add3A_1811, %iota3A_1810 : vector<16xi32>
    %swap3A_1813 = arith.constant 0 : index
    %swap3A_1814 = tpu.vector_load %arg22[%swap3A_1813] {strides = array<i32>} : memref<80xi32, #tpu.memory_space<vmem>>, vector<16xi32>,
    %swap3A_1815 = vector.shape_cast %swap3A_1814 : vector<16xi32> to vector<16xi32>
    %swap3A_1816 = vector.shape_cast %add3A_1812 : vector<16xi32> to vector<16xi32>
    tpu.vector_store %arg22[%swap3A_1813], %swap3A_1816 {strides = array<i32>} : memref<80xi32, #tpu.memory_space<vmem>>, vector<16xi32>,
    %add3A_1817 = arith.constant 16 : i32
    %add3A_1818 = arith.addi %add3A_1807, %add3A_1817 : i32
    %iota3A_1819 = tpu.iota {dimensions = array<i32: 0>} : vector<16xi32>
    %add3A_1820 = vector.broadcast %add3A_1818 : i32 to vector<16xi32>
    %add3A_1821 = arith.addi %add3A_1820, %iota3A_1819 : vector<16xi32>
    %swap3A_1822 = arith.constant 16 : index
    %swap3A_1823 = tpu.vector_load %arg22[%swap3A_1822] {strides = array<i32>} : memref<80xi32, #tpu.memory_space<vmem>>, vector<16xi32>,
    %swap3A_1824 = vector.shape_cast %swap3A_1823 : vector<16xi32> to vector<16xi32>
    %swap3A_1825 = vector.shape_cast %add3A_1821 : vector<16xi32> to vector<16xi32>
    tpu.vector_store %arg22[%swap3A_1822], %swap3A_1825 {strides = array<i32>} : memref<80xi32, #tpu.memory_space<vmem>>, vector<16xi32>,
    %add3A_1826 = arith.constant 32 : i32
    %add3A_1827 = arith.addi %add3A_1807, %add3A_1826 : i32
    %iota3A_1828 = tpu.iota {dimensions = array<i32: 0>} : vector<16xi32>
    %add3A_1829 = vector.broadcast %add3A_1827 : i32 to vector<16xi32>
    %add3A_1830 = arith.addi %add3A_1829, %iota3A_1828 : vector<16xi32>
    %swap3A_1831 = arith.constant 32 : index
    %swap3A_1832 = tpu.vector_load %arg22[%swap3A_1831] {strides = array<i32>} : memref<80xi32, #tpu.memory_space<vmem>>, vector<16xi32>,
    %swap3A_1833 = vector.shape_cast %swap3A_1832 : vector<16xi32> to vector<16xi32>
    %swap3A_1834 = vector.shape_cast %add3A_1830 : vector<16xi32> to vector<16xi32>
    tpu.vector_store %arg22[%swap3A_1831], %swap3A_1834 {strides = array<i32>} : memref<80xi32, #tpu.memory_space<vmem>>, vector<16xi32>,
    %add3A_1835 = arith.constant 48 : i32
    %add3A_1836 = arith.addi %add3A_1807, %add3A_1835 : i32
    %iota3A_1837 = tpu.iota {dimensions = array<i32: 0>} : vector<16xi32>
    %add3A_1838 = vector.broadcast %add3A_1836 : i32 to vector<16xi32>
    %add3A_1839 = arith.addi %add3A_1838, %iota3A_1837 : vector<16xi32>
    %swap3A_1840 = arith.constant 48 : index
    %swap3A_1841 = tpu.vector_load %arg22[%swap3A_1840] {strides = array<i32>} : memref<80xi32, #tpu.memory_space<vmem>>, vector<16xi32>,
    %swap3A_1842 = vector.shape_cast %swap3A_1841 : vector<16xi32> to vector<16xi32>
    %swap3A_1843 = vector.shape_cast %add3A_1839 : vector<16xi32> to vector<16xi32>
    tpu.vector_store %arg22[%swap3A_1840], %swap3A_1843 {strides = array<i32>} : memref<80xi32, #tpu.memory_space<vmem>>, vector<16xi32>,
    %add3A_1844 = arith.constant 64 : i32
    %add3A_1845 = arith.addi %add3A_1807, %add3A_1844 : i32
    %iota3A_1846 = tpu.iota {dimensions = array<i32: 0>} : vector<16xi32>
    %add3A_1847 = vector.broadcast %add3A_1845 : i32 to vector<16xi32>
    %add3A_1848 = arith.addi %add3A_1847, %iota3A_1846 : vector<16xi32>
    %swap3A_1849 = arith.constant 64 : index
    %swap3A_1850 = tpu.vector_load %arg22[%swap3A_1849] {strides = array<i32>} : memref<80xi32, #tpu.memory_space<vmem>>, vector<16xi32>,
    %swap3A_1851 = vector.shape_cast %swap3A_1850 : vector<16xi32> to vector<16xi32>
    %swap3A_1852 = vector.shape_cast %add3A_1848 : vector<16xi32> to vector<16xi32>
    tpu.vector_store %arg22[%swap3A_1849], %swap3A_1852 {strides = array<i32>} : memref<80xi32, #tpu.memory_space<vmem>>, vector<16xi32>,
    %dma_start3A_1853 = arith.constant 0 : i32
    %dma_start3A_1854 = arith.constant 0 : i32
    %dma_start3A_1855 = tpu.memref_slice %arg10[%dma_start3A_1853, %dma_start3A_1854] : memref<112x128xf32, #tpu.memory_space<vmem>> -> memref<80x128xf32, #tpu.memory_space<vmem>>
    %dma_start3A_1856 = arith.constant 0 : i32
    %dma_start3A_1857 = arith.constant 0 : i32
    %dma_start3A_1858 = tpu.memref_slice %arg9[%dma_start3A_1856, %dma_start3A_1857] : memref<10240x128xf32, #tpu.memory_space<vmem_shared>> -> memref<10240x128xf32, #tpu.memory_space<vmem_shared>>
    tpu.enqueue_indirect_dma source(%dma_start3A_1858 : memref<10240x128xf32, #tpu.memory_space<vmem_shared>>) target(%dma_start3A_1855 : memref<80x128xf32, #tpu.memory_space<vmem>>) offsets(%arg22 : memref<80xi32, #tpu.memory_space<vmem>>) semaphore(%arg29 : memref<!tpu.dma_semaphore, #tpu.memory_space<semaphore_mem>>)
    %dma_wait3A_1859 = arith.constant 0 : i32
    %dma_wait3A_1860 = arith.constant 0 : i32
    %dma_wait3A_1861 = tpu.memref_slice %arg10[%dma_wait3A_1859, %dma_wait3A_1860] : memref<112x128xf32, #tpu.memory_space<vmem>> -> memref<80x128xf32, #tpu.memory_space<vmem>>
    %dma_wait3A_1862 = arith.constant 0 : i32
    %dma_wait3A_1863 = arith.constant 0 : i32
    %dma_wait3A_1864 = tpu.memref_slice %arg9[%dma_wait3A_1862, %dma_wait3A_1863] : memref<10240x128xf32, #tpu.memory_space<vmem_shared>> -> memref<10240x128xf32, #tpu.memory_space<vmem_shared>>
    tpu.wait_indirect_dma semaphore(%arg29 : memref<!tpu.dma_semaphore, #tpu.memory_space<semaphore_mem>>) src(%dma_wait3A_1864 : memref<10240x128xf32, #tpu.memory_space<vmem_shared>>) dst(%dma_wait3A_1861 : memref<80x128xf32, #tpu.memory_space<vmem>>)
    %add3A_1865 = arith.constant 560 : i32
    %add3A_1866 = arith.addi %mul3A_0, %add3A_1865 : i32
    "tpu.region"() ({
      %run_scoped3A = tpu.sem_alloc : memref<!tpu.dma_semaphore, #tpu.memory_space<semaphore_mem>>
      %dma_start3A_1867 = arith.constant 0 : i32
      %dma_start3A_1868 = arith.constant 0 : i32
      %dma_start3A_1869 = tpu.memref_slice %arg10[%dma_start3A_1867, %dma_start3A_1868] : memref<112x128xf32, #tpu.memory_space<vmem>> -> memref<80x128xf32, #tpu.memory_space<vmem>>
      %dma_start3A_1870 = arith.constant 0 : i32
      %dma_start3A_1871 = tpu.memref_slice %arg7[%arg0, %add3A_1866, %dma_start3A_1870] : memref<2x10240x128xf32, #tpu.memory_space<hbm>> -> memref<1x80x128xf32, #tpu.memory_space<hbm>>
      %dma_start3A_1872 = tpu.memref_squeeze %dma_start3A_1871 : memref<1x80x128xf32, #tpu.memory_space<hbm>> -> memref<80x128xf32, #tpu.memory_space<hbm>>
      %dma_start3A_1873 = arith.constant 0 : i32
      %dma_start3A_1874 = tpu.memref_slice %arg7[%arg0, %add3A_1866, %dma_start3A_1873] : memref<2x10240x128xf32, #tpu.memory_space<hbm>> -> memref<1x80x128xf32, #tpu.memory_space<hbm>>
      %dma_start3A_1875 = tpu.memref_squeeze %dma_start3A_1874 : memref<1x80x128xf32, #tpu.memory_space<hbm>> -> memref<80x128xf32, #tpu.memory_space<hbm>>
      %dma_start3A_1876 = arith.constant 0 : i32
      %dma_start3A_1877 = arith.constant 0 : i32
      %dma_start3A_1878 = tpu.memref_slice %arg10[%dma_start3A_1876, %dma_start3A_1877] : memref<112x128xf32, #tpu.memory_space<vmem>> -> memref<80x128xf32, #tpu.memory_space<vmem>>
      tpu.enqueue_dma source(%dma_start3A_1878 : memref<80x128xf32, #tpu.memory_space<vmem>>) target(%dma_start3A_1875 : memref<80x128xf32, #tpu.memory_space<hbm>>) target_semaphore(%run_scoped3A : memref<!tpu.dma_semaphore, #tpu.memory_space<semaphore_mem>>)
      %dma_wait3A_1879 = arith.constant 0 : i32
      %dma_wait3A_1880 = arith.constant 0 : i32
      %dma_wait3A_1881 = tpu.memref_slice %arg10[%dma_wait3A_1879, %dma_wait3A_1880] : memref<112x128xf32, #tpu.memory_space<vmem>> -> memref<80x128xf32, #tpu.memory_space<vmem>>
      %dma_wait3A_1882 = arith.constant 0 : i32
      %dma_wait3A_1883 = tpu.memref_slice %arg7[%arg0, %add3A_1866, %dma_wait3A_1882] : memref<2x10240x128xf32, #tpu.memory_space<hbm>> -> memref<1x80x128xf32, #tpu.memory_space<hbm>>
      %dma_wait3A_1884 = tpu.memref_squeeze %dma_wait3A_1883 : memref<1x80x128xf32, #tpu.memory_space<hbm>> -> memref<80x128xf32, #tpu.memory_space<hbm>>
      %dma_wait3A_1885 = arith.constant 0 : i32
      %dma_wait3A_1886 = tpu.memref_slice %arg7[%arg0, %add3A_1866, %dma_wait3A_1885] : memref<2x10240x128xf32, #tpu.memory_space<hbm>> -> memref<1x80x128xf32, #tpu.memory_space<hbm>>
      %dma_wait3A_1887 = tpu.memref_squeeze %dma_wait3A_1886 : memref<1x80x128xf32, #tpu.memory_space<hbm>> -> memref<80x128xf32, #tpu.memory_space<hbm>>
      %dma_wait3A_1888 = arith.constant 0 : i32
      %dma_wait3A_1889 = arith.constant 0 : i32
      %dma_wait3A_1890 = tpu.memref_slice %arg10[%dma_wait3A_1888, %dma_wait3A_1889] : memref<112x128xf32, #tpu.memory_space<vmem>> -> memref<80x128xf32, #tpu.memory_space<vmem>>
      tpu.wait_dma2 semaphore(%run_scoped3A : memref<!tpu.dma_semaphore, #tpu.memory_space<semaphore_mem>>) src(%dma_wait3A_1890 : memref<80x128xf32, #tpu.memory_space<vmem>>) dst(%dma_wait3A_1887 : memref<80x128xf32, #tpu.memory_space<hbm>>)
      tpu.yield
    }) : () -> ()
    return
  }
}

module attributes {stable_mosaic.version = 14 : i64} {
  func.func @_tc_body(%arg0: memref<10000x128xf32, #tpu.memory_space<vmem>>, %arg1: memref<10000x128xf32, #tpu.memory_space<vmem>>, %arg2: memref<2x10000x128xf32, #tpu.memory_space<vmem>>, %arg3: memref<2x8x10000xf32, #tpu.memory_space<vmem>>, %arg4: memref<1x2500xf32, #tpu.memory_space<vmem>>, %arg5: memref<1x1xf32, #tpu.memory_space<vmem>>, %arg6: memref<128x128xf32, #tpu.memory_space<vmem>>, %arg7: memref<1x128xf32, #tpu.memory_space<vmem>>, %arg8: memref<1x128xf32, #tpu.memory_space<vmem>>, %arg9: memref<1x128xf32, #tpu.memory_space<vmem>>, %arg10: memref<128x128xf32, #tpu.memory_space<vmem>>, %arg11: memref<1x128xf32, #tpu.memory_space<vmem>>, %arg12: memref<1x128xf32, #tpu.memory_space<vmem>>, %arg13: memref<1x128xf32, #tpu.memory_space<vmem>>, %arg14: memref<128x128xf32, #tpu.memory_space<vmem>>, %arg15: memref<1x1xf32, #tpu.memory_space<vmem>>, %arg16: memref<1x1xf32, #tpu.memory_space<vmem>>) attributes {dimension_semantics = [], scalar_prefetch = 0 : i64, scratch_operands = 0 : i64, tpu.core_type = #tpu.core_type<tc>} {
    %get3A = arith.constant 0 : index
    %get3A_0 = arith.constant 0 : index
    %get3A_1 = vector.load %arg0[%get3A, %get3A_0] : memref<10000x128xf32, #tpu.memory_space<vmem>>, vector<10000x128xf32>
    %get3A_2 = arith.constant 0 : index
    %get3A_3 = arith.constant 0 : index
    %get3A_4 = arith.constant 0 : index
    %get3A_5 = vector.load %arg2[%get3A_2, %get3A_3, %get3A_4] : memref<2x10000x128xf32, #tpu.memory_space<vmem>>, vector<1x10000x128xf32>
    %get3A_6 = vector.shape_cast %get3A_5 : vector<1x10000x128xf32> to vector<10000x128xf32>
    %add3A = arith.addf %get3A_6, %get3A_1 : vector<10000x128xf32>
    %get3A_7 = arith.constant 0 : index
    %get3A_8 = arith.constant 0 : index
    %get3A_9 = vector.load %arg5[%get3A_7, %get3A_8] : memref<1x1xf32, #tpu.memory_space<vmem>>, vector<1x1xf32>
    %mul3A = vector.broadcast %get3A_9 : vector<1x1xf32> to vector<10000x128xf32>
    %mul3A_10 = arith.mulf %mul3A, %get3A_1 : vector<10000x128xf32>
    %add3A_11 = arith.addf %add3A, %mul3A_10 : vector<10000x128xf32>
    %get3A_12 = arith.constant 0 : index
    %get3A_13 = arith.constant 0 : index
    %get3A_14 = vector.load %arg6[%get3A_12, %get3A_13] : memref<128x128xf32, #tpu.memory_space<vmem>>, vector<128x128xf32>
    %dot_general3A = arith.constant dense<0.000000e+00> : vector<10000x128xf32>
    %dot_general3A_15 = tpu.matmul %add3A_11, %get3A_14, %dot_general3A {dimension_numbers = #tpu.dot_dimension_numbers<[1], [0], [0], [1], [0, 0, 1, 1], [], []>, transpose_lhs_hint = false} : vector<10000x128xf32>, vector<128x128xf32>, vector<10000x128xf32> -> vector<10000x128xf32>
    %get3A_16 = arith.constant 0 : index
    %get3A_17 = arith.constant 0 : index
    %get3A_18 = vector.load %arg7[%get3A_16, %get3A_17] : memref<1x128xf32, #tpu.memory_space<vmem>>, vector<1x128xf32>
    %add3A_19 = vector.broadcast %get3A_18 : vector<1x128xf32> to vector<10000x128xf32>
    %add3A_20 = arith.addf %dot_general3A_15, %add3A_19 : vector<10000x128xf32>
    %reduce_sum3A = arith.constant dense<0.000000e+00> : vector<128xf32>
    %reduce_sum3A_21 = vector.multi_reduction <add>, %add3A_20, %reduce_sum3A [0] : vector<10000x128xf32> to vector<128xf32>
    %broadcast_in_dim3A = vector.shape_cast %reduce_sum3A_21 : vector<128xf32> to vector<1x128xf32>
    %div3A = arith.constant 1.000000e+04 : f32
    %div3A_22 = vector.broadcast %div3A : f32 to vector<1x128xf32>
    %div3A_23 = arith.divf %broadcast_in_dim3A, %div3A_22 : vector<1x128xf32>
    %sub3A = vector.broadcast %div3A_23 : vector<1x128xf32> to vector<10000x128xf32>
    %sub3A_24 = arith.subf %add3A_20, %sub3A : vector<10000x128xf32>
    %integer_pow3A = arith.mulf %sub3A_24, %sub3A_24 : vector<10000x128xf32>
    %reduce_sum3A_25 = arith.constant dense<0.000000e+00> : vector<128xf32>
    %reduce_sum3A_26 = vector.multi_reduction <add>, %integer_pow3A, %reduce_sum3A_25 [0] : vector<10000x128xf32> to vector<128xf32>
    %broadcast_in_dim3A_27 = vector.shape_cast %reduce_sum3A_26 : vector<128xf32> to vector<1x128xf32>
    %div3A_28 = arith.constant 1.000000e+04 : f32
    %div3A_29 = vector.broadcast %div3A_28 : f32 to vector<1x128xf32>
    %div3A_30 = arith.divf %broadcast_in_dim3A_27, %div3A_29 : vector<1x128xf32>
    %sub3A_31 = vector.broadcast %div3A_23 : vector<1x128xf32> to vector<10000x128xf32>
    %sub3A_32 = arith.subf %add3A_20, %sub3A_31 : vector<10000x128xf32>
    %add3A_33 = arith.constant 9.99999974E-6 : f32
    %add3A_34 = vector.broadcast %add3A_33 : f32 to vector<1x128xf32>
    %add3A_35 = arith.addf %div3A_30, %add3A_34 : vector<1x128xf32>
    %sqrt3A = math.sqrt %add3A_35 : vector<1x128xf32>
    %div3A_36 = vector.broadcast %sqrt3A : vector<1x128xf32> to vector<10000x128xf32>
    %div3A_37 = arith.divf %sub3A_32, %div3A_36 : vector<10000x128xf32>
    %get3A_38 = arith.constant 0 : index
    %get3A_39 = arith.constant 0 : index
    %get3A_40 = vector.load %arg8[%get3A_38, %get3A_39] : memref<1x128xf32, #tpu.memory_space<vmem>>, vector<1x128xf32>
    %mul3A_41 = vector.broadcast %get3A_40 : vector<1x128xf32> to vector<10000x128xf32>
    %mul3A_42 = arith.mulf %div3A_37, %mul3A_41 : vector<10000x128xf32>
    %get3A_43 = arith.constant 0 : index
    %get3A_44 = arith.constant 0 : index
    %get3A_45 = vector.load %arg9[%get3A_43, %get3A_44] : memref<1x128xf32, #tpu.memory_space<vmem>>, vector<1x128xf32>
    %add3A_46 = vector.broadcast %get3A_45 : vector<1x128xf32> to vector<10000x128xf32>
    %add3A_47 = arith.addf %mul3A_42, %add3A_46 : vector<10000x128xf32>
    %max3A = arith.constant 0.000000e+00 : f32
    %max3A_48 = vector.broadcast %max3A : f32 to vector<10000x128xf32>
    %max3A_49 = arith.maximumf %add3A_47, %max3A_48 : vector<10000x128xf32>
    %get3A_50 = arith.constant 0 : index
    %get3A_51 = arith.constant 0 : index
    %get3A_52 = vector.load %arg10[%get3A_50, %get3A_51] : memref<128x128xf32, #tpu.memory_space<vmem>>, vector<128x128xf32>
    %dot_general3A_53 = arith.constant dense<0.000000e+00> : vector<10000x128xf32>
    %dot_general3A_54 = tpu.matmul %max3A_49, %get3A_52, %dot_general3A_53 {dimension_numbers = #tpu.dot_dimension_numbers<[1], [0], [0], [1], [0, 0, 1, 1], [], []>, transpose_lhs_hint = false} : vector<10000x128xf32>, vector<128x128xf32>, vector<10000x128xf32> -> vector<10000x128xf32>
    %get3A_55 = arith.constant 0 : index
    %get3A_56 = arith.constant 0 : index
    %get3A_57 = vector.load %arg11[%get3A_55, %get3A_56] : memref<1x128xf32, #tpu.memory_space<vmem>>, vector<1x128xf32>
    %add3A_58 = vector.broadcast %get3A_57 : vector<1x128xf32> to vector<10000x128xf32>
    %add3A_59 = arith.addf %dot_general3A_54, %add3A_58 : vector<10000x128xf32>
    %reduce_sum3A_60 = arith.constant dense<0.000000e+00> : vector<128xf32>
    %reduce_sum3A_61 = vector.multi_reduction <add>, %add3A_59, %reduce_sum3A_60 [0] : vector<10000x128xf32> to vector<128xf32>
    %broadcast_in_dim3A_62 = vector.shape_cast %reduce_sum3A_61 : vector<128xf32> to vector<1x128xf32>
    %div3A_63 = arith.constant 1.000000e+04 : f32
    %div3A_64 = vector.broadcast %div3A_63 : f32 to vector<1x128xf32>
    %div3A_65 = arith.divf %broadcast_in_dim3A_62, %div3A_64 : vector<1x128xf32>
    %sub3A_66 = vector.broadcast %div3A_65 : vector<1x128xf32> to vector<10000x128xf32>
    %sub3A_67 = arith.subf %add3A_59, %sub3A_66 : vector<10000x128xf32>
    %integer_pow3A_68 = arith.mulf %sub3A_67, %sub3A_67 : vector<10000x128xf32>
    %reduce_sum3A_69 = arith.constant dense<0.000000e+00> : vector<128xf32>
    %reduce_sum3A_70 = vector.multi_reduction <add>, %integer_pow3A_68, %reduce_sum3A_69 [0] : vector<10000x128xf32> to vector<128xf32>
    %broadcast_in_dim3A_71 = vector.shape_cast %reduce_sum3A_70 : vector<128xf32> to vector<1x128xf32>
    %div3A_72 = arith.constant 1.000000e+04 : f32
    %div3A_73 = vector.broadcast %div3A_72 : f32 to vector<1x128xf32>
    %div3A_74 = arith.divf %broadcast_in_dim3A_71, %div3A_73 : vector<1x128xf32>
    %sub3A_75 = vector.broadcast %div3A_65 : vector<1x128xf32> to vector<10000x128xf32>
    %sub3A_76 = arith.subf %add3A_59, %sub3A_75 : vector<10000x128xf32>
    %add3A_77 = arith.constant 9.99999974E-6 : f32
    %add3A_78 = vector.broadcast %add3A_77 : f32 to vector<1x128xf32>
    %add3A_79 = arith.addf %div3A_74, %add3A_78 : vector<1x128xf32>
    %sqrt3A_80 = math.sqrt %add3A_79 : vector<1x128xf32>
    %div3A_81 = vector.broadcast %sqrt3A_80 : vector<1x128xf32> to vector<10000x128xf32>
    %div3A_82 = arith.divf %sub3A_76, %div3A_81 : vector<10000x128xf32>
    %get3A_83 = arith.constant 0 : index
    %get3A_84 = arith.constant 0 : index
    %get3A_85 = vector.load %arg12[%get3A_83, %get3A_84] : memref<1x128xf32, #tpu.memory_space<vmem>>, vector<1x128xf32>
    %mul3A_86 = vector.broadcast %get3A_85 : vector<1x128xf32> to vector<10000x128xf32>
    %mul3A_87 = arith.mulf %div3A_82, %mul3A_86 : vector<10000x128xf32>
    %get3A_88 = arith.constant 0 : index
    %get3A_89 = arith.constant 0 : index
    %get3A_90 = vector.load %arg13[%get3A_88, %get3A_89] : memref<1x128xf32, #tpu.memory_space<vmem>>, vector<1x128xf32>
    %add3A_91 = vector.broadcast %get3A_90 : vector<1x128xf32> to vector<10000x128xf32>
    %add3A_92 = arith.addf %mul3A_87, %add3A_91 : vector<10000x128xf32>
    %max3A_93 = arith.constant 0.000000e+00 : f32
    %max3A_94 = vector.broadcast %max3A_93 : f32 to vector<10000x128xf32>
    %max3A_95 = arith.maximumf %add3A_92, %max3A_94 : vector<10000x128xf32>
    %get3A_96 = arith.constant 0 : index
    %get3A_97 = arith.constant 0 : index
    %get3A_98 = vector.load %arg1[%get3A_96, %get3A_97] : memref<10000x128xf32, #tpu.memory_space<vmem>>, vector<10000x128xf32>
    %get3A_99 = arith.constant 1 : index
    %get3A_100 = arith.constant 0 : index
    %get3A_101 = arith.constant 0 : index
    %get3A_102 = vector.load %arg2[%get3A_99, %get3A_100, %get3A_101] : memref<2x10000x128xf32, #tpu.memory_space<vmem>>, vector<1x10000x128xf32>
    %get3A_103 = vector.shape_cast %get3A_102 : vector<1x10000x128xf32> to vector<10000x128xf32>
    %add3A_104 = arith.addf %get3A_103, %get3A_98 : vector<10000x128xf32>
    %get3A_105 = arith.constant 0 : index
    %get3A_106 = arith.constant 0 : index
    %get3A_107 = vector.load %arg5[%get3A_105, %get3A_106] : memref<1x1xf32, #tpu.memory_space<vmem>>, vector<1x1xf32>
    %mul3A_108 = vector.broadcast %get3A_107 : vector<1x1xf32> to vector<10000x128xf32>
    %mul3A_109 = arith.mulf %mul3A_108, %get3A_98 : vector<10000x128xf32>
    %add3A_110 = arith.addf %add3A_104, %mul3A_109 : vector<10000x128xf32>
    %get3A_111 = arith.constant 0 : index
    %get3A_112 = arith.constant 0 : index
    %get3A_113 = vector.load %arg6[%get3A_111, %get3A_112] : memref<128x128xf32, #tpu.memory_space<vmem>>, vector<128x128xf32>
    %dot_general3A_114 = arith.constant dense<0.000000e+00> : vector<10000x128xf32>
    %dot_general3A_115 = tpu.matmul %add3A_110, %get3A_113, %dot_general3A_114 {dimension_numbers = #tpu.dot_dimension_numbers<[1], [0], [0], [1], [0, 0, 1, 1], [], []>, transpose_lhs_hint = false} : vector<10000x128xf32>, vector<128x128xf32>, vector<10000x128xf32> -> vector<10000x128xf32>
    %get3A_116 = arith.constant 0 : index
    %get3A_117 = arith.constant 0 : index
    %get3A_118 = vector.load %arg7[%get3A_116, %get3A_117] : memref<1x128xf32, #tpu.memory_space<vmem>>, vector<1x128xf32>
    %add3A_119 = vector.broadcast %get3A_118 : vector<1x128xf32> to vector<10000x128xf32>
    %add3A_120 = arith.addf %dot_general3A_115, %add3A_119 : vector<10000x128xf32>
    %reduce_sum3A_121 = arith.constant dense<0.000000e+00> : vector<128xf32>
    %reduce_sum3A_122 = vector.multi_reduction <add>, %add3A_120, %reduce_sum3A_121 [0] : vector<10000x128xf32> to vector<128xf32>
    %broadcast_in_dim3A_123 = vector.shape_cast %reduce_sum3A_122 : vector<128xf32> to vector<1x128xf32>
    %div3A_124 = arith.constant 1.000000e+04 : f32
    %div3A_125 = vector.broadcast %div3A_124 : f32 to vector<1x128xf32>
    %div3A_126 = arith.divf %broadcast_in_dim3A_123, %div3A_125 : vector<1x128xf32>
    %sub3A_127 = vector.broadcast %div3A_126 : vector<1x128xf32> to vector<10000x128xf32>
    %sub3A_128 = arith.subf %add3A_120, %sub3A_127 : vector<10000x128xf32>
    %integer_pow3A_129 = arith.mulf %sub3A_128, %sub3A_128 : vector<10000x128xf32>
    %reduce_sum3A_130 = arith.constant dense<0.000000e+00> : vector<128xf32>
    %reduce_sum3A_131 = vector.multi_reduction <add>, %integer_pow3A_129, %reduce_sum3A_130 [0] : vector<10000x128xf32> to vector<128xf32>
    %broadcast_in_dim3A_132 = vector.shape_cast %reduce_sum3A_131 : vector<128xf32> to vector<1x128xf32>
    %div3A_133 = arith.constant 1.000000e+04 : f32
    %div3A_134 = vector.broadcast %div3A_133 : f32 to vector<1x128xf32>
    %div3A_135 = arith.divf %broadcast_in_dim3A_132, %div3A_134 : vector<1x128xf32>
    %sub3A_136 = vector.broadcast %div3A_126 : vector<1x128xf32> to vector<10000x128xf32>
    %sub3A_137 = arith.subf %add3A_120, %sub3A_136 : vector<10000x128xf32>
    %add3A_138 = arith.constant 9.99999974E-6 : f32
    %add3A_139 = vector.broadcast %add3A_138 : f32 to vector<1x128xf32>
    %add3A_140 = arith.addf %div3A_135, %add3A_139 : vector<1x128xf32>
    %sqrt3A_141 = math.sqrt %add3A_140 : vector<1x128xf32>
    %div3A_142 = vector.broadcast %sqrt3A_141 : vector<1x128xf32> to vector<10000x128xf32>
    %div3A_143 = arith.divf %sub3A_137, %div3A_142 : vector<10000x128xf32>
    %get3A_144 = arith.constant 0 : index
    %get3A_145 = arith.constant 0 : index
    %get3A_146 = vector.load %arg8[%get3A_144, %get3A_145] : memref<1x128xf32, #tpu.memory_space<vmem>>, vector<1x128xf32>
    %mul3A_147 = vector.broadcast %get3A_146 : vector<1x128xf32> to vector<10000x128xf32>
    %mul3A_148 = arith.mulf %div3A_143, %mul3A_147 : vector<10000x128xf32>
    %get3A_149 = arith.constant 0 : index
    %get3A_150 = arith.constant 0 : index
    %get3A_151 = vector.load %arg9[%get3A_149, %get3A_150] : memref<1x128xf32, #tpu.memory_space<vmem>>, vector<1x128xf32>
    %add3A_152 = vector.broadcast %get3A_151 : vector<1x128xf32> to vector<10000x128xf32>
    %add3A_153 = arith.addf %mul3A_148, %add3A_152 : vector<10000x128xf32>
    %max3A_154 = arith.constant 0.000000e+00 : f32
    %max3A_155 = vector.broadcast %max3A_154 : f32 to vector<10000x128xf32>
    %max3A_156 = arith.maximumf %add3A_153, %max3A_155 : vector<10000x128xf32>
    %get3A_157 = arith.constant 0 : index
    %get3A_158 = arith.constant 0 : index
    %get3A_159 = vector.load %arg10[%get3A_157, %get3A_158] : memref<128x128xf32, #tpu.memory_space<vmem>>, vector<128x128xf32>
    %dot_general3A_160 = arith.constant dense<0.000000e+00> : vector<10000x128xf32>
    %dot_general3A_161 = tpu.matmul %max3A_156, %get3A_159, %dot_general3A_160 {dimension_numbers = #tpu.dot_dimension_numbers<[1], [0], [0], [1], [0, 0, 1, 1], [], []>, transpose_lhs_hint = false} : vector<10000x128xf32>, vector<128x128xf32>, vector<10000x128xf32> -> vector<10000x128xf32>
    %get3A_162 = arith.constant 0 : index
    %get3A_163 = arith.constant 0 : index
    %get3A_164 = vector.load %arg11[%get3A_162, %get3A_163] : memref<1x128xf32, #tpu.memory_space<vmem>>, vector<1x128xf32>
    %add3A_165 = vector.broadcast %get3A_164 : vector<1x128xf32> to vector<10000x128xf32>
    %add3A_166 = arith.addf %dot_general3A_161, %add3A_165 : vector<10000x128xf32>
    %reduce_sum3A_167 = arith.constant dense<0.000000e+00> : vector<128xf32>
    %reduce_sum3A_168 = vector.multi_reduction <add>, %add3A_166, %reduce_sum3A_167 [0] : vector<10000x128xf32> to vector<128xf32>
    %broadcast_in_dim3A_169 = vector.shape_cast %reduce_sum3A_168 : vector<128xf32> to vector<1x128xf32>
    %div3A_170 = arith.constant 1.000000e+04 : f32
    %div3A_171 = vector.broadcast %div3A_170 : f32 to vector<1x128xf32>
    %div3A_172 = arith.divf %broadcast_in_dim3A_169, %div3A_171 : vector<1x128xf32>
    %sub3A_173 = vector.broadcast %div3A_172 : vector<1x128xf32> to vector<10000x128xf32>
    %sub3A_174 = arith.subf %add3A_166, %sub3A_173 : vector<10000x128xf32>
    %integer_pow3A_175 = arith.mulf %sub3A_174, %sub3A_174 : vector<10000x128xf32>
    %reduce_sum3A_176 = arith.constant dense<0.000000e+00> : vector<128xf32>
    %reduce_sum3A_177 = vector.multi_reduction <add>, %integer_pow3A_175, %reduce_sum3A_176 [0] : vector<10000x128xf32> to vector<128xf32>
    %broadcast_in_dim3A_178 = vector.shape_cast %reduce_sum3A_177 : vector<128xf32> to vector<1x128xf32>
    %div3A_179 = arith.constant 1.000000e+04 : f32
    %div3A_180 = vector.broadcast %div3A_179 : f32 to vector<1x128xf32>
    %div3A_181 = arith.divf %broadcast_in_dim3A_178, %div3A_180 : vector<1x128xf32>
    %sub3A_182 = vector.broadcast %div3A_172 : vector<1x128xf32> to vector<10000x128xf32>
    %sub3A_183 = arith.subf %add3A_166, %sub3A_182 : vector<10000x128xf32>
    %add3A_184 = arith.constant 9.99999974E-6 : f32
    %add3A_185 = vector.broadcast %add3A_184 : f32 to vector<1x128xf32>
    %add3A_186 = arith.addf %div3A_181, %add3A_185 : vector<1x128xf32>
    %sqrt3A_187 = math.sqrt %add3A_186 : vector<1x128xf32>
    %div3A_188 = vector.broadcast %sqrt3A_187 : vector<1x128xf32> to vector<10000x128xf32>
    %div3A_189 = arith.divf %sub3A_183, %div3A_188 : vector<10000x128xf32>
    %get3A_190 = arith.constant 0 : index
    %get3A_191 = arith.constant 0 : index
    %get3A_192 = vector.load %arg12[%get3A_190, %get3A_191] : memref<1x128xf32, #tpu.memory_space<vmem>>, vector<1x128xf32>
    %mul3A_193 = vector.broadcast %get3A_192 : vector<1x128xf32> to vector<10000x128xf32>
    %mul3A_194 = arith.mulf %div3A_189, %mul3A_193 : vector<10000x128xf32>
    %get3A_195 = arith.constant 0 : index
    %get3A_196 = arith.constant 0 : index
    %get3A_197 = vector.load %arg13[%get3A_195, %get3A_196] : memref<1x128xf32, #tpu.memory_space<vmem>>, vector<1x128xf32>
    %add3A_198 = vector.broadcast %get3A_197 : vector<1x128xf32> to vector<10000x128xf32>
    %add3A_199 = arith.addf %mul3A_194, %add3A_198 : vector<10000x128xf32>
    %max3A_200 = arith.constant 0.000000e+00 : f32
    %max3A_201 = vector.broadcast %max3A_200 : f32 to vector<10000x128xf32>
    %max3A_202 = arith.maximumf %add3A_199, %max3A_201 : vector<10000x128xf32>
    %get3A_203 = arith.constant 0 : index
    %get3A_204 = arith.constant 0 : index
    %get3A_205 = arith.constant 0 : index
    %get3A_206 = vector.load %arg3[%get3A_203, %get3A_204, %get3A_205] : memref<2x8x10000xf32, #tpu.memory_space<vmem>>, vector<1x4x10000xf32>
    %get3A_207 = vector.shape_cast %get3A_206 : vector<1x4x10000xf32> to vector<4x10000xf32>
    %get3A_208 = arith.constant 1 : index
    %get3A_209 = arith.constant 0 : index
    %get3A_210 = arith.constant 0 : index
    %get3A_211 = vector.load %arg3[%get3A_208, %get3A_209, %get3A_210] : memref<2x8x10000xf32, #tpu.memory_space<vmem>>, vector<1x4x10000xf32>
    %get3A_212 = vector.shape_cast %get3A_211 : vector<1x4x10000xf32> to vector<4x10000xf32>
    %add3A_213 = arith.addf %get3A_207, %get3A_212 : vector<4x10000xf32>
    %get3A_214 = arith.constant 0 : index
    %get3A_215 = arith.constant 4 : index
    %get3A_216 = arith.constant 0 : index
    %get3A_217 = vector.load %arg3[%get3A_214, %get3A_215, %get3A_216] : memref<2x8x10000xf32, #tpu.memory_space<vmem>>, vector<1x4x10000xf32>
    %get3A_218 = vector.shape_cast %get3A_217 : vector<1x4x10000xf32> to vector<4x10000xf32>
    %get3A_219 = arith.constant 1 : index
    %get3A_220 = arith.constant 4 : index
    %get3A_221 = arith.constant 0 : index
    %get3A_222 = vector.load %arg3[%get3A_219, %get3A_220, %get3A_221] : memref<2x8x10000xf32, #tpu.memory_space<vmem>>, vector<1x4x10000xf32>
    %get3A_223 = vector.shape_cast %get3A_222 : vector<1x4x10000xf32> to vector<4x10000xf32>
    %add3A_224 = arith.addf %get3A_218, %get3A_223 : vector<4x10000xf32>
    %get3A_225 = arith.constant 0 : index
    %get3A_226 = arith.constant 0 : index
    %get3A_227 = vector.load %arg4[%get3A_225, %get3A_226] : memref<1x2500xf32, #tpu.memory_space<vmem>>, vector<1x2500xf32>
    %reduce_sum3A_228 = vector.shape_cast %get3A_227 : vector<1x2500xf32> to vector<1x1x2500xf32>
    %reduce_sum3A_229 = arith.constant dense<0.000000e+00> : vector<1xf32>
    %reduce_sum3A_230 = vector.multi_reduction <add>, %reduce_sum3A_228, %reduce_sum3A_229 [1, 2] : vector<1x1x2500xf32> to vector<1xf32>
    %reduce_sum3A_231 = vector.shape_cast %reduce_sum3A_230 : vector<1xf32> to vector<1x1x1xf32>
    %reduce_sum3A_232 = vector.extract %reduce_sum3A_231[0, 0, 0] : f32 from vector<1x1x1xf32>
    %broadcast_in_dim3A_233 = vector.broadcast %reduce_sum3A_232 : f32 to vector<1x1xf32>
    %dot_general3A_234 = arith.constant dense<0.000000e+00> : vector<4x128xf32>
    %dot_general3A_235 = tpu.matmul %add3A_213, %max3A_95, %dot_general3A_234 {dimension_numbers = #tpu.dot_dimension_numbers<[1], [0], [0], [1], [0, 0, 1, 1], [], []>, transpose_lhs_hint = false} : vector<4x10000xf32>, vector<10000x128xf32>, vector<4x128xf32> -> vector<4x128xf32>
    %div3A_236 = vector.broadcast %broadcast_in_dim3A_233 : vector<1x1xf32> to vector<4x128xf32>
    %div3A_237 = arith.divf %dot_general3A_235, %div3A_236 : vector<4x128xf32>
    %neg3A = arith.constant 0.000000e+00 : f32
    %neg3A_238 = vector.broadcast %neg3A : f32 to vector<4x128xf32>
    %neg3A_239 = arith.subf %neg3A_238, %div3A_237 : vector<4x128xf32>
    %exp3A = math.exp %neg3A_239 : vector<4x128xf32>
    %add3A_240 = arith.constant 1.000000e+00 : f32
    %add3A_241 = vector.broadcast %add3A_240 : f32 to vector<4x128xf32>
    %add3A_242 = arith.addf %add3A_241, %exp3A : vector<4x128xf32>
    %div3A_243 = arith.constant 1.000000e+00 : f32
    %div3A_244 = vector.broadcast %div3A_243 : f32 to vector<4x128xf32>
    %div3A_245 = arith.divf %div3A_244, %add3A_242 : vector<4x128xf32>
    %get3A_246 = arith.constant 0 : index
    %get3A_247 = arith.constant 0 : index
    %get3A_248 = vector.load %arg14[%get3A_246, %get3A_247] : memref<128x128xf32, #tpu.memory_space<vmem>>, vector<128x128xf32>
    %dot_general3A_249 = arith.constant dense<0.000000e+00> : vector<4x128xf32>
    %dot_general3A_250 = tpu.matmul %div3A_245, %get3A_248, %dot_general3A_249 {dimension_numbers = #tpu.dot_dimension_numbers<[1], [0], [0], [1], [0, 0, 1, 1], [], []>, transpose_lhs_hint = false} : vector<4x128xf32>, vector<128x128xf32>, vector<4x128xf32> -> vector<4x128xf32>
    %dot_general3A_251 = arith.constant dense<0.000000e+00> : vector<10000x4xf32>
    %dot_general3A_252 = tpu.matmul %max3A_95, %dot_general3A_250, %dot_general3A_251 {dimension_numbers = #tpu.dot_dimension_numbers<[1], [1], [0], [0], [0, 0, 1, 0], [], []>, transpose_lhs_hint = false} : vector<10000x128xf32>, vector<4x128xf32>, vector<10000x4xf32> -> vector<10000x4xf32>
    %get3A_253 = arith.constant 0 : index
    %get3A_254 = arith.constant 0 : index
    %get3A_255 = vector.load %arg15[%get3A_253, %get3A_254] : memref<1x1xf32, #tpu.memory_space<vmem>>, vector<1x1xf32>
    %add3A_256 = vector.broadcast %get3A_255 : vector<1x1xf32> to vector<10000x4xf32>
    %add3A_257 = arith.addf %dot_general3A_252, %add3A_256 : vector<10000x4xf32>
    %dot_general3A_258 = arith.constant dense<0.000000e+00> : vector<10000x4xf32>
    %dot_general3A_259 = tpu.matmul %max3A_202, %dot_general3A_250, %dot_general3A_258 {dimension_numbers = #tpu.dot_dimension_numbers<[1], [1], [0], [0], [0, 0, 1, 0], [], []>, transpose_lhs_hint = false} : vector<10000x128xf32>, vector<4x128xf32>, vector<10000x4xf32> -> vector<10000x4xf32>
    %get3A_260 = arith.constant 0 : index
    %get3A_261 = arith.constant 0 : index
    %get3A_262 = vector.load %arg15[%get3A_260, %get3A_261] : memref<1x1xf32, #tpu.memory_space<vmem>>, vector<1x1xf32>
    %add3A_263 = vector.broadcast %get3A_262 : vector<1x1xf32> to vector<10000x4xf32>
    %add3A_264 = arith.addf %dot_general3A_259, %add3A_263 : vector<10000x4xf32>
    %max3A_265 = arith.constant 0.000000e+00 : f32
    %max3A_266 = vector.broadcast %max3A_265 : f32 to vector<10000x4xf32>
    %max3A_267 = arith.maximumf %add3A_257, %max3A_266 : vector<10000x4xf32>
    %sub3A_268 = arith.subf %max3A_267, %add3A_257 : vector<10000x4xf32>
    %abs3A = math.absf %add3A_257 : vector<10000x4xf32>
    %neg3A_269 = arith.constant 0.000000e+00 : f32
    %neg3A_270 = vector.broadcast %neg3A_269 : f32 to vector<10000x4xf32>
    %neg3A_271 = arith.subf %neg3A_270, %abs3A : vector<10000x4xf32>
    %exp3A_272 = math.exp %neg3A_271 : vector<10000x4xf32>
    %add3A_273 = arith.constant 1.000000e+00 : f32
    %add3A_274 = vector.broadcast %add3A_273 : f32 to vector<10000x4xf32>
    %add3A_275 = arith.addf %add3A_274, %exp3A_272 : vector<10000x4xf32>
    %log3A = math.log %add3A_275 : vector<10000x4xf32>
    %add3A_276 = arith.addf %sub3A_268, %log3A : vector<10000x4xf32>
    %max3A_277 = arith.constant 0.000000e+00 : f32
    %max3A_278 = vector.broadcast %max3A_277 : f32 to vector<10000x4xf32>
    %max3A_279 = arith.maximumf %add3A_264, %max3A_278 : vector<10000x4xf32>
    %add3A_280 = arith.addf %add3A_276, %max3A_279 : vector<10000x4xf32>
    %abs3A_281 = math.absf %add3A_264 : vector<10000x4xf32>
    %neg3A_282 = arith.constant 0.000000e+00 : f32
    %neg3A_283 = vector.broadcast %neg3A_282 : f32 to vector<10000x4xf32>
    %neg3A_284 = arith.subf %neg3A_283, %abs3A_281 : vector<10000x4xf32>
    %exp3A_285 = math.exp %neg3A_284 : vector<10000x4xf32>
    %add3A_286 = arith.constant 1.000000e+00 : f32
    %add3A_287 = vector.broadcast %add3A_286 : f32 to vector<10000x4xf32>
    %add3A_288 = arith.addf %add3A_287, %exp3A_285 : vector<10000x4xf32>
    %log3A_289 = math.log %add3A_288 : vector<10000x4xf32>
    %add3A_290 = arith.addf %add3A_280, %log3A_289 : vector<10000x4xf32>
    %dot_general3A_291 = arith.constant dense<0.000000e+00> : vector<4x4xf32>
    %dot_general3A_292 = tpu.matmul %add3A_224, %add3A_290, %dot_general3A_291 {dimension_numbers = #tpu.dot_dimension_numbers<[1], [0], [0], [1], [0, 0, 1, 1], [], []>, transpose_lhs_hint = false} : vector<4x10000xf32>, vector<10000x4xf32>, vector<4x4xf32> -> vector<4x4xf32>
    %iota3A = tpu.iota {dimensions = array<i32: 0>} : vector<4x4xi32>
    %iota3A_293 = tpu.iota {dimensions = array<i32: 1>} : vector<4x4xi32>
    %eq3A = arith.cmpi eq, %iota3A, %iota3A_293 : vector<4x4xi32>
    %jit3A = arith.constant 0.000000e+00 : f32
    %broadcast_in_dim3A_294 = vector.broadcast %jit3A : f32 to vector<4x4xf32>
    %select_n3A = arith.select %eq3A, %dot_general3A_292, %broadcast_in_dim3A_294 : vector<4x4xi1>, vector<4x4xf32>
    %reduce_sum3A_295 = vector.shape_cast %select_n3A : vector<4x4xf32> to vector<1x4x4xf32>
    %reduce_sum3A_296 = arith.constant dense<0.000000e+00> : vector<1xf32>
    %reduce_sum3A_297 = vector.multi_reduction <add>, %reduce_sum3A_295, %reduce_sum3A_296 [1, 2] : vector<1x4x4xf32> to vector<1xf32>
    %reduce_sum3A_298 = vector.shape_cast %reduce_sum3A_297 : vector<1xf32> to vector<1x1x1xf32>
    %reduce_sum3A_299 = vector.extract %reduce_sum3A_298[0, 0, 0] : f32 from vector<1x1x1xf32>
    %broadcast_in_dim3A_300 = vector.broadcast %reduce_sum3A_299 : f32 to vector<1x1xf32>
    %div3A_301 = arith.constant 5.000000e+03 : f32
    %div3A_302 = vector.broadcast %div3A_301 : f32 to vector<1x1xf32>
    %div3A_303 = arith.divf %broadcast_in_dim3A_300, %div3A_302 : vector<1x1xf32>
    %swap3A = arith.constant 0 : index
    %swap3A_304 = arith.constant 0 : index
    %swap3A_305 = vector.load %arg16[%swap3A, %swap3A_304] : memref<1x1xf32, #tpu.memory_space<vmem>>, vector<1x1xf32>
    tpu.vector_store %arg16[%swap3A, %swap3A_304], %div3A_303 {strides = array<i32>} : memref<1x1xf32, #tpu.memory_space<vmem>>, vector<1x1xf32>,
    return
  }
}

</mosaic_0001>

<sc_bundles>
// kernel: kernel.4.cloned.1.call-start
scs
__scs_entry_jumppad:
0x0: {  	(pc) =	sbr.rel $0x88, $3  }
0x1: {  	(tag) =	ssettag $0x0;
	lr =	simm.s32 $0x1  }
0x2: {  	[smem:$0x3F90] =	sst lr;
	_ =	strace $0xD0000000  }
0x3: {  	_ = 	snop  }
0x4: {  	_ = 	snop  }
0x5: {  	_ = 	snop  }
0x6: {  	_ = 	snop  }
0x7: {  	_ = 	snop  }
__scs_overlays_trampoline_lowered:
0x8: {  	[smem:$0x3F9F] =	sst s0  }
0x9: {  	[smem:$0x3FA0] =	sst s1  }
0xa: {  	[smem:$0x3FA1] =	sst s2  }
0xb: {  	[smem:$0x3FA2] =	sst s3  }
0xc: {  	[smem:$0x3FA3] =	sst s4  }
0xd: {  	[smem:$0x3FA4] =	sst s5  }
0xe: {  	[smem:$0x3FA5] =	sst s6  }
0xf: {  	[smem:$0x3FA6] =	sst s7  }
0x10: {  	[smem:$0x3FA7] =	sst s8  }
0x11: {  	[smem:$0x3FA8] =	sst s9;
	s0 =	simm.s32 @!p0 $0x0  }
0x12: {  	s1 =	sld [smem:$0x3F8E];
	s0 =	simm.s32 @p0 $0x1  }
0x13: {  	[smem:$0x3FA9] =	sst s0;
	s0 =	simm.s32 @!p1 $0x0  }
0x14: {  	s2 =	sld [smem:$0x3F8D];
	s0 =	simm.s32 @p1 $0x1  }
0x15: {  	[smem:$0x3FAA] =	sst s0;
	s0 =	simm.s32 @!p2 $0x0  }
0x16: {  	s3 =	sld [smem:$0x3FDB];
	s0 =	simm.s32 @p2 $0x1  }
0x17: {  	s4 =	simm.s32 $0x1BF5;
	[smem:$0x3FAC] =	sst s0  }
0x18: {  	s0 =	sld [smem:$0x3F8F];
	_ =	swait.ge [sflag:s4], $0x0  }
0x19: {  	s7 =	sld [smem:$0x3F90]  }
0x1a: {  	s8 =	sadd.s32 $0xFFFFE003, lr  }
0x1b: {  	s9 =	sadd.s32 $0xFFFFFEF7, lr;
	s5 =	simm.s32 $0xFFFFFFFF;
	p2 =	slt.u32 s8, $0xFFFFF086  }
0x1c: {  	p1 =	slt.u32 s9, $0xF7A;
	s5 =	simm.s32 @!p2 $0x0  }
0x1d: {  	s5 =	simm.s32 @p1 $0x1;
	p0 =	seq.s32 s7, s2  }
0x1e: {  	s7 =	smul.u32 @!p0 $0xF7A, s2;
	p2 =	seq.s32 @!p0 s5, $0x0  }
0x1f: {  	s9 =	smul.u32 $0xF7A, s1;
	s8 =	simm.s32 @!p0 $0x1BF5;
	p2 =	por !p2, p0  }
0x20: {  	[sflag:s8] =	ssyncset.s32 @!p0 $0xFFFFF086;
	s6 =	sadd.s32 @!p0 s3, s7;
	s7 =	simm.s32 @!p0 $0x108  }
0x21: {  	s3 =	sadd.s32 s3, s9;
	s6 =	sadd.s32 @!p0 $0x88, s6;
	s7 =	simm.s32 @p2 $0x1082  }
0x22: {  	[simem:s7], [sflag:s8] =	dma.local @!p0 [hbm:s6], $0xF7A  }
0x23: {  	s9 =	sor.u32 $0xD0000000, s2;
	s6 =	simm.s32 $0x108;
	_ =	swait.ge @!p0 [sflag:s8], $0x0  }
0x24: {  	s3 =	sadd.s32 $0x88, s3;
	s6 =	simm.s32 @!p1 $0x1082;
	[sflag:s4] =	ssyncset.s32 $0xFFFFF086  }
0x25: {  	[simem:s6], [sflag:s4] =	dma.local [hbm:s3], $0xF7A  }
0x26: {  	[smem:$0x3F90] =	sst s1;
	(tag) =	ssettag s2;
	_ =	strace s9  }
0x27: {  	s1 =	sld [smem:$0x3FA0]  }
0x28: {  	s2 =	sld [smem:$0x3FA1]  }
0x29: {  	s4 =	sld [smem:$0x3FA3]  }
0x2a: {  	p0 =	seq.s32 s5, $0x0;
	s5 =	sld [smem:$0x3FA4]  }
0x2b: {  	s6 =	sld [smem:$0x3FA5]  }
0x2c: {  	s7 =	sld [smem:$0x3FA6]  }
0x2d: {  	s3 =	simm.s32 $0x108;
	s8 =	sld [smem:$0x3FA7]  }
0x2e: {  	s3 =	simm.s32 @!p0 $0x1082;
	s9 =	sld [smem:$0x3FA8]  }
0x2f: {  	lr =	sadd.s32 s0, s3;
	s0 =	sld [smem:$0x3F9F]  }
0x30: {  	s3 =	sld [smem:$0x3FA2]  }
0x31: {  	[smem:$0x3FAB] =	sst s10  }
0x32: {  	s10 =	sld [smem:$0x3FA9];
	_ =	sdelay $0x3  }
0x33: {  	p0 =	seq.s32 s10, $0x1;
	s10 =	sld [smem:$0x3FAB];
	_ =	sdelay $0x3  }
0x34: {  	[smem:$0x3FAB] =	sst s10  }
0x35: {  	s10 =	sld [smem:$0x3FAA];
	_ =	sdelay $0x3  }
0x36: {  	p1 =	seq.s32 s10, $0x1;
	s10 =	sld [smem:$0x3FAB];
	_ =	sdelay $0x3  }
0x37: {  	[smem:$0x3FAB] =	sst s10  }
0x38: {  	s10 =	sld [smem:$0x3FAC]  }
0x39: {  	_ = 	snop;
	(pc) =	sbr.ind lr, $3  }
0x3a: {  	_ = 	snop  }
0x3b: {  	_ = 	snop  }
0x3c: {  	p2 =	seq.s32 s10, $0x1;
	s10 =	sld [smem:$0x3FAB]  }
0x3d: {  	_ =	shalt  }
0x3e: {  	_ =	shalt  }
0x3f: {  	_ =	shalt  }
0x40: {  	_ =	shalt  }
0x41: {  	_ =	shalt  }
0x42: {  	_ =	shalt  }
0x43: {  	_ =	shalt  }
0x44: {  	_ =	shalt  }
0x45: {  	_ =	shalt  }
0x46: {  	_ =	shalt  }
0x47: {  	_ =	shalt  }
0x48: {  	_ =	shalt  }
0x49: {  	_ =	shalt  }
0x4a: {  	_ =	shalt  }
0x4b: {  	_ =	shalt  }
0x4c: {  	_ =	shalt  }
0x4d: {  	_ =	shalt  }
0x4e: {  	_ =	shalt  }
0x4f: {  	_ =	shalt  }
0x50: {  	_ =	shalt  }
0x51: {  	_ =	shalt  }
0x52: {  	_ =	shalt  }
0x53: {  	_ =	shalt  }
0x54: {  	_ =	shalt  }
0x55: {  	_ =	shalt  }
0x56: {  	_ =	shalt  }
0x57: {  	_ =	shalt  }
0x58: {  	_ =	shalt  }
0x59: {  	_ =	shalt  }
0x5a: {  	_ =	shalt  }
0x5b: {  	_ =	shalt  }
0x5c: {  	_ =	shalt  }
0x5d: {  	_ =	shalt  }
0x5e: {  	_ =	shalt  }
0x5f: {  	_ =	shalt  }
0x60: {  	_ =	shalt  }
0x61: {  	_ =	shalt  }
0x62: {  	_ =	shalt  }
0x63: {  	_ =	shalt  }
0x64: {  	_ =	shalt  }
0x65: {  	_ =	shalt  }
0x66: {  	_ =	shalt  }
0x67: {  	_ =	shalt  }
0x68: {  	_ =	shalt  }
0x69: {  	_ =	shalt  }
0x6a: {  	_ =	shalt  }
0x6b: {  	_ =	shalt  }
0x6c: {  	_ =	shalt  }
0x6d: {  	_ =	shalt  }
0x6e: {  	_ =	shalt  }
0x6f: {  	_ =	shalt  }
0x70: {  	_ =	shalt  }
0x71: {  	_ =	shalt  }
0x72: {  	_ =	shalt  }
0x73: {  	_ =	shalt  }
0x74: {  	_ =	shalt  }
0x75: {  	_ =	shalt  }
0x76: {  	_ =	shalt  }
0x77: {  	_ =	shalt  }
0x78: {  	_ =	shalt  }
0x79: {  	_ =	shalt  }
0x7a: {  	_ =	shalt  }
0x7b: {  	_ =	shalt  }
0x7c: {  	_ =	shalt  }
0x7d: {  	_ =	shalt  }
0x7e: {  	_ =	shalt  }
0x7f: {  	_ =	shalt  }
0x80: {  	_ =	shalt  }
0x81: {  	_ =	shalt  }
0x82: {  	_ =	shalt  }
0x83: {  	_ =	shalt  }
0x84: {  	_ =	shalt  }
0x85: {  	_ =	shalt  }
0x86: {  	_ =	shalt  }
0x87: {  	_ =	shalt  }
.Lfunc_end0:
.L_simem_size_0:
called_computation_lowered:
.L_overlay_start_0:
0x88: {  	s2 =	sld [smem:$0x3FD9]  }
0x89: {  	s3 =	sld [smem:$0x3FFE];
	_ =	sdelay $0x1  }
0x8a: {  	s1 =	srdreg.scid  }
0x8b: {  	s0 =	sand.u32 $0x1, s1  }
0x8c: {  	s16 =	sshll.u32 s0, $0xA;
	s2 =	sadd.s32 s3, s2  }
0x8d: {  	s2 =	sadd.s32 s2, s16  }
0x8e: {  	[smem:$0x3FB7] =	sst s2  }
0x8f: {  	_ = 	snop  }
0x90: {  	(tm) =	ssettm $0x1  }
0x91: {  	s17 =	sld [smem:$0x3FFB];
	_ =	sdelay $0x3  }
0x92: {  	_ =	strace s17  }
0x93: {  	s2 =	sld [smem:$0x3FFC];
	_ =	sdelay $0x3  }
0x94: {  	_ =	strace s2  }
0x95: {  	s2 =	sld [smem:$0x3FFD];
	_ =	sdelay $0x3  }
0x96: {  	_ =	strace s2  }
0x97: {  	_ =	strace $0x8FFFFFFF  }
0x98: {  	s18 =	sld [smem:$0x3FDB];
	_ =	sdelay $0x1  }
0x99: {  	s19 =	simm.s32 $_scs_section_size  }
0x9a: {  	s4 =	simm.s32 $_size__tile_overlayer_lowered;
	s5 =	simm.s32 $_tile_overlayer_lowered  }
0x9b: {  	s22 =	simm.s32 $0x1BFF;
	s21 =	sshll.u32 s5, $0x1;
	s2 =	sadd.s32 s19, s18  }
0x9c: {  	s6 =	simm.s32 $0x0;
	s20 =	sshll.u32 s4, $0x1;
	s4 =	sadd.s32 s21, s2  }
0x9d: {  	[timem:s6], [sflag:s22] =	dma.local [hbm:s4], s20  }
0x9e: {  	_ =	swait.ge [sflag:s22], s20  }
0x9f: {  	s3 =	ssub.s32 $0x0, s20;
	[sflag:s22] =	ssyncset.done $0x0  }
0xa0: {  	[sflag:s22] =	ssyncadd.s32 s3;
	_ =	sdelay $0x1  }
0xa1: {  	s23 =	simm.s32 $0x1B8B  }
0xa2: {  	_ =	swait.ge [sflag:s23], $0x1  }
0xa3: {  	[sflag:s23] =	ssyncset.done $0x0  }
0xa4: {  	s25 =	simm.s32 $0x1B8E;
	s24 =	sld [smem:$0x3FFE];
	[sflag:s23] =	ssyncadd.s32 $0xFFFFFFFF  }
0xa5: {  	s26 =	simm.s32 $execute0_lowered;
	[smem:$0x3FD2] =	sst s25  }
0xa6: {  	s4 =	sshll.u32 s26, $0x1;
	_ =	strace $0x80000046;
	[dreg:$0x1] =	wrdreg $0xFFFFFFFF  }
0xa7: {  	s28 =	simm.s32 $_size_execute0_lowered;
	s2 =	sadd.s32 s2, s4;
	[dreg:$0x0] =	wrdreg $0x0  }
0xa8: {  	s4 =	sshll.u32 s28, $0x1;
	[dreg:$0x2] =	wrdreg s2  }
0xa9: {  	[dreg:$0x3] =	wrdreg s4  }
0xaa: {  	[dreg:$0x4] =	wrdreg $0xC0  }
0xab: {  	_ =	task [dreg:s6], $0x5FFFF  }
0xac: {  	[dreg:$0x1] =	wrdreg $0xFFFFFFFF  }
0xad: {  	[dreg:$0x0] =	wrdreg $0x60  }
0xae: {  	[dreg:$0x2] =	wrdreg s24  }
0xaf: {  	[dreg:$0x3] =	wrdreg $0x0  }
0xb0: {  	[dreg:$0x4] =	wrdreg $0x9  }
0xb1: {  	_ =	task.clear_ibuf [dreg:s6], $0x5FFFF;
	_ =	strace $0x90000046  }
0xb2: {  	s29 =	simm.s32 $0x9;
	_ =	strace $0x80000048  }
0xb3: {  	_ =	swait.ge [sflag:s29], $0x1  }
0xb4: {  	[sflag:s29] =	ssyncadd.s32 $0xFFFFFFFF  }
0xb5: {  	_ =	strace $0x90000048  }
0xb6: {  	_ =	sfence  }
0xb7: {  	s30 =	sld [smem:$0x0];
	_ =	sdelay $0x2  }
0xb8: {  	s31 =	sshll.u32 s1, $0xD;
	s1 =	sshrl.u32 s1, $0x2  }
0xb9: {  	s3 =	sand.u32 $0x4000, s31;
	s1 =	sadd.s32 s1, s30  }
0xba: {  	s0 =	sor.u32 s3, s0;
	s1 =	sshll.u32 s1, $0x11  }
0xbb: {  	s0 =	sor.u32 s1, s0  }
0xbc: {  	s0 =	sadd.s32 $0x8F2B, s0  }
0xbd: {  	[sflag:s0] =	ssyncadd.remote.s32 $0x1  }
0xbe: {  	_ =	sfence.sel $0xFFFF  }
0xbf: {  	[dreg:$0x0] =	wrdreg $0xFFFFFFFF;
	(pc) =	sbr.abs _section_cstart, $3  }
0xc0: {  	[dreg:$0x1] =	wrdreg $0xFFFFFFFF  }
0xc1: {  	_ =	task.clear_ibuf [dreg:s6], $0x2FFFF;
	_ =	strace $0x9FFFFFFF  }
0xc2: {  	(tm) =	ssettm $0x7FFFFFFF  }
0xc3: {  	_ =	shalt  }
tec
execute0_lowered:
.L_overlay_start_1:
0x0: {  	(tag) =	ssettag $0x1  }
0x1: {  	s9 =	rddreg [dreg:$0x0]  }
0x2: {  	s1 =	rddreg [dreg:$0x1]  }
0x3: {  	s2 =	simm.s32 $0x0;
	s0 =	srdreg.scid;
	s21 =	stileid.u32  }
0x4: {  	s31 =	simm.s32 $0x70;
	s29 =	simm.s32 $0x1B500;
	[smem:$0x7FF] =	sst s2  }
0x5: {  	s10 =	sand.u32 $0x1, s0;
	s12 =	sadd.s32 $0xC0200, s9;
	s4 =	smul.u32 $0x280, s21  }
0x6: {  	s13 =	sadd.s32 $0x70200, s9;
	s15 =	smul.u32 $0x14000, s21;
	_ =	strace $0x80000047  }
0x7: {  	s11 =	sshll.u32 s10, $0x4;
	s0 =	ssub.s32 $0x2, s10;
	s14 =	smul.u32 $0x140000, s10  }
0x8: {  	p0 =	seq.s32 s10, $0x0;
	s10 =	smul.u32 $0xA10, s21;
	s3 =	sshrl.u32 s0, $0x1  }
0x9: {  	s8 =	sor.u32 $0x70, s4;
	s7 =	sadd.s32 $0xE0, s4;
	s6 =	sadd.s32 $0x150, s4  }
0xa: {  	s5 =	sadd.s32 $0x1C0, s4;
	s11 =	sor.u32 s21, s11;
	s0 =	ssub.s32 s0, s3  }
0xb: {  	s3 =	sadd.s32 $0x230, s4;
	s15 =	sadd.s32 s15, s14;
	s16 =	sshll.u32 s8, $0x7  }
0xc: {  	v39 =	vlaneseq.u32;
	s17 =	sshll.u32 s7, $0x7;
	s24 =	sshll.u32 s6, $0x7;
	s19 =	sshll.u32 s5, $0x7  }
0xd: {  	s11 =	smul.u32 $0x50, s11;
	v13 =	vor.u32 s7, v39;
	v27 =	vor.u32 s5, v39;
	s5 =	simm.s32 $0x50;
	s7 =	simm.s32 $0x1B400  }
0xe: {  	s15 =	sshrl.u32 s15, $0x3;
	s16 =	sadd.s32 s14, s16;
	s17 =	sadd.s32 s14, s17  }
0xf: {  	s20 =	sshll.u32 s3, $0x7;
	s19 =	sadd.s32 s14, s19;
	s0 =	smax.u32 s0, $0x1  }
0x10: {  	s18 =	sadd.s32 s13, s15;
	s16 =	sshrl.u32 s16, $0x3;
	[dreg:$0x1d] =	wrdreg s0  }
0x11: {  	s17 =	sshrl.u32 s17, $0x3;
	s30 =	sadd.s32 s12, s15;
	[dreg:$0x5] =	wrdreg s18  }
0x12: {  	s19 =	sshrl.u32 s19, $0x3;
	s22 =	sadd.s32 s13, s16;
	[dreg:$0xb] =	wrdreg s30  }
0x13: {  	s23 =	sadd.s32 s13, s17;
	s18 =	sadd.s32 s14, s24;
	[dreg:$0x6] =	wrdreg s22  }
0x14: {  	s14 =	sadd.s32 s14, s20;
	s26 =	sadd.s32 s13, s19;
	[dreg:$0x7] =	wrdreg s23  }
0x15: {  	s15 =	sadd.s32 s12, s17;
	s17 =	sadd.s32 $0x17800, s9;
	[dreg:$0x9] =	wrdreg s26  }
0x16: {  	s18 =	sshrl.u32 s18, $0x3;
	[dreg:$0xd] =	wrdreg s15;
	s20 =	sadd.s32 s10, s17  }
0x17: {  	s14 =	sshrl.u32 s14, $0x3;
	s25 =	sadd.s32 s13, s18;
	[dreg:$0x3] =	wrdreg s20  }
0x18: {  	v6 =	vor.u32 s8, v39;
	s8 =	simm.s32 $0x7;
	s28 =	sadd.s32 s13, s14;
	[dreg:$0x8] =	wrdreg s25  }
0x19: {  	v35 =	vor.u32 s3, v39;
	s3 =	simm.s32 $0x14000;
	s13 =	sadd.s32 s12, s16;
	[dreg:$0xa] =	wrdreg s28  }
0x1a: {  	s11 =	sshrl.u32 s11, $0x3;
	s16 =	sadd.s32 s12, s18;
	[dreg:$0xc] =	wrdreg s13  }
0x1b: {  	s0 =	simm.s32 $0x1B480;
	s18 =	sadd.s32 s12, s19;
	[dreg:$0xe] =	wrdreg s16  }
0x1c: {  	s19 =	smul.u32 $0x5080, s21;
	s12 =	sadd.s32 s12, s14;
	[dreg:$0xf] =	wrdreg s18  }
0x1d: {  	s14 =	simm.s32 $0x3400;
	s20 =	sor.u32 $0x50, s4;
	[dreg:$0x10] =	wrdreg s12  }
0x1e: {  	s14 =	simm.s32 @!p0 $0xD600;
	s16 =	sor.u32 $0x10, s4;
	s18 =	sor.u32 $0x30, s4  }
0x1f: {  	v4 =	vor.u32 s20, v39;
	s20 =	sadd.s32 $0x130, s4;
	s21 =	sshrl.u32 s19, $0x3;
	s28 =	sadd.s32 s14, s9  }
0x20: {  	s19 =	sor.u32 $0x40, s4;
	v0 =	vor.u32 s16, v39;
	v2 =	vor.u32 s18, v39;
	s16 =	sadd.s32 $0xF0, s4;
	s18 =	sadd.s32 $0x110, s4  }
0x21: {  	v18 =	vor.u32 s20, v39;
	s20 =	sadd.s32 $0x240, s4;
	s15 =	sadd.s32 s17, s21;
	s22 =	sor.u32 $0xE, s21  }
0x22: {  	s24 =	sadd.s32 $0x1C, s21;
	s25 =	sadd.s32 $0x2A, s21;
	s12 =	sadd.s32 s28, s21  }
0x23: {  	s10 =	sadd.s32 s10, s28;
	s21 =	sor.u32 $0x60, s4;
	v3 =	vor.u32 s19, v39;
	s19 =	sadd.s32 $0x120, s4  }
0x24: {  	v14 =	vor.u32 s16, v39;
	v16 =	vor.u32 s18, v39;
	s16 =	sadd.s32 $0x1F0, s4;
	s18 =	sadd.s32 $0x210, s4;
	v36 =	vor.u32 s20, v39;
	s20 =	simm.s32 $0x1  }
0x25: {  	[dreg:$0x11] =	wrdreg s15;
	s23 =	sadd.s32 s17, s22;
	s26 =	sadd.s32 s17, s24  }
0x26: {  	s13 =	sadd.s32 s17, s25;
	[dreg:$0x15] =	wrdreg s12;
	s30 =	sadd.s32 s28, s22  }
0x27: {  	s14 =	sadd.s32 s28, s24;
	s15 =	sadd.s32 s28, s25;
	[dreg:$0x4] =	wrdreg s10  }
0x28: {  	s10 =	sadd.s32 s11, s9;
	s24 =	sadd.s32 $0x22000, s9;
	s17 =	sor.u32 $0x20, s4  }
0x29: {  	s22 =	sadd.s32 $0x80, s4;
	s25 =	sadd.s32 $0xA0, s4;
	[dreg:$0x12] =	wrdreg s23  }
0x2a: {  	v5 =	vor.u32 s21, v39;
	s28 =	sadd.s32 $0xC0, s4;
	s21 =	sadd.s32 $0x140, s4;
	[dreg:$0x13] =	wrdreg s26  }
0x2b: {  	v40 =	vimm.f32 $0.0e+00;
	v17 =	vor.u32 s19, v39;
	s19 =	sadd.s32 $0x220, s4;
	s9 =	simm.s32 $0x1B000;
	[dreg:$0x14] =	wrdreg s13  }
0x2c: {  	vm0 =	vcmask $0x300;
	vm11 =	vcmask $0x1310;
	vm1 =	vcmask $0x704;
	s11 =	simm.s32 $0x1B080;
	s12 =	simm.s32 $0x1B280;
	[dreg:$0x16] =	wrdreg s30  }
0x2d: {  	vm12 =	vcmask $0xB08;
	v31 =	vor.u32 s16, v39;
	v33 =	vor.u32 s18, v39;
	s16 =	simm.s32 $0x1B380;
	s18 =	simm.s32 $0x4;
	[dreg:$0x17] =	wrdreg s14  }
0x2e: {  	vm13 =	vcmask $0x1714;
	vm14 =	vcmask $0xF0C;
	vm2 =	vcmask $0x1B18;
	[dreg:$0x18] =	wrdreg s15;
	s23 =	sadd.s32 $0x90, s4;
	s26 =	sadd.s32 $0xB0, s4  }
0x2f: {  	vm15 =	vcmask $0x1F1C;
	v1 =	vor.u32 s17, v39;
	s30 =	sadd.s32 $0xD0, s4;
	v7 =	vor.u32 s22, v39;
	s17 =	sadd.s32 $0x100, s4;
	s22 =	sadd.s32 $0x160, s4  }
0x30: {  	v41 =	vsel vm0, $0x3F800000, v40;
	v9 =	vor.u32 s25, v39;
	v11 =	vor.u32 s28, v39;
	s25 =	sadd.s32 $0x180, s4;
	s28 =	sadd.s32 $0x1A0, s4;
	s13 =	sadd.s32 $0x1D0, s4  }
0x31: {  	v42 =	vsel vm1, $0x3F800000, v40;
	v43 =	vsel vm12, $0x3F800000, v40;
	v19 =	vor.u32 s21, v39;
	s14 =	sadd.s32 $0x1E0, s4;
	s21 =	sadd.s32 $0x250, s4;
	s15 =	simm.s32 $0x1B180  }
0x32: {  	v34 =	vor.u32 s19, v39;
	s19 =	simm.s32 $0x17800;
	v8 =	vor.u32 s23, v39;
	v10 =	vor.u32 s26, v39;
	s23 =	sadd.s32 $0x170, s4;
	s26 =	sadd.s32 $0x190, s4  }
0x33: {  	v12 =	vor.u32 s30, v39;
	v15 =	vor.u32 s17, v39;
	s30 =	sadd.s32 $0x1B0, s4;
	v21 =	vor.u32 s22, v39;
	s17 =	sadd.s32 $0x200, s4;
	s22 =	sadd.s32 $0x260, s4  }
0x34: {  	v23 =	vor.u32 s25, v39;
	v25 =	vor.u32 s28, v39;
	v28 =	vor.u32 s13, v39;
	s25 =	sadd.s32 $0x21A00, s10;
	s28 =	sadd.s32 $0x21C80, s10;
	s13 =	simm.s32 $0x1B100  }
0x35: {  	v44 =	vsel vm14, $0x3F800000, v40;
	v30 =	vor.u32 s14, v39;
	v37 =	vor.u32 s21, v39;
	s14 =	simm.s32 $0x1B300;
	s21 =	simm.s32 $0x5;
	[dreg:$0x19] =	wrdreg s25  }
0x36: {  	v41 =	vsel vm11, $0x3F800000, v41;
	v22 =	vor.u32 s23, v39;
	v24 =	vor.u32 s26, v39;
	s23 =	sadd.s32 $0x270, s4;
	s26 =	sadd.s32 $0x21B40, s10;
	[dreg:$0x1b] =	wrdreg s28  }
0x37: {  	v42 =	vsel vm13, $0x3F800000, v42;
	v29 =	vor.u32 s4, v39;
	v26 =	vor.u32 s30, v39;
	s30 =	sadd.s32 $0x21DC0, s10;
	s4 =	simm.s32 $0x8;
	s10 =	simm.s32 $0x1B200  }
0x38: {  	v43 =	vsel vm2, $0x3F800000, v43;
	v32 =	vor.u32 s17, v39;
	v38 =	vor.u32 s22, v39;
	s17 =	simm.s32 $0x3;
	s22 =	simm.s32 $0x2;
	[dreg:$0x1a] =	wrdreg s26  }
0x39: {  	v44 =	vsel vm15, $0x3F800000, v44;
	v20 =	vor.u32 s6, v39;
	s25 =	simm.s32 $0x0;
	[dreg:$0x1c] =	wrdreg s30;
	v39 =	vor.u32 s23, v39;
	s23 =	simm.s32 $0x6  }
.LBB2_1:
0x3a: {  	s26 =	simm.s32 $0x0;
	s28 =	simm.s32 $0x200  }
.LBB2_2:
0x3b: {  	p0 =	sne.s32 s28, $0xDE00;
	[tilespmem:s26+$0x14070] =	vst v40  }
0x3c: {  	[tilespmem:s26+$0x14000] =	vst v40  }
0x3d: {  	[tilespmem:s26+$0x14010] =	vst v40  }
.Ltmp0:
0x3e: {  	[tilespmem:s26+$0x14020] =	vst v40;
	(pc) =	sbr.rel @p0 .LBB2_2-.Ltmp0, $4  }
0x3f: {  	[tilespmem:s26+$0x14030] =	vst v40  }
0x40: {  	[tilespmem:s26+$0x14040] =	vst v40  }
0x41: {  	[tilespmem:s26+$0x14050] =	vst v40  }
0x42: {  	[tilespmem:s26+$0x14060] =	vst v40;
	s26 =	sshra.s32 s28, $0x2;
	s28 =	sadd.s32 $0x200, s28  }
0x43: {  	[tilespmem:s26+$0x14070] =	vst v40  }
0x44: {  	[tilespmem:s26+$0x14000] =	vst v40  }
0x45: {  	[tilespmem:s26+$0x14010] =	vst v40  }
0x46: {  	[tilespmem:s26+$0x14020] =	vst v40  }
0x47: {  	[tilespmem:s26+$0x14030] =	vst v40  }
0x48: {  	[tilespmem:s26+$0x14040] =	vst v40  }
0x49: {  	[tilespmem:s26+$0x14050] =	vst v40  }
0x4a: {  	[tilespmem:s26+$0x14060] =	vst v40  }
0x4b: {  	[tilespmem:$0x1B480] =	vst v29  }
0x4c: {  	[tilespmem:$0x1B490] =	vst v0  }
0x4d: {  	[tilespmem:$0x1B4A0] =	vst v1  }
0x4e: {  	[tilespmem:$0x1B4B0] =	vst v2  }
0x4f: {  	[tilespmem:$0x1B4C0] =	vst v3  }
0x50: {  	[tilespmem:$0x1B4D0] =	vst v4  }
0x51: {  	[tilespmem:$0x1B4E0] =	vst v5  }
0x52: {  	[spmem:s1] =	stream.indirect.scatter [tilespmem:s3], [sflag:$0x8], $0x80, s0, s31, $0xb8;
	[tilespmem:$0x1B580] =	vst v63  }
0x53: {  	_ =	swait.ge [sflag:s4], $0x3800  }
0x54: {  	[sflag:s4] =	ssyncset.done $0x0  }
0x55: {  	[sflag:s4] =	ssyncadd.s32 $0xFFFFC800  }
0x56: {  	[tilespmem:$0x1B480] =	vst v6  }
0x57: {  	[tilespmem:$0x1B490] =	vst v7  }
0x58: {  	[tilespmem:$0x1B4A0] =	vst v8  }
0x59: {  	[tilespmem:$0x1B4B0] =	vst v9  }
0x5a: {  	[tilespmem:$0x1B4C0] =	vst v10  }
0x5b: {  	[tilespmem:$0x1B4D0] =	vst v11  }
0x5c: {  	[tilespmem:$0x1B4E0] =	vst v12  }
0x5d: {  	[spmem:s1] =	stream.indirect.scatter [tilespmem:s3], [sflag:$0x8], $0x80, s0, s31, $0xb8;
	[tilespmem:$0x1B580] =	vst v63  }
0x5e: {  	_ =	swait.ge [sflag:s4], $0x3800  }
0x5f: {  	[sflag:s4] =	ssyncset.done $0x0  }
0x60: {  	[sflag:s4] =	ssyncadd.s32 $0xFFFFC800  }
0x61: {  	[tilespmem:$0x1B480] =	vst v13  }
0x62: {  	[tilespmem:$0x1B490] =	vst v14  }
0x63: {  	[tilespmem:$0x1B4A0] =	vst v15  }
0x64: {  	[tilespmem:$0x1B4B0] =	vst v16  }
0x65: {  	[tilespmem:$0x1B4C0] =	vst v17  }
0x66: {  	[tilespmem:$0x1B4D0] =	vst v18  }
0x67: {  	[tilespmem:$0x1B4E0] =	vst v19  }
0x68: {  	[spmem:s1] =	stream.indirect.scatter [tilespmem:s3], [sflag:$0x8], $0x80, s0, s31, $0xb8;
	[tilespmem:$0x1B580] =	vst v63  }
0x69: {  	_ =	swait.ge [sflag:s4], $0x3800  }
0x6a: {  	[sflag:s4] =	ssyncset.done $0x0  }
0x6b: {  	[sflag:s4] =	ssyncadd.s32 $0xFFFFC800  }
0x6c: {  	[tilespmem:$0x1B480] =	vst v20  }
0x6d: {  	[tilespmem:$0x1B490] =	vst v21  }
0x6e: {  	[tilespmem:$0x1B4A0] =	vst v22  }
0x6f: {  	[tilespmem:$0x1B4B0] =	vst v23  }
0x70: {  	[tilespmem:$0x1B4C0] =	vst v24  }
0x71: {  	[tilespmem:$0x1B4D0] =	vst v25  }
0x72: {  	[tilespmem:$0x1B4E0] =	vst v26  }
0x73: {  	[spmem:s1] =	stream.indirect.scatter [tilespmem:s3], [sflag:$0x8], $0x80, s0, s31, $0xb8;
	[tilespmem:$0x1B580] =	vst v63  }
0x74: {  	_ =	swait.ge [sflag:s4], $0x3800  }
0x75: {  	[sflag:s4] =	ssyncset.done $0x0  }
0x76: {  	[sflag:s4] =	ssyncadd.s32 $0xFFFFC800  }
0x77: {  	[tilespmem:$0x1B480] =	vst v27  }
0x78: {  	[tilespmem:$0x1B490] =	vst v28  }
0x79: {  	[tilespmem:$0x1B4A0] =	vst v30  }
0x7a: {  	[tilespmem:$0x1B4B0] =	vst v31  }
0x7b: {  	[tilespmem:$0x1B4C0] =	vst v32  }
0x7c: {  	[tilespmem:$0x1B4D0] =	vst v33  }
0x7d: {  	[tilespmem:$0x1B4E0] =	vst v34  }
0x7e: {  	[spmem:s1] =	stream.indirect.scatter [tilespmem:s3], [sflag:$0x8], $0x80, s0, s31, $0xb8;
	[tilespmem:$0x1B580] =	vst v63  }
0x7f: {  	_ =	swait.ge [sflag:s4], $0x3800  }
0x80: {  	[sflag:s4] =	ssyncset.done $0x0  }
0x81: {  	[sflag:s4] =	ssyncadd.s32 $0xFFFFC800  }
0x82: {  	[tilespmem:$0x1B500] =	vst v35  }
0x83: {  	[tilespmem:$0x1B510] =	vst v36  }
0x84: {  	[tilespmem:$0x1B520] =	vst v37  }
0x85: {  	[tilespmem:$0x1B530] =	vst v38  }
0x86: {  	[tilespmem:$0x1B540] =	vst v39  }
0x87: {  	[spmem:s1] =	stream.indirect.scatter [tilespmem:s3], [sflag:$0x8], $0x80, s29, s5, $0xb8;
	[tilespmem:$0x1B580] =	vst v63  }
0x88: {  	_ =	swait.ge [sflag:s4], $0x2800  }
0x89: {  	[sflag:s4] =	ssyncset.done $0x0  }
0x8a: {  	[sflag:s4] =	ssyncadd.s32 $0xFFFFD800  }
0x8b: {  	s26 =	simm.s32 $0x200;
	s28 =	simm.s32 $0x0;
	[bflag:$0x0] =	sbarrier.arrive $0xFFFF  }
.LBB2_4:
0x8c: {  	p0 =	sne.s32 s26, $0x9E00;
	[tilespmem:s28+$0x14000] =	vst v41;
	s28 =	smov.u32 s26;
	s26 =	sadd.s32 $0x200, s26  }
.Ltmp1:
0x8d: {  	(pc) =	sbr.rel @p0 .LBB2_4-.Ltmp1, $2  }
0x8e: {  	_ =	sdelay $0x2  }
0x8f: {  	s28 =	sshra.s32 s28, $0x2  }
0x90: {  	[tilespmem:s28+$0x14000] =	vst v41;
	s26 =	simm.s32 $0x0;
	s6 =	rddreg [dreg:$0x19]  }
0x91: {  	[tilespmem:s7], [sflag:$0x8] =	stream.linear.gather [hbm4b:s6+s26], $0x50, $0x38;
	[tilespmem:$0x1B580] =	vst v63  }
0x92: {  	_ =	swait.ge [sflag:s4], $0x50  }
0x93: {  	[sflag:s4] =	ssyncset.done $0x0  }
0x94: {  	[sflag:s4] =	ssyncadd.s32 $0xFFFFFFB0  }
0x95: {  	[spmem:s1] =	stream.indirect.scatter.add.f32 [tilespmem:s3], [sflag:$0x8], $0x80, s7, s5, $0xb8;
	[tilespmem:$0x1B580] =	vst v63  }
0x96: {  	_ =	swait.ge [sflag:s4], $0x2800  }
0x97: {  	[sflag:s4] =	ssyncset.done $0x0  }
0x98: {  	s28 =	simm.s32 $0x0;
	s26 =	simm.s32 $0x200;
	[sflag:s4] =	ssyncadd.s32 $0xFFFFD800  }
.LBB2_6:
0x99: {  	p0 =	sne.s32 s26, $0x9E00;
	[tilespmem:s28+$0x14000] =	vst v42;
	s28 =	smov.u32 s26;
	s26 =	sadd.s32 $0x200, s26  }
.Ltmp2:
0x9a: {  	(pc) =	sbr.rel @p0 .LBB2_6-.Ltmp2, $2  }
0x9b: {  	_ =	sdelay $0x2  }
0x9c: {  	s28 =	sshra.s32 s28, $0x2  }
0x9d: {  	[tilespmem:s28+$0x14000] =	vst v42;
	s26 =	simm.s32 $0x0;
	s6 =	rddreg [dreg:$0x1a]  }
0x9e: {  	[tilespmem:s7], [sflag:$0x8] =	stream.linear.gather [hbm4b:s6+s26], $0x50, $0x38;
	[tilespmem:$0x1B580] =	vst v63  }
0x9f: {  	_ =	swait.ge [sflag:s4], $0x50  }
0xa0: {  	[sflag:s4] =	ssyncset.done $0x0  }
0xa1: {  	[sflag:s4] =	ssyncadd.s32 $0xFFFFFFB0  }
0xa2: {  	[spmem:s1] =	stream.indirect.scatter.add.f32 [tilespmem:s3], [sflag:$0x8], $0x80, s7, s5, $0xb8;
	[tilespmem:$0x1B580] =	vst v63  }
0xa3: {  	_ =	swait.ge [sflag:s4], $0x2800  }
0xa4: {  	[sflag:s4] =	ssyncset.done $0x0  }
0xa5: {  	s28 =	simm.s32 $0x0;
	s26 =	simm.s32 $0x200;
	[sflag:s4] =	ssyncadd.s32 $0xFFFFD800  }
.LBB2_8:
0xa6: {  	p0 =	sne.s32 s26, $0x9E00;
	[tilespmem:s28+$0x14000] =	vst v43;
	s28 =	smov.u32 s26;
	s26 =	sadd.s32 $0x200, s26  }
.Ltmp3:
0xa7: {  	(pc) =	sbr.rel @p0 .LBB2_8-.Ltmp3, $2  }
0xa8: {  	_ =	sdelay $0x2  }
0xa9: {  	s28 =	sshra.s32 s28, $0x2  }
0xaa: {  	[tilespmem:s28+$0x14000] =	vst v43;
	s26 =	simm.s32 $0x0;
	s6 =	rddreg [dreg:$0x1b]  }
0xab: {  	[tilespmem:s7], [sflag:$0x8] =	stream.linear.gather [hbm4b:s6+s26], $0x50, $0x38;
	[tilespmem:$0x1B580] =	vst v63  }
0xac: {  	_ =	swait.ge [sflag:s4], $0x50  }
0xad: {  	[sflag:s4] =	ssyncset.done $0x0  }
0xae: {  	[sflag:s4] =	ssyncadd.s32 $0xFFFFFFB0  }
0xaf: {  	[spmem:s1] =	stream.indirect.scatter.add.f32 [tilespmem:s3], [sflag:$0x8], $0x80, s7, s5, $0xb8;
	[tilespmem:$0x1B580] =	vst v63  }
0xb0: {  	_ =	swait.ge [sflag:s4], $0x2800  }
0xb1: {  	[sflag:s4] =	ssyncset.done $0x0  }
0xb2: {  	s28 =	simm.s32 $0x0;
	s26 =	simm.s32 $0x200;
	[sflag:s4] =	ssyncadd.s32 $0xFFFFD800  }
.LBB2_10:
0xb3: {  	p0 =	sne.s32 s26, $0x9E00;
	[tilespmem:s28+$0x14000] =	vst v44;
	s28 =	smov.u32 s26;
	s26 =	sadd.s32 $0x200, s26  }
.Ltmp4:
0xb4: {  	(pc) =	sbr.rel @p0 .LBB2_10-.Ltmp4, $2  }
0xb5: {  	_ =	sdelay $0x2  }
0xb6: {  	s28 =	sshra.s32 s28, $0x2  }
0xb7: {  	[tilespmem:s28+$0x14000] =	vst v44;
	s26 =	simm.s32 $0x0;
	s6 =	rddreg [dreg:$0x1c]  }
0xb8: {  	[tilespmem:s7], [sflag:$0x8] =	stream.linear.gather [hbm4b:s6+s26], $0x50, $0x38;
	[tilespmem:$0x1B580] =	vst v63  }
0xb9: {  	_ =	swait.ge [sflag:s4], $0x50  }
0xba: {  	[sflag:s4] =	ssyncset.done $0x0  }
0xbb: {  	[sflag:s4] =	ssyncadd.s32 $0xFFFFFFB0  }
0xbc: {  	[spmem:s1] =	stream.indirect.scatter.add.f32 [tilespmem:s3], [sflag:$0x8], $0x80, s7, s5, $0xb8;
	[tilespmem:$0x1B580] =	vst v63  }
0xbd: {  	_ =	swait.ge [sflag:s4], $0x2800  }
0xbe: {  	[sflag:s4] =	ssyncset.done $0x0  }
0xbf: {  	[sflag:s4] =	ssyncadd.s32 $0xFFFFD800  }
0xc0: {  	[bflag:$0x0] =	sbarrier.arrive $0xFFFF  }
0xc1: {  	[tilespmem:$0x1B480] =	vst v29  }
0xc2: {  	[tilespmem:$0x1B490] =	vst v0  }
0xc3: {  	[tilespmem:$0x1B4A0] =	vst v1  }
0xc4: {  	[tilespmem:$0x1B4B0] =	vst v2  }
0xc5: {  	[tilespmem:$0x1B4C0] =	vst v3  }
0xc6: {  	[tilespmem:$0x1B4D0] =	vst v4  }
0xc7: {  	[tilespmem:$0x1B4E0] =	vst v5  }
0xc8: {  	[tilespmem:s3], [sflag:$0x7] =	stream.indirect.gather [spmem:s1], $0x80, s0, s31, $0xb8;
	[tilespmem:$0x1B580] =	vst v63  }
0xc9: {  	_ =	swait.ge [sflag:s8], $0x3800  }
0xca: {  	[sflag:s8] =	ssyncset.done $0x0  }
0xcb: {  	s30 =	rddreg [dreg:$0x5];
	[sflag:s8] =	ssyncadd.s32 $0xFFFFC800  }
0xcc: {  	[hbm4b:s30+s26] =	stream.linear.scatter [tilespmem:s3], [sflag:$0x8], $0x3800, $0x38;
	[tilespmem:$0x1B580] =	vst v63  }
0xcd: {  	_ =	swait.ge [sflag:s4], $0x3800  }
0xce: {  	[sflag:s4] =	ssyncset.done $0x0  }
0xcf: {  	[sflag:s4] =	ssyncadd.s32 $0xFFFFC800  }
0xd0: {  	[tilespmem:$0x1B480] =	vst v6  }
0xd1: {  	[tilespmem:$0x1B490] =	vst v7  }
0xd2: {  	[tilespmem:$0x1B4A0] =	vst v8  }
0xd3: {  	[tilespmem:$0x1B4B0] =	vst v9  }
0xd4: {  	[tilespmem:$0x1B4C0] =	vst v10  }
0xd5: {  	[tilespmem:$0x1B4D0] =	vst v11  }
0xd6: {  	[tilespmem:$0x1B4E0] =	vst v12  }
0xd7: {  	[tilespmem:s3], [sflag:$0x7] =	stream.indirect.gather [spmem:s1], $0x80, s0, s31, $0xb8;
	[tilespmem:$0x1B580] =	vst v63  }
0xd8: {  	_ =	swait.ge [sflag:s8], $0x3800  }
0xd9: {  	[sflag:s8] =	ssyncset.done $0x0  }
0xda: {  	s30 =	rddreg [dreg:$0x6];
	[sflag:s8] =	ssyncadd.s32 $0xFFFFC800  }
0xdb: {  	[hbm4b:s30+s26] =	stream.linear.scatter [tilespmem:s3], [sflag:$0x8], $0x3800, $0x38;
	[tilespmem:$0x1B580] =	vst v63  }
0xdc: {  	_ =	swait.ge [sflag:s4], $0x3800  }
0xdd: {  	[sflag:s4] =	ssyncset.done $0x0  }
0xde: {  	[sflag:s4] =	ssyncadd.s32 $0xFFFFC800  }
0xdf: {  	[tilespmem:$0x1B480] =	vst v13  }
0xe0: {  	[tilespmem:$0x1B490] =	vst v14  }
0xe1: {  	[tilespmem:$0x1B4A0] =	vst v15  }
0xe2: {  	[tilespmem:$0x1B4B0] =	vst v16  }
0xe3: {  	[tilespmem:$0x1B4C0] =	vst v17  }
0xe4: {  	[tilespmem:$0x1B4D0] =	vst v18  }
0xe5: {  	[tilespmem:$0x1B4E0] =	vst v19  }
0xe6: {  	[tilespmem:s3], [sflag:$0x7] =	stream.indirect.gather [spmem:s1], $0x80, s0, s31, $0xb8;
	[tilespmem:$0x1B580] =	vst v63  }
0xe7: {  	_ =	swait.ge [sflag:s8], $0x3800  }
0xe8: {  	[sflag:s8] =	ssyncset.done $0x0  }
0xe9: {  	s30 =	rddreg [dreg:$0x7];
	[sflag:s8] =	ssyncadd.s32 $0xFFFFC800  }
0xea: {  	[hbm4b:s30+s26] =	stream.linear.scatter [tilespmem:s3], [sflag:$0x8], $0x3800, $0x38;
	[tilespmem:$0x1B580] =	vst v63  }
0xeb: {  	_ =	swait.ge [sflag:s4], $0x3800  }
0xec: {  	[sflag:s4] =	ssyncset.done $0x0  }
0xed: {  	[sflag:s4] =	ssyncadd.s32 $0xFFFFC800  }
0xee: {  	[tilespmem:$0x1B480] =	vst v20  }
0xef: {  	[tilespmem:$0x1B490] =	vst v21  }
0xf0: {  	[tilespmem:$0x1B4A0] =	vst v22  }
0xf1: {  	[tilespmem:$0x1B4B0] =	vst v23  }
0xf2: {  	[tilespmem:$0x1B4C0] =	vst v24  }
0xf3: {  	[tilespmem:$0x1B4D0] =	vst v25  }
0xf4: {  	[tilespmem:$0x1B4E0] =	vst v26  }
0xf5: {  	[tilespmem:s3], [sflag:$0x7] =	stream.indirect.gather [spmem:s1], $0x80, s0, s31, $0xb8;
	[tilespmem:$0x1B580] =	vst v63  }
0xf6: {  	_ =	swait.ge [sflag:s8], $0x3800  }
0xf7: {  	[sflag:s8] =	ssyncset.done $0x0  }
0xf8: {  	s30 =	rddreg [dreg:$0x8];
	[sflag:s8] =	ssyncadd.s32 $0xFFFFC800  }
0xf9: {  	[hbm4b:s30+s26] =	stream.linear.scatter [tilespmem:s3], [sflag:$0x8], $0x3800, $0x38;
	[tilespmem:$0x1B580] =	vst v63  }
0xfa: {  	_ =	swait.ge [sflag:s4], $0x3800  }
0xfb: {  	[sflag:s4] =	ssyncset.done $0x0  }
0xfc: {  	[sflag:s4] =	ssyncadd.s32 $0xFFFFC800  }
0xfd: {  	[tilespmem:$0x1B480] =	vst v27  }
0xfe: {  	[tilespmem:$0x1B490] =	vst v28  }
0xff: {  	[tilespmem:$0x1B4A0] =	vst v30  }
0x100: {  	[tilespmem:$0x1B4B0] =	vst v31  }
0x101: {  	[tilespmem:$0x1B4C0] =	vst v32  }
0x102: {  	[tilespmem:$0x1B4D0] =	vst v33  }
0x103: {  	[tilespmem:$0x1B4E0] =	vst v34  }
0x104: {  	[tilespmem:s3], [sflag:$0x7] =	stream.indirect.gather [spmem:s1], $0x80, s0, s31, $0xb8;
	[tilespmem:$0x1B580] =	vst v63  }
0x105: {  	_ =	swait.ge [sflag:s8], $0x3800  }
0x106: {  	[sflag:s8] =	ssyncset.done $0x0  }
0x107: {  	s30 =	rddreg [dreg:$0x9];
	[sflag:s8] =	ssyncadd.s32 $0xFFFFC800  }
0x108: {  	[hbm4b:s30+s26] =	stream.linear.scatter [tilespmem:s3], [sflag:$0x8], $0x3800, $0x38;
	[tilespmem:$0x1B580] =	vst v63  }
0x109: {  	_ =	swait.ge [sflag:s4], $0x3800  }
0x10a: {  	[sflag:s4] =	ssyncset.done $0x0  }
0x10b: {  	[sflag:s4] =	ssyncadd.s32 $0xFFFFC800  }
0x10c: {  	[tilespmem:$0x1B500] =	vst v35  }
0x10d: {  	[tilespmem:$0x1B510] =	vst v36  }
0x10e: {  	[tilespmem:$0x1B520] =	vst v37  }
0x10f: {  	[tilespmem:$0x1B530] =	vst v38  }
0x110: {  	[tilespmem:$0x1B540] =	vst v39  }
0x111: {  	[tilespmem:s3], [sflag:$0x7] =	stream.indirect.gather [spmem:s1], $0x80, s29, s5, $0xb8;
	[tilespmem:$0x1B580] =	vst v63  }
0x112: {  	_ =	swait.ge [sflag:s8], $0x2800  }
0x113: {  	[sflag:s8] =	ssyncset.done $0x0  }
0x114: {  	s30 =	rddreg [dreg:$0xa];
	[sflag:s8] =	ssyncadd.s32 $0xFFFFD800  }
0x115: {  	[hbm4b:s30+s26] =	stream.linear.scatter [tilespmem:s3], [sflag:$0x8], $0x2800, $0x38;
	[tilespmem:$0x1B580] =	vst v63  }
0x116: {  	_ =	swait.ge [sflag:s4], $0x2800  }
0x117: {  	[sflag:s4] =	ssyncset.done $0x0  }
0x118: {  	s28 =	simm.s32 $0x200;
	s26 =	simm.s32 $0x0;
	[sflag:s4] =	ssyncadd.s32 $0xFFFFD800  }
.LBB2_12:
0x119: {  	p0 =	sne.s32 s28, $0xDE00;
	[tilespmem:s26+$0x14070] =	vst v40  }
0x11a: {  	[tilespmem:s26+$0x14000] =	vst v40  }
0x11b: {  	[tilespmem:s26+$0x14010] =	vst v40  }
.Ltmp5:
0x11c: {  	[tilespmem:s26+$0x14020] =	vst v40;
	(pc) =	sbr.rel @p0 .LBB2_12-.Ltmp5, $4  }
0x11d: {  	[tilespmem:s26+$0x14030] =	vst v40  }
0x11e: {  	[tilespmem:s26+$0x14040] =	vst v40  }
0x11f: {  	[tilespmem:s26+$0x14050] =	vst v40  }
0x120: {  	[tilespmem:s26+$0x14060] =	vst v40;
	s26 =	sshra.s32 s28, $0x2;
	s28 =	sadd.s32 $0x200, s28  }
0x121: {  	[tilespmem:s26+$0x14070] =	vst v40  }
0x122: {  	[tilespmem:s26+$0x14000] =	vst v40  }
0x123: {  	[tilespmem:s26+$0x14010] =	vst v40  }
0x124: {  	[tilespmem:s26+$0x14020] =	vst v40  }
0x125: {  	[tilespmem:s26+$0x14030] =	vst v40  }
0x126: {  	[tilespmem:s26+$0x14040] =	vst v40  }
0x127: {  	[tilespmem:s26+$0x14050] =	vst v40  }
0x128: {  	[tilespmem:s26+$0x14060] =	vst v40  }
0x129: {  	[tilespmem:$0x1B480] =	vst v29  }
0x12a: {  	[tilespmem:$0x1B490] =	vst v0  }
0x12b: {  	[tilespmem:$0x1B4A0] =	vst v1  }
0x12c: {  	[tilespmem:$0x1B4B0] =	vst v2  }
0x12d: {  	[tilespmem:$0x1B4C0] =	vst v3  }
0x12e: {  	[tilespmem:$0x1B4D0] =	vst v4  }
0x12f: {  	[tilespmem:$0x1B4E0] =	vst v5  }
0x130: {  	[spmem:s1] =	stream.indirect.scatter [tilespmem:s3], [sflag:$0x8], $0x80, s0, s31, $0xb8;
	[tilespmem:$0x1B580] =	vst v63  }
0x131: {  	_ =	swait.ge [sflag:s4], $0x3800  }
0x132: {  	[sflag:s4] =	ssyncset.done $0x0  }
0x133: {  	[sflag:s4] =	ssyncadd.s32 $0xFFFFC800  }
0x134: {  	[tilespmem:$0x1B480] =	vst v6  }
0x135: {  	[tilespmem:$0x1B490] =	vst v7  }
0x136: {  	[tilespmem:$0x1B4A0] =	vst v8  }
0x137: {  	[tilespmem:$0x1B4B0] =	vst v9  }
0x138: {  	[tilespmem:$0x1B4C0] =	vst v10  }
0x139: {  	[tilespmem:$0x1B4D0] =	vst v11  }
0x13a: {  	[tilespmem:$0x1B4E0] =	vst v12  }
0x13b: {  	[spmem:s1] =	stream.indirect.scatter [tilespmem:s3], [sflag:$0x8], $0x80, s0, s31, $0xb8;
	[tilespmem:$0x1B580] =	vst v63  }
0x13c: {  	_ =	swait.ge [sflag:s4], $0x3800  }
0x13d: {  	[sflag:s4] =	ssyncset.done $0x0  }
0x13e: {  	[sflag:s4] =	ssyncadd.s32 $0xFFFFC800  }
0x13f: {  	[tilespmem:$0x1B480] =	vst v13  }
0x140: {  	[tilespmem:$0x1B490] =	vst v14  }
0x141: {  	[tilespmem:$0x1B4A0] =	vst v15  }
0x142: {  	[tilespmem:$0x1B4B0] =	vst v16  }
0x143: {  	[tilespmem:$0x1B4C0] =	vst v17  }
0x144: {  	[tilespmem:$0x1B4D0] =	vst v18  }
0x145: {  	[tilespmem:$0x1B4E0] =	vst v19  }
0x146: {  	[spmem:s1] =	stream.indirect.scatter [tilespmem:s3], [sflag:$0x8], $0x80, s0, s31, $0xb8;
	[tilespmem:$0x1B580] =	vst v63  }
0x147: {  	_ =	swait.ge [sflag:s4], $0x3800  }
0x148: {  	[sflag:s4] =	ssyncset.done $0x0  }
0x149: {  	[sflag:s4] =	ssyncadd.s32 $0xFFFFC800  }
0x14a: {  	[tilespmem:$0x1B480] =	vst v20  }
0x14b: {  	[tilespmem:$0x1B490] =	vst v21  }
0x14c: {  	[tilespmem:$0x1B4A0] =	vst v22  }
0x14d: {  	[tilespmem:$0x1B4B0] =	vst v23  }
0x14e: {  	[tilespmem:$0x1B4C0] =	vst v24  }
0x14f: {  	[tilespmem:$0x1B4D0] =	vst v25  }
0x150: {  	[tilespmem:$0x1B4E0] =	vst v26  }
0x151: {  	[spmem:s1] =	stream.indirect.scatter [tilespmem:s3], [sflag:$0x8], $0x80, s0, s31, $0xb8;
	[tilespmem:$0x1B580] =	vst v63  }
0x152: {  	_ =	swait.ge [sflag:s4], $0x3800  }
0x153: {  	[sflag:s4] =	ssyncset.done $0x0  }
0x154: {  	[sflag:s4] =	ssyncadd.s32 $0xFFFFC800  }
0x155: {  	[tilespmem:$0x1B480] =	vst v27  }
0x156: {  	[tilespmem:$0x1B490] =	vst v28  }
0x157: {  	[tilespmem:$0x1B4A0] =	vst v30  }
0x158: {  	[tilespmem:$0x1B4B0] =	vst v31  }
0x159: {  	[tilespmem:$0x1B4C0] =	vst v32  }
0x15a: {  	[tilespmem:$0x1B4D0] =	vst v33  }
0x15b: {  	[tilespmem:$0x1B4E0] =	vst v34  }
0x15c: {  	[spmem:s1] =	stream.indirect.scatter [tilespmem:s3], [sflag:$0x8], $0x80, s0, s31, $0xb8;
	[tilespmem:$0x1B580] =	vst v63  }
0x15d: {  	_ =	swait.ge [sflag:s4], $0x3800  }
0x15e: {  	[sflag:s4] =	ssyncset.done $0x0  }
0x15f: {  	[sflag:s4] =	ssyncadd.s32 $0xFFFFC800  }
0x160: {  	[tilespmem:$0x1B500] =	vst v35  }
0x161: {  	[tilespmem:$0x1B510] =	vst v36  }
0x162: {  	[tilespmem:$0x1B520] =	vst v37  }
0x163: {  	[tilespmem:$0x1B530] =	vst v38  }
0x164: {  	[tilespmem:$0x1B540] =	vst v39  }
0x165: {  	[spmem:s1] =	stream.indirect.scatter [tilespmem:s3], [sflag:$0x8], $0x80, s29, s5, $0xb8;
	[tilespmem:$0x1B580] =	vst v63  }
0x166: {  	_ =	swait.ge [sflag:s4], $0x2800  }
0x167: {  	[sflag:s4] =	ssyncset.done $0x0  }
0x168: {  	[sflag:s4] =	ssyncadd.s32 $0xFFFFD800  }
0x169: {  	[bflag:$0x0] =	sbarrier.arrive $0xFFFF  }
0x16a: {  	s26 =	simm.s32 $0x0;
	s6 =	rddreg [dreg:$0x15]  }
0x16b: {  	[tilespmem:s9], [sflag:$0x3] =	stream.linear.gather [hbm4b:s6+s26], $0x70, $0x38;
	[tilespmem:$0x1B580] =	vst v63  }
0x16c: {  	s28 =	rddreg [dreg:$0x11]  }
0x16d: {  	[tilespmem:s10], [sflag:$0x3] =	stream.linear.gather [hbm4b:s28+s26], $0x70, $0x38;
	[tilespmem:$0x1B580] =	vst v63  }
0x16e: {  	s29 =	rddreg [dreg:$0x16]  }
0x16f: {  	[tilespmem:s11], [sflag:$0x4] =	stream.linear.gather [hbm4b:s29+s26], $0x70, $0x38;
	[tilespmem:$0x1B580] =	vst v63  }
0x170: {  	s30 =	rddreg [dreg:$0x12]  }
0x171: {  	[tilespmem:s12], [sflag:$0x4] =	stream.linear.gather [hbm4b:s30+s26], $0x70, $0x38;
	[tilespmem:$0x1B580] =	vst v63  }
0x172: {  	s28 =	rddreg [dreg:$0x17]  }
0x173: {  	[tilespmem:s13], [sflag:$0x5] =	stream.linear.gather [hbm4b:s28+s26], $0x70, $0x38;
	[tilespmem:$0x1B580] =	vst v63  }
0x174: {  	s29 =	rddreg [dreg:$0x13]  }
0x175: {  	[tilespmem:s14], [sflag:$0x5] =	stream.linear.gather [hbm4b:s29+s26], $0x70, $0x38;
	[tilespmem:$0x1B580] =	vst v63  }
0x176: {  	s30 =	rddreg [dreg:$0x18]  }
0x177: {  	[tilespmem:s15], [sflag:$0x6] =	stream.linear.gather [hbm4b:s30+s26], $0x70, $0x38;
	[tilespmem:$0x1B580] =	vst v63  }
0x178: {  	s28 =	rddreg [dreg:$0x14]  }
0x179: {  	[tilespmem:s16], [sflag:$0x6] =	stream.linear.gather [hbm4b:s28+s26], $0x70, $0x38;
	[tilespmem:$0x1B580] =	vst v63  }
0x17a: {  	_ =	swait.ge [sflag:s17], $0x70  }
0x17b: {  	[sflag:s17] =	ssyncset.done $0x0  }
0x17c: {  	[sflag:s17] =	ssyncadd.s32 $0xFFFFFF90  }
0x17d: {  	_ =	swait.ge [sflag:s17], $0x70  }
0x17e: {  	[sflag:s17] =	ssyncset.done $0x0  }
0x17f: {  	[sflag:s17] =	ssyncadd.s32 $0xFFFFFF90  }
0x180: {  	[tilespmem:s3], [sflag:$0x1] =	stream.indirect.gather [hbm4b:s24+s31], $0x80, s9, s31, $0xb8;
	[tilespmem:$0x1B580] =	vst v63  }
0x181: {  	_ =	swait.ge [sflag:s18], $0x70  }
0x182: {  	[sflag:s18] =	ssyncset.done $0x0  }
0x183: {  	[sflag:s18] =	ssyncadd.s32 $0xFFFFFF90  }
0x184: {  	_ =	swait.ge [sflag:s18], $0x70  }
0x185: {  	[sflag:s18] =	ssyncset.done $0x0  }
0x186: {  	[sflag:s18] =	ssyncadd.s32 $0xFFFFFF90  }
0x187: {  	[tilespmem:s19], [sflag:$0x2] =	stream.indirect.gather [hbm4b:s24+s31], $0x80, s11, s31, $0xb8;
	[tilespmem:$0x1B580] =	vst v63  }
0x188: {  	_ =	swait.ge [sflag:s20], $0x3800  }
0x189: {  	[sflag:s20] =	ssyncset.done $0x0  }
0x18a: {  	[sflag:s20] =	ssyncadd.s32 $0xFFFFC800  }
0x18b: {  	[spmem:s1] =	stream.indirect.scatter.add.f32 [tilespmem:s3], [sflag:$0x8], $0x80, s10, s31, $0xb8;
	[tilespmem:$0x1B580] =	vst v63  }
0x18c: {  	_ =	swait.ge [sflag:s4], $0x3800  }
0x18d: {  	s29 =	rddreg [dreg:$0x4]  }
0x18e: {  	s28 =	rddreg [dreg:$0x3];
	[sflag:s4] =	ssyncset.done $0x0;
	s26 =	sadd.s32 $0x0, s29  }
0x18f: {  	[sflag:s4] =	ssyncadd.s32 $0xFFFFC800;
	s28 =	sadd.s32 $0x0, s28;
	s30 =	sadd.s32 $0x38, s26  }
0x190: {  	[tilespmem:s9], [sflag:$0x3] =	stream.linear.gather [hbm4b:s30+s2], $0x70, $0x38;
	[tilespmem:$0x1B580] =	vst v63  }
0x191: {  	s6 =	sadd.s32 $0x38, s28  }
0x192: {  	[tilespmem:s10], [sflag:$0x3] =	stream.linear.gather [hbm4b:s6+s2], $0x70, $0x38;
	[tilespmem:$0x1B580] =	vst v63  }
0x193: {  	_ =	swait.ge [sflag:s21], $0x70  }
0x194: {  	[sflag:s21] =	ssyncset.done $0x0  }
0x195: {  	[sflag:s21] =	ssyncadd.s32 $0xFFFFFF90  }
0x196: {  	_ =	swait.ge [sflag:s21], $0x70  }
0x197: {  	[sflag:s21] =	ssyncset.done $0x0  }
0x198: {  	[sflag:s21] =	ssyncadd.s32 $0xFFFFFF90  }
0x199: {  	[tilespmem:s3], [sflag:$0x1] =	stream.indirect.gather [hbm4b:s24+s31], $0x80, s13, s31, $0xb8;
	[tilespmem:$0x1B580] =	vst v63  }
0x19a: {  	_ =	swait.ge [sflag:s22], $0x3800  }
0x19b: {  	[sflag:s22] =	ssyncset.done $0x0  }
0x19c: {  	[sflag:s22] =	ssyncadd.s32 $0xFFFFC800  }
0x19d: {  	[spmem:s1] =	stream.indirect.scatter.add.f32 [tilespmem:s19], [sflag:$0x8], $0x80, s12, s31, $0xb8;
	[tilespmem:$0x1B580] =	vst v63  }
0x19e: {  	_ =	swait.ge [sflag:s4], $0x3800  }
0x19f: {  	[sflag:s4] =	ssyncset.done $0x0  }
0x1a0: {  	s30 =	sadd.s32 $0x46, s26;
	[sflag:s4] =	ssyncadd.s32 $0xFFFFC800  }
0x1a1: {  	[tilespmem:s11], [sflag:$0x4] =	stream.linear.gather [hbm4b:s30+s2], $0x70, $0x38;
	[tilespmem:$0x1B580] =	vst v63  }
0x1a2: {  	s6 =	sadd.s32 $0x46, s28  }
0x1a3: {  	[tilespmem:s12], [sflag:$0x4] =	stream.linear.gather [hbm4b:s6+s2], $0x70, $0x38;
	[tilespmem:$0x1B580] =	vst v63  }
0x1a4: {  	_ =	swait.ge [sflag:s23], $0x70  }
0x1a5: {  	[sflag:s23] =	ssyncset.done $0x0  }
0x1a6: {  	[sflag:s23] =	ssyncadd.s32 $0xFFFFFF90  }
0x1a7: {  	_ =	swait.ge [sflag:s23], $0x70  }
0x1a8: {  	[sflag:s23] =	ssyncset.done $0x0  }
0x1a9: {  	[sflag:s23] =	ssyncadd.s32 $0xFFFFFF90  }
0x1aa: {  	[tilespmem:s19], [sflag:$0x2] =	stream.indirect.gather [hbm4b:s24+s31], $0x80, s15, s31, $0xb8;
	[tilespmem:$0x1B580] =	vst v63  }
0x1ab: {  	_ =	swait.ge [sflag:s20], $0x3800  }
0x1ac: {  	[sflag:s20] =	ssyncset.done $0x0  }
0x1ad: {  	[sflag:s20] =	ssyncadd.s32 $0xFFFFC800  }
0x1ae: {  	[spmem:s1] =	stream.indirect.scatter.add.f32 [tilespmem:s3], [sflag:$0x8], $0x80, s14, s31, $0xb8;
	[tilespmem:$0x1B580] =	vst v63  }
0x1af: {  	_ =	swait.ge [sflag:s4], $0x3800  }
0x1b0: {  	[sflag:s4] =	ssyncset.done $0x0  }
0x1b1: {  	s30 =	sadd.s32 $0x54, s26;
	[sflag:s4] =	ssyncadd.s32 $0xFFFFC800  }
0x1b2: {  	[tilespmem:s13], [sflag:$0x5] =	stream.linear.gather [hbm4b:s30+s2], $0x70, $0x38;
	[tilespmem:$0x1B580] =	vst v63  }
0x1b3: {  	s6 =	sadd.s32 $0x54, s28  }
0x1b4: {  	[tilespmem:s14], [sflag:$0x5] =	stream.linear.gather [hbm4b:s6+s2], $0x70, $0x38;
	[tilespmem:$0x1B580] =	vst v63  }
0x1b5: {  	_ =	swait.ge [sflag:s17], $0x70  }
0x1b6: {  	[sflag:s17] =	ssyncset.done $0x0  }
0x1b7: {  	[sflag:s17] =	ssyncadd.s32 $0xFFFFFF90  }
0x1b8: {  	_ =	swait.ge [sflag:s17], $0x70  }
0x1b9: {  	[sflag:s17] =	ssyncset.done $0x0  }
0x1ba: {  	[sflag:s17] =	ssyncadd.s32 $0xFFFFFF90  }
0x1bb: {  	[tilespmem:s3], [sflag:$0x1] =	stream.indirect.gather [hbm4b:s24+s31], $0x80, s9, s31, $0xb8;
	[tilespmem:$0x1B580] =	vst v63  }
0x1bc: {  	_ =	swait.ge [sflag:s22], $0x3800  }
0x1bd: {  	[sflag:s22] =	ssyncset.done $0x0  }
0x1be: {  	[sflag:s22] =	ssyncadd.s32 $0xFFFFC800  }
0x1bf: {  	[spmem:s1] =	stream.indirect.scatter.add.f32 [tilespmem:s19], [sflag:$0x8], $0x80, s16, s31, $0xb8;
	[tilespmem:$0x1B580] =	vst v63  }
0x1c0: {  	_ =	swait.ge [sflag:s4], $0x3800  }
0x1c1: {  	[sflag:s4] =	ssyncset.done $0x0  }
0x1c2: {  	s26 =	sadd.s32 $0x62, s26;
	[sflag:s4] =	ssyncadd.s32 $0xFFFFC800  }
0x1c3: {  	[tilespmem:s15], [sflag:$0x6] =	stream.linear.gather [hbm4b:s26+s2], $0x70, $0x38;
	[tilespmem:$0x1B580] =	vst v63  }
0x1c4: {  	s30 =	sadd.s32 $0x62, s28  }
0x1c5: {  	[tilespmem:s16], [sflag:$0x6] =	stream.linear.gather [hbm4b:s30+s2], $0x70, $0x38;
	[tilespmem:$0x1B580] =	vst v63  }
0x1c6: {  	_ =	swait.ge [sflag:s18], $0x70  }
0x1c7: {  	[sflag:s18] =	ssyncset.done $0x0  }
0x1c8: {  	[sflag:s18] =	ssyncadd.s32 $0xFFFFFF90  }
0x1c9: {  	_ =	swait.ge [sflag:s18], $0x70  }
0x1ca: {  	[sflag:s18] =	ssyncset.done $0x0  }
0x1cb: {  	s26 =	simm.s32 $0x38;
	[sflag:s18] =	ssyncadd.s32 $0xFFFFFF90  }
.LBB2_14:
0x1cc: {  	[tilespmem:s19], [sflag:$0x2] =	stream.indirect.gather [hbm4b:s24+s31], $0x80, s11, s31, $0xb8;
	[tilespmem:$0x1B580] =	vst v63  }
0x1cd: {  	_ =	swait.ge [sflag:s20], $0x3800  }
0x1ce: {  	[sflag:s20] =	ssyncset.done $0x0  }
0x1cf: {  	[sflag:s20] =	ssyncadd.s32 $0xFFFFC800  }
0x1d0: {  	[spmem:s1] =	stream.indirect.scatter.add.f32 [tilespmem:s3], [sflag:$0x8], $0x80, s10, s31, $0xb8;
	[tilespmem:$0x1B580] =	vst v63  }
0x1d1: {  	_ =	swait.ge [sflag:s4], $0x3800  }
0x1d2: {  	s29 =	smov.u32 s26;
	s28 =	rddreg [dreg:$0x4]  }
0x1d3: {  	s30 =	rddreg [dreg:$0x3];
	[sflag:s4] =	ssyncset.done $0x0;
	s28 =	sadd.s32 s29, s28  }
0x1d4: {  	[sflag:s4] =	ssyncadd.s32 $0xFFFFC800;
	s29 =	sadd.s32 s29, s30;
	s6 =	sadd.s32 $0x38, s28  }
0x1d5: {  	[tilespmem:s9], [sflag:$0x3] =	stream.linear.gather [hbm4b:s6+s2], $0x70, $0x38;
	[tilespmem:$0x1B580] =	vst v63  }
0x1d6: {  	s30 =	sadd.s32 $0x38, s29  }
0x1d7: {  	[tilespmem:s10], [sflag:$0x3] =	stream.linear.gather [hbm4b:s30+s2], $0x70, $0x38;
	[tilespmem:$0x1B580] =	vst v63  }
0x1d8: {  	_ =	swait.ge [sflag:s21], $0x70  }
0x1d9: {  	[sflag:s21] =	ssyncset.done $0x0  }
0x1da: {  	[sflag:s21] =	ssyncadd.s32 $0xFFFFFF90  }
0x1db: {  	_ =	swait.ge [sflag:s21], $0x70  }
0x1dc: {  	[sflag:s21] =	ssyncset.done $0x0  }
0x1dd: {  	[sflag:s21] =	ssyncadd.s32 $0xFFFFFF90  }
0x1de: {  	[tilespmem:s3], [sflag:$0x1] =	stream.indirect.gather [hbm4b:s24+s31], $0x80, s13, s31, $0xb8;
	[tilespmem:$0x1B580] =	vst v63  }
0x1df: {  	_ =	swait.ge [sflag:s22], $0x3800  }
0x1e0: {  	[sflag:s22] =	ssyncset.done $0x0  }
0x1e1: {  	[sflag:s22] =	ssyncadd.s32 $0xFFFFC800  }
0x1e2: {  	[spmem:s1] =	stream.indirect.scatter.add.f32 [tilespmem:s19], [sflag:$0x8], $0x80, s12, s31, $0xb8;
	[tilespmem:$0x1B580] =	vst v63  }
0x1e3: {  	_ =	swait.ge [sflag:s4], $0x3800  }
0x1e4: {  	[sflag:s4] =	ssyncset.done $0x0  }
0x1e5: {  	s30 =	sadd.s32 $0x46, s28;
	[sflag:s4] =	ssyncadd.s32 $0xFFFFC800  }
0x1e6: {  	[tilespmem:s11], [sflag:$0x4] =	stream.linear.gather [hbm4b:s30+s2], $0x70, $0x38;
	[tilespmem:$0x1B580] =	vst v63  }
0x1e7: {  	s30 =	sadd.s32 $0x46, s29  }
0x1e8: {  	[tilespmem:s12], [sflag:$0x4] =	stream.linear.gather [hbm4b:s30+s2], $0x70, $0x38;
	[tilespmem:$0x1B580] =	vst v63  }
0x1e9: {  	_ =	swait.ge [sflag:s23], $0x70  }
0x1ea: {  	[sflag:s23] =	ssyncset.done $0x0  }
0x1eb: {  	[sflag:s23] =	ssyncadd.s32 $0xFFFFFF90  }
0x1ec: {  	_ =	swait.ge [sflag:s23], $0x70  }
0x1ed: {  	[sflag:s23] =	ssyncset.done $0x0  }
0x1ee: {  	[sflag:s23] =	ssyncadd.s32 $0xFFFFFF90  }
0x1ef: {  	[tilespmem:s19], [sflag:$0x2] =	stream.indirect.gather [hbm4b:s24+s31], $0x80, s15, s31, $0xb8;
	[tilespmem:$0x1B580] =	vst v63  }
0x1f0: {  	_ =	swait.ge [sflag:s20], $0x3800  }
0x1f1: {  	[sflag:s20] =	ssyncset.done $0x0  }
0x1f2: {  	[sflag:s20] =	ssyncadd.s32 $0xFFFFC800  }
0x1f3: {  	[spmem:s1] =	stream.indirect.scatter.add.f32 [tilespmem:s3], [sflag:$0x8], $0x80, s14, s31, $0xb8;
	[tilespmem:$0x1B580] =	vst v63  }
0x1f4: {  	_ =	swait.ge [sflag:s4], $0x3800  }
0x1f5: {  	[sflag:s4] =	ssyncset.done $0x0  }
0x1f6: {  	s30 =	sadd.s32 $0x54, s28;
	[sflag:s4] =	ssyncadd.s32 $0xFFFFC800  }
0x1f7: {  	[tilespmem:s13], [sflag:$0x5] =	stream.linear.gather [hbm4b:s30+s2], $0x70, $0x38;
	[tilespmem:$0x1B580] =	vst v63  }
0x1f8: {  	s30 =	sadd.s32 $0x54, s29  }
0x1f9: {  	[tilespmem:s14], [sflag:$0x5] =	stream.linear.gather [hbm4b:s30+s2], $0x70, $0x38;
	[tilespmem:$0x1B580] =	vst v63  }
0x1fa: {  	_ =	swait.ge [sflag:s17], $0x70  }
0x1fb: {  	[sflag:s17] =	ssyncset.done $0x0  }
0x1fc: {  	[sflag:s17] =	ssyncadd.s32 $0xFFFFFF90  }
0x1fd: {  	_ =	swait.ge [sflag:s17], $0x70  }
0x1fe: {  	[sflag:s17] =	ssyncset.done $0x0  }
0x1ff: {  	[sflag:s17] =	ssyncadd.s32 $0xFFFFFF90  }
0x200: {  	[tilespmem:s3], [sflag:$0x1] =	stream.indirect.gather [hbm4b:s24+s31], $0x80, s9, s31, $0xb8;
	[tilespmem:$0x1B580] =	vst v63  }
0x201: {  	_ =	swait.ge [sflag:s22], $0x3800  }
0x202: {  	[sflag:s22] =	ssyncset.done $0x0  }
0x203: {  	[sflag:s22] =	ssyncadd.s32 $0xFFFFC800  }
0x204: {  	[spmem:s1] =	stream.indirect.scatter.add.f32 [tilespmem:s19], [sflag:$0x8], $0x80, s16, s31, $0xb8;
	[tilespmem:$0x1B580] =	vst v63  }
0x205: {  	_ =	swait.ge [sflag:s4], $0x3800  }
0x206: {  	[sflag:s4] =	ssyncset.done $0x0  }
0x207: {  	s28 =	sadd.s32 $0x62, s28;
	[sflag:s4] =	ssyncadd.s32 $0xFFFFC800  }
0x208: {  	[tilespmem:s15], [sflag:$0x6] =	stream.linear.gather [hbm4b:s28+s2], $0x70, $0x38;
	[tilespmem:$0x1B580] =	vst v63  }
0x209: {  	s30 =	sadd.s32 $0x62, s29  }
0x20a: {  	[tilespmem:s16], [sflag:$0x6] =	stream.linear.gather [hbm4b:s30+s2], $0x70, $0x38;
	[tilespmem:$0x1B580] =	vst v63  }
0x20b: {  	p0 =	sne.s32 s26, $0x9A0;
	_ =	swait.ge [sflag:s18], $0x70  }
.Ltmp6:
0x20c: {  	[sflag:s18] =	ssyncset.done $0x0;
	(pc) =	sbr.rel @p0 .LBB2_14-.Ltmp6, $4  }
0x20d: {  	[sflag:s18] =	ssyncadd.s32 $0xFFFFFF90  }
0x20e: {  	_ =	swait.ge [sflag:s18], $0x70  }
0x20f: {  	[sflag:s18] =	ssyncset.done $0x0  }
0x210: {  	s26 =	sadd.s32 $0x38, s26;
	[sflag:s18] =	ssyncadd.s32 $0xFFFFFF90  }
0x211: {  	[tilespmem:s19], [sflag:$0x2] =	stream.indirect.gather [hbm4b:s24+s31], $0x80, s11, s31, $0xb8;
	[tilespmem:$0x1B580] =	vst v63  }
0x212: {  	_ =	swait.ge [sflag:s20], $0x3800  }
0x213: {  	[sflag:s20] =	ssyncset.done $0x0  }
0x214: {  	[sflag:s20] =	ssyncadd.s32 $0xFFFFC800  }
0x215: {  	_ =	swait.ge [sflag:s22], $0x3800  }
0x216: {  	[sflag:s22] =	ssyncset.done $0x0  }
0x217: {  	[sflag:s22] =	ssyncadd.s32 $0xFFFFC800  }
0x218: {  	_ =	swait.ge [sflag:s21], $0x70  }
0x219: {  	[sflag:s21] =	ssyncset.done $0x0  }
0x21a: {  	[sflag:s21] =	ssyncadd.s32 $0xFFFFFF90  }
0x21b: {  	_ =	swait.ge [sflag:s21], $0x70  }
0x21c: {  	[sflag:s21] =	ssyncset.done $0x0  }
0x21d: {  	[sflag:s21] =	ssyncadd.s32 $0xFFFFFF90  }
0x21e: {  	_ =	swait.ge [sflag:s23], $0x70  }
0x21f: {  	[sflag:s23] =	ssyncset.done $0x0  }
0x220: {  	[sflag:s23] =	ssyncadd.s32 $0xFFFFFF90  }
0x221: {  	_ =	swait.ge [sflag:s23], $0x70  }
0x222: {  	[sflag:s23] =	ssyncset.done $0x0  }
0x223: {  	[sflag:s23] =	ssyncadd.s32 $0xFFFFFF90  }
0x224: {  	[bflag:$0x0] =	sbarrier.arrive $0xFFFF  }
0x225: {  	[tilespmem:$0x1B480] =	vst v29  }
0x226: {  	[tilespmem:$0x1B490] =	vst v0  }
0x227: {  	[tilespmem:$0x1B4A0] =	vst v1  }
0x228: {  	[tilespmem:$0x1B4B0] =	vst v2  }
0x229: {  	[tilespmem:$0x1B4C0] =	vst v3  }
0x22a: {  	[tilespmem:$0x1B4D0] =	vst v4  }
0x22b: {  	[tilespmem:$0x1B4E0] =	vst v5  }
0x22c: {  	[tilespmem:s3], [sflag:$0x7] =	stream.indirect.gather [spmem:s1], $0x80, s0, s31, $0xb8;
	[tilespmem:$0x1B580] =	vst v63  }
0x22d: {  	_ =	swait.ge [sflag:s8], $0x3800  }
0x22e: {  	[sflag:s8] =	ssyncset.done $0x0  }
0x22f: {  	s6 =	rddreg [dreg:$0xb];
	[sflag:s8] =	ssyncadd.s32 $0xFFFFC800  }
0x230: {  	[hbm4b:s6+s2] =	stream.linear.scatter [tilespmem:s3], [sflag:$0x8], $0x3800, $0x38;
	[tilespmem:$0x1B580] =	vst v63  }
0x231: {  	_ =	swait.ge [sflag:s4], $0x3800  }
0x232: {  	[sflag:s4] =	ssyncset.done $0x0  }
0x233: {  	[sflag:s4] =	ssyncadd.s32 $0xFFFFC800  }
0x234: {  	[tilespmem:$0x1B480] =	vst v6  }
0x235: {  	[tilespmem:$0x1B490] =	vst v7  }
0x236: {  	[tilespmem:$0x1B4A0] =	vst v8  }
0x237: {  	[tilespmem:$0x1B4B0] =	vst v9  }
0x238: {  	[tilespmem:$0x1B4C0] =	vst v10  }
0x239: {  	[tilespmem:$0x1B4D0] =	vst v11  }
0x23a: {  	[tilespmem:$0x1B4E0] =	vst v12  }
0x23b: {  	[tilespmem:s3], [sflag:$0x7] =	stream.indirect.gather [spmem:s1], $0x80, s0, s31, $0xb8;
	[tilespmem:$0x1B580] =	vst v63  }
0x23c: {  	_ =	swait.ge [sflag:s8], $0x3800  }
0x23d: {  	[sflag:s8] =	ssyncset.done $0x0  }
0x23e: {  	s26 =	rddreg [dreg:$0xc];
	[sflag:s8] =	ssyncadd.s32 $0xFFFFC800  }
0x23f: {  	[hbm4b:s26+s2] =	stream.linear.scatter [tilespmem:s3], [sflag:$0x8], $0x3800, $0x38;
	[tilespmem:$0x1B580] =	vst v63  }
0x240: {  	_ =	swait.ge [sflag:s4], $0x3800  }
0x241: {  	[sflag:s4] =	ssyncset.done $0x0  }
0x242: {  	[sflag:s4] =	ssyncadd.s32 $0xFFFFC800  }
0x243: {  	[tilespmem:$0x1B480] =	vst v13  }
0x244: {  	[tilespmem:$0x1B490] =	vst v14  }
0x245: {  	[tilespmem:$0x1B4A0] =	vst v15  }
0x246: {  	[tilespmem:$0x1B4B0] =	vst v16  }
0x247: {  	[tilespmem:$0x1B4C0] =	vst v17  }
0x248: {  	[tilespmem:$0x1B4D0] =	vst v18  }
0x249: {  	[tilespmem:$0x1B4E0] =	vst v19  }
0x24a: {  	[tilespmem:s3], [sflag:$0x7] =	stream.indirect.gather [spmem:s1], $0x80, s0, s31, $0xb8;
	[tilespmem:$0x1B580] =	vst v63  }
0x24b: {  	_ =	swait.ge [sflag:s8], $0x3800  }
0x24c: {  	[sflag:s8] =	ssyncset.done $0x0  }
0x24d: {  	s28 =	rddreg [dreg:$0xd];
	[sflag:s8] =	ssyncadd.s32 $0xFFFFC800  }
0x24e: {  	[hbm4b:s28+s2] =	stream.linear.scatter [tilespmem:s3], [sflag:$0x8], $0x3800, $0x38;
	[tilespmem:$0x1B580] =	vst v63  }
0x24f: {  	_ =	swait.ge [sflag:s4], $0x3800  }
0x250: {  	[sflag:s4] =	ssyncset.done $0x0  }
0x251: {  	[sflag:s4] =	ssyncadd.s32 $0xFFFFC800  }
0x252: {  	[tilespmem:$0x1B480] =	vst v20  }
0x253: {  	[tilespmem:$0x1B490] =	vst v21  }
0x254: {  	[tilespmem:$0x1B4A0] =	vst v22  }
0x255: {  	[tilespmem:$0x1B4B0] =	vst v23  }
0x256: {  	[tilespmem:$0x1B4C0] =	vst v24  }
0x257: {  	[tilespmem:$0x1B4D0] =	vst v25  }
0x258: {  	[tilespmem:$0x1B4E0] =	vst v26  }
0x259: {  	[tilespmem:s3], [sflag:$0x7] =	stream.indirect.gather [spmem:s1], $0x80, s0, s31, $0xb8;
	[tilespmem:$0x1B580] =	vst v63  }
0x25a: {  	_ =	swait.ge [sflag:s8], $0x3800  }
0x25b: {  	[sflag:s8] =	ssyncset.done $0x0  }
0x25c: {  	s30 =	rddreg [dreg:$0xe];
	[sflag:s8] =	ssyncadd.s32 $0xFFFFC800  }
0x25d: {  	[hbm4b:s30+s2] =	stream.linear.scatter [tilespmem:s3], [sflag:$0x8], $0x3800, $0x38;
	[tilespmem:$0x1B580] =	vst v63  }
0x25e: {  	_ =	swait.ge [sflag:s4], $0x3800  }
0x25f: {  	[sflag:s4] =	ssyncset.done $0x0  }
0x260: {  	[sflag:s4] =	ssyncadd.s32 $0xFFFFC800  }
0x261: {  	[tilespmem:$0x1B480] =	vst v27  }
0x262: {  	[tilespmem:$0x1B490] =	vst v28  }
0x263: {  	[tilespmem:$0x1B4A0] =	vst v30  }
0x264: {  	[tilespmem:$0x1B4B0] =	vst v31  }
0x265: {  	[tilespmem:$0x1B4C0] =	vst v32  }
0x266: {  	[tilespmem:$0x1B4D0] =	vst v33  }
0x267: {  	[tilespmem:$0x1B4E0] =	vst v34  }
0x268: {  	[tilespmem:s3], [sflag:$0x7] =	stream.indirect.gather [spmem:s1], $0x80, s0, s31, $0xb8;
	[tilespmem:$0x1B580] =	vst v63  }
0x269: {  	_ =	swait.ge [sflag:s8], $0x3800  }
0x26a: {  	[sflag:s8] =	ssyncset.done $0x0  }
0x26b: {  	s26 =	rddreg [dreg:$0xf];
	[sflag:s8] =	ssyncadd.s32 $0xFFFFC800  }
0x26c: {  	[hbm4b:s26+s2] =	stream.linear.scatter [tilespmem:s3], [sflag:$0x8], $0x3800, $0x38;
	[tilespmem:$0x1B580] =	vst v63  }
0x26d: {  	_ =	swait.ge [sflag:s4], $0x3800  }
0x26e: {  	[sflag:s4] =	ssyncset.done $0x0  }
0x26f: {  	[sflag:s4] =	ssyncadd.s32 $0xFFFFC800  }
0x270: {  	[tilespmem:$0x1B500] =	vst v35  }
0x271: {  	[tilespmem:$0x1B510] =	vst v36  }
0x272: {  	[tilespmem:$0x1B520] =	vst v37  }
0x273: {  	[tilespmem:$0x1B530] =	vst v38  }
0x274: {  	s29 =	simm.s32 $0x1B500;
	[tilespmem:$0x1B540] =	vst v39  }
0x275: {  	[tilespmem:s3], [sflag:$0x7] =	stream.indirect.gather [spmem:s1], $0x80, s29, s5, $0xb8;
	[tilespmem:$0x1B580] =	vst v63  }
0x276: {  	_ =	swait.ge [sflag:s8], $0x2800  }
0x277: {  	[sflag:s8] =	ssyncset.done $0x0  }
0x278: {  	s28 =	rddreg [dreg:$0x10];
	[sflag:s8] =	ssyncadd.s32 $0xFFFFD800  }
0x279: {  	[hbm4b:s28+s2] =	stream.linear.scatter [tilespmem:s3], [sflag:$0x8], $0x2800, $0x38;
	[tilespmem:$0x1B580] =	vst v63  }
0x27a: {  	_ =	swait.ge [sflag:s4], $0x2800  }
0x27b: {  	s25 =	sadd.s32 $0x1, s25;
	s30 =	rddreg [dreg:$0x1d]  }
0x27c: {  	p0 =	sne.s32 s25, s30  }
.Ltmp7:
0x27d: {  	_ = 	snop;
	(pc) =	sbr.rel @p0 .LBB2_1-.Ltmp7, $3  }
0x27e: {  	_ =	sdelay $0x1  }
0x27f: {  	[sflag:s4] =	ssyncset.done $0x0  }
0x280: {  	[sflag:s4] =	ssyncadd.s32 $0xFFFFD800  }
0x281: {  	_ =	sfence.sel $0x180000  }
0x282: {  	[bflag:$0x0] =	sbarrier.arrive $0xFFFF  }
0x283: {  	_ =	strace $0x90000047  }
0x284: {  	s0 =	stileid.u32;
	[bflag:$0x2] =	sbarrier.arrive $0xFFFF  }
0x285: {  	p0 =	sne.s32 s0, $0x0;
	s0 =	rddreg [dreg:$0x2]  }
0x286: {  	s0 =	sadd.s32 @!p0 $0x100000, s0  }
0x287: {  	[sflag:s0] =	ssyncadd.tile.s32 @!p0 $0x1;
	_ =	shalt  }
.Lfunc_end2:
_tile_overlayer_lowered:
.L_overlay_start_2:
0x288: {  	(tag) =	ssettag $0x2  }
0x289: {  	s0 =	rddreg [dreg:$0x0];
	s2 =	stileid.u32  }
0x28a: {  	s1 =	rddreg [dreg:$0x1];
	p0 =	sne.s32 s2, $0x0  }
0x28b: {  	s3 =	rddreg [dreg:$0x2];
	[bflag:$0x3] =	sbarrier.arrive $0xFFFF;
	s2 =	simm.s32 @!p0 $0x1C08  }
0x28c: {  	[timem:s3], [sflag:s2] =	dma.local @!p0 [hbm:s0], s1  }
0x28d: {  	s0 =	simm.s32 @!p0 $0x8  }
0x28e: {  	_ =	swait.ge @!p0 [sflag:s0], s1  }
0x28f: {  	s1 =	ssub.s32 @!p0 $0x0, s1;
	[sflag:s0] =	ssyncset.done @!p0 $0x0  }
0x290: {  	[sflag:s0] =	ssyncadd.s32 @!p0 s1  }
0x291: {  	[bflag:$0x3] =	sbarrier.arrive $0xFFFF  }
0x292: {  	_ =	shalt  }

</sc_bundles>
